<compile_context>
chip_gen: v7x
topology: tpu7x:2x2x1
jax: 0.10.2.dev20260603
libtpu: 0.0.44.dev20260713+nightly
codegen_flags: <defaults>
</compile_context>

<pallas_src>
import jax
import jax.numpy as jnp
from jax import lax
from jax.experimental import pallas as pl
from jax.experimental.pallas import tpu as pltpu
from jax.experimental.pallas import tpu_sc as plsc

_N = 10000
_E = 320000
_NC = 2
_NS = 16
_NW = _NC * _NS
_C = 128
_NCH = -(-_E // (_NW * _C))
_EPAD = _NW * _NCH * _C
_RPT = 640
_NPAD = _RPT * _NS
_PAD_NODE = _N + 16

def _mesh():
  return plsc.VectorSubcoreMesh(core_axis_name="c", subcore_axis_name="s",
                                num_cores=_NC, num_subcores=_NS)


def _seg_sum(feat, idx3, col0, d, with_cnt):
  dful = feat.shape[1]
  nbuf = 2 if d > 32 else 4
  depth = 1 if nbuf == 2 else 2
  stage = True
  srows = _N // _NS

  def body(*refs):
    if with_cnt:
      (feat_h, idx_h, zf_h, ones_h, zc_h, agg_o, cnt_o) = refs[:7]
      refs = refs[7:]
    else:
      (feat_h, idx_h, zf_h, agg_o) = refs[:4]
      refs = refs[4:]
    idx2 = list(refs[:4])
    rows = list(refs[4:4 + nbuf])
    refs = refs[4 + nbuf:]
    if stage:
      feat_s = refs[0]
      refs = refs[1:]
    else:
      feat_s = None
    if with_cnt:
      acc, ones_v, cacc = refs[:3]
      refs = refs[3:]
    else:
      acc = refs[0]
      refs = refs[1:]
    isem = list(refs[:4])
    gsem = list(refs[4:4 + nbuf])
    ssem = list(refs[4 + nbuf:4 + 2 * nbuf])
    if with_cnt:
      csem = list(refs[4 + 2 * nbuf:4 + 3 * nbuf])

    c = lax.axis_index("c")
    s = lax.axis_index("s")
    wid = c * _NS + s
    r0 = s * _RPT

    def idx_load(j, q):
      return pltpu.async_copy(idx_h.at[wid, j], idx2[q], isem[q])

    feat_src = feat_s if stage else feat_h

    def gather(j, q, b):
      return pltpu.async_copy(feat_src.at[idx2[q].at[0]], rows[b], gsem[b])

    def scatter(b, q):
      pltpu.async_copy(rows[b], acc.at[idx2[q].at[1]], ssem[b], add=True)
      if with_cnt:
        pltpu.async_copy(ones_v, cacc.at[idx2[q].at[1]], csem[b], add=True)

    def wait_scatter(b, q):
      pltpu.make_async_copy(rows[b], acc.at[idx2[q].at[1]], ssem[b]).wait()
      if with_cnt:
        pltpu.make_async_copy(ones_v, cacc.at[idx2[q].at[1]], csem[b]).wait()

    pltpu.sync_copy(zf_h.at[pl.ds(r0, _RPT)], acc.at[pl.ds(r0, _RPT)])
    if stage:
      if d == dful:
        pltpu.sync_copy(feat_h.at[pl.ds(s * srows, srows)],
                        feat_s.at[pl.ds(s * srows, srows)])
      else:
        pltpu.sync_copy(feat_h.at[pl.ds(s * srows, srows), pl.ds(col0, d)],
                        feat_s.at[pl.ds(s * srows, srows)])
    if with_cnt:
      pltpu.sync_copy(zc_h.at[pl.ds(r0, _RPT)], cacc.at[pl.ds(r0, _RPT)])
      pltpu.sync_copy(ones_h, ones_v)
    descs = [idx_load(t, t) for t in range(3)]
    plsc.subcore_barrier()
    for t in range(depth):
      descs[t].wait()
      gather(t, t, t % nbuf)

    def iter4(jj, carry):
      for q in range(4):
        j = jj * 4 + q
        b = q % nbuf

        @pl.when(j < _NCH)
        def _():
          pltpu.make_async_copy(feat_src.at[idx2[q].at[0]], rows[b],
                                gsem[b]).wait()
          scatter(b, q)

          @pl.when(j >= 1)
          def _():
            wait_scatter((q + 3) % 4 % nbuf, (q + 3) % 4)

          @pl.when(j + depth < _NCH)
          def _():
            pltpu.make_async_copy(idx_h.at[wid, 0], idx2[(q + depth) % 4],
                                  isem[(q + depth) % 4]).wait()
            gather(j + depth, (q + depth) % 4, (q + depth) % 4 % nbuf)

          @pl.when(j + 3 < _NCH)
          def _():
            idx_load(j + 3, (q + 3) % 4)
      return carry

    lax.fori_loop(0, (_NCH + 3) // 4, iter4, 0)
    wait_scatter((_NCH - 1) % 4 % nbuf, (_NCH - 1) % 4)
    plsc.subcore_barrier()
    pltpu.sync_copy(acc.at[pl.ds(r0, _RPT)], agg_o.at[c, pl.ds(r0, _RPT)])
    if with_cnt:
      pltpu.sync_copy(cacc.at[pl.ds(r0, _RPT)], cnt_o.at[c, pl.ds(r0, _RPT)])

  outs = [jax.ShapeDtypeStruct((_NC, _NPAD, d), jnp.float32)]
  inputs = [feat, idx3, jnp.zeros((_NPAD, d), jnp.float32)]
  scratch = (
      [pltpu.VMEM((2, _C), jnp.int32) for _ in range(4)]
      + [pltpu.VMEM((_C, d), jnp.float32) for _ in range(nbuf)]
  )
  if stage:
    scratch += [pltpu.VMEM_SHARED((_N, d), jnp.float32)]
  if with_cnt:
    outs.append(jax.ShapeDtypeStruct((_NC, _NPAD, 8), jnp.float32))
    inputs += [jnp.ones((_C, 8), jnp.float32),
               jnp.zeros((_NPAD, 8), jnp.float32)]
    scratch += [pltpu.VMEM_SHARED((_NPAD, d), jnp.float32),
                pltpu.VMEM((_C, 8), jnp.float32),
                pltpu.VMEM_SHARED((_NPAD, 8), jnp.float32)]
  else:
    scratch += [pltpu.VMEM_SHARED((_NPAD, d), jnp.float32)]
  nsem = (4 + 3 * nbuf) if with_cnt else (4 + 2 * nbuf)
  scratch += [pltpu.SemaphoreType.DMA for _ in range(nsem)]

  f = pl.kernel(
      body,
      out_type=tuple(outs),
      mesh=_mesh(),
      compiler_params=pltpu.CompilerParams(use_tc_tiling_on_sc=False),
      scratch_types=tuple(scratch),
  )
  return f(*inputs)


def _dot_t(a, w):
  return lax.dot_general(a, w, (((1,), (1,)), ((), ())),
                         precision=lax.Precision.DEFAULT,
                         preferred_element_type=jnp.float32)


def _elu(h):
  return jnp.where(h > 0, h, jnp.exp(jnp.minimum(h, 0.0)) - 1.0)


_BM = 1000


def _t1_body(x_r, aa_r, ab_r, w1la_r, w1lb_r, b1_r, w1r_r,
             w2l_r, b2_r, w2r_r, p2_o, r2_o, inv_o):
  cnt = aa_r[0, :, 64:65] + aa_r[1, :, 64:65]
  inv = 1.0 / jnp.maximum(cnt, 1.0)
  mean_a = (aa_r[0, :, 0:64] + aa_r[1, :, 0:64]) * inv
  mean_b = (ab_r[0] + ab_r[1]) * inv
  h1 = (_dot_t(mean_a, w1la_r[...]) + _dot_t(mean_b, w1lb_r[...])
        + b1_r[...] + _dot_t(x_r[...], w1r_r[...]))
  h1 = _elu(h1)
  p2_o[...] = _dot_t(h1, w2l_r[...])
  r2_o[...] = _dot_t(h1, w2r_r[...]) + b2_r[...]
  inv_o[...] = jnp.broadcast_to(inv, inv_o.shape)


def _t1(x, agg1a, agg1b, w1l, b1, w1r, w2l, b2, w2r):
  grid = (_N // _BM,)
  full = lambda shape: pl.BlockSpec(shape, lambda i: (0,) * len(shape))
  return pl.pallas_call(
      _t1_body,
      grid=grid,
      in_specs=[
          pl.BlockSpec((_BM, 128), lambda i: (i, 0)),
          pl.BlockSpec((_NC, _BM, 72), lambda i: (0, i, 0)),
          pl.BlockSpec((_NC, _BM, 64), lambda i: (0, i, 0)),
          full((256, 64)), full((256, 64)), full((1, 256)), full((256, 128)),
          full((32, 256)), full((1, 32)), full((32, 256)),
      ],
      out_specs=[
          pl.BlockSpec((_BM, 32), lambda i: (i, 0)),
          pl.BlockSpec((_BM, 32), lambda i: (i, 0)),
          pl.BlockSpec((_BM, 8), lambda i: (i, 0)),
      ],
      out_shape=[
          jax.ShapeDtypeStruct((_N, 32), jnp.float32),
          jax.ShapeDtypeStruct((_N, 32), jnp.float32),
          jax.ShapeDtypeStruct((_N, 8), jnp.float32),
      ],
  )(x, agg1a, agg1b, w1l[:, :64], w1l[:, 64:], b1, w1r,
    w2l, b2, w2r)


def _t2_body(a_r, i_r, r2_r, h2_o):
  mean = (a_r[0] + a_r[1]) * i_r[:, 0:1]
  h2_o[...] = _elu(mean + r2_r[...])


def _t2(agg2, inv, r2):
  grid = (_N // _BM,)
  return pl.pallas_call(
      _t2_body,
      grid=grid,
      in_specs=[
          pl.BlockSpec((_NC, _BM, 32), lambda i: (0, i, 0)),
          pl.BlockSpec((_BM, 8), lambda i: (i, 0)),
          pl.BlockSpec((_BM, 32), lambda i: (i, 0)),
      ],
      out_specs=pl.BlockSpec((_BM, 32), lambda i: (i, 0)),
      out_shape=jax.ShapeDtypeStruct((_N, 32), jnp.float32),
  )(agg2, inv, r2)


def _t3_body(a_r, i_r, h2_r, w3l_r, b3_r, w3r_r, out_o):
  mean = (a_r[0] + a_r[1]) * i_r[:, 0:1]
  out_o[...] = (_dot_t(mean, w3l_r[...]) + b3_r[...]
                + _dot_t(h2_r[...], w3r_r[...]))


def _t3(agg3, inv, h2, w3l, b3, w3r):
  grid = (_N // _BM,)
  full = lambda shape: pl.BlockSpec(shape, lambda i: (0,) * len(shape))
  return pl.pallas_call(
      _t3_body,
      grid=grid,
      in_specs=[
          pl.BlockSpec((_NC, _BM, 32), lambda i: (0, i, 0)),
          pl.BlockSpec((_BM, 8), lambda i: (i, 0)),
          pl.BlockSpec((_BM, 32), lambda i: (i, 0)),
          full((64, 32)), full((1, 64)), full((64, 32)),
      ],
      out_specs=pl.BlockSpec((_BM, 64), lambda i: (i, 0)),
      out_shape=jax.ShapeDtypeStruct((_N, 64), jnp.float32),
  )(agg3, inv, h2, w3l, b3, w3r)


def kernel(x, edge_index, W1l, b1, W1r, W2l, b2, W2r, W3l, b3, W3r):
  ei = edge_index.astype(jnp.int32)
  src = jnp.pad(ei[0], (0, _EPAD - _E))
  dst = jnp.pad(ei[1], (0, _EPAD - _E), constant_values=_PAD_NODE)
  idx3 = jnp.stack([src.reshape(_NW, _NCH, _C),
                    dst.reshape(_NW, _NCH, _C)], axis=2)

  xa = jnp.concatenate([x[:, :64], jnp.ones((_N, 8), jnp.float32)], axis=1)

  agg1a = _seg_sum(xa, idx3, 0, 72, False)[0]
  agg1b = _seg_sum(x, idx3, 64, 64, False)[0]
  p2, r2, inv = _t1(x, agg1a, agg1b, W1l, b1.reshape(1, 256), W1r,
                    W2l, b2.reshape(1, 32), W2r)
  agg2 = _seg_sum(p2, idx3, 0, 32, False)[0]
  h2 = _t2(agg2, inv, r2)
  agg3 = _seg_sum(h2, idx3, 0, 32, False)[0]
  return _t3(agg3, inv, h2, W3l, b3.reshape(1, 64), W3r)

# --- scband reference (transcript-rebuilt; emitter-appended) ---
"""Pipeline reference for scband-sageauto-encoder-4681514352720 (READ-ONLY COPY).

The authoritative reference and input builder live on the scoring server;
editing this copy changes nothing except your own understanding.
"""

import jax, jax.numpy as jnp
import numpy as np

N = 10000
E = 320000

def _sage_conv(x, edge_index, Wl, bl, Wr):
    # PyG SAGEConv (aggr='mean', root_weight=True, normalize=False):
    #   out = lin_l(mean_{j in N(i)} x_j) + lin_r(x_i)
    src = edge_index[0]
    dst = edge_index[1]
    msgs = x[src]
    agg = jax.ops.segment_sum(msgs, dst, num_segments=N)
    cnt = jax.ops.segment_sum(jnp.ones((E,), dtype=x.dtype), dst, num_segments=N)
    mean = agg / jnp.clip(cnt, 1.0, None)[:, None]
    return mean @ Wl.T + bl + x @ Wr.T

def setup_inputs(seed: int = 0) -> dict:
    key = jax.random.key(seed)
    ks = jax.random.split(key, 12)
    x = jax.random.normal(ks[0], (N, 128), dtype=jnp.float32)
    edge_index = jax.random.randint(ks[1], (2, E), 0, N, dtype=jnp.int64)
    def glorot(k, shape):
        fan_in = shape[1]
        bound = 1.0 / np.sqrt(fan_in)
        return jax.random.uniform(k, shape, dtype=jnp.float32, minval=-bound, maxval=bound)
    inp = {
        "x": x,
        "edge_index": edge_index,
        "W1l": glorot(ks[2], (256, 128)),
        "b1": jnp.zeros((256,), dtype=jnp.float32),
        "W1r": glorot(ks[3], (256, 128)),
        "W2l": glorot(ks[4], (32, 256)),
        "b2": jnp.zeros((32,), dtype=jnp.float32),
        "W2r": glorot(ks[5], (32, 256)),
        "W3l": glorot(ks[6], (64, 32)),
        "b3": jnp.zeros((64,), dtype=jnp.float32),
        "W3r": glorot(ks[7], (64, 32)),
    }
    return inp

def reference(x, edge_index, W1l, b1, W1r, W2l, b2, W2r, W3l, b3, W3r):
    # eval mode: dropout is identity
    h = _sage_conv(x, edge_index, W1l, b1, W1r)
    h = jax.nn.elu(h)
    h = _sage_conv(h, edge_index, W2l, b2, W2r)
    h = jax.nn.elu(h)
    h = _sage_conv(h, edge_index, W3l, b3, W3r)
    return h

if __name__ == "__main__":
    import jax
    _d = setup_inputs()
    print(jax.jit(kernel)(*tuple(_d.values())))

</pallas_src>

<mosaic_0001>
#map = affine_map<(d0, d1) -> (0, 0)>
#map1 = affine_map<(d0, d1) -> (0, 0, 0, 0)>
#map2 = affine_map<(d0, d1) -> (0, 0, 0)>
module attributes {stable_mosaic.version = 14 : i64} {
  func.func @body(%arg0: i32, %arg1: i32, %arg2: memref<10000x32xf32, #tpu.memory_space<hbm>>, %arg3: memref<32x79x2x128xi32, #tpu.memory_space<hbm>>, %arg4: memref<10240x32xf32, #tpu.memory_space<hbm>>, %arg5: memref<2x10240x32xf32, #tpu.memory_space<hbm>>, %arg6: memref<2x128xi32, #tpu.memory_space<vmem>>, %arg7: memref<2x128xi32, #tpu.memory_space<vmem>>, %arg8: memref<2x128xi32, #tpu.memory_space<vmem>>, %arg9: memref<2x128xi32, #tpu.memory_space<vmem>>, %arg10: memref<128x32xf32, #tpu.memory_space<vmem>>, %arg11: memref<128x32xf32, #tpu.memory_space<vmem>>, %arg12: memref<128x32xf32, #tpu.memory_space<vmem>>, %arg13: memref<128x32xf32, #tpu.memory_space<vmem>>, %arg14: memref<10000x32xf32, #tpu.memory_space<vmem_shared>>, %arg15: memref<10240x32xf32, #tpu.memory_space<vmem_shared>>, %arg16: memref<!tpu.dma_semaphore, #tpu.memory_space<semaphore_mem>>, %arg17: memref<!tpu.dma_semaphore, #tpu.memory_space<semaphore_mem>>, %arg18: memref<!tpu.dma_semaphore, #tpu.memory_space<semaphore_mem>>, %arg19: memref<!tpu.dma_semaphore, #tpu.memory_space<semaphore_mem>>, %arg20: memref<!tpu.dma_semaphore, #tpu.memory_space<semaphore_mem>>, %arg21: memref<!tpu.dma_semaphore, #tpu.memory_space<semaphore_mem>>, %arg22: memref<!tpu.dma_semaphore, #tpu.memory_space<semaphore_mem>>, %arg23: memref<!tpu.dma_semaphore, #tpu.memory_space<semaphore_mem>>, %arg24: memref<!tpu.dma_semaphore, #tpu.memory_space<semaphore_mem>>, %arg25: memref<!tpu.dma_semaphore, #tpu.memory_space<semaphore_mem>>, %arg26: memref<!tpu.dma_semaphore, #tpu.memory_space<semaphore_mem>>, %arg27: memref<!tpu.dma_semaphore, #tpu.memory_space<semaphore_mem>>) attributes {dimension_semantics = [#tpu.dimension_semantics<core_parallel>, #tpu.dimension_semantics<subcore_parallel>], iteration_bounds = array<i64: 2, 16>, scalar_prefetch = 0 : i64, scratch_operands = 22 : i64, tpu.core_type = #tpu.core_type<sc_vector_subcore>, window_params = [{transform_indices = #map}, {transform_indices = #map1}, {transform_indices = #map}, {transform_indices = #map2}]} {
    %mul3A = arith.constant 16 : i32
    %mul3A_0 = arith.muli %arg0, %mul3A : i32
    %add3A = arith.addi %mul3A_0, %arg1 : i32
    %mul3A_1 = arith.constant 640 : i32
    %mul3A_2 = arith.muli %arg1, %mul3A_1 : i32
    "tpu.region"() ({
      %run_scoped3A = tpu.sem_alloc : memref<!tpu.dma_semaphore, #tpu.memory_space<semaphore_mem>>
      %dma_start3A_77 = arith.constant 0 : i32
      %dma_start3A_78 = tpu.memref_slice %arg15[%mul3A_2, %dma_start3A_77] : memref<10240x32xf32, #tpu.memory_space<vmem_shared>> -> memref<640x32xf32, #tpu.memory_space<vmem_shared>>
      %dma_start3A_79 = arith.constant 0 : i32
      %dma_start3A_80 = tpu.memref_slice %arg4[%mul3A_2, %dma_start3A_79] : memref<10240x32xf32, #tpu.memory_space<hbm>> -> memref<640x32xf32, #tpu.memory_space<hbm>>
      tpu.enqueue_dma source(%dma_start3A_80 : memref<640x32xf32, #tpu.memory_space<hbm>>) target(%dma_start3A_78 : memref<640x32xf32, #tpu.memory_space<vmem_shared>>) target_semaphore(%run_scoped3A : memref<!tpu.dma_semaphore, #tpu.memory_space<semaphore_mem>>)
      %dma_wait3A_81 = arith.constant 0 : i32
      %dma_wait3A_82 = tpu.memref_slice %arg15[%mul3A_2, %dma_wait3A_81] : memref<10240x32xf32, #tpu.memory_space<vmem_shared>> -> memref<640x32xf32, #tpu.memory_space<vmem_shared>>
      %dma_wait3A_83 = arith.constant 0 : i32
      %dma_wait3A_84 = tpu.memref_slice %arg4[%mul3A_2, %dma_wait3A_83] : memref<10240x32xf32, #tpu.memory_space<hbm>> -> memref<640x32xf32, #tpu.memory_space<hbm>>
      tpu.wait_dma2 semaphore(%run_scoped3A : memref<!tpu.dma_semaphore, #tpu.memory_space<semaphore_mem>>) src(%dma_wait3A_84 : memref<640x32xf32, #tpu.memory_space<hbm>>) dst(%dma_wait3A_82 : memref<640x32xf32, #tpu.memory_space<vmem_shared>>)
      tpu.yield
    }) : () -> ()
    %mul3A_3 = arith.constant 625 : i32
    %mul3A_4 = arith.muli %arg1, %mul3A_3 : i32
    %mul3A_5 = arith.constant 625 : i32
    %mul3A_6 = arith.muli %arg1, %mul3A_5 : i32
    "tpu.region"() ({
      %run_scoped3A = tpu.sem_alloc : memref<!tpu.dma_semaphore, #tpu.memory_space<semaphore_mem>>
      %dma_start3A_77 = arith.constant 0 : i32
      %dma_start3A_78 = tpu.memref_slice %arg14[%mul3A_6, %dma_start3A_77] : memref<10000x32xf32, #tpu.memory_space<vmem_shared>> -> memref<625x32xf32, #tpu.memory_space<vmem_shared>>
      %dma_start3A_79 = arith.constant 0 : i32
      %dma_start3A_80 = tpu.memref_slice %arg2[%mul3A_4, %dma_start3A_79] : memref<10000x32xf32, #tpu.memory_space<hbm>> -> memref<625x32xf32, #tpu.memory_space<hbm>>
      tpu.enqueue_dma source(%dma_start3A_80 : memref<625x32xf32, #tpu.memory_space<hbm>>) target(%dma_start3A_78 : memref<625x32xf32, #tpu.memory_space<vmem_shared>>) target_semaphore(%run_scoped3A : memref<!tpu.dma_semaphore, #tpu.memory_space<semaphore_mem>>)
      %dma_wait3A_81 = arith.constant 0 : i32
      %dma_wait3A_82 = tpu.memref_slice %arg14[%mul3A_6, %dma_wait3A_81] : memref<10000x32xf32, #tpu.memory_space<vmem_shared>> -> memref<625x32xf32, #tpu.memory_space<vmem_shared>>
      %dma_wait3A_83 = arith.constant 0 : i32
      %dma_wait3A_84 = tpu.memref_slice %arg2[%mul3A_4, %dma_wait3A_83] : memref<10000x32xf32, #tpu.memory_space<hbm>> -> memref<625x32xf32, #tpu.memory_space<hbm>>
      tpu.wait_dma2 semaphore(%run_scoped3A : memref<!tpu.dma_semaphore, #tpu.memory_space<semaphore_mem>>) src(%dma_wait3A_84 : memref<625x32xf32, #tpu.memory_space<hbm>>) dst(%dma_wait3A_82 : memref<625x32xf32, #tpu.memory_space<vmem_shared>>)
      tpu.yield
    }) : () -> ()
    %dma_start3A = arith.constant 0 : i32
    %dma_start3A_7 = arith.constant 0 : i32
    %dma_start3A_8 = arith.constant 0 : i32
    %dma_start3A_9 = tpu.memref_slice %arg3[%add3A, %dma_start3A, %dma_start3A_7, %dma_start3A_8] : memref<32x79x2x128xi32, #tpu.memory_space<hbm>> -> memref<1x1x2x128xi32, #tpu.memory_space<hbm>>
    %dma_start3A_10 = tpu.memref_squeeze %dma_start3A_9 : memref<1x1x2x128xi32, #tpu.memory_space<hbm>> -> memref<2x128xi32, #tpu.memory_space<hbm>>
    %dma_start3A_11 = arith.constant 0 : i32
    %dma_start3A_12 = arith.constant 0 : i32
    %dma_start3A_13 = tpu.memref_slice %arg3[%add3A, %dma_start3A, %dma_start3A_11, %dma_start3A_12] : memref<32x79x2x128xi32, #tpu.memory_space<hbm>> -> memref<1x1x2x128xi32, #tpu.memory_space<hbm>>
    %dma_start3A_14 = tpu.memref_squeeze %dma_start3A_13 : memref<1x1x2x128xi32, #tpu.memory_space<hbm>> -> memref<2x128xi32, #tpu.memory_space<hbm>>
    tpu.enqueue_dma source(%dma_start3A_14 : memref<2x128xi32, #tpu.memory_space<hbm>>) target(%arg6 : memref<2x128xi32, #tpu.memory_space<vmem>>) target_semaphore(%arg16 : memref<!tpu.dma_semaphore, #tpu.memory_space<semaphore_mem>>)
    %dma_start3A_15 = arith.constant 1 : i32
    %dma_start3A_16 = arith.constant 0 : i32
    %dma_start3A_17 = arith.constant 0 : i32
    %dma_start3A_18 = tpu.memref_slice %arg3[%add3A, %dma_start3A_15, %dma_start3A_16, %dma_start3A_17] : memref<32x79x2x128xi32, #tpu.memory_space<hbm>> -> memref<1x1x2x128xi32, #tpu.memory_space<hbm>>
    %dma_start3A_19 = tpu.memref_squeeze %dma_start3A_18 : memref<1x1x2x128xi32, #tpu.memory_space<hbm>> -> memref<2x128xi32, #tpu.memory_space<hbm>>
    %dma_start3A_20 = arith.constant 0 : i32
    %dma_start3A_21 = arith.constant 0 : i32
    %dma_start3A_22 = tpu.memref_slice %arg3[%add3A, %dma_start3A_15, %dma_start3A_20, %dma_start3A_21] : memref<32x79x2x128xi32, #tpu.memory_space<hbm>> -> memref<1x1x2x128xi32, #tpu.memory_space<hbm>>
    %dma_start3A_23 = tpu.memref_squeeze %dma_start3A_22 : memref<1x1x2x128xi32, #tpu.memory_space<hbm>> -> memref<2x128xi32, #tpu.memory_space<hbm>>
    tpu.enqueue_dma source(%dma_start3A_23 : memref<2x128xi32, #tpu.memory_space<hbm>>) target(%arg7 : memref<2x128xi32, #tpu.memory_space<vmem>>) target_semaphore(%arg17 : memref<!tpu.dma_semaphore, #tpu.memory_space<semaphore_mem>>)
    %dma_start3A_24 = arith.constant 2 : i32
    %dma_start3A_25 = arith.constant 0 : i32
    %dma_start3A_26 = arith.constant 0 : i32
    %dma_start3A_27 = tpu.memref_slice %arg3[%add3A, %dma_start3A_24, %dma_start3A_25, %dma_start3A_26] : memref<32x79x2x128xi32, #tpu.memory_space<hbm>> -> memref<1x1x2x128xi32, #tpu.memory_space<hbm>>
    %dma_start3A_28 = tpu.memref_squeeze %dma_start3A_27 : memref<1x1x2x128xi32, #tpu.memory_space<hbm>> -> memref<2x128xi32, #tpu.memory_space<hbm>>
    %dma_start3A_29 = arith.constant 0 : i32
    %dma_start3A_30 = arith.constant 0 : i32
    %dma_start3A_31 = tpu.memref_slice %arg3[%add3A, %dma_start3A_24, %dma_start3A_29, %dma_start3A_30] : memref<32x79x2x128xi32, #tpu.memory_space<hbm>> -> memref<1x1x2x128xi32, #tpu.memory_space<hbm>>
    %dma_start3A_32 = tpu.memref_squeeze %dma_start3A_31 : memref<1x1x2x128xi32, #tpu.memory_space<hbm>> -> memref<2x128xi32, #tpu.memory_space<hbm>>
    tpu.enqueue_dma source(%dma_start3A_32 : memref<2x128xi32, #tpu.memory_space<hbm>>) target(%arg8 : memref<2x128xi32, #tpu.memory_space<vmem>>) target_semaphore(%arg18 : memref<!tpu.dma_semaphore, #tpu.memory_space<semaphore_mem>>)
    %barrier3A = arith.constant 0 : index
    tpu.barrier barrier_id(%barrier3A)
    %dma_wait3A = arith.constant 0 : i32
    %dma_wait3A_33 = arith.constant 0 : i32
    %dma_wait3A_34 = arith.constant 0 : i32
    %dma_wait3A_35 = tpu.memref_slice %arg3[%add3A, %dma_wait3A, %dma_wait3A_33, %dma_wait3A_34] : memref<32x79x2x128xi32, #tpu.memory_space<hbm>> -> memref<1x1x2x128xi32, #tpu.memory_space<hbm>>
    %dma_wait3A_36 = tpu.memref_squeeze %dma_wait3A_35 : memref<1x1x2x128xi32, #tpu.memory_space<hbm>> -> memref<2x128xi32, #tpu.memory_space<hbm>>
    %dma_wait3A_37 = arith.constant 0 : i32
    %dma_wait3A_38 = arith.constant 0 : i32
    %dma_wait3A_39 = tpu.memref_slice %arg3[%add3A, %dma_wait3A, %dma_wait3A_37, %dma_wait3A_38] : memref<32x79x2x128xi32, #tpu.memory_space<hbm>> -> memref<1x1x2x128xi32, #tpu.memory_space<hbm>>
    %dma_wait3A_40 = tpu.memref_squeeze %dma_wait3A_39 : memref<1x1x2x128xi32, #tpu.memory_space<hbm>> -> memref<2x128xi32, #tpu.memory_space<hbm>>
    tpu.wait_dma2 semaphore(%arg16 : memref<!tpu.dma_semaphore, #tpu.memory_space<semaphore_mem>>) src(%dma_wait3A_40 : memref<2x128xi32, #tpu.memory_space<hbm>>) dst(%arg6 : memref<2x128xi32, #tpu.memory_space<vmem>>)
    %dma_start3A_41 = arith.constant 0 : i32
    %dma_start3A_42 = arith.constant 0 : i32
    %dma_start3A_43 = tpu.memref_slice %arg6[%dma_start3A_41, %dma_start3A_42] : memref<2x128xi32, #tpu.memory_space<vmem>> -> memref<1x128xi32, #tpu.memory_space<vmem>>
    %dma_start3A_44 = tpu.memref_squeeze %dma_start3A_43 : memref<1x128xi32, #tpu.memory_space<vmem>> -> memref<128xi32, #tpu.memory_space<vmem>>
    %dma_start3A_45 = arith.constant 0 : i32
    %dma_start3A_46 = arith.constant 0 : i32
    %dma_start3A_47 = tpu.memref_slice %arg14[%dma_start3A_45, %dma_start3A_46] : memref<10000x32xf32, #tpu.memory_space<vmem_shared>> -> memref<10000x32xf32, #tpu.memory_space<vmem_shared>>
    tpu.enqueue_indirect_dma source(%dma_start3A_47 : memref<10000x32xf32, #tpu.memory_space<vmem_shared>>) target(%arg10 : memref<128x32xf32, #tpu.memory_space<vmem>>) offsets(%dma_start3A_44 : memref<128xi32, #tpu.memory_space<vmem>>) semaphore(%arg20 : memref<!tpu.dma_semaphore, #tpu.memory_space<semaphore_mem>>)
    %dma_wait3A_48 = arith.constant 1 : i32
    %dma_wait3A_49 = arith.constant 0 : i32
    %dma_wait3A_50 = arith.constant 0 : i32
    %dma_wait3A_51 = tpu.memref_slice %arg3[%add3A, %dma_wait3A_48, %dma_wait3A_49, %dma_wait3A_50] : memref<32x79x2x128xi32, #tpu.memory_space<hbm>> -> memref<1x1x2x128xi32, #tpu.memory_space<hbm>>
    %dma_wait3A_52 = tpu.memref_squeeze %dma_wait3A_51 : memref<1x1x2x128xi32, #tpu.memory_space<hbm>> -> memref<2x128xi32, #tpu.memory_space<hbm>>
    %dma_wait3A_53 = arith.constant 0 : i32
    %dma_wait3A_54 = arith.constant 0 : i32
    %dma_wait3A_55 = tpu.memref_slice %arg3[%add3A, %dma_wait3A_48, %dma_wait3A_53, %dma_wait3A_54] : memref<32x79x2x128xi32, #tpu.memory_space<hbm>> -> memref<1x1x2x128xi32, #tpu.memory_space<hbm>>
    %dma_wait3A_56 = tpu.memref_squeeze %dma_wait3A_55 : memref<1x1x2x128xi32, #tpu.memory_space<hbm>> -> memref<2x128xi32, #tpu.memory_space<hbm>>
    tpu.wait_dma2 semaphore(%arg17 : memref<!tpu.dma_semaphore, #tpu.memory_space<semaphore_mem>>) src(%dma_wait3A_56 : memref<2x128xi32, #tpu.memory_space<hbm>>) dst(%arg7 : memref<2x128xi32, #tpu.memory_space<vmem>>)
    %dma_start3A_57 = arith.constant 0 : i32
    %dma_start3A_58 = arith.constant 0 : i32
    %dma_start3A_59 = tpu.memref_slice %arg7[%dma_start3A_57, %dma_start3A_58] : memref<2x128xi32, #tpu.memory_space<vmem>> -> memref<1x128xi32, #tpu.memory_space<vmem>>
    %dma_start3A_60 = tpu.memref_squeeze %dma_start3A_59 : memref<1x128xi32, #tpu.memory_space<vmem>> -> memref<128xi32, #tpu.memory_space<vmem>>
    %dma_start3A_61 = arith.constant 0 : i32
    %dma_start3A_62 = arith.constant 0 : i32
    %dma_start3A_63 = tpu.memref_slice %arg14[%dma_start3A_61, %dma_start3A_62] : memref<10000x32xf32, #tpu.memory_space<vmem_shared>> -> memref<10000x32xf32, #tpu.memory_space<vmem_shared>>
    tpu.enqueue_indirect_dma source(%dma_start3A_63 : memref<10000x32xf32, #tpu.memory_space<vmem_shared>>) target(%arg11 : memref<128x32xf32, #tpu.memory_space<vmem>>) offsets(%dma_start3A_60 : memref<128xi32, #tpu.memory_space<vmem>>) semaphore(%arg21 : memref<!tpu.dma_semaphore, #tpu.memory_space<semaphore_mem>>)
    %scan3A = arith.constant 0 : i32
    %scan3A_64 = arith.constant 0 : i32
    %scan3A_65 = arith.constant 20 : i32
    %scan3A_66 = arith.addi %scan3A_64, %scan3A_65 : i32
    %scan3A_67 = arith.constant 1 : i32
    scf.for %scan3A_77 = %scan3A_64 to %scan3A_66 step %scan3A_67  : i32 {
      %mul3A_78 = arith.constant 4 : i32
      %mul3A_79 = arith.muli %scan3A_77, %mul3A_78 : i32
      %add3A_80 = arith.constant 0 : i32
      %add3A_81 = arith.addi %mul3A_79, %add3A_80 : i32
      %lt3A = arith.constant 79 : i32
      %lt3A_82 = arith.cmpi slt, %add3A_81, %lt3A : i32
      %convert_element_type3A = arith.extui %lt3A_82 : i1 to i32
      %cond3A = arith.constant 0 : i32
      %cond3A_83 = arith.cmpi ne, %convert_element_type3A, %cond3A : i32
      scf.if %cond3A_83 {
        %dma_wait3A_111 = arith.constant 0 : i32
        %dma_wait3A_112 = arith.constant 0 : i32
        %dma_wait3A_113 = tpu.memref_slice %arg6[%dma_wait3A_111, %dma_wait3A_112] : memref<2x128xi32, #tpu.memory_space<vmem>> -> memref<1x128xi32, #tpu.memory_space<vmem>>
        %dma_wait3A_114 = tpu.memref_squeeze %dma_wait3A_113 : memref<1x128xi32, #tpu.memory_space<vmem>> -> memref<128xi32, #tpu.memory_space<vmem>>
        %dma_wait3A_115 = arith.constant 0 : i32
        %dma_wait3A_116 = arith.constant 0 : i32
        %dma_wait3A_117 = tpu.memref_slice %arg14[%dma_wait3A_115, %dma_wait3A_116] : memref<10000x32xf32, #tpu.memory_space<vmem_shared>> -> memref<10000x32xf32, #tpu.memory_space<vmem_shared>>
        tpu.wait_indirect_dma semaphore(%arg20 : memref<!tpu.dma_semaphore, #tpu.memory_space<semaphore_mem>>) src(%dma_wait3A_117 : memref<10000x32xf32, #tpu.memory_space<vmem_shared>>) dst(%arg10 : memref<128x32xf32, #tpu.memory_space<vmem>>)
        %dma_start3A_118 = arith.constant 1 : i32
        %dma_start3A_119 = arith.constant 0 : i32
        %dma_start3A_120 = tpu.memref_slice %arg6[%dma_start3A_118, %dma_start3A_119] : memref<2x128xi32, #tpu.memory_space<vmem>> -> memref<1x128xi32, #tpu.memory_space<vmem>>
        %dma_start3A_121 = tpu.memref_squeeze %dma_start3A_120 : memref<1x128xi32, #tpu.memory_space<vmem>> -> memref<128xi32, #tpu.memory_space<vmem>>
        %dma_start3A_122 = arith.constant 0 : i32
        %dma_start3A_123 = arith.constant 0 : i32
        %dma_start3A_124 = tpu.memref_slice %arg15[%dma_start3A_122, %dma_start3A_123] : memref<10240x32xf32, #tpu.memory_space<vmem_shared>> -> memref<10240x32xf32, #tpu.memory_space<vmem_shared>>
        tpu.enqueue_indirect_dma source(%arg10 : memref<128x32xf32, #tpu.memory_space<vmem>>) target(%dma_start3A_124 : memref<10240x32xf32, #tpu.memory_space<vmem_shared>>) offsets(%dma_start3A_121 : memref<128xi32, #tpu.memory_space<vmem>>) semaphore(%arg24 : memref<!tpu.dma_semaphore, #tpu.memory_space<semaphore_mem>>) {add = true}
        %ge3A = arith.constant 1 : i32
        %ge3A_125 = arith.cmpi sge, %add3A_81, %ge3A : i32
        %convert_element_type3A_126 = arith.extui %ge3A_125 : i1 to i32
        %cond3A_127 = arith.constant 0 : i32
        %cond3A_128 = arith.cmpi ne, %convert_element_type3A_126, %cond3A_127 : i32
        scf.if %cond3A_128 {
          %dma_wait3A_143 = arith.constant 1 : i32
          %dma_wait3A_144 = arith.constant 0 : i32
          %dma_wait3A_145 = tpu.memref_slice %arg9[%dma_wait3A_143, %dma_wait3A_144] : memref<2x128xi32, #tpu.memory_space<vmem>> -> memref<1x128xi32, #tpu.memory_space<vmem>>
          %dma_wait3A_146 = tpu.memref_squeeze %dma_wait3A_145 : memref<1x128xi32, #tpu.memory_space<vmem>> -> memref<128xi32, #tpu.memory_space<vmem>>
          %dma_wait3A_147 = arith.constant 0 : i32
          %dma_wait3A_148 = arith.constant 0 : i32
          %dma_wait3A_149 = tpu.memref_slice %arg15[%dma_wait3A_147, %dma_wait3A_148] : memref<10240x32xf32, #tpu.memory_space<vmem_shared>> -> memref<10240x32xf32, #tpu.memory_space<vmem_shared>>
          tpu.wait_indirect_dma semaphore(%arg27 : memref<!tpu.dma_semaphore, #tpu.memory_space<semaphore_mem>>) src(%arg13 : memref<128x32xf32, #tpu.memory_space<vmem>>) dst(%dma_wait3A_149 : memref<10240x32xf32, #tpu.memory_space<vmem_shared>>)
        } else {
        }
        %add3A_129 = arith.constant 2 : i32
        %add3A_130 = arith.addi %add3A_81, %add3A_129 : i32
        %lt3A_131 = arith.constant 79 : i32
        %lt3A_132 = arith.cmpi slt, %add3A_130, %lt3A_131 : i32
        %convert_element_type3A_133 = arith.extui %lt3A_132 : i1 to i32
        %cond3A_134 = arith.constant 0 : i32
        %cond3A_135 = arith.cmpi ne, %convert_element_type3A_133, %cond3A_134 : i32
        scf.if %cond3A_135 {
          %dma_wait3A_143 = arith.constant 0 : i32
          %dma_wait3A_144 = arith.constant 0 : i32
          %dma_wait3A_145 = arith.constant 0 : i32
          %dma_wait3A_146 = tpu.memref_slice %arg3[%add3A, %dma_wait3A_143, %dma_wait3A_144, %dma_wait3A_145] : memref<32x79x2x128xi32, #tpu.memory_space<hbm>> -> memref<1x1x2x128xi32, #tpu.memory_space<hbm>>
          %dma_wait3A_147 = tpu.memref_squeeze %dma_wait3A_146 : memref<1x1x2x128xi32, #tpu.memory_space<hbm>> -> memref<2x128xi32, #tpu.memory_space<hbm>>
          %dma_wait3A_148 = arith.constant 0 : i32
          %dma_wait3A_149 = arith.constant 0 : i32
          %dma_wait3A_150 = tpu.memref_slice %arg3[%add3A, %dma_wait3A_143, %dma_wait3A_148, %dma_wait3A_149] : memref<32x79x2x128xi32, #tpu.memory_space<hbm>> -> memref<1x1x2x128xi32, #tpu.memory_space<hbm>>
          %dma_wait3A_151 = tpu.memref_squeeze %dma_wait3A_150 : memref<1x1x2x128xi32, #tpu.memory_space<hbm>> -> memref<2x128xi32, #tpu.memory_space<hbm>>
          tpu.wait_dma2 semaphore(%arg18 : memref<!tpu.dma_semaphore, #tpu.memory_space<semaphore_mem>>) src(%dma_wait3A_151 : memref<2x128xi32, #tpu.memory_space<hbm>>) dst(%arg8 : memref<2x128xi32, #tpu.memory_space<vmem>>)
          %add3A_152 = arith.constant 2 : i32
          %add3A_153 = arith.addi %add3A_81, %add3A_152 : i32
          %dma_start3A_154 = arith.constant 0 : i32
          %dma_start3A_155 = arith.constant 0 : i32
          %dma_start3A_156 = tpu.memref_slice %arg8[%dma_start3A_154, %dma_start3A_155] : memref<2x128xi32, #tpu.memory_space<vmem>> -> memref<1x128xi32, #tpu.memory_space<vmem>>
          %dma_start3A_157 = tpu.memref_squeeze %dma_start3A_156 : memref<1x128xi32, #tpu.memory_space<vmem>> -> memref<128xi32, #tpu.memory_space<vmem>>
          %dma_start3A_158 = arith.constant 0 : i32
          %dma_start3A_159 = arith.constant 0 : i32
          %dma_start3A_160 = tpu.memref_slice %arg14[%dma_start3A_158, %dma_start3A_159] : memref<10000x32xf32, #tpu.memory_space<vmem_shared>> -> memref<10000x32xf32, #tpu.memory_space<vmem_shared>>
          tpu.enqueue_indirect_dma source(%dma_start3A_160 : memref<10000x32xf32, #tpu.memory_space<vmem_shared>>) target(%arg12 : memref<128x32xf32, #tpu.memory_space<vmem>>) offsets(%dma_start3A_157 : memref<128xi32, #tpu.memory_space<vmem>>) semaphore(%arg22 : memref<!tpu.dma_semaphore, #tpu.memory_space<semaphore_mem>>)
        } else {
        }
        %add3A_136 = arith.constant 3 : i32
        %add3A_137 = arith.addi %add3A_81, %add3A_136 : i32
        %lt3A_138 = arith.constant 79 : i32
        %lt3A_139 = arith.cmpi slt, %add3A_137, %lt3A_138 : i32
        %convert_element_type3A_140 = arith.extui %lt3A_139 : i1 to i32
        %cond3A_141 = arith.constant 0 : i32
        %cond3A_142 = arith.cmpi ne, %convert_element_type3A_140, %cond3A_141 : i32
        scf.if %cond3A_142 {
          %add3A_143 = arith.constant 3 : i32
          %add3A_144 = arith.addi %add3A_81, %add3A_143 : i32
          %dma_start3A_145 = arith.constant 0 : i32
          %dma_start3A_146 = arith.constant 0 : i32
          %dma_start3A_147 = tpu.memref_slice %arg3[%add3A, %add3A_144, %dma_start3A_145, %dma_start3A_146] : memref<32x79x2x128xi32, #tpu.memory_space<hbm>> -> memref<1x1x2x128xi32, #tpu.memory_space<hbm>>
          %dma_start3A_148 = tpu.memref_squeeze %dma_start3A_147 : memref<1x1x2x128xi32, #tpu.memory_space<hbm>> -> memref<2x128xi32, #tpu.memory_space<hbm>>
          %dma_start3A_149 = arith.constant 0 : i32
          %dma_start3A_150 = arith.constant 0 : i32
          %dma_start3A_151 = tpu.memref_slice %arg3[%add3A, %add3A_144, %dma_start3A_149, %dma_start3A_150] : memref<32x79x2x128xi32, #tpu.memory_space<hbm>> -> memref<1x1x2x128xi32, #tpu.memory_space<hbm>>
          %dma_start3A_152 = tpu.memref_squeeze %dma_start3A_151 : memref<1x1x2x128xi32, #tpu.memory_space<hbm>> -> memref<2x128xi32, #tpu.memory_space<hbm>>
          tpu.enqueue_dma source(%dma_start3A_152 : memref<2x128xi32, #tpu.memory_space<hbm>>) target(%arg9 : memref<2x128xi32, #tpu.memory_space<vmem>>) target_semaphore(%arg19 : memref<!tpu.dma_semaphore, #tpu.memory_space<semaphore_mem>>)
        } else {
        }
      } else {
      }
      %mul3A_84 = arith.constant 4 : i32
      %mul3A_85 = arith.muli %scan3A_77, %mul3A_84 : i32
      %add3A_86 = arith.constant 1 : i32
      %add3A_87 = arith.addi %mul3A_85, %add3A_86 : i32
      %lt3A_88 = arith.constant 79 : i32
      %lt3A_89 = arith.cmpi slt, %add3A_87, %lt3A_88 : i32
      %convert_element_type3A_90 = arith.extui %lt3A_89 : i1 to i32
      %cond3A_91 = arith.constant 0 : i32
      %cond3A_92 = arith.cmpi ne, %convert_element_type3A_90, %cond3A_91 : i32
      scf.if %cond3A_92 {
        %dma_wait3A_111 = arith.constant 0 : i32
        %dma_wait3A_112 = arith.constant 0 : i32
        %dma_wait3A_113 = tpu.memref_slice %arg7[%dma_wait3A_111, %dma_wait3A_112] : memref<2x128xi32, #tpu.memory_space<vmem>> -> memref<1x128xi32, #tpu.memory_space<vmem>>
        %dma_wait3A_114 = tpu.memref_squeeze %dma_wait3A_113 : memref<1x128xi32, #tpu.memory_space<vmem>> -> memref<128xi32, #tpu.memory_space<vmem>>
        %dma_wait3A_115 = arith.constant 0 : i32
        %dma_wait3A_116 = arith.constant 0 : i32
        %dma_wait3A_117 = tpu.memref_slice %arg14[%dma_wait3A_115, %dma_wait3A_116] : memref<10000x32xf32, #tpu.memory_space<vmem_shared>> -> memref<10000x32xf32, #tpu.memory_space<vmem_shared>>
        tpu.wait_indirect_dma semaphore(%arg21 : memref<!tpu.dma_semaphore, #tpu.memory_space<semaphore_mem>>) src(%dma_wait3A_117 : memref<10000x32xf32, #tpu.memory_space<vmem_shared>>) dst(%arg11 : memref<128x32xf32, #tpu.memory_space<vmem>>)
        %dma_start3A_118 = arith.constant 1 : i32
        %dma_start3A_119 = arith.constant 0 : i32
        %dma_start3A_120 = tpu.memref_slice %arg7[%dma_start3A_118, %dma_start3A_119] : memref<2x128xi32, #tpu.memory_space<vmem>> -> memref<1x128xi32, #tpu.memory_space<vmem>>
        %dma_start3A_121 = tpu.memref_squeeze %dma_start3A_120 : memref<1x128xi32, #tpu.memory_space<vmem>> -> memref<128xi32, #tpu.memory_space<vmem>>
        %dma_start3A_122 = arith.constant 0 : i32
        %dma_start3A_123 = arith.constant 0 : i32
        %dma_start3A_124 = tpu.memref_slice %arg15[%dma_start3A_122, %dma_start3A_123] : memref<10240x32xf32, #tpu.memory_space<vmem_shared>> -> memref<10240x32xf32, #tpu.memory_space<vmem_shared>>
        tpu.enqueue_indirect_dma source(%arg11 : memref<128x32xf32, #tpu.memory_space<vmem>>) target(%dma_start3A_124 : memref<10240x32xf32, #tpu.memory_space<vmem_shared>>) offsets(%dma_start3A_121 : memref<128xi32, #tpu.memory_space<vmem>>) semaphore(%arg25 : memref<!tpu.dma_semaphore, #tpu.memory_space<semaphore_mem>>) {add = true}
        %ge3A = arith.constant 1 : i32
        %ge3A_125 = arith.cmpi sge, %add3A_87, %ge3A : i32
        %convert_element_type3A_126 = arith.extui %ge3A_125 : i1 to i32
        %cond3A_127 = arith.constant 0 : i32
        %cond3A_128 = arith.cmpi ne, %convert_element_type3A_126, %cond3A_127 : i32
        scf.if %cond3A_128 {
          %dma_wait3A_143 = arith.constant 1 : i32
          %dma_wait3A_144 = arith.constant 0 : i32
          %dma_wait3A_145 = tpu.memref_slice %arg6[%dma_wait3A_143, %dma_wait3A_144] : memref<2x128xi32, #tpu.memory_space<vmem>> -> memref<1x128xi32, #tpu.memory_space<vmem>>
          %dma_wait3A_146 = tpu.memref_squeeze %dma_wait3A_145 : memref<1x128xi32, #tpu.memory_space<vmem>> -> memref<128xi32, #tpu.memory_space<vmem>>
          %dma_wait3A_147 = arith.constant 0 : i32
          %dma_wait3A_148 = arith.constant 0 : i32
          %dma_wait3A_149 = tpu.memref_slice %arg15[%dma_wait3A_147, %dma_wait3A_148] : memref<10240x32xf32, #tpu.memory_space<vmem_shared>> -> memref<10240x32xf32, #tpu.memory_space<vmem_shared>>
          tpu.wait_indirect_dma semaphore(%arg24 : memref<!tpu.dma_semaphore, #tpu.memory_space<semaphore_mem>>) src(%arg10 : memref<128x32xf32, #tpu.memory_space<vmem>>) dst(%dma_wait3A_149 : memref<10240x32xf32, #tpu.memory_space<vmem_shared>>)
        } else {
        }
        %add3A_129 = arith.constant 2 : i32
        %add3A_130 = arith.addi %add3A_87, %add3A_129 : i32
        %lt3A_131 = arith.constant 79 : i32
        %lt3A_132 = arith.cmpi slt, %add3A_130, %lt3A_131 : i32
        %convert_element_type3A_133 = arith.extui %lt3A_132 : i1 to i32
        %cond3A_134 = arith.constant 0 : i32
        %cond3A_135 = arith.cmpi ne, %convert_element_type3A_133, %cond3A_134 : i32
        scf.if %cond3A_135 {
          %dma_wait3A_143 = arith.constant 0 : i32
          %dma_wait3A_144 = arith.constant 0 : i32
          %dma_wait3A_145 = arith.constant 0 : i32
          %dma_wait3A_146 = tpu.memref_slice %arg3[%add3A, %dma_wait3A_143, %dma_wait3A_144, %dma_wait3A_145] : memref<32x79x2x128xi32, #tpu.memory_space<hbm>> -> memref<1x1x2x128xi32, #tpu.memory_space<hbm>>
          %dma_wait3A_147 = tpu.memref_squeeze %dma_wait3A_146 : memref<1x1x2x128xi32, #tpu.memory_space<hbm>> -> memref<2x128xi32, #tpu.memory_space<hbm>>
          %dma_wait3A_148 = arith.constant 0 : i32
          %dma_wait3A_149 = arith.constant 0 : i32
          %dma_wait3A_150 = tpu.memref_slice %arg3[%add3A, %dma_wait3A_143, %dma_wait3A_148, %dma_wait3A_149] : memref<32x79x2x128xi32, #tpu.memory_space<hbm>> -> memref<1x1x2x128xi32, #tpu.memory_space<hbm>>
          %dma_wait3A_151 = tpu.memref_squeeze %dma_wait3A_150 : memref<1x1x2x128xi32, #tpu.memory_space<hbm>> -> memref<2x128xi32, #tpu.memory_space<hbm>>
          tpu.wait_dma2 semaphore(%arg19 : memref<!tpu.dma_semaphore, #tpu.memory_space<semaphore_mem>>) src(%dma_wait3A_151 : memref<2x128xi32, #tpu.memory_space<hbm>>) dst(%arg9 : memref<2x128xi32, #tpu.memory_space<vmem>>)
          %add3A_152 = arith.constant 2 : i32
          %add3A_153 = arith.addi %add3A_87, %add3A_152 : i32
          %dma_start3A_154 = arith.constant 0 : i32
          %dma_start3A_155 = arith.constant 0 : i32
          %dma_start3A_156 = tpu.memref_slice %arg9[%dma_start3A_154, %dma_start3A_155] : memref<2x128xi32, #tpu.memory_space<vmem>> -> memref<1x128xi32, #tpu.memory_space<vmem>>
          %dma_start3A_157 = tpu.memref_squeeze %dma_start3A_156 : memref<1x128xi32, #tpu.memory_space<vmem>> -> memref<128xi32, #tpu.memory_space<vmem>>
          %dma_start3A_158 = arith.constant 0 : i32
          %dma_start3A_159 = arith.constant 0 : i32
          %dma_start3A_160 = tpu.memref_slice %arg14[%dma_start3A_158, %dma_start3A_159] : memref<10000x32xf32, #tpu.memory_space<vmem_shared>> -> memref<10000x32xf32, #tpu.memory_space<vmem_shared>>
          tpu.enqueue_indirect_dma source(%dma_start3A_160 : memref<10000x32xf32, #tpu.memory_space<vmem_shared>>) target(%arg13 : memref<128x32xf32, #tpu.memory_space<vmem>>) offsets(%dma_start3A_157 : memref<128xi32, #tpu.memory_space<vmem>>) semaphore(%arg23 : memref<!tpu.dma_semaphore, #tpu.memory_space<semaphore_mem>>)
        } else {
        }
        %add3A_136 = arith.constant 3 : i32
        %add3A_137 = arith.addi %add3A_87, %add3A_136 : i32
        %lt3A_138 = arith.constant 79 : i32
        %lt3A_139 = arith.cmpi slt, %add3A_137, %lt3A_138 : i32
        %convert_element_type3A_140 = arith.extui %lt3A_139 : i1 to i32
        %cond3A_141 = arith.constant 0 : i32
        %cond3A_142 = arith.cmpi ne, %convert_element_type3A_140, %cond3A_141 : i32
        scf.if %cond3A_142 {
          %add3A_143 = arith.constant 3 : i32
          %add3A_144 = arith.addi %add3A_87, %add3A_143 : i32
          %dma_start3A_145 = arith.constant 0 : i32
          %dma_start3A_146 = arith.constant 0 : i32
          %dma_start3A_147 = tpu.memref_slice %arg3[%add3A, %add3A_144, %dma_start3A_145, %dma_start3A_146] : memref<32x79x2x128xi32, #tpu.memory_space<hbm>> -> memref<1x1x2x128xi32, #tpu.memory_space<hbm>>
          %dma_start3A_148 = tpu.memref_squeeze %dma_start3A_147 : memref<1x1x2x128xi32, #tpu.memory_space<hbm>> -> memref<2x128xi32, #tpu.memory_space<hbm>>
          %dma_start3A_149 = arith.constant 0 : i32
          %dma_start3A_150 = arith.constant 0 : i32
          %dma_start3A_151 = tpu.memref_slice %arg3[%add3A, %add3A_144, %dma_start3A_149, %dma_start3A_150] : memref<32x79x2x128xi32, #tpu.memory_space<hbm>> -> memref<1x1x2x128xi32, #tpu.memory_space<hbm>>
          %dma_start3A_152 = tpu.memref_squeeze %dma_start3A_151 : memref<1x1x2x128xi32, #tpu.memory_space<hbm>> -> memref<2x128xi32, #tpu.memory_space<hbm>>
          tpu.enqueue_dma source(%dma_start3A_152 : memref<2x128xi32, #tpu.memory_space<hbm>>) target(%arg6 : memref<2x128xi32, #tpu.memory_space<vmem>>) target_semaphore(%arg16 : memref<!tpu.dma_semaphore, #tpu.memory_space<semaphore_mem>>)
        } else {
        }
      } else {
      }
      %mul3A_93 = arith.constant 4 : i32
      %mul3A_94 = arith.muli %scan3A_77, %mul3A_93 : i32
      %add3A_95 = arith.constant 2 : i32
      %add3A_96 = arith.addi %mul3A_94, %add3A_95 : i32
      %lt3A_97 = arith.constant 79 : i32
      %lt3A_98 = arith.cmpi slt, %add3A_96, %lt3A_97 : i32
      %convert_element_type3A_99 = arith.extui %lt3A_98 : i1 to i32
      %cond3A_100 = arith.constant 0 : i32
      %cond3A_101 = arith.cmpi ne, %convert_element_type3A_99, %cond3A_100 : i32
      scf.if %cond3A_101 {
        %dma_wait3A_111 = arith.constant 0 : i32
        %dma_wait3A_112 = arith.constant 0 : i32
        %dma_wait3A_113 = tpu.memref_slice %arg8[%dma_wait3A_111, %dma_wait3A_112] : memref<2x128xi32, #tpu.memory_space<vmem>> -> memref<1x128xi32, #tpu.memory_space<vmem>>
        %dma_wait3A_114 = tpu.memref_squeeze %dma_wait3A_113 : memref<1x128xi32, #tpu.memory_space<vmem>> -> memref<128xi32, #tpu.memory_space<vmem>>
        %dma_wait3A_115 = arith.constant 0 : i32
        %dma_wait3A_116 = arith.constant 0 : i32
        %dma_wait3A_117 = tpu.memref_slice %arg14[%dma_wait3A_115, %dma_wait3A_116] : memref<10000x32xf32, #tpu.memory_space<vmem_shared>> -> memref<10000x32xf32, #tpu.memory_space<vmem_shared>>
        tpu.wait_indirect_dma semaphore(%arg22 : memref<!tpu.dma_semaphore, #tpu.memory_space<semaphore_mem>>) src(%dma_wait3A_117 : memref<10000x32xf32, #tpu.memory_space<vmem_shared>>) dst(%arg12 : memref<128x32xf32, #tpu.memory_space<vmem>>)
        %dma_start3A_118 = arith.constant 1 : i32
        %dma_start3A_119 = arith.constant 0 : i32
        %dma_start3A_120 = tpu.memref_slice %arg8[%dma_start3A_118, %dma_start3A_119] : memref<2x128xi32, #tpu.memory_space<vmem>> -> memref<1x128xi32, #tpu.memory_space<vmem>>
        %dma_start3A_121 = tpu.memref_squeeze %dma_start3A_120 : memref<1x128xi32, #tpu.memory_space<vmem>> -> memref<128xi32, #tpu.memory_space<vmem>>
        %dma_start3A_122 = arith.constant 0 : i32
        %dma_start3A_123 = arith.constant 0 : i32
        %dma_start3A_124 = tpu.memref_slice %arg15[%dma_start3A_122, %dma_start3A_123] : memref<10240x32xf32, #tpu.memory_space<vmem_shared>> -> memref<10240x32xf32, #tpu.memory_space<vmem_shared>>
        tpu.enqueue_indirect_dma source(%arg12 : memref<128x32xf32, #tpu.memory_space<vmem>>) target(%dma_start3A_124 : memref<10240x32xf32, #tpu.memory_space<vmem_shared>>) offsets(%dma_start3A_121 : memref<128xi32, #tpu.memory_space<vmem>>) semaphore(%arg26 : memref<!tpu.dma_semaphore, #tpu.memory_space<semaphore_mem>>) {add = true}
        %ge3A = arith.constant 1 : i32
        %ge3A_125 = arith.cmpi sge, %add3A_96, %ge3A : i32
        %convert_element_type3A_126 = arith.extui %ge3A_125 : i1 to i32
        %cond3A_127 = arith.constant 0 : i32
        %cond3A_128 = arith.cmpi ne, %convert_element_type3A_126, %cond3A_127 : i32
        scf.if %cond3A_128 {
          %dma_wait3A_143 = arith.constant 1 : i32
          %dma_wait3A_144 = arith.constant 0 : i32
          %dma_wait3A_145 = tpu.memref_slice %arg7[%dma_wait3A_143, %dma_wait3A_144] : memref<2x128xi32, #tpu.memory_space<vmem>> -> memref<1x128xi32, #tpu.memory_space<vmem>>
          %dma_wait3A_146 = tpu.memref_squeeze %dma_wait3A_145 : memref<1x128xi32, #tpu.memory_space<vmem>> -> memref<128xi32, #tpu.memory_space<vmem>>
          %dma_wait3A_147 = arith.constant 0 : i32
          %dma_wait3A_148 = arith.constant 0 : i32
          %dma_wait3A_149 = tpu.memref_slice %arg15[%dma_wait3A_147, %dma_wait3A_148] : memref<10240x32xf32, #tpu.memory_space<vmem_shared>> -> memref<10240x32xf32, #tpu.memory_space<vmem_shared>>
          tpu.wait_indirect_dma semaphore(%arg25 : memref<!tpu.dma_semaphore, #tpu.memory_space<semaphore_mem>>) src(%arg11 : memref<128x32xf32, #tpu.memory_space<vmem>>) dst(%dma_wait3A_149 : memref<10240x32xf32, #tpu.memory_space<vmem_shared>>)
        } else {
        }
        %add3A_129 = arith.constant 2 : i32
        %add3A_130 = arith.addi %add3A_96, %add3A_129 : i32
        %lt3A_131 = arith.constant 79 : i32
        %lt3A_132 = arith.cmpi slt, %add3A_130, %lt3A_131 : i32
        %convert_element_type3A_133 = arith.extui %lt3A_132 : i1 to i32
        %cond3A_134 = arith.constant 0 : i32
        %cond3A_135 = arith.cmpi ne, %convert_element_type3A_133, %cond3A_134 : i32
        scf.if %cond3A_135 {
          %dma_wait3A_143 = arith.constant 0 : i32
          %dma_wait3A_144 = arith.constant 0 : i32
          %dma_wait3A_145 = arith.constant 0 : i32
          %dma_wait3A_146 = tpu.memref_slice %arg3[%add3A, %dma_wait3A_143, %dma_wait3A_144, %dma_wait3A_145] : memref<32x79x2x128xi32, #tpu.memory_space<hbm>> -> memref<1x1x2x128xi32, #tpu.memory_space<hbm>>
          %dma_wait3A_147 = tpu.memref_squeeze %dma_wait3A_146 : memref<1x1x2x128xi32, #tpu.memory_space<hbm>> -> memref<2x128xi32, #tpu.memory_space<hbm>>
          %dma_wait3A_148 = arith.constant 0 : i32
          %dma_wait3A_149 = arith.constant 0 : i32
          %dma_wait3A_150 = tpu.memref_slice %arg3[%add3A, %dma_wait3A_143, %dma_wait3A_148, %dma_wait3A_149] : memref<32x79x2x128xi32, #tpu.memory_space<hbm>> -> memref<1x1x2x128xi32, #tpu.memory_space<hbm>>
          %dma_wait3A_151 = tpu.memref_squeeze %dma_wait3A_150 : memref<1x1x2x128xi32, #tpu.memory_space<hbm>> -> memref<2x128xi32, #tpu.memory_space<hbm>>
          tpu.wait_dma2 semaphore(%arg16 : memref<!tpu.dma_semaphore, #tpu.memory_space<semaphore_mem>>) src(%dma_wait3A_151 : memref<2x128xi32, #tpu.memory_space<hbm>>) dst(%arg6 : memref<2x128xi32, #tpu.memory_space<vmem>>)
          %add3A_152 = arith.constant 2 : i32
          %add3A_153 = arith.addi %add3A_96, %add3A_152 : i32
          %dma_start3A_154 = arith.constant 0 : i32
          %dma_start3A_155 = arith.constant 0 : i32
          %dma_start3A_156 = tpu.memref_slice %arg6[%dma_start3A_154, %dma_start3A_155] : memref<2x128xi32, #tpu.memory_space<vmem>> -> memref<1x128xi32, #tpu.memory_space<vmem>>
          %dma_start3A_157 = tpu.memref_squeeze %dma_start3A_156 : memref<1x128xi32, #tpu.memory_space<vmem>> -> memref<128xi32, #tpu.memory_space<vmem>>
          %dma_start3A_158 = arith.constant 0 : i32
          %dma_start3A_159 = arith.constant 0 : i32
          %dma_start3A_160 = tpu.memref_slice %arg14[%dma_start3A_158, %dma_start3A_159] : memref<10000x32xf32, #tpu.memory_space<vmem_shared>> -> memref<10000x32xf32, #tpu.memory_space<vmem_shared>>
          tpu.enqueue_indirect_dma source(%dma_start3A_160 : memref<10000x32xf32, #tpu.memory_space<vmem_shared>>) target(%arg10 : memref<128x32xf32, #tpu.memory_space<vmem>>) offsets(%dma_start3A_157 : memref<128xi32, #tpu.memory_space<vmem>>) semaphore(%arg20 : memref<!tpu.dma_semaphore, #tpu.memory_space<semaphore_mem>>)
        } else {
        }
        %add3A_136 = arith.constant 3 : i32
        %add3A_137 = arith.addi %add3A_96, %add3A_136 : i32
        %lt3A_138 = arith.constant 79 : i32
        %lt3A_139 = arith.cmpi slt, %add3A_137, %lt3A_138 : i32
        %convert_element_type3A_140 = arith.extui %lt3A_139 : i1 to i32
        %cond3A_141 = arith.constant 0 : i32
        %cond3A_142 = arith.cmpi ne, %convert_element_type3A_140, %cond3A_141 : i32
        scf.if %cond3A_142 {
          %add3A_143 = arith.constant 3 : i32
          %add3A_144 = arith.addi %add3A_96, %add3A_143 : i32
          %dma_start3A_145 = arith.constant 0 : i32
          %dma_start3A_146 = arith.constant 0 : i32
          %dma_start3A_147 = tpu.memref_slice %arg3[%add3A, %add3A_144, %dma_start3A_145, %dma_start3A_146] : memref<32x79x2x128xi32, #tpu.memory_space<hbm>> -> memref<1x1x2x128xi32, #tpu.memory_space<hbm>>
          %dma_start3A_148 = tpu.memref_squeeze %dma_start3A_147 : memref<1x1x2x128xi32, #tpu.memory_space<hbm>> -> memref<2x128xi32, #tpu.memory_space<hbm>>
          %dma_start3A_149 = arith.constant 0 : i32
          %dma_start3A_150 = arith.constant 0 : i32
          %dma_start3A_151 = tpu.memref_slice %arg3[%add3A, %add3A_144, %dma_start3A_149, %dma_start3A_150] : memref<32x79x2x128xi32, #tpu.memory_space<hbm>> -> memref<1x1x2x128xi32, #tpu.memory_space<hbm>>
          %dma_start3A_152 = tpu.memref_squeeze %dma_start3A_151 : memref<1x1x2x128xi32, #tpu.memory_space<hbm>> -> memref<2x128xi32, #tpu.memory_space<hbm>>
          tpu.enqueue_dma source(%dma_start3A_152 : memref<2x128xi32, #tpu.memory_space<hbm>>) target(%arg7 : memref<2x128xi32, #tpu.memory_space<vmem>>) target_semaphore(%arg17 : memref<!tpu.dma_semaphore, #tpu.memory_space<semaphore_mem>>)
        } else {
        }
      } else {
      }
      %mul3A_102 = arith.constant 4 : i32
      %mul3A_103 = arith.muli %scan3A_77, %mul3A_102 : i32
      %add3A_104 = arith.constant 3 : i32
      %add3A_105 = arith.addi %mul3A_103, %add3A_104 : i32
      %lt3A_106 = arith.constant 79 : i32
      %lt3A_107 = arith.cmpi slt, %add3A_105, %lt3A_106 : i32
      %convert_element_type3A_108 = arith.extui %lt3A_107 : i1 to i32
      %cond3A_109 = arith.constant 0 : i32
      %cond3A_110 = arith.cmpi ne, %convert_element_type3A_108, %cond3A_109 : i32
      scf.if %cond3A_110 {
        %dma_wait3A_111 = arith.constant 0 : i32
        %dma_wait3A_112 = arith.constant 0 : i32
        %dma_wait3A_113 = tpu.memref_slice %arg9[%dma_wait3A_111, %dma_wait3A_112] : memref<2x128xi32, #tpu.memory_space<vmem>> -> memref<1x128xi32, #tpu.memory_space<vmem>>
        %dma_wait3A_114 = tpu.memref_squeeze %dma_wait3A_113 : memref<1x128xi32, #tpu.memory_space<vmem>> -> memref<128xi32, #tpu.memory_space<vmem>>
        %dma_wait3A_115 = arith.constant 0 : i32
        %dma_wait3A_116 = arith.constant 0 : i32
        %dma_wait3A_117 = tpu.memref_slice %arg14[%dma_wait3A_115, %dma_wait3A_116] : memref<10000x32xf32, #tpu.memory_space<vmem_shared>> -> memref<10000x32xf32, #tpu.memory_space<vmem_shared>>
        tpu.wait_indirect_dma semaphore(%arg23 : memref<!tpu.dma_semaphore, #tpu.memory_space<semaphore_mem>>) src(%dma_wait3A_117 : memref<10000x32xf32, #tpu.memory_space<vmem_shared>>) dst(%arg13 : memref<128x32xf32, #tpu.memory_space<vmem>>)
        %dma_start3A_118 = arith.constant 1 : i32
        %dma_start3A_119 = arith.constant 0 : i32
        %dma_start3A_120 = tpu.memref_slice %arg9[%dma_start3A_118, %dma_start3A_119] : memref<2x128xi32, #tpu.memory_space<vmem>> -> memref<1x128xi32, #tpu.memory_space<vmem>>
        %dma_start3A_121 = tpu.memref_squeeze %dma_start3A_120 : memref<1x128xi32, #tpu.memory_space<vmem>> -> memref<128xi32, #tpu.memory_space<vmem>>
        %dma_start3A_122 = arith.constant 0 : i32
        %dma_start3A_123 = arith.constant 0 : i32
        %dma_start3A_124 = tpu.memref_slice %arg15[%dma_start3A_122, %dma_start3A_123] : memref<10240x32xf32, #tpu.memory_space<vmem_shared>> -> memref<10240x32xf32, #tpu.memory_space<vmem_shared>>
        tpu.enqueue_indirect_dma source(%arg13 : memref<128x32xf32, #tpu.memory_space<vmem>>) target(%dma_start3A_124 : memref<10240x32xf32, #tpu.memory_space<vmem_shared>>) offsets(%dma_start3A_121 : memref<128xi32, #tpu.memory_space<vmem>>) semaphore(%arg27 : memref<!tpu.dma_semaphore, #tpu.memory_space<semaphore_mem>>) {add = true}
        %ge3A = arith.constant 1 : i32
        %ge3A_125 = arith.cmpi sge, %add3A_105, %ge3A : i32
        %convert_element_type3A_126 = arith.extui %ge3A_125 : i1 to i32
        %cond3A_127 = arith.constant 0 : i32
        %cond3A_128 = arith.cmpi ne, %convert_element_type3A_126, %cond3A_127 : i32
        scf.if %cond3A_128 {
          %dma_wait3A_143 = arith.constant 1 : i32
          %dma_wait3A_144 = arith.constant 0 : i32
          %dma_wait3A_145 = tpu.memref_slice %arg8[%dma_wait3A_143, %dma_wait3A_144] : memref<2x128xi32, #tpu.memory_space<vmem>> -> memref<1x128xi32, #tpu.memory_space<vmem>>
          %dma_wait3A_146 = tpu.memref_squeeze %dma_wait3A_145 : memref<1x128xi32, #tpu.memory_space<vmem>> -> memref<128xi32, #tpu.memory_space<vmem>>
          %dma_wait3A_147 = arith.constant 0 : i32
          %dma_wait3A_148 = arith.constant 0 : i32
          %dma_wait3A_149 = tpu.memref_slice %arg15[%dma_wait3A_147, %dma_wait3A_148] : memref<10240x32xf32, #tpu.memory_space<vmem_shared>> -> memref<10240x32xf32, #tpu.memory_space<vmem_shared>>
          tpu.wait_indirect_dma semaphore(%arg26 : memref<!tpu.dma_semaphore, #tpu.memory_space<semaphore_mem>>) src(%arg12 : memref<128x32xf32, #tpu.memory_space<vmem>>) dst(%dma_wait3A_149 : memref<10240x32xf32, #tpu.memory_space<vmem_shared>>)
        } else {
        }
        %add3A_129 = arith.constant 2 : i32
        %add3A_130 = arith.addi %add3A_105, %add3A_129 : i32
        %lt3A_131 = arith.constant 79 : i32
        %lt3A_132 = arith.cmpi slt, %add3A_130, %lt3A_131 : i32
        %convert_element_type3A_133 = arith.extui %lt3A_132 : i1 to i32
        %cond3A_134 = arith.constant 0 : i32
        %cond3A_135 = arith.cmpi ne, %convert_element_type3A_133, %cond3A_134 : i32
        scf.if %cond3A_135 {
          %dma_wait3A_143 = arith.constant 0 : i32
          %dma_wait3A_144 = arith.constant 0 : i32
          %dma_wait3A_145 = arith.constant 0 : i32
          %dma_wait3A_146 = tpu.memref_slice %arg3[%add3A, %dma_wait3A_143, %dma_wait3A_144, %dma_wait3A_145] : memref<32x79x2x128xi32, #tpu.memory_space<hbm>> -> memref<1x1x2x128xi32, #tpu.memory_space<hbm>>
          %dma_wait3A_147 = tpu.memref_squeeze %dma_wait3A_146 : memref<1x1x2x128xi32, #tpu.memory_space<hbm>> -> memref<2x128xi32, #tpu.memory_space<hbm>>
          %dma_wait3A_148 = arith.constant 0 : i32
          %dma_wait3A_149 = arith.constant 0 : i32
          %dma_wait3A_150 = tpu.memref_slice %arg3[%add3A, %dma_wait3A_143, %dma_wait3A_148, %dma_wait3A_149] : memref<32x79x2x128xi32, #tpu.memory_space<hbm>> -> memref<1x1x2x128xi32, #tpu.memory_space<hbm>>
          %dma_wait3A_151 = tpu.memref_squeeze %dma_wait3A_150 : memref<1x1x2x128xi32, #tpu.memory_space<hbm>> -> memref<2x128xi32, #tpu.memory_space<hbm>>
          tpu.wait_dma2 semaphore(%arg17 : memref<!tpu.dma_semaphore, #tpu.memory_space<semaphore_mem>>) src(%dma_wait3A_151 : memref<2x128xi32, #tpu.memory_space<hbm>>) dst(%arg7 : memref<2x128xi32, #tpu.memory_space<vmem>>)
          %add3A_152 = arith.constant 2 : i32
          %add3A_153 = arith.addi %add3A_105, %add3A_152 : i32
          %dma_start3A_154 = arith.constant 0 : i32
          %dma_start3A_155 = arith.constant 0 : i32
          %dma_start3A_156 = tpu.memref_slice %arg7[%dma_start3A_154, %dma_start3A_155] : memref<2x128xi32, #tpu.memory_space<vmem>> -> memref<1x128xi32, #tpu.memory_space<vmem>>
          %dma_start3A_157 = tpu.memref_squeeze %dma_start3A_156 : memref<1x128xi32, #tpu.memory_space<vmem>> -> memref<128xi32, #tpu.memory_space<vmem>>
          %dma_start3A_158 = arith.constant 0 : i32
          %dma_start3A_159 = arith.constant 0 : i32
          %dma_start3A_160 = tpu.memref_slice %arg14[%dma_start3A_158, %dma_start3A_159] : memref<10000x32xf32, #tpu.memory_space<vmem_shared>> -> memref<10000x32xf32, #tpu.memory_space<vmem_shared>>
          tpu.enqueue_indirect_dma source(%dma_start3A_160 : memref<10000x32xf32, #tpu.memory_space<vmem_shared>>) target(%arg11 : memref<128x32xf32, #tpu.memory_space<vmem>>) offsets(%dma_start3A_157 : memref<128xi32, #tpu.memory_space<vmem>>) semaphore(%arg21 : memref<!tpu.dma_semaphore, #tpu.memory_space<semaphore_mem>>)
        } else {
        }
        %add3A_136 = arith.constant 3 : i32
        %add3A_137 = arith.addi %add3A_105, %add3A_136 : i32
        %lt3A_138 = arith.constant 79 : i32
        %lt3A_139 = arith.cmpi slt, %add3A_137, %lt3A_138 : i32
        %convert_element_type3A_140 = arith.extui %lt3A_139 : i1 to i32
        %cond3A_141 = arith.constant 0 : i32
        %cond3A_142 = arith.cmpi ne, %convert_element_type3A_140, %cond3A_141 : i32
        scf.if %cond3A_142 {
          %add3A_143 = arith.constant 3 : i32
          %add3A_144 = arith.addi %add3A_105, %add3A_143 : i32
          %dma_start3A_145 = arith.constant 0 : i32
          %dma_start3A_146 = arith.constant 0 : i32
          %dma_start3A_147 = tpu.memref_slice %arg3[%add3A, %add3A_144, %dma_start3A_145, %dma_start3A_146] : memref<32x79x2x128xi32, #tpu.memory_space<hbm>> -> memref<1x1x2x128xi32, #tpu.memory_space<hbm>>
          %dma_start3A_148 = tpu.memref_squeeze %dma_start3A_147 : memref<1x1x2x128xi32, #tpu.memory_space<hbm>> -> memref<2x128xi32, #tpu.memory_space<hbm>>
          %dma_start3A_149 = arith.constant 0 : i32
          %dma_start3A_150 = arith.constant 0 : i32
          %dma_start3A_151 = tpu.memref_slice %arg3[%add3A, %add3A_144, %dma_start3A_149, %dma_start3A_150] : memref<32x79x2x128xi32, #tpu.memory_space<hbm>> -> memref<1x1x2x128xi32, #tpu.memory_space<hbm>>
          %dma_start3A_152 = tpu.memref_squeeze %dma_start3A_151 : memref<1x1x2x128xi32, #tpu.memory_space<hbm>> -> memref<2x128xi32, #tpu.memory_space<hbm>>
          tpu.enqueue_dma source(%dma_start3A_152 : memref<2x128xi32, #tpu.memory_space<hbm>>) target(%arg8 : memref<2x128xi32, #tpu.memory_space<vmem>>) target_semaphore(%arg18 : memref<!tpu.dma_semaphore, #tpu.memory_space<semaphore_mem>>)
        } else {
        }
      } else {
      }
    }
    %scan3A_68 = arith.constant 20 : i32
    %dma_wait3A_69 = arith.constant 1 : i32
    %dma_wait3A_70 = arith.constant 0 : i32
    %dma_wait3A_71 = tpu.memref_slice %arg8[%dma_wait3A_69, %dma_wait3A_70] : memref<2x128xi32, #tpu.memory_space<vmem>> -> memref<1x128xi32, #tpu.memory_space<vmem>>
    %dma_wait3A_72 = tpu.memref_squeeze %dma_wait3A_71 : memref<1x128xi32, #tpu.memory_space<vmem>> -> memref<128xi32, #tpu.memory_space<vmem>>
    %dma_wait3A_73 = arith.constant 0 : i32
    %dma_wait3A_74 = arith.constant 0 : i32
    %dma_wait3A_75 = tpu.memref_slice %arg15[%dma_wait3A_73, %dma_wait3A_74] : memref<10240x32xf32, #tpu.memory_space<vmem_shared>> -> memref<10240x32xf32, #tpu.memory_space<vmem_shared>>
    tpu.wait_indirect_dma semaphore(%arg26 : memref<!tpu.dma_semaphore, #tpu.memory_space<semaphore_mem>>) src(%arg12 : memref<128x32xf32, #tpu.memory_space<vmem>>) dst(%dma_wait3A_75 : memref<10240x32xf32, #tpu.memory_space<vmem_shared>>)
    %barrier3A_76 = arith.constant 0 : index
    tpu.barrier barrier_id(%barrier3A_76)
    "tpu.region"() ({
      %run_scoped3A = tpu.sem_alloc : memref<!tpu.dma_semaphore, #tpu.memory_space<semaphore_mem>>
      %dma_start3A_77 = arith.constant 0 : i32
      %dma_start3A_78 = tpu.memref_slice %arg5[%arg0, %mul3A_2, %dma_start3A_77] : memref<2x10240x32xf32, #tpu.memory_space<hbm>> -> memref<1x640x32xf32, #tpu.memory_space<hbm>>
      %dma_start3A_79 = tpu.memref_squeeze %dma_start3A_78 : memref<1x640x32xf32, #tpu.memory_space<hbm>> -> memref<640x32xf32, #tpu.memory_space<hbm>>
      %dma_start3A_80 = arith.constant 0 : i32
      %dma_start3A_81 = tpu.memref_slice %arg15[%mul3A_2, %dma_start3A_80] : memref<10240x32xf32, #tpu.memory_space<vmem_shared>> -> memref<640x32xf32, #tpu.memory_space<vmem_shared>>
      tpu.enqueue_dma source(%dma_start3A_81 : memref<640x32xf32, #tpu.memory_space<vmem_shared>>) target(%dma_start3A_79 : memref<640x32xf32, #tpu.memory_space<hbm>>) target_semaphore(%run_scoped3A : memref<!tpu.dma_semaphore, #tpu.memory_space<semaphore_mem>>)
      %dma_wait3A_82 = arith.constant 0 : i32
      %dma_wait3A_83 = tpu.memref_slice %arg5[%arg0, %mul3A_2, %dma_wait3A_82] : memref<2x10240x32xf32, #tpu.memory_space<hbm>> -> memref<1x640x32xf32, #tpu.memory_space<hbm>>
      %dma_wait3A_84 = tpu.memref_squeeze %dma_wait3A_83 : memref<1x640x32xf32, #tpu.memory_space<hbm>> -> memref<640x32xf32, #tpu.memory_space<hbm>>
      %dma_wait3A_85 = arith.constant 0 : i32
      %dma_wait3A_86 = tpu.memref_slice %arg15[%mul3A_2, %dma_wait3A_85] : memref<10240x32xf32, #tpu.memory_space<vmem_shared>> -> memref<640x32xf32, #tpu.memory_space<vmem_shared>>
      tpu.wait_dma2 semaphore(%run_scoped3A : memref<!tpu.dma_semaphore, #tpu.memory_space<semaphore_mem>>) src(%dma_wait3A_86 : memref<640x32xf32, #tpu.memory_space<vmem_shared>>) dst(%dma_wait3A_84 : memref<640x32xf32, #tpu.memory_space<hbm>>)
      tpu.yield
    }) : () -> ()
    return
  }
}

#map = affine_map<(d0, d1) -> (0, 0)>
#map1 = affine_map<(d0, d1) -> (0, 0, 0, 0)>
#map2 = affine_map<(d0, d1) -> (0, 0, 0)>
module attributes {stable_mosaic.version = 14 : i64} {
  func.func @body(%arg0: i32, %arg1: i32, %arg2: memref<10000x72xf32, #tpu.memory_space<hbm>>, %arg3: memref<32x79x2x128xi32, #tpu.memory_space<hbm>>, %arg4: memref<10240x72xf32, #tpu.memory_space<hbm>>, %arg5: memref<2x10240x72xf32, #tpu.memory_space<hbm>>, %arg6: memref<2x128xi32, #tpu.memory_space<vmem>>, %arg7: memref<2x128xi32, #tpu.memory_space<vmem>>, %arg8: memref<2x128xi32, #tpu.memory_space<vmem>>, %arg9: memref<2x128xi32, #tpu.memory_space<vmem>>, %arg10: memref<128x72xf32, #tpu.memory_space<vmem>>, %arg11: memref<128x72xf32, #tpu.memory_space<vmem>>, %arg12: memref<10000x72xf32, #tpu.memory_space<vmem_shared>>, %arg13: memref<10240x72xf32, #tpu.memory_space<vmem_shared>>, %arg14: memref<!tpu.dma_semaphore, #tpu.memory_space<semaphore_mem>>, %arg15: memref<!tpu.dma_semaphore, #tpu.memory_space<semaphore_mem>>, %arg16: memref<!tpu.dma_semaphore, #tpu.memory_space<semaphore_mem>>, %arg17: memref<!tpu.dma_semaphore, #tpu.memory_space<semaphore_mem>>, %arg18: memref<!tpu.dma_semaphore, #tpu.memory_space<semaphore_mem>>, %arg19: memref<!tpu.dma_semaphore, #tpu.memory_space<semaphore_mem>>, %arg20: memref<!tpu.dma_semaphore, #tpu.memory_space<semaphore_mem>>, %arg21: memref<!tpu.dma_semaphore, #tpu.memory_space<semaphore_mem>>) attributes {dimension_semantics = [#tpu.dimension_semantics<core_parallel>, #tpu.dimension_semantics<subcore_parallel>], iteration_bounds = array<i64: 2, 16>, scalar_prefetch = 0 : i64, scratch_operands = 16 : i64, tpu.core_type = #tpu.core_type<sc_vector_subcore>, window_params = [{transform_indices = #map}, {transform_indices = #map1}, {transform_indices = #map}, {transform_indices = #map2}]} {
    %mul3A = arith.constant 16 : i32
    %mul3A_0 = arith.muli %arg0, %mul3A : i32
    %add3A = arith.addi %mul3A_0, %arg1 : i32
    %mul3A_1 = arith.constant 640 : i32
    %mul3A_2 = arith.muli %arg1, %mul3A_1 : i32
    "tpu.region"() ({
      %run_scoped3A = tpu.sem_alloc : memref<!tpu.dma_semaphore, #tpu.memory_space<semaphore_mem>>
      %dma_start3A_61 = arith.constant 0 : i32
      %dma_start3A_62 = tpu.memref_slice %arg13[%mul3A_2, %dma_start3A_61] : memref<10240x72xf32, #tpu.memory_space<vmem_shared>> -> memref<640x72xf32, #tpu.memory_space<vmem_shared>>
      %dma_start3A_63 = arith.constant 0 : i32
      %dma_start3A_64 = tpu.memref_slice %arg4[%mul3A_2, %dma_start3A_63] : memref<10240x72xf32, #tpu.memory_space<hbm>> -> memref<640x72xf32, #tpu.memory_space<hbm>>
      tpu.enqueue_dma source(%dma_start3A_64 : memref<640x72xf32, #tpu.memory_space<hbm>>) target(%dma_start3A_62 : memref<640x72xf32, #tpu.memory_space<vmem_shared>>) target_semaphore(%run_scoped3A : memref<!tpu.dma_semaphore, #tpu.memory_space<semaphore_mem>>)
      %dma_wait3A_65 = arith.constant 0 : i32
      %dma_wait3A_66 = tpu.memref_slice %arg13[%mul3A_2, %dma_wait3A_65] : memref<10240x72xf32, #tpu.memory_space<vmem_shared>> -> memref<640x72xf32, #tpu.memory_space<vmem_shared>>
      %dma_wait3A_67 = arith.constant 0 : i32
      %dma_wait3A_68 = tpu.memref_slice %arg4[%mul3A_2, %dma_wait3A_67] : memref<10240x72xf32, #tpu.memory_space<hbm>> -> memref<640x72xf32, #tpu.memory_space<hbm>>
      tpu.wait_dma2 semaphore(%run_scoped3A : memref<!tpu.dma_semaphore, #tpu.memory_space<semaphore_mem>>) src(%dma_wait3A_68 : memref<640x72xf32, #tpu.memory_space<hbm>>) dst(%dma_wait3A_66 : memref<640x72xf32, #tpu.memory_space<vmem_shared>>)
      tpu.yield
    }) : () -> ()
    %mul3A_3 = arith.constant 625 : i32
    %mul3A_4 = arith.muli %arg1, %mul3A_3 : i32
    %mul3A_5 = arith.constant 625 : i32
    %mul3A_6 = arith.muli %arg1, %mul3A_5 : i32
    "tpu.region"() ({
      %run_scoped3A = tpu.sem_alloc : memref<!tpu.dma_semaphore, #tpu.memory_space<semaphore_mem>>
      %dma_start3A_61 = arith.constant 0 : i32
      %dma_start3A_62 = tpu.memref_slice %arg12[%mul3A_6, %dma_start3A_61] : memref<10000x72xf32, #tpu.memory_space<vmem_shared>> -> memref<625x72xf32, #tpu.memory_space<vmem_shared>>
      %dma_start3A_63 = arith.constant 0 : i32
      %dma_start3A_64 = tpu.memref_slice %arg2[%mul3A_4, %dma_start3A_63] : memref<10000x72xf32, #tpu.memory_space<hbm>> -> memref<625x72xf32, #tpu.memory_space<hbm>>
      tpu.enqueue_dma source(%dma_start3A_64 : memref<625x72xf32, #tpu.memory_space<hbm>>) target(%dma_start3A_62 : memref<625x72xf32, #tpu.memory_space<vmem_shared>>) target_semaphore(%run_scoped3A : memref<!tpu.dma_semaphore, #tpu.memory_space<semaphore_mem>>)
      %dma_wait3A_65 = arith.constant 0 : i32
      %dma_wait3A_66 = tpu.memref_slice %arg12[%mul3A_6, %dma_wait3A_65] : memref<10000x72xf32, #tpu.memory_space<vmem_shared>> -> memref<625x72xf32, #tpu.memory_space<vmem_shared>>
      %dma_wait3A_67 = arith.constant 0 : i32
      %dma_wait3A_68 = tpu.memref_slice %arg2[%mul3A_4, %dma_wait3A_67] : memref<10000x72xf32, #tpu.memory_space<hbm>> -> memref<625x72xf32, #tpu.memory_space<hbm>>
      tpu.wait_dma2 semaphore(%run_scoped3A : memref<!tpu.dma_semaphore, #tpu.memory_space<semaphore_mem>>) src(%dma_wait3A_68 : memref<625x72xf32, #tpu.memory_space<hbm>>) dst(%dma_wait3A_66 : memref<625x72xf32, #tpu.memory_space<vmem_shared>>)
      tpu.yield
    }) : () -> ()
    %dma_start3A = arith.constant 0 : i32
    %dma_start3A_7 = arith.constant 0 : i32
    %dma_start3A_8 = arith.constant 0 : i32
    %dma_start3A_9 = tpu.memref_slice %arg3[%add3A, %dma_start3A, %dma_start3A_7, %dma_start3A_8] : memref<32x79x2x128xi32, #tpu.memory_space<hbm>> -> memref<1x1x2x128xi32, #tpu.memory_space<hbm>>
    %dma_start3A_10 = tpu.memref_squeeze %dma_start3A_9 : memref<1x1x2x128xi32, #tpu.memory_space<hbm>> -> memref<2x128xi32, #tpu.memory_space<hbm>>
    %dma_start3A_11 = arith.constant 0 : i32
    %dma_start3A_12 = arith.constant 0 : i32
    %dma_start3A_13 = tpu.memref_slice %arg3[%add3A, %dma_start3A, %dma_start3A_11, %dma_start3A_12] : memref<32x79x2x128xi32, #tpu.memory_space<hbm>> -> memref<1x1x2x128xi32, #tpu.memory_space<hbm>>
    %dma_start3A_14 = tpu.memref_squeeze %dma_start3A_13 : memref<1x1x2x128xi32, #tpu.memory_space<hbm>> -> memref<2x128xi32, #tpu.memory_space<hbm>>
    tpu.enqueue_dma source(%dma_start3A_14 : memref<2x128xi32, #tpu.memory_space<hbm>>) target(%arg6 : memref<2x128xi32, #tpu.memory_space<vmem>>) target_semaphore(%arg14 : memref<!tpu.dma_semaphore, #tpu.memory_space<semaphore_mem>>)
    %dma_start3A_15 = arith.constant 1 : i32
    %dma_start3A_16 = arith.constant 0 : i32
    %dma_start3A_17 = arith.constant 0 : i32
    %dma_start3A_18 = tpu.memref_slice %arg3[%add3A, %dma_start3A_15, %dma_start3A_16, %dma_start3A_17] : memref<32x79x2x128xi32, #tpu.memory_space<hbm>> -> memref<1x1x2x128xi32, #tpu.memory_space<hbm>>
    %dma_start3A_19 = tpu.memref_squeeze %dma_start3A_18 : memref<1x1x2x128xi32, #tpu.memory_space<hbm>> -> memref<2x128xi32, #tpu.memory_space<hbm>>
    %dma_start3A_20 = arith.constant 0 : i32
    %dma_start3A_21 = arith.constant 0 : i32
    %dma_start3A_22 = tpu.memref_slice %arg3[%add3A, %dma_start3A_15, %dma_start3A_20, %dma_start3A_21] : memref<32x79x2x128xi32, #tpu.memory_space<hbm>> -> memref<1x1x2x128xi32, #tpu.memory_space<hbm>>
    %dma_start3A_23 = tpu.memref_squeeze %dma_start3A_22 : memref<1x1x2x128xi32, #tpu.memory_space<hbm>> -> memref<2x128xi32, #tpu.memory_space<hbm>>
    tpu.enqueue_dma source(%dma_start3A_23 : memref<2x128xi32, #tpu.memory_space<hbm>>) target(%arg7 : memref<2x128xi32, #tpu.memory_space<vmem>>) target_semaphore(%arg15 : memref<!tpu.dma_semaphore, #tpu.memory_space<semaphore_mem>>)
    %dma_start3A_24 = arith.constant 2 : i32
    %dma_start3A_25 = arith.constant 0 : i32
    %dma_start3A_26 = arith.constant 0 : i32
    %dma_start3A_27 = tpu.memref_slice %arg3[%add3A, %dma_start3A_24, %dma_start3A_25, %dma_start3A_26] : memref<32x79x2x128xi32, #tpu.memory_space<hbm>> -> memref<1x1x2x128xi32, #tpu.memory_space<hbm>>
    %dma_start3A_28 = tpu.memref_squeeze %dma_start3A_27 : memref<1x1x2x128xi32, #tpu.memory_space<hbm>> -> memref<2x128xi32, #tpu.memory_space<hbm>>
    %dma_start3A_29 = arith.constant 0 : i32
    %dma_start3A_30 = arith.constant 0 : i32
    %dma_start3A_31 = tpu.memref_slice %arg3[%add3A, %dma_start3A_24, %dma_start3A_29, %dma_start3A_30] : memref<32x79x2x128xi32, #tpu.memory_space<hbm>> -> memref<1x1x2x128xi32, #tpu.memory_space<hbm>>
    %dma_start3A_32 = tpu.memref_squeeze %dma_start3A_31 : memref<1x1x2x128xi32, #tpu.memory_space<hbm>> -> memref<2x128xi32, #tpu.memory_space<hbm>>
    tpu.enqueue_dma source(%dma_start3A_32 : memref<2x128xi32, #tpu.memory_space<hbm>>) target(%arg8 : memref<2x128xi32, #tpu.memory_space<vmem>>) target_semaphore(%arg16 : memref<!tpu.dma_semaphore, #tpu.memory_space<semaphore_mem>>)
    %barrier3A = arith.constant 0 : index
    tpu.barrier barrier_id(%barrier3A)
    %dma_wait3A = arith.constant 0 : i32
    %dma_wait3A_33 = arith.constant 0 : i32
    %dma_wait3A_34 = arith.constant 0 : i32
    %dma_wait3A_35 = tpu.memref_slice %arg3[%add3A, %dma_wait3A, %dma_wait3A_33, %dma_wait3A_34] : memref<32x79x2x128xi32, #tpu.memory_space<hbm>> -> memref<1x1x2x128xi32, #tpu.memory_space<hbm>>
    %dma_wait3A_36 = tpu.memref_squeeze %dma_wait3A_35 : memref<1x1x2x128xi32, #tpu.memory_space<hbm>> -> memref<2x128xi32, #tpu.memory_space<hbm>>
    %dma_wait3A_37 = arith.constant 0 : i32
    %dma_wait3A_38 = arith.constant 0 : i32
    %dma_wait3A_39 = tpu.memref_slice %arg3[%add3A, %dma_wait3A, %dma_wait3A_37, %dma_wait3A_38] : memref<32x79x2x128xi32, #tpu.memory_space<hbm>> -> memref<1x1x2x128xi32, #tpu.memory_space<hbm>>
    %dma_wait3A_40 = tpu.memref_squeeze %dma_wait3A_39 : memref<1x1x2x128xi32, #tpu.memory_space<hbm>> -> memref<2x128xi32, #tpu.memory_space<hbm>>
    tpu.wait_dma2 semaphore(%arg14 : memref<!tpu.dma_semaphore, #tpu.memory_space<semaphore_mem>>) src(%dma_wait3A_40 : memref<2x128xi32, #tpu.memory_space<hbm>>) dst(%arg6 : memref<2x128xi32, #tpu.memory_space<vmem>>)
    %dma_start3A_41 = arith.constant 0 : i32
    %dma_start3A_42 = arith.constant 0 : i32
    %dma_start3A_43 = tpu.memref_slice %arg6[%dma_start3A_41, %dma_start3A_42] : memref<2x128xi32, #tpu.memory_space<vmem>> -> memref<1x128xi32, #tpu.memory_space<vmem>>
    %dma_start3A_44 = tpu.memref_squeeze %dma_start3A_43 : memref<1x128xi32, #tpu.memory_space<vmem>> -> memref<128xi32, #tpu.memory_space<vmem>>
    %dma_start3A_45 = arith.constant 0 : i32
    %dma_start3A_46 = arith.constant 0 : i32
    %dma_start3A_47 = tpu.memref_slice %arg12[%dma_start3A_45, %dma_start3A_46] : memref<10000x72xf32, #tpu.memory_space<vmem_shared>> -> memref<10000x72xf32, #tpu.memory_space<vmem_shared>>
    tpu.enqueue_indirect_dma source(%dma_start3A_47 : memref<10000x72xf32, #tpu.memory_space<vmem_shared>>) target(%arg10 : memref<128x72xf32, #tpu.memory_space<vmem>>) offsets(%dma_start3A_44 : memref<128xi32, #tpu.memory_space<vmem>>) semaphore(%arg18 : memref<!tpu.dma_semaphore, #tpu.memory_space<semaphore_mem>>)
    %scan3A = arith.constant 0 : i32
    %scan3A_48 = arith.constant 0 : i32
    %scan3A_49 = arith.constant 20 : i32
    %scan3A_50 = arith.addi %scan3A_48, %scan3A_49 : i32
    %scan3A_51 = arith.constant 1 : i32
    scf.for %scan3A_61 = %scan3A_48 to %scan3A_50 step %scan3A_51  : i32 {
      %mul3A_62 = arith.constant 4 : i32
      %mul3A_63 = arith.muli %scan3A_61, %mul3A_62 : i32
      %add3A_64 = arith.constant 0 : i32
      %add3A_65 = arith.addi %mul3A_63, %add3A_64 : i32
      %lt3A = arith.constant 79 : i32
      %lt3A_66 = arith.cmpi slt, %add3A_65, %lt3A : i32
      %convert_element_type3A = arith.extui %lt3A_66 : i1 to i32
      %cond3A = arith.constant 0 : i32
      %cond3A_67 = arith.cmpi ne, %convert_element_type3A, %cond3A : i32
      scf.if %cond3A_67 {
        %dma_wait3A_95 = arith.constant 0 : i32
        %dma_wait3A_96 = arith.constant 0 : i32
        %dma_wait3A_97 = tpu.memref_slice %arg6[%dma_wait3A_95, %dma_wait3A_96] : memref<2x128xi32, #tpu.memory_space<vmem>> -> memref<1x128xi32, #tpu.memory_space<vmem>>
        %dma_wait3A_98 = tpu.memref_squeeze %dma_wait3A_97 : memref<1x128xi32, #tpu.memory_space<vmem>> -> memref<128xi32, #tpu.memory_space<vmem>>
        %dma_wait3A_99 = arith.constant 0 : i32
        %dma_wait3A_100 = arith.constant 0 : i32
        %dma_wait3A_101 = tpu.memref_slice %arg12[%dma_wait3A_99, %dma_wait3A_100] : memref<10000x72xf32, #tpu.memory_space<vmem_shared>> -> memref<10000x72xf32, #tpu.memory_space<vmem_shared>>
        tpu.wait_indirect_dma semaphore(%arg18 : memref<!tpu.dma_semaphore, #tpu.memory_space<semaphore_mem>>) src(%dma_wait3A_101 : memref<10000x72xf32, #tpu.memory_space<vmem_shared>>) dst(%arg10 : memref<128x72xf32, #tpu.memory_space<vmem>>)
        %dma_start3A_102 = arith.constant 1 : i32
        %dma_start3A_103 = arith.constant 0 : i32
        %dma_start3A_104 = tpu.memref_slice %arg6[%dma_start3A_102, %dma_start3A_103] : memref<2x128xi32, #tpu.memory_space<vmem>> -> memref<1x128xi32, #tpu.memory_space<vmem>>
        %dma_start3A_105 = tpu.memref_squeeze %dma_start3A_104 : memref<1x128xi32, #tpu.memory_space<vmem>> -> memref<128xi32, #tpu.memory_space<vmem>>
        %dma_start3A_106 = arith.constant 0 : i32
        %dma_start3A_107 = arith.constant 0 : i32
        %dma_start3A_108 = tpu.memref_slice %arg13[%dma_start3A_106, %dma_start3A_107] : memref<10240x72xf32, #tpu.memory_space<vmem_shared>> -> memref<10240x72xf32, #tpu.memory_space<vmem_shared>>
        tpu.enqueue_indirect_dma source(%arg10 : memref<128x72xf32, #tpu.memory_space<vmem>>) target(%dma_start3A_108 : memref<10240x72xf32, #tpu.memory_space<vmem_shared>>) offsets(%dma_start3A_105 : memref<128xi32, #tpu.memory_space<vmem>>) semaphore(%arg20 : memref<!tpu.dma_semaphore, #tpu.memory_space<semaphore_mem>>) {add = true}
        %ge3A = arith.constant 1 : i32
        %ge3A_109 = arith.cmpi sge, %add3A_65, %ge3A : i32
        %convert_element_type3A_110 = arith.extui %ge3A_109 : i1 to i32
        %cond3A_111 = arith.constant 0 : i32
        %cond3A_112 = arith.cmpi ne, %convert_element_type3A_110, %cond3A_111 : i32
        scf.if %cond3A_112 {
          %dma_wait3A_127 = arith.constant 1 : i32
          %dma_wait3A_128 = arith.constant 0 : i32
          %dma_wait3A_129 = tpu.memref_slice %arg9[%dma_wait3A_127, %dma_wait3A_128] : memref<2x128xi32, #tpu.memory_space<vmem>> -> memref<1x128xi32, #tpu.memory_space<vmem>>
          %dma_wait3A_130 = tpu.memref_squeeze %dma_wait3A_129 : memref<1x128xi32, #tpu.memory_space<vmem>> -> memref<128xi32, #tpu.memory_space<vmem>>
          %dma_wait3A_131 = arith.constant 0 : i32
          %dma_wait3A_132 = arith.constant 0 : i32
          %dma_wait3A_133 = tpu.memref_slice %arg13[%dma_wait3A_131, %dma_wait3A_132] : memref<10240x72xf32, #tpu.memory_space<vmem_shared>> -> memref<10240x72xf32, #tpu.memory_space<vmem_shared>>
          tpu.wait_indirect_dma semaphore(%arg21 : memref<!tpu.dma_semaphore, #tpu.memory_space<semaphore_mem>>) src(%arg11 : memref<128x72xf32, #tpu.memory_space<vmem>>) dst(%dma_wait3A_133 : memref<10240x72xf32, #tpu.memory_space<vmem_shared>>)
        } else {
        }
        %add3A_113 = arith.constant 1 : i32
        %add3A_114 = arith.addi %add3A_65, %add3A_113 : i32
        %lt3A_115 = arith.constant 79 : i32
        %lt3A_116 = arith.cmpi slt, %add3A_114, %lt3A_115 : i32
        %convert_element_type3A_117 = arith.extui %lt3A_116 : i1 to i32
        %cond3A_118 = arith.constant 0 : i32
        %cond3A_119 = arith.cmpi ne, %convert_element_type3A_117, %cond3A_118 : i32
        scf.if %cond3A_119 {
          %dma_wait3A_127 = arith.constant 0 : i32
          %dma_wait3A_128 = arith.constant 0 : i32
          %dma_wait3A_129 = arith.constant 0 : i32
          %dma_wait3A_130 = tpu.memref_slice %arg3[%add3A, %dma_wait3A_127, %dma_wait3A_128, %dma_wait3A_129] : memref<32x79x2x128xi32, #tpu.memory_space<hbm>> -> memref<1x1x2x128xi32, #tpu.memory_space<hbm>>
          %dma_wait3A_131 = tpu.memref_squeeze %dma_wait3A_130 : memref<1x1x2x128xi32, #tpu.memory_space<hbm>> -> memref<2x128xi32, #tpu.memory_space<hbm>>
          %dma_wait3A_132 = arith.constant 0 : i32
          %dma_wait3A_133 = arith.constant 0 : i32
          %dma_wait3A_134 = tpu.memref_slice %arg3[%add3A, %dma_wait3A_127, %dma_wait3A_132, %dma_wait3A_133] : memref<32x79x2x128xi32, #tpu.memory_space<hbm>> -> memref<1x1x2x128xi32, #tpu.memory_space<hbm>>
          %dma_wait3A_135 = tpu.memref_squeeze %dma_wait3A_134 : memref<1x1x2x128xi32, #tpu.memory_space<hbm>> -> memref<2x128xi32, #tpu.memory_space<hbm>>
          tpu.wait_dma2 semaphore(%arg15 : memref<!tpu.dma_semaphore, #tpu.memory_space<semaphore_mem>>) src(%dma_wait3A_135 : memref<2x128xi32, #tpu.memory_space<hbm>>) dst(%arg7 : memref<2x128xi32, #tpu.memory_space<vmem>>)
          %add3A_136 = arith.constant 1 : i32
          %add3A_137 = arith.addi %add3A_65, %add3A_136 : i32
          %dma_start3A_138 = arith.constant 0 : i32
          %dma_start3A_139 = arith.constant 0 : i32
          %dma_start3A_140 = tpu.memref_slice %arg7[%dma_start3A_138, %dma_start3A_139] : memref<2x128xi32, #tpu.memory_space<vmem>> -> memref<1x128xi32, #tpu.memory_space<vmem>>
          %dma_start3A_141 = tpu.memref_squeeze %dma_start3A_140 : memref<1x128xi32, #tpu.memory_space<vmem>> -> memref<128xi32, #tpu.memory_space<vmem>>
          %dma_start3A_142 = arith.constant 0 : i32
          %dma_start3A_143 = arith.constant 0 : i32
          %dma_start3A_144 = tpu.memref_slice %arg12[%dma_start3A_142, %dma_start3A_143] : memref<10000x72xf32, #tpu.memory_space<vmem_shared>> -> memref<10000x72xf32, #tpu.memory_space<vmem_shared>>
          tpu.enqueue_indirect_dma source(%dma_start3A_144 : memref<10000x72xf32, #tpu.memory_space<vmem_shared>>) target(%arg11 : memref<128x72xf32, #tpu.memory_space<vmem>>) offsets(%dma_start3A_141 : memref<128xi32, #tpu.memory_space<vmem>>) semaphore(%arg19 : memref<!tpu.dma_semaphore, #tpu.memory_space<semaphore_mem>>)
        } else {
        }
        %add3A_120 = arith.constant 3 : i32
        %add3A_121 = arith.addi %add3A_65, %add3A_120 : i32
        %lt3A_122 = arith.constant 79 : i32
        %lt3A_123 = arith.cmpi slt, %add3A_121, %lt3A_122 : i32
        %convert_element_type3A_124 = arith.extui %lt3A_123 : i1 to i32
        %cond3A_125 = arith.constant 0 : i32
        %cond3A_126 = arith.cmpi ne, %convert_element_type3A_124, %cond3A_125 : i32
        scf.if %cond3A_126 {
          %add3A_127 = arith.constant 3 : i32
          %add3A_128 = arith.addi %add3A_65, %add3A_127 : i32
          %dma_start3A_129 = arith.constant 0 : i32
          %dma_start3A_130 = arith.constant 0 : i32
          %dma_start3A_131 = tpu.memref_slice %arg3[%add3A, %add3A_128, %dma_start3A_129, %dma_start3A_130] : memref<32x79x2x128xi32, #tpu.memory_space<hbm>> -> memref<1x1x2x128xi32, #tpu.memory_space<hbm>>
          %dma_start3A_132 = tpu.memref_squeeze %dma_start3A_131 : memref<1x1x2x128xi32, #tpu.memory_space<hbm>> -> memref<2x128xi32, #tpu.memory_space<hbm>>
          %dma_start3A_133 = arith.constant 0 : i32
          %dma_start3A_134 = arith.constant 0 : i32
          %dma_start3A_135 = tpu.memref_slice %arg3[%add3A, %add3A_128, %dma_start3A_133, %dma_start3A_134] : memref<32x79x2x128xi32, #tpu.memory_space<hbm>> -> memref<1x1x2x128xi32, #tpu.memory_space<hbm>>
          %dma_start3A_136 = tpu.memref_squeeze %dma_start3A_135 : memref<1x1x2x128xi32, #tpu.memory_space<hbm>> -> memref<2x128xi32, #tpu.memory_space<hbm>>
          tpu.enqueue_dma source(%dma_start3A_136 : memref<2x128xi32, #tpu.memory_space<hbm>>) target(%arg9 : memref<2x128xi32, #tpu.memory_space<vmem>>) target_semaphore(%arg17 : memref<!tpu.dma_semaphore, #tpu.memory_space<semaphore_mem>>)
        } else {
        }
      } else {
      }
      %mul3A_68 = arith.constant 4 : i32
      %mul3A_69 = arith.muli %scan3A_61, %mul3A_68 : i32
      %add3A_70 = arith.constant 1 : i32
      %add3A_71 = arith.addi %mul3A_69, %add3A_70 : i32
      %lt3A_72 = arith.constant 79 : i32
      %lt3A_73 = arith.cmpi slt, %add3A_71, %lt3A_72 : i32
      %convert_element_type3A_74 = arith.extui %lt3A_73 : i1 to i32
      %cond3A_75 = arith.constant 0 : i32
      %cond3A_76 = arith.cmpi ne, %convert_element_type3A_74, %cond3A_75 : i32
      scf.if %cond3A_76 {
        %dma_wait3A_95 = arith.constant 0 : i32
        %dma_wait3A_96 = arith.constant 0 : i32
        %dma_wait3A_97 = tpu.memref_slice %arg7[%dma_wait3A_95, %dma_wait3A_96] : memref<2x128xi32, #tpu.memory_space<vmem>> -> memref<1x128xi32, #tpu.memory_space<vmem>>
        %dma_wait3A_98 = tpu.memref_squeeze %dma_wait3A_97 : memref<1x128xi32, #tpu.memory_space<vmem>> -> memref<128xi32, #tpu.memory_space<vmem>>
        %dma_wait3A_99 = arith.constant 0 : i32
        %dma_wait3A_100 = arith.constant 0 : i32
        %dma_wait3A_101 = tpu.memref_slice %arg12[%dma_wait3A_99, %dma_wait3A_100] : memref<10000x72xf32, #tpu.memory_space<vmem_shared>> -> memref<10000x72xf32, #tpu.memory_space<vmem_shared>>
        tpu.wait_indirect_dma semaphore(%arg19 : memref<!tpu.dma_semaphore, #tpu.memory_space<semaphore_mem>>) src(%dma_wait3A_101 : memref<10000x72xf32, #tpu.memory_space<vmem_shared>>) dst(%arg11 : memref<128x72xf32, #tpu.memory_space<vmem>>)
        %dma_start3A_102 = arith.constant 1 : i32
        %dma_start3A_103 = arith.constant 0 : i32
        %dma_start3A_104 = tpu.memref_slice %arg7[%dma_start3A_102, %dma_start3A_103] : memref<2x128xi32, #tpu.memory_space<vmem>> -> memref<1x128xi32, #tpu.memory_space<vmem>>
        %dma_start3A_105 = tpu.memref_squeeze %dma_start3A_104 : memref<1x128xi32, #tpu.memory_space<vmem>> -> memref<128xi32, #tpu.memory_space<vmem>>
        %dma_start3A_106 = arith.constant 0 : i32
        %dma_start3A_107 = arith.constant 0 : i32
        %dma_start3A_108 = tpu.memref_slice %arg13[%dma_start3A_106, %dma_start3A_107] : memref<10240x72xf32, #tpu.memory_space<vmem_shared>> -> memref<10240x72xf32, #tpu.memory_space<vmem_shared>>
        tpu.enqueue_indirect_dma source(%arg11 : memref<128x72xf32, #tpu.memory_space<vmem>>) target(%dma_start3A_108 : memref<10240x72xf32, #tpu.memory_space<vmem_shared>>) offsets(%dma_start3A_105 : memref<128xi32, #tpu.memory_space<vmem>>) semaphore(%arg21 : memref<!tpu.dma_semaphore, #tpu.memory_space<semaphore_mem>>) {add = true}
        %ge3A = arith.constant 1 : i32
        %ge3A_109 = arith.cmpi sge, %add3A_71, %ge3A : i32
        %convert_element_type3A_110 = arith.extui %ge3A_109 : i1 to i32
        %cond3A_111 = arith.constant 0 : i32
        %cond3A_112 = arith.cmpi ne, %convert_element_type3A_110, %cond3A_111 : i32
        scf.if %cond3A_112 {
          %dma_wait3A_127 = arith.constant 1 : i32
          %dma_wait3A_128 = arith.constant 0 : i32
          %dma_wait3A_129 = tpu.memref_slice %arg6[%dma_wait3A_127, %dma_wait3A_128] : memref<2x128xi32, #tpu.memory_space<vmem>> -> memref<1x128xi32, #tpu.memory_space<vmem>>
          %dma_wait3A_130 = tpu.memref_squeeze %dma_wait3A_129 : memref<1x128xi32, #tpu.memory_space<vmem>> -> memref<128xi32, #tpu.memory_space<vmem>>
          %dma_wait3A_131 = arith.constant 0 : i32
          %dma_wait3A_132 = arith.constant 0 : i32
          %dma_wait3A_133 = tpu.memref_slice %arg13[%dma_wait3A_131, %dma_wait3A_132] : memref<10240x72xf32, #tpu.memory_space<vmem_shared>> -> memref<10240x72xf32, #tpu.memory_space<vmem_shared>>
          tpu.wait_indirect_dma semaphore(%arg20 : memref<!tpu.dma_semaphore, #tpu.memory_space<semaphore_mem>>) src(%arg10 : memref<128x72xf32, #tpu.memory_space<vmem>>) dst(%dma_wait3A_133 : memref<10240x72xf32, #tpu.memory_space<vmem_shared>>)
        } else {
        }
        %add3A_113 = arith.constant 1 : i32
        %add3A_114 = arith.addi %add3A_71, %add3A_113 : i32
        %lt3A_115 = arith.constant 79 : i32
        %lt3A_116 = arith.cmpi slt, %add3A_114, %lt3A_115 : i32
        %convert_element_type3A_117 = arith.extui %lt3A_116 : i1 to i32
        %cond3A_118 = arith.constant 0 : i32
        %cond3A_119 = arith.cmpi ne, %convert_element_type3A_117, %cond3A_118 : i32
        scf.if %cond3A_119 {
          %dma_wait3A_127 = arith.constant 0 : i32
          %dma_wait3A_128 = arith.constant 0 : i32
          %dma_wait3A_129 = arith.constant 0 : i32
          %dma_wait3A_130 = tpu.memref_slice %arg3[%add3A, %dma_wait3A_127, %dma_wait3A_128, %dma_wait3A_129] : memref<32x79x2x128xi32, #tpu.memory_space<hbm>> -> memref<1x1x2x128xi32, #tpu.memory_space<hbm>>
          %dma_wait3A_131 = tpu.memref_squeeze %dma_wait3A_130 : memref<1x1x2x128xi32, #tpu.memory_space<hbm>> -> memref<2x128xi32, #tpu.memory_space<hbm>>
          %dma_wait3A_132 = arith.constant 0 : i32
          %dma_wait3A_133 = arith.constant 0 : i32
          %dma_wait3A_134 = tpu.memref_slice %arg3[%add3A, %dma_wait3A_127, %dma_wait3A_132, %dma_wait3A_133] : memref<32x79x2x128xi32, #tpu.memory_space<hbm>> -> memref<1x1x2x128xi32, #tpu.memory_space<hbm>>
          %dma_wait3A_135 = tpu.memref_squeeze %dma_wait3A_134 : memref<1x1x2x128xi32, #tpu.memory_space<hbm>> -> memref<2x128xi32, #tpu.memory_space<hbm>>
          tpu.wait_dma2 semaphore(%arg16 : memref<!tpu.dma_semaphore, #tpu.memory_space<semaphore_mem>>) src(%dma_wait3A_135 : memref<2x128xi32, #tpu.memory_space<hbm>>) dst(%arg8 : memref<2x128xi32, #tpu.memory_space<vmem>>)
          %add3A_136 = arith.constant 1 : i32
          %add3A_137 = arith.addi %add3A_71, %add3A_136 : i32
          %dma_start3A_138 = arith.constant 0 : i32
          %dma_start3A_139 = arith.constant 0 : i32
          %dma_start3A_140 = tpu.memref_slice %arg8[%dma_start3A_138, %dma_start3A_139] : memref<2x128xi32, #tpu.memory_space<vmem>> -> memref<1x128xi32, #tpu.memory_space<vmem>>
          %dma_start3A_141 = tpu.memref_squeeze %dma_start3A_140 : memref<1x128xi32, #tpu.memory_space<vmem>> -> memref<128xi32, #tpu.memory_space<vmem>>
          %dma_start3A_142 = arith.constant 0 : i32
          %dma_start3A_143 = arith.constant 0 : i32
          %dma_start3A_144 = tpu.memref_slice %arg12[%dma_start3A_142, %dma_start3A_143] : memref<10000x72xf32, #tpu.memory_space<vmem_shared>> -> memref<10000x72xf32, #tpu.memory_space<vmem_shared>>
          tpu.enqueue_indirect_dma source(%dma_start3A_144 : memref<10000x72xf32, #tpu.memory_space<vmem_shared>>) target(%arg10 : memref<128x72xf32, #tpu.memory_space<vmem>>) offsets(%dma_start3A_141 : memref<128xi32, #tpu.memory_space<vmem>>) semaphore(%arg18 : memref<!tpu.dma_semaphore, #tpu.memory_space<semaphore_mem>>)
        } else {
        }
        %add3A_120 = arith.constant 3 : i32
        %add3A_121 = arith.addi %add3A_71, %add3A_120 : i32
        %lt3A_122 = arith.constant 79 : i32
        %lt3A_123 = arith.cmpi slt, %add3A_121, %lt3A_122 : i32
        %convert_element_type3A_124 = arith.extui %lt3A_123 : i1 to i32
        %cond3A_125 = arith.constant 0 : i32
        %cond3A_126 = arith.cmpi ne, %convert_element_type3A_124, %cond3A_125 : i32
        scf.if %cond3A_126 {
          %add3A_127 = arith.constant 3 : i32
          %add3A_128 = arith.addi %add3A_71, %add3A_127 : i32
          %dma_start3A_129 = arith.constant 0 : i32
          %dma_start3A_130 = arith.constant 0 : i32
          %dma_start3A_131 = tpu.memref_slice %arg3[%add3A, %add3A_128, %dma_start3A_129, %dma_start3A_130] : memref<32x79x2x128xi32, #tpu.memory_space<hbm>> -> memref<1x1x2x128xi32, #tpu.memory_space<hbm>>
          %dma_start3A_132 = tpu.memref_squeeze %dma_start3A_131 : memref<1x1x2x128xi32, #tpu.memory_space<hbm>> -> memref<2x128xi32, #tpu.memory_space<hbm>>
          %dma_start3A_133 = arith.constant 0 : i32
          %dma_start3A_134 = arith.constant 0 : i32
          %dma_start3A_135 = tpu.memref_slice %arg3[%add3A, %add3A_128, %dma_start3A_133, %dma_start3A_134] : memref<32x79x2x128xi32, #tpu.memory_space<hbm>> -> memref<1x1x2x128xi32, #tpu.memory_space<hbm>>
          %dma_start3A_136 = tpu.memref_squeeze %dma_start3A_135 : memref<1x1x2x128xi32, #tpu.memory_space<hbm>> -> memref<2x128xi32, #tpu.memory_space<hbm>>
          tpu.enqueue_dma source(%dma_start3A_136 : memref<2x128xi32, #tpu.memory_space<hbm>>) target(%arg6 : memref<2x128xi32, #tpu.memory_space<vmem>>) target_semaphore(%arg14 : memref<!tpu.dma_semaphore, #tpu.memory_space<semaphore_mem>>)
        } else {
        }
      } else {
      }
      %mul3A_77 = arith.constant 4 : i32
      %mul3A_78 = arith.muli %scan3A_61, %mul3A_77 : i32
      %add3A_79 = arith.constant 2 : i32
      %add3A_80 = arith.addi %mul3A_78, %add3A_79 : i32
      %lt3A_81 = arith.constant 79 : i32
      %lt3A_82 = arith.cmpi slt, %add3A_80, %lt3A_81 : i32
      %convert_element_type3A_83 = arith.extui %lt3A_82 : i1 to i32
      %cond3A_84 = arith.constant 0 : i32
      %cond3A_85 = arith.cmpi ne, %convert_element_type3A_83, %cond3A_84 : i32
      scf.if %cond3A_85 {
        %dma_wait3A_95 = arith.constant 0 : i32
        %dma_wait3A_96 = arith.constant 0 : i32
        %dma_wait3A_97 = tpu.memref_slice %arg8[%dma_wait3A_95, %dma_wait3A_96] : memref<2x128xi32, #tpu.memory_space<vmem>> -> memref<1x128xi32, #tpu.memory_space<vmem>>
        %dma_wait3A_98 = tpu.memref_squeeze %dma_wait3A_97 : memref<1x128xi32, #tpu.memory_space<vmem>> -> memref<128xi32, #tpu.memory_space<vmem>>
        %dma_wait3A_99 = arith.constant 0 : i32
        %dma_wait3A_100 = arith.constant 0 : i32
        %dma_wait3A_101 = tpu.memref_slice %arg12[%dma_wait3A_99, %dma_wait3A_100] : memref<10000x72xf32, #tpu.memory_space<vmem_shared>> -> memref<10000x72xf32, #tpu.memory_space<vmem_shared>>
        tpu.wait_indirect_dma semaphore(%arg18 : memref<!tpu.dma_semaphore, #tpu.memory_space<semaphore_mem>>) src(%dma_wait3A_101 : memref<10000x72xf32, #tpu.memory_space<vmem_shared>>) dst(%arg10 : memref<128x72xf32, #tpu.memory_space<vmem>>)
        %dma_start3A_102 = arith.constant 1 : i32
        %dma_start3A_103 = arith.constant 0 : i32
        %dma_start3A_104 = tpu.memref_slice %arg8[%dma_start3A_102, %dma_start3A_103] : memref<2x128xi32, #tpu.memory_space<vmem>> -> memref<1x128xi32, #tpu.memory_space<vmem>>
        %dma_start3A_105 = tpu.memref_squeeze %dma_start3A_104 : memref<1x128xi32, #tpu.memory_space<vmem>> -> memref<128xi32, #tpu.memory_space<vmem>>
        %dma_start3A_106 = arith.constant 0 : i32
        %dma_start3A_107 = arith.constant 0 : i32
        %dma_start3A_108 = tpu.memref_slice %arg13[%dma_start3A_106, %dma_start3A_107] : memref<10240x72xf32, #tpu.memory_space<vmem_shared>> -> memref<10240x72xf32, #tpu.memory_space<vmem_shared>>
        tpu.enqueue_indirect_dma source(%arg10 : memref<128x72xf32, #tpu.memory_space<vmem>>) target(%dma_start3A_108 : memref<10240x72xf32, #tpu.memory_space<vmem_shared>>) offsets(%dma_start3A_105 : memref<128xi32, #tpu.memory_space<vmem>>) semaphore(%arg20 : memref<!tpu.dma_semaphore, #tpu.memory_space<semaphore_mem>>) {add = true}
        %ge3A = arith.constant 1 : i32
        %ge3A_109 = arith.cmpi sge, %add3A_80, %ge3A : i32
        %convert_element_type3A_110 = arith.extui %ge3A_109 : i1 to i32
        %cond3A_111 = arith.constant 0 : i32
        %cond3A_112 = arith.cmpi ne, %convert_element_type3A_110, %cond3A_111 : i32
        scf.if %cond3A_112 {
          %dma_wait3A_127 = arith.constant 1 : i32
          %dma_wait3A_128 = arith.constant 0 : i32
          %dma_wait3A_129 = tpu.memref_slice %arg7[%dma_wait3A_127, %dma_wait3A_128] : memref<2x128xi32, #tpu.memory_space<vmem>> -> memref<1x128xi32, #tpu.memory_space<vmem>>
          %dma_wait3A_130 = tpu.memref_squeeze %dma_wait3A_129 : memref<1x128xi32, #tpu.memory_space<vmem>> -> memref<128xi32, #tpu.memory_space<vmem>>
          %dma_wait3A_131 = arith.constant 0 : i32
          %dma_wait3A_132 = arith.constant 0 : i32
          %dma_wait3A_133 = tpu.memref_slice %arg13[%dma_wait3A_131, %dma_wait3A_132] : memref<10240x72xf32, #tpu.memory_space<vmem_shared>> -> memref<10240x72xf32, #tpu.memory_space<vmem_shared>>
          tpu.wait_indirect_dma semaphore(%arg21 : memref<!tpu.dma_semaphore, #tpu.memory_space<semaphore_mem>>) src(%arg11 : memref<128x72xf32, #tpu.memory_space<vmem>>) dst(%dma_wait3A_133 : memref<10240x72xf32, #tpu.memory_space<vmem_shared>>)
        } else {
        }
        %add3A_113 = arith.constant 1 : i32
        %add3A_114 = arith.addi %add3A_80, %add3A_113 : i32
        %lt3A_115 = arith.constant 79 : i32
        %lt3A_116 = arith.cmpi slt, %add3A_114, %lt3A_115 : i32
        %convert_element_type3A_117 = arith.extui %lt3A_116 : i1 to i32
        %cond3A_118 = arith.constant 0 : i32
        %cond3A_119 = arith.cmpi ne, %convert_element_type3A_117, %cond3A_118 : i32
        scf.if %cond3A_119 {
          %dma_wait3A_127 = arith.constant 0 : i32
          %dma_wait3A_128 = arith.constant 0 : i32
          %dma_wait3A_129 = arith.constant 0 : i32
          %dma_wait3A_130 = tpu.memref_slice %arg3[%add3A, %dma_wait3A_127, %dma_wait3A_128, %dma_wait3A_129] : memref<32x79x2x128xi32, #tpu.memory_space<hbm>> -> memref<1x1x2x128xi32, #tpu.memory_space<hbm>>
          %dma_wait3A_131 = tpu.memref_squeeze %dma_wait3A_130 : memref<1x1x2x128xi32, #tpu.memory_space<hbm>> -> memref<2x128xi32, #tpu.memory_space<hbm>>
          %dma_wait3A_132 = arith.constant 0 : i32
          %dma_wait3A_133 = arith.constant 0 : i32
          %dma_wait3A_134 = tpu.memref_slice %arg3[%add3A, %dma_wait3A_127, %dma_wait3A_132, %dma_wait3A_133] : memref<32x79x2x128xi32, #tpu.memory_space<hbm>> -> memref<1x1x2x128xi32, #tpu.memory_space<hbm>>
          %dma_wait3A_135 = tpu.memref_squeeze %dma_wait3A_134 : memref<1x1x2x128xi32, #tpu.memory_space<hbm>> -> memref<2x128xi32, #tpu.memory_space<hbm>>
          tpu.wait_dma2 semaphore(%arg17 : memref<!tpu.dma_semaphore, #tpu.memory_space<semaphore_mem>>) src(%dma_wait3A_135 : memref<2x128xi32, #tpu.memory_space<hbm>>) dst(%arg9 : memref<2x128xi32, #tpu.memory_space<vmem>>)
          %add3A_136 = arith.constant 1 : i32
          %add3A_137 = arith.addi %add3A_80, %add3A_136 : i32
          %dma_start3A_138 = arith.constant 0 : i32
          %dma_start3A_139 = arith.constant 0 : i32
          %dma_start3A_140 = tpu.memref_slice %arg9[%dma_start3A_138, %dma_start3A_139] : memref<2x128xi32, #tpu.memory_space<vmem>> -> memref<1x128xi32, #tpu.memory_space<vmem>>
          %dma_start3A_141 = tpu.memref_squeeze %dma_start3A_140 : memref<1x128xi32, #tpu.memory_space<vmem>> -> memref<128xi32, #tpu.memory_space<vmem>>
          %dma_start3A_142 = arith.constant 0 : i32
          %dma_start3A_143 = arith.constant 0 : i32
          %dma_start3A_144 = tpu.memref_slice %arg12[%dma_start3A_142, %dma_start3A_143] : memref<10000x72xf32, #tpu.memory_space<vmem_shared>> -> memref<10000x72xf32, #tpu.memory_space<vmem_shared>>
          tpu.enqueue_indirect_dma source(%dma_start3A_144 : memref<10000x72xf32, #tpu.memory_space<vmem_shared>>) target(%arg11 : memref<128x72xf32, #tpu.memory_space<vmem>>) offsets(%dma_start3A_141 : memref<128xi32, #tpu.memory_space<vmem>>) semaphore(%arg19 : memref<!tpu.dma_semaphore, #tpu.memory_space<semaphore_mem>>)
        } else {
        }
        %add3A_120 = arith.constant 3 : i32
        %add3A_121 = arith.addi %add3A_80, %add3A_120 : i32
        %lt3A_122 = arith.constant 79 : i32
        %lt3A_123 = arith.cmpi slt, %add3A_121, %lt3A_122 : i32
        %convert_element_type3A_124 = arith.extui %lt3A_123 : i1 to i32
        %cond3A_125 = arith.constant 0 : i32
        %cond3A_126 = arith.cmpi ne, %convert_element_type3A_124, %cond3A_125 : i32
        scf.if %cond3A_126 {
          %add3A_127 = arith.constant 3 : i32
          %add3A_128 = arith.addi %add3A_80, %add3A_127 : i32
          %dma_start3A_129 = arith.constant 0 : i32
          %dma_start3A_130 = arith.constant 0 : i32
          %dma_start3A_131 = tpu.memref_slice %arg3[%add3A, %add3A_128, %dma_start3A_129, %dma_start3A_130] : memref<32x79x2x128xi32, #tpu.memory_space<hbm>> -> memref<1x1x2x128xi32, #tpu.memory_space<hbm>>
          %dma_start3A_132 = tpu.memref_squeeze %dma_start3A_131 : memref<1x1x2x128xi32, #tpu.memory_space<hbm>> -> memref<2x128xi32, #tpu.memory_space<hbm>>
          %dma_start3A_133 = arith.constant 0 : i32
          %dma_start3A_134 = arith.constant 0 : i32
          %dma_start3A_135 = tpu.memref_slice %arg3[%add3A, %add3A_128, %dma_start3A_133, %dma_start3A_134] : memref<32x79x2x128xi32, #tpu.memory_space<hbm>> -> memref<1x1x2x128xi32, #tpu.memory_space<hbm>>
          %dma_start3A_136 = tpu.memref_squeeze %dma_start3A_135 : memref<1x1x2x128xi32, #tpu.memory_space<hbm>> -> memref<2x128xi32, #tpu.memory_space<hbm>>
          tpu.enqueue_dma source(%dma_start3A_136 : memref<2x128xi32, #tpu.memory_space<hbm>>) target(%arg7 : memref<2x128xi32, #tpu.memory_space<vmem>>) target_semaphore(%arg15 : memref<!tpu.dma_semaphore, #tpu.memory_space<semaphore_mem>>)
        } else {
        }
      } else {
      }
      %mul3A_86 = arith.constant 4 : i32
      %mul3A_87 = arith.muli %scan3A_61, %mul3A_86 : i32
      %add3A_88 = arith.constant 3 : i32
      %add3A_89 = arith.addi %mul3A_87, %add3A_88 : i32
      %lt3A_90 = arith.constant 79 : i32
      %lt3A_91 = arith.cmpi slt, %add3A_89, %lt3A_90 : i32
      %convert_element_type3A_92 = arith.extui %lt3A_91 : i1 to i32
      %cond3A_93 = arith.constant 0 : i32
      %cond3A_94 = arith.cmpi ne, %convert_element_type3A_92, %cond3A_93 : i32
      scf.if %cond3A_94 {
        %dma_wait3A_95 = arith.constant 0 : i32
        %dma_wait3A_96 = arith.constant 0 : i32
        %dma_wait3A_97 = tpu.memref_slice %arg9[%dma_wait3A_95, %dma_wait3A_96] : memref<2x128xi32, #tpu.memory_space<vmem>> -> memref<1x128xi32, #tpu.memory_space<vmem>>
        %dma_wait3A_98 = tpu.memref_squeeze %dma_wait3A_97 : memref<1x128xi32, #tpu.memory_space<vmem>> -> memref<128xi32, #tpu.memory_space<vmem>>
        %dma_wait3A_99 = arith.constant 0 : i32
        %dma_wait3A_100 = arith.constant 0 : i32
        %dma_wait3A_101 = tpu.memref_slice %arg12[%dma_wait3A_99, %dma_wait3A_100] : memref<10000x72xf32, #tpu.memory_space<vmem_shared>> -> memref<10000x72xf32, #tpu.memory_space<vmem_shared>>
        tpu.wait_indirect_dma semaphore(%arg19 : memref<!tpu.dma_semaphore, #tpu.memory_space<semaphore_mem>>) src(%dma_wait3A_101 : memref<10000x72xf32, #tpu.memory_space<vmem_shared>>) dst(%arg11 : memref<128x72xf32, #tpu.memory_space<vmem>>)
        %dma_start3A_102 = arith.constant 1 : i32
        %dma_start3A_103 = arith.constant 0 : i32
        %dma_start3A_104 = tpu.memref_slice %arg9[%dma_start3A_102, %dma_start3A_103] : memref<2x128xi32, #tpu.memory_space<vmem>> -> memref<1x128xi32, #tpu.memory_space<vmem>>
        %dma_start3A_105 = tpu.memref_squeeze %dma_start3A_104 : memref<1x128xi32, #tpu.memory_space<vmem>> -> memref<128xi32, #tpu.memory_space<vmem>>
        %dma_start3A_106 = arith.constant 0 : i32
        %dma_start3A_107 = arith.constant 0 : i32
        %dma_start3A_108 = tpu.memref_slice %arg13[%dma_start3A_106, %dma_start3A_107] : memref<10240x72xf32, #tpu.memory_space<vmem_shared>> -> memref<10240x72xf32, #tpu.memory_space<vmem_shared>>
        tpu.enqueue_indirect_dma source(%arg11 : memref<128x72xf32, #tpu.memory_space<vmem>>) target(%dma_start3A_108 : memref<10240x72xf32, #tpu.memory_space<vmem_shared>>) offsets(%dma_start3A_105 : memref<128xi32, #tpu.memory_space<vmem>>) semaphore(%arg21 : memref<!tpu.dma_semaphore, #tpu.memory_space<semaphore_mem>>) {add = true}
        %ge3A = arith.constant 1 : i32
        %ge3A_109 = arith.cmpi sge, %add3A_89, %ge3A : i32
        %convert_element_type3A_110 = arith.extui %ge3A_109 : i1 to i32
        %cond3A_111 = arith.constant 0 : i32
        %cond3A_112 = arith.cmpi ne, %convert_element_type3A_110, %cond3A_111 : i32
        scf.if %cond3A_112 {
          %dma_wait3A_127 = arith.constant 1 : i32
          %dma_wait3A_128 = arith.constant 0 : i32
          %dma_wait3A_129 = tpu.memref_slice %arg8[%dma_wait3A_127, %dma_wait3A_128] : memref<2x128xi32, #tpu.memory_space<vmem>> -> memref<1x128xi32, #tpu.memory_space<vmem>>
          %dma_wait3A_130 = tpu.memref_squeeze %dma_wait3A_129 : memref<1x128xi32, #tpu.memory_space<vmem>> -> memref<128xi32, #tpu.memory_space<vmem>>
          %dma_wait3A_131 = arith.constant 0 : i32
          %dma_wait3A_132 = arith.constant 0 : i32
          %dma_wait3A_133 = tpu.memref_slice %arg13[%dma_wait3A_131, %dma_wait3A_132] : memref<10240x72xf32, #tpu.memory_space<vmem_shared>> -> memref<10240x72xf32, #tpu.memory_space<vmem_shared>>
          tpu.wait_indirect_dma semaphore(%arg20 : memref<!tpu.dma_semaphore, #tpu.memory_space<semaphore_mem>>) src(%arg10 : memref<128x72xf32, #tpu.memory_space<vmem>>) dst(%dma_wait3A_133 : memref<10240x72xf32, #tpu.memory_space<vmem_shared>>)
        } else {
        }
        %add3A_113 = arith.constant 1 : i32
        %add3A_114 = arith.addi %add3A_89, %add3A_113 : i32
        %lt3A_115 = arith.constant 79 : i32
        %lt3A_116 = arith.cmpi slt, %add3A_114, %lt3A_115 : i32
        %convert_element_type3A_117 = arith.extui %lt3A_116 : i1 to i32
        %cond3A_118 = arith.constant 0 : i32
        %cond3A_119 = arith.cmpi ne, %convert_element_type3A_117, %cond3A_118 : i32
        scf.if %cond3A_119 {
          %dma_wait3A_127 = arith.constant 0 : i32
          %dma_wait3A_128 = arith.constant 0 : i32
          %dma_wait3A_129 = arith.constant 0 : i32
          %dma_wait3A_130 = tpu.memref_slice %arg3[%add3A, %dma_wait3A_127, %dma_wait3A_128, %dma_wait3A_129] : memref<32x79x2x128xi32, #tpu.memory_space<hbm>> -> memref<1x1x2x128xi32, #tpu.memory_space<hbm>>
          %dma_wait3A_131 = tpu.memref_squeeze %dma_wait3A_130 : memref<1x1x2x128xi32, #tpu.memory_space<hbm>> -> memref<2x128xi32, #tpu.memory_space<hbm>>
          %dma_wait3A_132 = arith.constant 0 : i32
          %dma_wait3A_133 = arith.constant 0 : i32
          %dma_wait3A_134 = tpu.memref_slice %arg3[%add3A, %dma_wait3A_127, %dma_wait3A_132, %dma_wait3A_133] : memref<32x79x2x128xi32, #tpu.memory_space<hbm>> -> memref<1x1x2x128xi32, #tpu.memory_space<hbm>>
          %dma_wait3A_135 = tpu.memref_squeeze %dma_wait3A_134 : memref<1x1x2x128xi32, #tpu.memory_space<hbm>> -> memref<2x128xi32, #tpu.memory_space<hbm>>
          tpu.wait_dma2 semaphore(%arg14 : memref<!tpu.dma_semaphore, #tpu.memory_space<semaphore_mem>>) src(%dma_wait3A_135 : memref<2x128xi32, #tpu.memory_space<hbm>>) dst(%arg6 : memref<2x128xi32, #tpu.memory_space<vmem>>)
          %add3A_136 = arith.constant 1 : i32
          %add3A_137 = arith.addi %add3A_89, %add3A_136 : i32
          %dma_start3A_138 = arith.constant 0 : i32
          %dma_start3A_139 = arith.constant 0 : i32
          %dma_start3A_140 = tpu.memref_slice %arg6[%dma_start3A_138, %dma_start3A_139] : memref<2x128xi32, #tpu.memory_space<vmem>> -> memref<1x128xi32, #tpu.memory_space<vmem>>
          %dma_start3A_141 = tpu.memref_squeeze %dma_start3A_140 : memref<1x128xi32, #tpu.memory_space<vmem>> -> memref<128xi32, #tpu.memory_space<vmem>>
          %dma_start3A_142 = arith.constant 0 : i32
          %dma_start3A_143 = arith.constant 0 : i32
          %dma_start3A_144 = tpu.memref_slice %arg12[%dma_start3A_142, %dma_start3A_143] : memref<10000x72xf32, #tpu.memory_space<vmem_shared>> -> memref<10000x72xf32, #tpu.memory_space<vmem_shared>>
          tpu.enqueue_indirect_dma source(%dma_start3A_144 : memref<10000x72xf32, #tpu.memory_space<vmem_shared>>) target(%arg10 : memref<128x72xf32, #tpu.memory_space<vmem>>) offsets(%dma_start3A_141 : memref<128xi32, #tpu.memory_space<vmem>>) semaphore(%arg18 : memref<!tpu.dma_semaphore, #tpu.memory_space<semaphore_mem>>)
        } else {
        }
        %add3A_120 = arith.constant 3 : i32
        %add3A_121 = arith.addi %add3A_89, %add3A_120 : i32
        %lt3A_122 = arith.constant 79 : i32
        %lt3A_123 = arith.cmpi slt, %add3A_121, %lt3A_122 : i32
        %convert_element_type3A_124 = arith.extui %lt3A_123 : i1 to i32
        %cond3A_125 = arith.constant 0 : i32
        %cond3A_126 = arith.cmpi ne, %convert_element_type3A_124, %cond3A_125 : i32
        scf.if %cond3A_126 {
          %add3A_127 = arith.constant 3 : i32
          %add3A_128 = arith.addi %add3A_89, %add3A_127 : i32
          %dma_start3A_129 = arith.constant 0 : i32
          %dma_start3A_130 = arith.constant 0 : i32
          %dma_start3A_131 = tpu.memref_slice %arg3[%add3A, %add3A_128, %dma_start3A_129, %dma_start3A_130] : memref<32x79x2x128xi32, #tpu.memory_space<hbm>> -> memref<1x1x2x128xi32, #tpu.memory_space<hbm>>
          %dma_start3A_132 = tpu.memref_squeeze %dma_start3A_131 : memref<1x1x2x128xi32, #tpu.memory_space<hbm>> -> memref<2x128xi32, #tpu.memory_space<hbm>>
          %dma_start3A_133 = arith.constant 0 : i32
          %dma_start3A_134 = arith.constant 0 : i32
          %dma_start3A_135 = tpu.memref_slice %arg3[%add3A, %add3A_128, %dma_start3A_133, %dma_start3A_134] : memref<32x79x2x128xi32, #tpu.memory_space<hbm>> -> memref<1x1x2x128xi32, #tpu.memory_space<hbm>>
          %dma_start3A_136 = tpu.memref_squeeze %dma_start3A_135 : memref<1x1x2x128xi32, #tpu.memory_space<hbm>> -> memref<2x128xi32, #tpu.memory_space<hbm>>
          tpu.enqueue_dma source(%dma_start3A_136 : memref<2x128xi32, #tpu.memory_space<hbm>>) target(%arg8 : memref<2x128xi32, #tpu.memory_space<vmem>>) target_semaphore(%arg16 : memref<!tpu.dma_semaphore, #tpu.memory_space<semaphore_mem>>)
        } else {
        }
      } else {
      }
    }
    %scan3A_52 = arith.constant 20 : i32
    %dma_wait3A_53 = arith.constant 1 : i32
    %dma_wait3A_54 = arith.constant 0 : i32
    %dma_wait3A_55 = tpu.memref_slice %arg8[%dma_wait3A_53, %dma_wait3A_54] : memref<2x128xi32, #tpu.memory_space<vmem>> -> memref<1x128xi32, #tpu.memory_space<vmem>>
    %dma_wait3A_56 = tpu.memref_squeeze %dma_wait3A_55 : memref<1x128xi32, #tpu.memory_space<vmem>> -> memref<128xi32, #tpu.memory_space<vmem>>
    %dma_wait3A_57 = arith.constant 0 : i32
    %dma_wait3A_58 = arith.constant 0 : i32
    %dma_wait3A_59 = tpu.memref_slice %arg13[%dma_wait3A_57, %dma_wait3A_58] : memref<10240x72xf32, #tpu.memory_space<vmem_shared>> -> memref<10240x72xf32, #tpu.memory_space<vmem_shared>>
    tpu.wait_indirect_dma semaphore(%arg20 : memref<!tpu.dma_semaphore, #tpu.memory_space<semaphore_mem>>) src(%arg10 : memref<128x72xf32, #tpu.memory_space<vmem>>) dst(%dma_wait3A_59 : memref<10240x72xf32, #tpu.memory_space<vmem_shared>>)
    %barrier3A_60 = arith.constant 0 : index
    tpu.barrier barrier_id(%barrier3A_60)
    "tpu.region"() ({
      %run_scoped3A = tpu.sem_alloc : memref<!tpu.dma_semaphore, #tpu.memory_space<semaphore_mem>>
      %dma_start3A_61 = arith.constant 0 : i32
      %dma_start3A_62 = tpu.memref_slice %arg5[%arg0, %mul3A_2, %dma_start3A_61] : memref<2x10240x72xf32, #tpu.memory_space<hbm>> -> memref<1x640x72xf32, #tpu.memory_space<hbm>>
      %dma_start3A_63 = tpu.memref_squeeze %dma_start3A_62 : memref<1x640x72xf32, #tpu.memory_space<hbm>> -> memref<640x72xf32, #tpu.memory_space<hbm>>
      %dma_start3A_64 = arith.constant 0 : i32
      %dma_start3A_65 = tpu.memref_slice %arg13[%mul3A_2, %dma_start3A_64] : memref<10240x72xf32, #tpu.memory_space<vmem_shared>> -> memref<640x72xf32, #tpu.memory_space<vmem_shared>>
      tpu.enqueue_dma source(%dma_start3A_65 : memref<640x72xf32, #tpu.memory_space<vmem_shared>>) target(%dma_start3A_63 : memref<640x72xf32, #tpu.memory_space<hbm>>) target_semaphore(%run_scoped3A : memref<!tpu.dma_semaphore, #tpu.memory_space<semaphore_mem>>)
      %dma_wait3A_66 = arith.constant 0 : i32
      %dma_wait3A_67 = tpu.memref_slice %arg5[%arg0, %mul3A_2, %dma_wait3A_66] : memref<2x10240x72xf32, #tpu.memory_space<hbm>> -> memref<1x640x72xf32, #tpu.memory_space<hbm>>
      %dma_wait3A_68 = tpu.memref_squeeze %dma_wait3A_67 : memref<1x640x72xf32, #tpu.memory_space<hbm>> -> memref<640x72xf32, #tpu.memory_space<hbm>>
      %dma_wait3A_69 = arith.constant 0 : i32
      %dma_wait3A_70 = tpu.memref_slice %arg13[%mul3A_2, %dma_wait3A_69] : memref<10240x72xf32, #tpu.memory_space<vmem_shared>> -> memref<640x72xf32, #tpu.memory_space<vmem_shared>>
      tpu.wait_dma2 semaphore(%run_scoped3A : memref<!tpu.dma_semaphore, #tpu.memory_space<semaphore_mem>>) src(%dma_wait3A_70 : memref<640x72xf32, #tpu.memory_space<vmem_shared>>) dst(%dma_wait3A_68 : memref<640x72xf32, #tpu.memory_space<hbm>>)
      tpu.yield
    }) : () -> ()
    return
  }
}

#map = affine_map<(d0, d1) -> (0, 0)>
#map1 = affine_map<(d0, d1) -> (0, 0, 0, 0)>
#map2 = affine_map<(d0, d1) -> (0, 0, 0)>
module attributes {stable_mosaic.version = 14 : i64} {
  func.func @body(%arg0: i32, %arg1: i32, %arg2: memref<10000x128xf32, #tpu.memory_space<hbm>>, %arg3: memref<32x79x2x128xi32, #tpu.memory_space<hbm>>, %arg4: memref<10240x64xf32, #tpu.memory_space<hbm>>, %arg5: memref<2x10240x64xf32, #tpu.memory_space<hbm>>, %arg6: memref<2x128xi32, #tpu.memory_space<vmem>>, %arg7: memref<2x128xi32, #tpu.memory_space<vmem>>, %arg8: memref<2x128xi32, #tpu.memory_space<vmem>>, %arg9: memref<2x128xi32, #tpu.memory_space<vmem>>, %arg10: memref<128x64xf32, #tpu.memory_space<vmem>>, %arg11: memref<128x64xf32, #tpu.memory_space<vmem>>, %arg12: memref<10000x64xf32, #tpu.memory_space<vmem_shared>>, %arg13: memref<10240x64xf32, #tpu.memory_space<vmem_shared>>, %arg14: memref<!tpu.dma_semaphore, #tpu.memory_space<semaphore_mem>>, %arg15: memref<!tpu.dma_semaphore, #tpu.memory_space<semaphore_mem>>, %arg16: memref<!tpu.dma_semaphore, #tpu.memory_space<semaphore_mem>>, %arg17: memref<!tpu.dma_semaphore, #tpu.memory_space<semaphore_mem>>, %arg18: memref<!tpu.dma_semaphore, #tpu.memory_space<semaphore_mem>>, %arg19: memref<!tpu.dma_semaphore, #tpu.memory_space<semaphore_mem>>, %arg20: memref<!tpu.dma_semaphore, #tpu.memory_space<semaphore_mem>>, %arg21: memref<!tpu.dma_semaphore, #tpu.memory_space<semaphore_mem>>) attributes {dimension_semantics = [#tpu.dimension_semantics<core_parallel>, #tpu.dimension_semantics<subcore_parallel>], iteration_bounds = array<i64: 2, 16>, scalar_prefetch = 0 : i64, scratch_operands = 16 : i64, tpu.core_type = #tpu.core_type<sc_vector_subcore>, window_params = [{transform_indices = #map}, {transform_indices = #map1}, {transform_indices = #map}, {transform_indices = #map2}]} {
    %mul3A = arith.constant 16 : i32
    %mul3A_0 = arith.muli %arg0, %mul3A : i32
    %add3A = arith.addi %mul3A_0, %arg1 : i32
    %mul3A_1 = arith.constant 640 : i32
    %mul3A_2 = arith.muli %arg1, %mul3A_1 : i32
    "tpu.region"() ({
      %run_scoped3A = tpu.sem_alloc : memref<!tpu.dma_semaphore, #tpu.memory_space<semaphore_mem>>
      %dma_start3A_61 = arith.constant 0 : i32
      %dma_start3A_62 = tpu.memref_slice %arg13[%mul3A_2, %dma_start3A_61] : memref<10240x64xf32, #tpu.memory_space<vmem_shared>> -> memref<640x64xf32, #tpu.memory_space<vmem_shared>>
      %dma_start3A_63 = arith.constant 0 : i32
      %dma_start3A_64 = tpu.memref_slice %arg4[%mul3A_2, %dma_start3A_63] : memref<10240x64xf32, #tpu.memory_space<hbm>> -> memref<640x64xf32, #tpu.memory_space<hbm>>
      tpu.enqueue_dma source(%dma_start3A_64 : memref<640x64xf32, #tpu.memory_space<hbm>>) target(%dma_start3A_62 : memref<640x64xf32, #tpu.memory_space<vmem_shared>>) target_semaphore(%run_scoped3A : memref<!tpu.dma_semaphore, #tpu.memory_space<semaphore_mem>>)
      %dma_wait3A_65 = arith.constant 0 : i32
      %dma_wait3A_66 = tpu.memref_slice %arg13[%mul3A_2, %dma_wait3A_65] : memref<10240x64xf32, #tpu.memory_space<vmem_shared>> -> memref<640x64xf32, #tpu.memory_space<vmem_shared>>
      %dma_wait3A_67 = arith.constant 0 : i32
      %dma_wait3A_68 = tpu.memref_slice %arg4[%mul3A_2, %dma_wait3A_67] : memref<10240x64xf32, #tpu.memory_space<hbm>> -> memref<640x64xf32, #tpu.memory_space<hbm>>
      tpu.wait_dma2 semaphore(%run_scoped3A : memref<!tpu.dma_semaphore, #tpu.memory_space<semaphore_mem>>) src(%dma_wait3A_68 : memref<640x64xf32, #tpu.memory_space<hbm>>) dst(%dma_wait3A_66 : memref<640x64xf32, #tpu.memory_space<vmem_shared>>)
      tpu.yield
    }) : () -> ()
    %mul3A_3 = arith.constant 625 : i32
    %mul3A_4 = arith.muli %arg1, %mul3A_3 : i32
    %mul3A_5 = arith.constant 625 : i32
    %mul3A_6 = arith.muli %arg1, %mul3A_5 : i32
    "tpu.region"() ({
      %run_scoped3A = tpu.sem_alloc : memref<!tpu.dma_semaphore, #tpu.memory_space<semaphore_mem>>
      %dma_start3A_61 = arith.constant 0 : i32
      %dma_start3A_62 = tpu.memref_slice %arg12[%mul3A_6, %dma_start3A_61] : memref<10000x64xf32, #tpu.memory_space<vmem_shared>> -> memref<625x64xf32, #tpu.memory_space<vmem_shared>>
      %dma_start3A_63 = arith.constant 64 : i32
      %dma_start3A_64 = tpu.memref_slice %arg2[%mul3A_4, %dma_start3A_63] : memref<10000x128xf32, #tpu.memory_space<hbm>> -> memref<625x64xf32, #tpu.memory_space<hbm>>
      tpu.enqueue_dma source(%dma_start3A_64 : memref<625x64xf32, #tpu.memory_space<hbm>>) target(%dma_start3A_62 : memref<625x64xf32, #tpu.memory_space<vmem_shared>>) target_semaphore(%run_scoped3A : memref<!tpu.dma_semaphore, #tpu.memory_space<semaphore_mem>>)
      %dma_wait3A_65 = arith.constant 0 : i32
      %dma_wait3A_66 = tpu.memref_slice %arg12[%mul3A_6, %dma_wait3A_65] : memref<10000x64xf32, #tpu.memory_space<vmem_shared>> -> memref<625x64xf32, #tpu.memory_space<vmem_shared>>
      %dma_wait3A_67 = arith.constant 64 : i32
      %dma_wait3A_68 = tpu.memref_slice %arg2[%mul3A_4, %dma_wait3A_67] : memref<10000x128xf32, #tpu.memory_space<hbm>> -> memref<625x64xf32, #tpu.memory_space<hbm>>
      tpu.wait_dma2 semaphore(%run_scoped3A : memref<!tpu.dma_semaphore, #tpu.memory_space<semaphore_mem>>) src(%dma_wait3A_68 : memref<625x64xf32, #tpu.memory_space<hbm>>) dst(%dma_wait3A_66 : memref<625x64xf32, #tpu.memory_space<vmem_shared>>)
      tpu.yield
    }) : () -> ()
    %dma_start3A = arith.constant 0 : i32
    %dma_start3A_7 = arith.constant 0 : i32
    %dma_start3A_8 = arith.constant 0 : i32
    %dma_start3A_9 = tpu.memref_slice %arg3[%add3A, %dma_start3A, %dma_start3A_7, %dma_start3A_8] : memref<32x79x2x128xi32, #tpu.memory_space<hbm>> -> memref<1x1x2x128xi32, #tpu.memory_space<hbm>>
    %dma_start3A_10 = tpu.memref_squeeze %dma_start3A_9 : memref<1x1x2x128xi32, #tpu.memory_space<hbm>> -> memref<2x128xi32, #tpu.memory_space<hbm>>
    %dma_start3A_11 = arith.constant 0 : i32
    %dma_start3A_12 = arith.constant 0 : i32
    %dma_start3A_13 = tpu.memref_slice %arg3[%add3A, %dma_start3A, %dma_start3A_11, %dma_start3A_12] : memref<32x79x2x128xi32, #tpu.memory_space<hbm>> -> memref<1x1x2x128xi32, #tpu.memory_space<hbm>>
    %dma_start3A_14 = tpu.memref_squeeze %dma_start3A_13 : memref<1x1x2x128xi32, #tpu.memory_space<hbm>> -> memref<2x128xi32, #tpu.memory_space<hbm>>
    tpu.enqueue_dma source(%dma_start3A_14 : memref<2x128xi32, #tpu.memory_space<hbm>>) target(%arg6 : memref<2x128xi32, #tpu.memory_space<vmem>>) target_semaphore(%arg14 : memref<!tpu.dma_semaphore, #tpu.memory_space<semaphore_mem>>)
    %dma_start3A_15 = arith.constant 1 : i32
    %dma_start3A_16 = arith.constant 0 : i32
    %dma_start3A_17 = arith.constant 0 : i32
    %dma_start3A_18 = tpu.memref_slice %arg3[%add3A, %dma_start3A_15, %dma_start3A_16, %dma_start3A_17] : memref<32x79x2x128xi32, #tpu.memory_space<hbm>> -> memref<1x1x2x128xi32, #tpu.memory_space<hbm>>
    %dma_start3A_19 = tpu.memref_squeeze %dma_start3A_18 : memref<1x1x2x128xi32, #tpu.memory_space<hbm>> -> memref<2x128xi32, #tpu.memory_space<hbm>>
    %dma_start3A_20 = arith.constant 0 : i32
    %dma_start3A_21 = arith.constant 0 : i32
    %dma_start3A_22 = tpu.memref_slice %arg3[%add3A, %dma_start3A_15, %dma_start3A_20, %dma_start3A_21] : memref<32x79x2x128xi32, #tpu.memory_space<hbm>> -> memref<1x1x2x128xi32, #tpu.memory_space<hbm>>
    %dma_start3A_23 = tpu.memref_squeeze %dma_start3A_22 : memref<1x1x2x128xi32, #tpu.memory_space<hbm>> -> memref<2x128xi32, #tpu.memory_space<hbm>>
    tpu.enqueue_dma source(%dma_start3A_23 : memref<2x128xi32, #tpu.memory_space<hbm>>) target(%arg7 : memref<2x128xi32, #tpu.memory_space<vmem>>) target_semaphore(%arg15 : memref<!tpu.dma_semaphore, #tpu.memory_space<semaphore_mem>>)
    %dma_start3A_24 = arith.constant 2 : i32
    %dma_start3A_25 = arith.constant 0 : i32
    %dma_start3A_26 = arith.constant 0 : i32
    %dma_start3A_27 = tpu.memref_slice %arg3[%add3A, %dma_start3A_24, %dma_start3A_25, %dma_start3A_26] : memref<32x79x2x128xi32, #tpu.memory_space<hbm>> -> memref<1x1x2x128xi32, #tpu.memory_space<hbm>>
    %dma_start3A_28 = tpu.memref_squeeze %dma_start3A_27 : memref<1x1x2x128xi32, #tpu.memory_space<hbm>> -> memref<2x128xi32, #tpu.memory_space<hbm>>
    %dma_start3A_29 = arith.constant 0 : i32
    %dma_start3A_30 = arith.constant 0 : i32
    %dma_start3A_31 = tpu.memref_slice %arg3[%add3A, %dma_start3A_24, %dma_start3A_29, %dma_start3A_30] : memref<32x79x2x128xi32, #tpu.memory_space<hbm>> -> memref<1x1x2x128xi32, #tpu.memory_space<hbm>>
    %dma_start3A_32 = tpu.memref_squeeze %dma_start3A_31 : memref<1x1x2x128xi32, #tpu.memory_space<hbm>> -> memref<2x128xi32, #tpu.memory_space<hbm>>
    tpu.enqueue_dma source(%dma_start3A_32 : memref<2x128xi32, #tpu.memory_space<hbm>>) target(%arg8 : memref<2x128xi32, #tpu.memory_space<vmem>>) target_semaphore(%arg16 : memref<!tpu.dma_semaphore, #tpu.memory_space<semaphore_mem>>)
    %barrier3A = arith.constant 0 : index
    tpu.barrier barrier_id(%barrier3A)
    %dma_wait3A = arith.constant 0 : i32
    %dma_wait3A_33 = arith.constant 0 : i32
    %dma_wait3A_34 = arith.constant 0 : i32
    %dma_wait3A_35 = tpu.memref_slice %arg3[%add3A, %dma_wait3A, %dma_wait3A_33, %dma_wait3A_34] : memref<32x79x2x128xi32, #tpu.memory_space<hbm>> -> memref<1x1x2x128xi32, #tpu.memory_space<hbm>>
    %dma_wait3A_36 = tpu.memref_squeeze %dma_wait3A_35 : memref<1x1x2x128xi32, #tpu.memory_space<hbm>> -> memref<2x128xi32, #tpu.memory_space<hbm>>
    %dma_wait3A_37 = arith.constant 0 : i32
    %dma_wait3A_38 = arith.constant 0 : i32
    %dma_wait3A_39 = tpu.memref_slice %arg3[%add3A, %dma_wait3A, %dma_wait3A_37, %dma_wait3A_38] : memref<32x79x2x128xi32, #tpu.memory_space<hbm>> -> memref<1x1x2x128xi32, #tpu.memory_space<hbm>>
    %dma_wait3A_40 = tpu.memref_squeeze %dma_wait3A_39 : memref<1x1x2x128xi32, #tpu.memory_space<hbm>> -> memref<2x128xi32, #tpu.memory_space<hbm>>
    tpu.wait_dma2 semaphore(%arg14 : memref<!tpu.dma_semaphore, #tpu.memory_space<semaphore_mem>>) src(%dma_wait3A_40 : memref<2x128xi32, #tpu.memory_space<hbm>>) dst(%arg6 : memref<2x128xi32, #tpu.memory_space<vmem>>)
    %dma_start3A_41 = arith.constant 0 : i32
    %dma_start3A_42 = arith.constant 0 : i32
    %dma_start3A_43 = tpu.memref_slice %arg6[%dma_start3A_41, %dma_start3A_42] : memref<2x128xi32, #tpu.memory_space<vmem>> -> memref<1x128xi32, #tpu.memory_space<vmem>>
    %dma_start3A_44 = tpu.memref_squeeze %dma_start3A_43 : memref<1x128xi32, #tpu.memory_space<vmem>> -> memref<128xi32, #tpu.memory_space<vmem>>
    %dma_start3A_45 = arith.constant 0 : i32
    %dma_start3A_46 = arith.constant 0 : i32
    %dma_start3A_47 = tpu.memref_slice %arg12[%dma_start3A_45, %dma_start3A_46] : memref<10000x64xf32, #tpu.memory_space<vmem_shared>> -> memref<10000x64xf32, #tpu.memory_space<vmem_shared>>
    tpu.enqueue_indirect_dma source(%dma_start3A_47 : memref<10000x64xf32, #tpu.memory_space<vmem_shared>>) target(%arg10 : memref<128x64xf32, #tpu.memory_space<vmem>>) offsets(%dma_start3A_44 : memref<128xi32, #tpu.memory_space<vmem>>) semaphore(%arg18 : memref<!tpu.dma_semaphore, #tpu.memory_space<semaphore_mem>>)
    %scan3A = arith.constant 0 : i32
    %scan3A_48 = arith.constant 0 : i32
    %scan3A_49 = arith.constant 20 : i32
    %scan3A_50 = arith.addi %scan3A_48, %scan3A_49 : i32
    %scan3A_51 = arith.constant 1 : i32
    scf.for %scan3A_61 = %scan3A_48 to %scan3A_50 step %scan3A_51  : i32 {
      %mul3A_62 = arith.constant 4 : i32
      %mul3A_63 = arith.muli %scan3A_61, %mul3A_62 : i32
      %add3A_64 = arith.constant 0 : i32
      %add3A_65 = arith.addi %mul3A_63, %add3A_64 : i32
      %lt3A = arith.constant 79 : i32
      %lt3A_66 = arith.cmpi slt, %add3A_65, %lt3A : i32
      %convert_element_type3A = arith.extui %lt3A_66 : i1 to i32
      %cond3A = arith.constant 0 : i32
      %cond3A_67 = arith.cmpi ne, %convert_element_type3A, %cond3A : i32
      scf.if %cond3A_67 {
        %dma_wait3A_95 = arith.constant 0 : i32
        %dma_wait3A_96 = arith.constant 0 : i32
        %dma_wait3A_97 = tpu.memref_slice %arg6[%dma_wait3A_95, %dma_wait3A_96] : memref<2x128xi32, #tpu.memory_space<vmem>> -> memref<1x128xi32, #tpu.memory_space<vmem>>
        %dma_wait3A_98 = tpu.memref_squeeze %dma_wait3A_97 : memref<1x128xi32, #tpu.memory_space<vmem>> -> memref<128xi32, #tpu.memory_space<vmem>>
        %dma_wait3A_99 = arith.constant 0 : i32
        %dma_wait3A_100 = arith.constant 0 : i32
        %dma_wait3A_101 = tpu.memref_slice %arg12[%dma_wait3A_99, %dma_wait3A_100] : memref<10000x64xf32, #tpu.memory_space<vmem_shared>> -> memref<10000x64xf32, #tpu.memory_space<vmem_shared>>
        tpu.wait_indirect_dma semaphore(%arg18 : memref<!tpu.dma_semaphore, #tpu.memory_space<semaphore_mem>>) src(%dma_wait3A_101 : memref<10000x64xf32, #tpu.memory_space<vmem_shared>>) dst(%arg10 : memref<128x64xf32, #tpu.memory_space<vmem>>)
        %dma_start3A_102 = arith.constant 1 : i32
        %dma_start3A_103 = arith.constant 0 : i32
        %dma_start3A_104 = tpu.memref_slice %arg6[%dma_start3A_102, %dma_start3A_103] : memref<2x128xi32, #tpu.memory_space<vmem>> -> memref<1x128xi32, #tpu.memory_space<vmem>>
        %dma_start3A_105 = tpu.memref_squeeze %dma_start3A_104 : memref<1x128xi32, #tpu.memory_space<vmem>> -> memref<128xi32, #tpu.memory_space<vmem>>
        %dma_start3A_106 = arith.constant 0 : i32
        %dma_start3A_107 = arith.constant 0 : i32
        %dma_start3A_108 = tpu.memref_slice %arg13[%dma_start3A_106, %dma_start3A_107] : memref<10240x64xf32, #tpu.memory_space<vmem_shared>> -> memref<10240x64xf32, #tpu.memory_space<vmem_shared>>
        tpu.enqueue_indirect_dma source(%arg10 : memref<128x64xf32, #tpu.memory_space<vmem>>) target(%dma_start3A_108 : memref<10240x64xf32, #tpu.memory_space<vmem_shared>>) offsets(%dma_start3A_105 : memref<128xi32, #tpu.memory_space<vmem>>) semaphore(%arg20 : memref<!tpu.dma_semaphore, #tpu.memory_space<semaphore_mem>>) {add = true}
        %ge3A = arith.constant 1 : i32
        %ge3A_109 = arith.cmpi sge, %add3A_65, %ge3A : i32
        %convert_element_type3A_110 = arith.extui %ge3A_109 : i1 to i32
        %cond3A_111 = arith.constant 0 : i32
        %cond3A_112 = arith.cmpi ne, %convert_element_type3A_110, %cond3A_111 : i32
        scf.if %cond3A_112 {
          %dma_wait3A_127 = arith.constant 1 : i32
          %dma_wait3A_128 = arith.constant 0 : i32
          %dma_wait3A_129 = tpu.memref_slice %arg9[%dma_wait3A_127, %dma_wait3A_128] : memref<2x128xi32, #tpu.memory_space<vmem>> -> memref<1x128xi32, #tpu.memory_space<vmem>>
          %dma_wait3A_130 = tpu.memref_squeeze %dma_wait3A_129 : memref<1x128xi32, #tpu.memory_space<vmem>> -> memref<128xi32, #tpu.memory_space<vmem>>
          %dma_wait3A_131 = arith.constant 0 : i32
          %dma_wait3A_132 = arith.constant 0 : i32
          %dma_wait3A_133 = tpu.memref_slice %arg13[%dma_wait3A_131, %dma_wait3A_132] : memref<10240x64xf32, #tpu.memory_space<vmem_shared>> -> memref<10240x64xf32, #tpu.memory_space<vmem_shared>>
          tpu.wait_indirect_dma semaphore(%arg21 : memref<!tpu.dma_semaphore, #tpu.memory_space<semaphore_mem>>) src(%arg11 : memref<128x64xf32, #tpu.memory_space<vmem>>) dst(%dma_wait3A_133 : memref<10240x64xf32, #tpu.memory_space<vmem_shared>>)
        } else {
        }
        %add3A_113 = arith.constant 1 : i32
        %add3A_114 = arith.addi %add3A_65, %add3A_113 : i32
        %lt3A_115 = arith.constant 79 : i32
        %lt3A_116 = arith.cmpi slt, %add3A_114, %lt3A_115 : i32
        %convert_element_type3A_117 = arith.extui %lt3A_116 : i1 to i32
        %cond3A_118 = arith.constant 0 : i32
        %cond3A_119 = arith.cmpi ne, %convert_element_type3A_117, %cond3A_118 : i32
        scf.if %cond3A_119 {
          %dma_wait3A_127 = arith.constant 0 : i32
          %dma_wait3A_128 = arith.constant 0 : i32
          %dma_wait3A_129 = arith.constant 0 : i32
          %dma_wait3A_130 = tpu.memref_slice %arg3[%add3A, %dma_wait3A_127, %dma_wait3A_128, %dma_wait3A_129] : memref<32x79x2x128xi32, #tpu.memory_space<hbm>> -> memref<1x1x2x128xi32, #tpu.memory_space<hbm>>
          %dma_wait3A_131 = tpu.memref_squeeze %dma_wait3A_130 : memref<1x1x2x128xi32, #tpu.memory_space<hbm>> -> memref<2x128xi32, #tpu.memory_space<hbm>>
          %dma_wait3A_132 = arith.constant 0 : i32
          %dma_wait3A_133 = arith.constant 0 : i32
          %dma_wait3A_134 = tpu.memref_slice %arg3[%add3A, %dma_wait3A_127, %dma_wait3A_132, %dma_wait3A_133] : memref<32x79x2x128xi32, #tpu.memory_space<hbm>> -> memref<1x1x2x128xi32, #tpu.memory_space<hbm>>
          %dma_wait3A_135 = tpu.memref_squeeze %dma_wait3A_134 : memref<1x1x2x128xi32, #tpu.memory_space<hbm>> -> memref<2x128xi32, #tpu.memory_space<hbm>>
          tpu.wait_dma2 semaphore(%arg15 : memref<!tpu.dma_semaphore, #tpu.memory_space<semaphore_mem>>) src(%dma_wait3A_135 : memref<2x128xi32, #tpu.memory_space<hbm>>) dst(%arg7 : memref<2x128xi32, #tpu.memory_space<vmem>>)
          %add3A_136 = arith.constant 1 : i32
          %add3A_137 = arith.addi %add3A_65, %add3A_136 : i32
          %dma_start3A_138 = arith.constant 0 : i32
          %dma_start3A_139 = arith.constant 0 : i32
          %dma_start3A_140 = tpu.memref_slice %arg7[%dma_start3A_138, %dma_start3A_139] : memref<2x128xi32, #tpu.memory_space<vmem>> -> memref<1x128xi32, #tpu.memory_space<vmem>>
          %dma_start3A_141 = tpu.memref_squeeze %dma_start3A_140 : memref<1x128xi32, #tpu.memory_space<vmem>> -> memref<128xi32, #tpu.memory_space<vmem>>
          %dma_start3A_142 = arith.constant 0 : i32
          %dma_start3A_143 = arith.constant 0 : i32
          %dma_start3A_144 = tpu.memref_slice %arg12[%dma_start3A_142, %dma_start3A_143] : memref<10000x64xf32, #tpu.memory_space<vmem_shared>> -> memref<10000x64xf32, #tpu.memory_space<vmem_shared>>
          tpu.enqueue_indirect_dma source(%dma_start3A_144 : memref<10000x64xf32, #tpu.memory_space<vmem_shared>>) target(%arg11 : memref<128x64xf32, #tpu.memory_space<vmem>>) offsets(%dma_start3A_141 : memref<128xi32, #tpu.memory_space<vmem>>) semaphore(%arg19 : memref<!tpu.dma_semaphore, #tpu.memory_space<semaphore_mem>>)
        } else {
        }
        %add3A_120 = arith.constant 3 : i32
        %add3A_121 = arith.addi %add3A_65, %add3A_120 : i32
        %lt3A_122 = arith.constant 79 : i32
        %lt3A_123 = arith.cmpi slt, %add3A_121, %lt3A_122 : i32
        %convert_element_type3A_124 = arith.extui %lt3A_123 : i1 to i32
        %cond3A_125 = arith.constant 0 : i32
        %cond3A_126 = arith.cmpi ne, %convert_element_type3A_124, %cond3A_125 : i32
        scf.if %cond3A_126 {
          %add3A_127 = arith.constant 3 : i32
          %add3A_128 = arith.addi %add3A_65, %add3A_127 : i32
          %dma_start3A_129 = arith.constant 0 : i32
          %dma_start3A_130 = arith.constant 0 : i32
          %dma_start3A_131 = tpu.memref_slice %arg3[%add3A, %add3A_128, %dma_start3A_129, %dma_start3A_130] : memref<32x79x2x128xi32, #tpu.memory_space<hbm>> -> memref<1x1x2x128xi32, #tpu.memory_space<hbm>>
          %dma_start3A_132 = tpu.memref_squeeze %dma_start3A_131 : memref<1x1x2x128xi32, #tpu.memory_space<hbm>> -> memref<2x128xi32, #tpu.memory_space<hbm>>
          %dma_start3A_133 = arith.constant 0 : i32
          %dma_start3A_134 = arith.constant 0 : i32
          %dma_start3A_135 = tpu.memref_slice %arg3[%add3A, %add3A_128, %dma_start3A_133, %dma_start3A_134] : memref<32x79x2x128xi32, #tpu.memory_space<hbm>> -> memref<1x1x2x128xi32, #tpu.memory_space<hbm>>
          %dma_start3A_136 = tpu.memref_squeeze %dma_start3A_135 : memref<1x1x2x128xi32, #tpu.memory_space<hbm>> -> memref<2x128xi32, #tpu.memory_space<hbm>>
          tpu.enqueue_dma source(%dma_start3A_136 : memref<2x128xi32, #tpu.memory_space<hbm>>) target(%arg9 : memref<2x128xi32, #tpu.memory_space<vmem>>) target_semaphore(%arg17 : memref<!tpu.dma_semaphore, #tpu.memory_space<semaphore_mem>>)
        } else {
        }
      } else {
      }
      %mul3A_68 = arith.constant 4 : i32
      %mul3A_69 = arith.muli %scan3A_61, %mul3A_68 : i32
      %add3A_70 = arith.constant 1 : i32
      %add3A_71 = arith.addi %mul3A_69, %add3A_70 : i32
      %lt3A_72 = arith.constant 79 : i32
      %lt3A_73 = arith.cmpi slt, %add3A_71, %lt3A_72 : i32
      %convert_element_type3A_74 = arith.extui %lt3A_73 : i1 to i32
      %cond3A_75 = arith.constant 0 : i32
      %cond3A_76 = arith.cmpi ne, %convert_element_type3A_74, %cond3A_75 : i32
      scf.if %cond3A_76 {
        %dma_wait3A_95 = arith.constant 0 : i32
        %dma_wait3A_96 = arith.constant 0 : i32
        %dma_wait3A_97 = tpu.memref_slice %arg7[%dma_wait3A_95, %dma_wait3A_96] : memref<2x128xi32, #tpu.memory_space<vmem>> -> memref<1x128xi32, #tpu.memory_space<vmem>>
        %dma_wait3A_98 = tpu.memref_squeeze %dma_wait3A_97 : memref<1x128xi32, #tpu.memory_space<vmem>> -> memref<128xi32, #tpu.memory_space<vmem>>
        %dma_wait3A_99 = arith.constant 0 : i32
        %dma_wait3A_100 = arith.constant 0 : i32
        %dma_wait3A_101 = tpu.memref_slice %arg12[%dma_wait3A_99, %dma_wait3A_100] : memref<10000x64xf32, #tpu.memory_space<vmem_shared>> -> memref<10000x64xf32, #tpu.memory_space<vmem_shared>>
        tpu.wait_indirect_dma semaphore(%arg19 : memref<!tpu.dma_semaphore, #tpu.memory_space<semaphore_mem>>) src(%dma_wait3A_101 : memref<10000x64xf32, #tpu.memory_space<vmem_shared>>) dst(%arg11 : memref<128x64xf32, #tpu.memory_space<vmem>>)
        %dma_start3A_102 = arith.constant 1 : i32
        %dma_start3A_103 = arith.constant 0 : i32
        %dma_start3A_104 = tpu.memref_slice %arg7[%dma_start3A_102, %dma_start3A_103] : memref<2x128xi32, #tpu.memory_space<vmem>> -> memref<1x128xi32, #tpu.memory_space<vmem>>
        %dma_start3A_105 = tpu.memref_squeeze %dma_start3A_104 : memref<1x128xi32, #tpu.memory_space<vmem>> -> memref<128xi32, #tpu.memory_space<vmem>>
        %dma_start3A_106 = arith.constant 0 : i32
        %dma_start3A_107 = arith.constant 0 : i32
        %dma_start3A_108 = tpu.memref_slice %arg13[%dma_start3A_106, %dma_start3A_107] : memref<10240x64xf32, #tpu.memory_space<vmem_shared>> -> memref<10240x64xf32, #tpu.memory_space<vmem_shared>>
        tpu.enqueue_indirect_dma source(%arg11 : memref<128x64xf32, #tpu.memory_space<vmem>>) target(%dma_start3A_108 : memref<10240x64xf32, #tpu.memory_space<vmem_shared>>) offsets(%dma_start3A_105 : memref<128xi32, #tpu.memory_space<vmem>>) semaphore(%arg21 : memref<!tpu.dma_semaphore, #tpu.memory_space<semaphore_mem>>) {add = true}
        %ge3A = arith.constant 1 : i32
        %ge3A_109 = arith.cmpi sge, %add3A_71, %ge3A : i32
        %convert_element_type3A_110 = arith.extui %ge3A_109 : i1 to i32
        %cond3A_111 = arith.constant 0 : i32
        %cond3A_112 = arith.cmpi ne, %convert_element_type3A_110, %cond3A_111 : i32
        scf.if %cond3A_112 {
          %dma_wait3A_127 = arith.constant 1 : i32
          %dma_wait3A_128 = arith.constant 0 : i32
          %dma_wait3A_129 = tpu.memref_slice %arg6[%dma_wait3A_127, %dma_wait3A_128] : memref<2x128xi32, #tpu.memory_space<vmem>> -> memref<1x128xi32, #tpu.memory_space<vmem>>
          %dma_wait3A_130 = tpu.memref_squeeze %dma_wait3A_129 : memref<1x128xi32, #tpu.memory_space<vmem>> -> memref<128xi32, #tpu.memory_space<vmem>>
          %dma_wait3A_131 = arith.constant 0 : i32
          %dma_wait3A_132 = arith.constant 0 : i32
          %dma_wait3A_133 = tpu.memref_slice %arg13[%dma_wait3A_131, %dma_wait3A_132] : memref<10240x64xf32, #tpu.memory_space<vmem_shared>> -> memref<10240x64xf32, #tpu.memory_space<vmem_shared>>
          tpu.wait_indirect_dma semaphore(%arg20 : memref<!tpu.dma_semaphore, #tpu.memory_space<semaphore_mem>>) src(%arg10 : memref<128x64xf32, #tpu.memory_space<vmem>>) dst(%dma_wait3A_133 : memref<10240x64xf32, #tpu.memory_space<vmem_shared>>)
        } else {
        }
        %add3A_113 = arith.constant 1 : i32
        %add3A_114 = arith.addi %add3A_71, %add3A_113 : i32
        %lt3A_115 = arith.constant 79 : i32
        %lt3A_116 = arith.cmpi slt, %add3A_114, %lt3A_115 : i32
        %convert_element_type3A_117 = arith.extui %lt3A_116 : i1 to i32
        %cond3A_118 = arith.constant 0 : i32
        %cond3A_119 = arith.cmpi ne, %convert_element_type3A_117, %cond3A_118 : i32
        scf.if %cond3A_119 {
          %dma_wait3A_127 = arith.constant 0 : i32
          %dma_wait3A_128 = arith.constant 0 : i32
          %dma_wait3A_129 = arith.constant 0 : i32
          %dma_wait3A_130 = tpu.memref_slice %arg3[%add3A, %dma_wait3A_127, %dma_wait3A_128, %dma_wait3A_129] : memref<32x79x2x128xi32, #tpu.memory_space<hbm>> -> memref<1x1x2x128xi32, #tpu.memory_space<hbm>>
          %dma_wait3A_131 = tpu.memref_squeeze %dma_wait3A_130 : memref<1x1x2x128xi32, #tpu.memory_space<hbm>> -> memref<2x128xi32, #tpu.memory_space<hbm>>
          %dma_wait3A_132 = arith.constant 0 : i32
          %dma_wait3A_133 = arith.constant 0 : i32
          %dma_wait3A_134 = tpu.memref_slice %arg3[%add3A, %dma_wait3A_127, %dma_wait3A_132, %dma_wait3A_133] : memref<32x79x2x128xi32, #tpu.memory_space<hbm>> -> memref<1x1x2x128xi32, #tpu.memory_space<hbm>>
          %dma_wait3A_135 = tpu.memref_squeeze %dma_wait3A_134 : memref<1x1x2x128xi32, #tpu.memory_space<hbm>> -> memref<2x128xi32, #tpu.memory_space<hbm>>
          tpu.wait_dma2 semaphore(%arg16 : memref<!tpu.dma_semaphore, #tpu.memory_space<semaphore_mem>>) src(%dma_wait3A_135 : memref<2x128xi32, #tpu.memory_space<hbm>>) dst(%arg8 : memref<2x128xi32, #tpu.memory_space<vmem>>)
          %add3A_136 = arith.constant 1 : i32
          %add3A_137 = arith.addi %add3A_71, %add3A_136 : i32
          %dma_start3A_138 = arith.constant 0 : i32
          %dma_start3A_139 = arith.constant 0 : i32
          %dma_start3A_140 = tpu.memref_slice %arg8[%dma_start3A_138, %dma_start3A_139] : memref<2x128xi32, #tpu.memory_space<vmem>> -> memref<1x128xi32, #tpu.memory_space<vmem>>
          %dma_start3A_141 = tpu.memref_squeeze %dma_start3A_140 : memref<1x128xi32, #tpu.memory_space<vmem>> -> memref<128xi32, #tpu.memory_space<vmem>>
          %dma_start3A_142 = arith.constant 0 : i32
          %dma_start3A_143 = arith.constant 0 : i32
          %dma_start3A_144 = tpu.memref_slice %arg12[%dma_start3A_142, %dma_start3A_143] : memref<10000x64xf32, #tpu.memory_space<vmem_shared>> -> memref<10000x64xf32, #tpu.memory_space<vmem_shared>>
          tpu.enqueue_indirect_dma source(%dma_start3A_144 : memref<10000x64xf32, #tpu.memory_space<vmem_shared>>) target(%arg10 : memref<128x64xf32, #tpu.memory_space<vmem>>) offsets(%dma_start3A_141 : memref<128xi32, #tpu.memory_space<vmem>>) semaphore(%arg18 : memref<!tpu.dma_semaphore, #tpu.memory_space<semaphore_mem>>)
        } else {
        }
        %add3A_120 = arith.constant 3 : i32
        %add3A_121 = arith.addi %add3A_71, %add3A_120 : i32
        %lt3A_122 = arith.constant 79 : i32
        %lt3A_123 = arith.cmpi slt, %add3A_121, %lt3A_122 : i32
        %convert_element_type3A_124 = arith.extui %lt3A_123 : i1 to i32
        %cond3A_125 = arith.constant 0 : i32
        %cond3A_126 = arith.cmpi ne, %convert_element_type3A_124, %cond3A_125 : i32
        scf.if %cond3A_126 {
          %add3A_127 = arith.constant 3 : i32
          %add3A_128 = arith.addi %add3A_71, %add3A_127 : i32
          %dma_start3A_129 = arith.constant 0 : i32
          %dma_start3A_130 = arith.constant 0 : i32
          %dma_start3A_131 = tpu.memref_slice %arg3[%add3A, %add3A_128, %dma_start3A_129, %dma_start3A_130] : memref<32x79x2x128xi32, #tpu.memory_space<hbm>> -> memref<1x1x2x128xi32, #tpu.memory_space<hbm>>
          %dma_start3A_132 = tpu.memref_squeeze %dma_start3A_131 : memref<1x1x2x128xi32, #tpu.memory_space<hbm>> -> memref<2x128xi32, #tpu.memory_space<hbm>>
          %dma_start3A_133 = arith.constant 0 : i32
          %dma_start3A_134 = arith.constant 0 : i32
          %dma_start3A_135 = tpu.memref_slice %arg3[%add3A, %add3A_128, %dma_start3A_133, %dma_start3A_134] : memref<32x79x2x128xi32, #tpu.memory_space<hbm>> -> memref<1x1x2x128xi32, #tpu.memory_space<hbm>>
          %dma_start3A_136 = tpu.memref_squeeze %dma_start3A_135 : memref<1x1x2x128xi32, #tpu.memory_space<hbm>> -> memref<2x128xi32, #tpu.memory_space<hbm>>
          tpu.enqueue_dma source(%dma_start3A_136 : memref<2x128xi32, #tpu.memory_space<hbm>>) target(%arg6 : memref<2x128xi32, #tpu.memory_space<vmem>>) target_semaphore(%arg14 : memref<!tpu.dma_semaphore, #tpu.memory_space<semaphore_mem>>)
        } else {
        }
      } else {
      }
      %mul3A_77 = arith.constant 4 : i32
      %mul3A_78 = arith.muli %scan3A_61, %mul3A_77 : i32
      %add3A_79 = arith.constant 2 : i32
      %add3A_80 = arith.addi %mul3A_78, %add3A_79 : i32
      %lt3A_81 = arith.constant 79 : i32
      %lt3A_82 = arith.cmpi slt, %add3A_80, %lt3A_81 : i32
      %convert_element_type3A_83 = arith.extui %lt3A_82 : i1 to i32
      %cond3A_84 = arith.constant 0 : i32
      %cond3A_85 = arith.cmpi ne, %convert_element_type3A_83, %cond3A_84 : i32
      scf.if %cond3A_85 {
        %dma_wait3A_95 = arith.constant 0 : i32
        %dma_wait3A_96 = arith.constant 0 : i32
        %dma_wait3A_97 = tpu.memref_slice %arg8[%dma_wait3A_95, %dma_wait3A_96] : memref<2x128xi32, #tpu.memory_space<vmem>> -> memref<1x128xi32, #tpu.memory_space<vmem>>
        %dma_wait3A_98 = tpu.memref_squeeze %dma_wait3A_97 : memref<1x128xi32, #tpu.memory_space<vmem>> -> memref<128xi32, #tpu.memory_space<vmem>>
        %dma_wait3A_99 = arith.constant 0 : i32
        %dma_wait3A_100 = arith.constant 0 : i32
        %dma_wait3A_101 = tpu.memref_slice %arg12[%dma_wait3A_99, %dma_wait3A_100] : memref<10000x64xf32, #tpu.memory_space<vmem_shared>> -> memref<10000x64xf32, #tpu.memory_space<vmem_shared>>
        tpu.wait_indirect_dma semaphore(%arg18 : memref<!tpu.dma_semaphore, #tpu.memory_space<semaphore_mem>>) src(%dma_wait3A_101 : memref<10000x64xf32, #tpu.memory_space<vmem_shared>>) dst(%arg10 : memref<128x64xf32, #tpu.memory_space<vmem>>)
        %dma_start3A_102 = arith.constant 1 : i32
        %dma_start3A_103 = arith.constant 0 : i32
        %dma_start3A_104 = tpu.memref_slice %arg8[%dma_start3A_102, %dma_start3A_103] : memref<2x128xi32, #tpu.memory_space<vmem>> -> memref<1x128xi32, #tpu.memory_space<vmem>>
        %dma_start3A_105 = tpu.memref_squeeze %dma_start3A_104 : memref<1x128xi32, #tpu.memory_space<vmem>> -> memref<128xi32, #tpu.memory_space<vmem>>
        %dma_start3A_106 = arith.constant 0 : i32
        %dma_start3A_107 = arith.constant 0 : i32
        %dma_start3A_108 = tpu.memref_slice %arg13[%dma_start3A_106, %dma_start3A_107] : memref<10240x64xf32, #tpu.memory_space<vmem_shared>> -> memref<10240x64xf32, #tpu.memory_space<vmem_shared>>
        tpu.enqueue_indirect_dma source(%arg10 : memref<128x64xf32, #tpu.memory_space<vmem>>) target(%dma_start3A_108 : memref<10240x64xf32, #tpu.memory_space<vmem_shared>>) offsets(%dma_start3A_105 : memref<128xi32, #tpu.memory_space<vmem>>) semaphore(%arg20 : memref<!tpu.dma_semaphore, #tpu.memory_space<semaphore_mem>>) {add = true}
        %ge3A = arith.constant 1 : i32
        %ge3A_109 = arith.cmpi sge, %add3A_80, %ge3A : i32
        %convert_element_type3A_110 = arith.extui %ge3A_109 : i1 to i32
        %cond3A_111 = arith.constant 0 : i32
        %cond3A_112 = arith.cmpi ne, %convert_element_type3A_110, %cond3A_111 : i32
        scf.if %cond3A_112 {
          %dma_wait3A_127 = arith.constant 1 : i32
          %dma_wait3A_128 = arith.constant 0 : i32
          %dma_wait3A_129 = tpu.memref_slice %arg7[%dma_wait3A_127, %dma_wait3A_128] : memref<2x128xi32, #tpu.memory_space<vmem>> -> memref<1x128xi32, #tpu.memory_space<vmem>>
          %dma_wait3A_130 = tpu.memref_squeeze %dma_wait3A_129 : memref<1x128xi32, #tpu.memory_space<vmem>> -> memref<128xi32, #tpu.memory_space<vmem>>
          %dma_wait3A_131 = arith.constant 0 : i32
          %dma_wait3A_132 = arith.constant 0 : i32
          %dma_wait3A_133 = tpu.memref_slice %arg13[%dma_wait3A_131, %dma_wait3A_132] : memref<10240x64xf32, #tpu.memory_space<vmem_shared>> -> memref<10240x64xf32, #tpu.memory_space<vmem_shared>>
          tpu.wait_indirect_dma semaphore(%arg21 : memref<!tpu.dma_semaphore, #tpu.memory_space<semaphore_mem>>) src(%arg11 : memref<128x64xf32, #tpu.memory_space<vmem>>) dst(%dma_wait3A_133 : memref<10240x64xf32, #tpu.memory_space<vmem_shared>>)
        } else {
        }
        %add3A_113 = arith.constant 1 : i32
        %add3A_114 = arith.addi %add3A_80, %add3A_113 : i32
        %lt3A_115 = arith.constant 79 : i32
        %lt3A_116 = arith.cmpi slt, %add3A_114, %lt3A_115 : i32
        %convert_element_type3A_117 = arith.extui %lt3A_116 : i1 to i32
        %cond3A_118 = arith.constant 0 : i32
        %cond3A_119 = arith.cmpi ne, %convert_element_type3A_117, %cond3A_118 : i32
        scf.if %cond3A_119 {
          %dma_wait3A_127 = arith.constant 0 : i32
          %dma_wait3A_128 = arith.constant 0 : i32
          %dma_wait3A_129 = arith.constant 0 : i32
          %dma_wait3A_130 = tpu.memref_slice %arg3[%add3A, %dma_wait3A_127, %dma_wait3A_128, %dma_wait3A_129] : memref<32x79x2x128xi32, #tpu.memory_space<hbm>> -> memref<1x1x2x128xi32, #tpu.memory_space<hbm>>
          %dma_wait3A_131 = tpu.memref_squeeze %dma_wait3A_130 : memref<1x1x2x128xi32, #tpu.memory_space<hbm>> -> memref<2x128xi32, #tpu.memory_space<hbm>>
          %dma_wait3A_132 = arith.constant 0 : i32
          %dma_wait3A_133 = arith.constant 0 : i32
          %dma_wait3A_134 = tpu.memref_slice %arg3[%add3A, %dma_wait3A_127, %dma_wait3A_132, %dma_wait3A_133] : memref<32x79x2x128xi32, #tpu.memory_space<hbm>> -> memref<1x1x2x128xi32, #tpu.memory_space<hbm>>
          %dma_wait3A_135 = tpu.memref_squeeze %dma_wait3A_134 : memref<1x1x2x128xi32, #tpu.memory_space<hbm>> -> memref<2x128xi32, #tpu.memory_space<hbm>>
          tpu.wait_dma2 semaphore(%arg17 : memref<!tpu.dma_semaphore, #tpu.memory_space<semaphore_mem>>) src(%dma_wait3A_135 : memref<2x128xi32, #tpu.memory_space<hbm>>) dst(%arg9 : memref<2x128xi32, #tpu.memory_space<vmem>>)
          %add3A_136 = arith.constant 1 : i32
          %add3A_137 = arith.addi %add3A_80, %add3A_136 : i32
          %dma_start3A_138 = arith.constant 0 : i32
          %dma_start3A_139 = arith.constant 0 : i32
          %dma_start3A_140 = tpu.memref_slice %arg9[%dma_start3A_138, %dma_start3A_139] : memref<2x128xi32, #tpu.memory_space<vmem>> -> memref<1x128xi32, #tpu.memory_space<vmem>>
          %dma_start3A_141 = tpu.memref_squeeze %dma_start3A_140 : memref<1x128xi32, #tpu.memory_space<vmem>> -> memref<128xi32, #tpu.memory_space<vmem>>
          %dma_start3A_142 = arith.constant 0 : i32
          %dma_start3A_143 = arith.constant 0 : i32
          %dma_start3A_144 = tpu.memref_slice %arg12[%dma_start3A_142, %dma_start3A_143] : memref<10000x64xf32, #tpu.memory_space<vmem_shared>> -> memref<10000x64xf32, #tpu.memory_space<vmem_shared>>
          tpu.enqueue_indirect_dma source(%dma_start3A_144 : memref<10000x64xf32, #tpu.memory_space<vmem_shared>>) target(%arg11 : memref<128x64xf32, #tpu.memory_space<vmem>>) offsets(%dma_start3A_141 : memref<128xi32, #tpu.memory_space<vmem>>) semaphore(%arg19 : memref<!tpu.dma_semaphore, #tpu.memory_space<semaphore_mem>>)
        } else {
        }
        %add3A_120 = arith.constant 3 : i32
        %add3A_121 = arith.addi %add3A_80, %add3A_120 : i32
        %lt3A_122 = arith.constant 79 : i32
        %lt3A_123 = arith.cmpi slt, %add3A_121, %lt3A_122 : i32
        %convert_element_type3A_124 = arith.extui %lt3A_123 : i1 to i32
        %cond3A_125 = arith.constant 0 : i32
        %cond3A_126 = arith.cmpi ne, %convert_element_type3A_124, %cond3A_125 : i32
        scf.if %cond3A_126 {
          %add3A_127 = arith.constant 3 : i32
          %add3A_128 = arith.addi %add3A_80, %add3A_127 : i32
          %dma_start3A_129 = arith.constant 0 : i32
          %dma_start3A_130 = arith.constant 0 : i32
          %dma_start3A_131 = tpu.memref_slice %arg3[%add3A, %add3A_128, %dma_start3A_129, %dma_start3A_130] : memref<32x79x2x128xi32, #tpu.memory_space<hbm>> -> memref<1x1x2x128xi32, #tpu.memory_space<hbm>>
          %dma_start3A_132 = tpu.memref_squeeze %dma_start3A_131 : memref<1x1x2x128xi32, #tpu.memory_space<hbm>> -> memref<2x128xi32, #tpu.memory_space<hbm>>
          %dma_start3A_133 = arith.constant 0 : i32
          %dma_start3A_134 = arith.constant 0 : i32
          %dma_start3A_135 = tpu.memref_slice %arg3[%add3A, %add3A_128, %dma_start3A_133, %dma_start3A_134] : memref<32x79x2x128xi32, #tpu.memory_space<hbm>> -> memref<1x1x2x128xi32, #tpu.memory_space<hbm>>
          %dma_start3A_136 = tpu.memref_squeeze %dma_start3A_135 : memref<1x1x2x128xi32, #tpu.memory_space<hbm>> -> memref<2x128xi32, #tpu.memory_space<hbm>>
          tpu.enqueue_dma source(%dma_start3A_136 : memref<2x128xi32, #tpu.memory_space<hbm>>) target(%arg7 : memref<2x128xi32, #tpu.memory_space<vmem>>) target_semaphore(%arg15 : memref<!tpu.dma_semaphore, #tpu.memory_space<semaphore_mem>>)
        } else {
        }
      } else {
      }
      %mul3A_86 = arith.constant 4 : i32
      %mul3A_87 = arith.muli %scan3A_61, %mul3A_86 : i32
      %add3A_88 = arith.constant 3 : i32
      %add3A_89 = arith.addi %mul3A_87, %add3A_88 : i32
      %lt3A_90 = arith.constant 79 : i32
      %lt3A_91 = arith.cmpi slt, %add3A_89, %lt3A_90 : i32
      %convert_element_type3A_92 = arith.extui %lt3A_91 : i1 to i32
      %cond3A_93 = arith.constant 0 : i32
      %cond3A_94 = arith.cmpi ne, %convert_element_type3A_92, %cond3A_93 : i32
      scf.if %cond3A_94 {
        %dma_wait3A_95 = arith.constant 0 : i32
        %dma_wait3A_96 = arith.constant 0 : i32
        %dma_wait3A_97 = tpu.memref_slice %arg9[%dma_wait3A_95, %dma_wait3A_96] : memref<2x128xi32, #tpu.memory_space<vmem>> -> memref<1x128xi32, #tpu.memory_space<vmem>>
        %dma_wait3A_98 = tpu.memref_squeeze %dma_wait3A_97 : memref<1x128xi32, #tpu.memory_space<vmem>> -> memref<128xi32, #tpu.memory_space<vmem>>
        %dma_wait3A_99 = arith.constant 0 : i32
        %dma_wait3A_100 = arith.constant 0 : i32
        %dma_wait3A_101 = tpu.memref_slice %arg12[%dma_wait3A_99, %dma_wait3A_100] : memref<10000x64xf32, #tpu.memory_space<vmem_shared>> -> memref<10000x64xf32, #tpu.memory_space<vmem_shared>>
        tpu.wait_indirect_dma semaphore(%arg19 : memref<!tpu.dma_semaphore, #tpu.memory_space<semaphore_mem>>) src(%dma_wait3A_101 : memref<10000x64xf32, #tpu.memory_space<vmem_shared>>) dst(%arg11 : memref<128x64xf32, #tpu.memory_space<vmem>>)
        %dma_start3A_102 = arith.constant 1 : i32
        %dma_start3A_103 = arith.constant 0 : i32
        %dma_start3A_104 = tpu.memref_slice %arg9[%dma_start3A_102, %dma_start3A_103] : memref<2x128xi32, #tpu.memory_space<vmem>> -> memref<1x128xi32, #tpu.memory_space<vmem>>
        %dma_start3A_105 = tpu.memref_squeeze %dma_start3A_104 : memref<1x128xi32, #tpu.memory_space<vmem>> -> memref<128xi32, #tpu.memory_space<vmem>>
        %dma_start3A_106 = arith.constant 0 : i32
        %dma_start3A_107 = arith.constant 0 : i32
        %dma_start3A_108 = tpu.memref_slice %arg13[%dma_start3A_106, %dma_start3A_107] : memref<10240x64xf32, #tpu.memory_space<vmem_shared>> -> memref<10240x64xf32, #tpu.memory_space<vmem_shared>>
        tpu.enqueue_indirect_dma source(%arg11 : memref<128x64xf32, #tpu.memory_space<vmem>>) target(%dma_start3A_108 : memref<10240x64xf32, #tpu.memory_space<vmem_shared>>) offsets(%dma_start3A_105 : memref<128xi32, #tpu.memory_space<vmem>>) semaphore(%arg21 : memref<!tpu.dma_semaphore, #tpu.memory_space<semaphore_mem>>) {add = true}
        %ge3A = arith.constant 1 : i32
        %ge3A_109 = arith.cmpi sge, %add3A_89, %ge3A : i32
        %convert_element_type3A_110 = arith.extui %ge3A_109 : i1 to i32
        %cond3A_111 = arith.constant 0 : i32
        %cond3A_112 = arith.cmpi ne, %convert_element_type3A_110, %cond3A_111 : i32
        scf.if %cond3A_112 {
          %dma_wait3A_127 = arith.constant 1 : i32
          %dma_wait3A_128 = arith.constant 0 : i32
          %dma_wait3A_129 = tpu.memref_slice %arg8[%dma_wait3A_127, %dma_wait3A_128] : memref<2x128xi32, #tpu.memory_space<vmem>> -> memref<1x128xi32, #tpu.memory_space<vmem>>
          %dma_wait3A_130 = tpu.memref_squeeze %dma_wait3A_129 : memref<1x128xi32, #tpu.memory_space<vmem>> -> memref<128xi32, #tpu.memory_space<vmem>>
          %dma_wait3A_131 = arith.constant 0 : i32
          %dma_wait3A_132 = arith.constant 0 : i32
          %dma_wait3A_133 = tpu.memref_slice %arg13[%dma_wait3A_131, %dma_wait3A_132] : memref<10240x64xf32, #tpu.memory_space<vmem_shared>> -> memref<10240x64xf32, #tpu.memory_space<vmem_shared>>
          tpu.wait_indirect_dma semaphore(%arg20 : memref<!tpu.dma_semaphore, #tpu.memory_space<semaphore_mem>>) src(%arg10 : memref<128x64xf32, #tpu.memory_space<vmem>>) dst(%dma_wait3A_133 : memref<10240x64xf32, #tpu.memory_space<vmem_shared>>)
        } else {
        }
        %add3A_113 = arith.constant 1 : i32
        %add3A_114 = arith.addi %add3A_89, %add3A_113 : i32
        %lt3A_115 = arith.constant 79 : i32
        %lt3A_116 = arith.cmpi slt, %add3A_114, %lt3A_115 : i32
        %convert_element_type3A_117 = arith.extui %lt3A_116 : i1 to i32
        %cond3A_118 = arith.constant 0 : i32
        %cond3A_119 = arith.cmpi ne, %convert_element_type3A_117, %cond3A_118 : i32
        scf.if %cond3A_119 {
          %dma_wait3A_127 = arith.constant 0 : i32
          %dma_wait3A_128 = arith.constant 0 : i32
          %dma_wait3A_129 = arith.constant 0 : i32
          %dma_wait3A_130 = tpu.memref_slice %arg3[%add3A, %dma_wait3A_127, %dma_wait3A_128, %dma_wait3A_129] : memref<32x79x2x128xi32, #tpu.memory_space<hbm>> -> memref<1x1x2x128xi32, #tpu.memory_space<hbm>>
          %dma_wait3A_131 = tpu.memref_squeeze %dma_wait3A_130 : memref<1x1x2x128xi32, #tpu.memory_space<hbm>> -> memref<2x128xi32, #tpu.memory_space<hbm>>
          %dma_wait3A_132 = arith.constant 0 : i32
          %dma_wait3A_133 = arith.constant 0 : i32
          %dma_wait3A_134 = tpu.memref_slice %arg3[%add3A, %dma_wait3A_127, %dma_wait3A_132, %dma_wait3A_133] : memref<32x79x2x128xi32, #tpu.memory_space<hbm>> -> memref<1x1x2x128xi32, #tpu.memory_space<hbm>>
          %dma_wait3A_135 = tpu.memref_squeeze %dma_wait3A_134 : memref<1x1x2x128xi32, #tpu.memory_space<hbm>> -> memref<2x128xi32, #tpu.memory_space<hbm>>
          tpu.wait_dma2 semaphore(%arg14 : memref<!tpu.dma_semaphore, #tpu.memory_space<semaphore_mem>>) src(%dma_wait3A_135 : memref<2x128xi32, #tpu.memory_space<hbm>>) dst(%arg6 : memref<2x128xi32, #tpu.memory_space<vmem>>)
          %add3A_136 = arith.constant 1 : i32
          %add3A_137 = arith.addi %add3A_89, %add3A_136 : i32
          %dma_start3A_138 = arith.constant 0 : i32
          %dma_start3A_139 = arith.constant 0 : i32
          %dma_start3A_140 = tpu.memref_slice %arg6[%dma_start3A_138, %dma_start3A_139] : memref<2x128xi32, #tpu.memory_space<vmem>> -> memref<1x128xi32, #tpu.memory_space<vmem>>
          %dma_start3A_141 = tpu.memref_squeeze %dma_start3A_140 : memref<1x128xi32, #tpu.memory_space<vmem>> -> memref<128xi32, #tpu.memory_space<vmem>>
          %dma_start3A_142 = arith.constant 0 : i32
          %dma_start3A_143 = arith.constant 0 : i32
          %dma_start3A_144 = tpu.memref_slice %arg12[%dma_start3A_142, %dma_start3A_143] : memref<10000x64xf32, #tpu.memory_space<vmem_shared>> -> memref<10000x64xf32, #tpu.memory_space<vmem_shared>>
          tpu.enqueue_indirect_dma source(%dma_start3A_144 : memref<10000x64xf32, #tpu.memory_space<vmem_shared>>) target(%arg10 : memref<128x64xf32, #tpu.memory_space<vmem>>) offsets(%dma_start3A_141 : memref<128xi32, #tpu.memory_space<vmem>>) semaphore(%arg18 : memref<!tpu.dma_semaphore, #tpu.memory_space<semaphore_mem>>)
        } else {
        }
        %add3A_120 = arith.constant 3 : i32
        %add3A_121 = arith.addi %add3A_89, %add3A_120 : i32
        %lt3A_122 = arith.constant 79 : i32
        %lt3A_123 = arith.cmpi slt, %add3A_121, %lt3A_122 : i32
        %convert_element_type3A_124 = arith.extui %lt3A_123 : i1 to i32
        %cond3A_125 = arith.constant 0 : i32
        %cond3A_126 = arith.cmpi ne, %convert_element_type3A_124, %cond3A_125 : i32
        scf.if %cond3A_126 {
          %add3A_127 = arith.constant 3 : i32
          %add3A_128 = arith.addi %add3A_89, %add3A_127 : i32
          %dma_start3A_129 = arith.constant 0 : i32
          %dma_start3A_130 = arith.constant 0 : i32
          %dma_start3A_131 = tpu.memref_slice %arg3[%add3A, %add3A_128, %dma_start3A_129, %dma_start3A_130] : memref<32x79x2x128xi32, #tpu.memory_space<hbm>> -> memref<1x1x2x128xi32, #tpu.memory_space<hbm>>
          %dma_start3A_132 = tpu.memref_squeeze %dma_start3A_131 : memref<1x1x2x128xi32, #tpu.memory_space<hbm>> -> memref<2x128xi32, #tpu.memory_space<hbm>>
          %dma_start3A_133 = arith.constant 0 : i32
          %dma_start3A_134 = arith.constant 0 : i32
          %dma_start3A_135 = tpu.memref_slice %arg3[%add3A, %add3A_128, %dma_start3A_133, %dma_start3A_134] : memref<32x79x2x128xi32, #tpu.memory_space<hbm>> -> memref<1x1x2x128xi32, #tpu.memory_space<hbm>>
          %dma_start3A_136 = tpu.memref_squeeze %dma_start3A_135 : memref<1x1x2x128xi32, #tpu.memory_space<hbm>> -> memref<2x128xi32, #tpu.memory_space<hbm>>
          tpu.enqueue_dma source(%dma_start3A_136 : memref<2x128xi32, #tpu.memory_space<hbm>>) target(%arg8 : memref<2x128xi32, #tpu.memory_space<vmem>>) target_semaphore(%arg16 : memref<!tpu.dma_semaphore, #tpu.memory_space<semaphore_mem>>)
        } else {
        }
      } else {
      }
    }
    %scan3A_52 = arith.constant 20 : i32
    %dma_wait3A_53 = arith.constant 1 : i32
    %dma_wait3A_54 = arith.constant 0 : i32
    %dma_wait3A_55 = tpu.memref_slice %arg8[%dma_wait3A_53, %dma_wait3A_54] : memref<2x128xi32, #tpu.memory_space<vmem>> -> memref<1x128xi32, #tpu.memory_space<vmem>>
    %dma_wait3A_56 = tpu.memref_squeeze %dma_wait3A_55 : memref<1x128xi32, #tpu.memory_space<vmem>> -> memref<128xi32, #tpu.memory_space<vmem>>
    %dma_wait3A_57 = arith.constant 0 : i32
    %dma_wait3A_58 = arith.constant 0 : i32
    %dma_wait3A_59 = tpu.memref_slice %arg13[%dma_wait3A_57, %dma_wait3A_58] : memref<10240x64xf32, #tpu.memory_space<vmem_shared>> -> memref<10240x64xf32, #tpu.memory_space<vmem_shared>>
    tpu.wait_indirect_dma semaphore(%arg20 : memref<!tpu.dma_semaphore, #tpu.memory_space<semaphore_mem>>) src(%arg10 : memref<128x64xf32, #tpu.memory_space<vmem>>) dst(%dma_wait3A_59 : memref<10240x64xf32, #tpu.memory_space<vmem_shared>>)
    %barrier3A_60 = arith.constant 0 : index
    tpu.barrier barrier_id(%barrier3A_60)
    "tpu.region"() ({
      %run_scoped3A = tpu.sem_alloc : memref<!tpu.dma_semaphore, #tpu.memory_space<semaphore_mem>>
      %dma_start3A_61 = arith.constant 0 : i32
      %dma_start3A_62 = tpu.memref_slice %arg5[%arg0, %mul3A_2, %dma_start3A_61] : memref<2x10240x64xf32, #tpu.memory_space<hbm>> -> memref<1x640x64xf32, #tpu.memory_space<hbm>>
      %dma_start3A_63 = tpu.memref_squeeze %dma_start3A_62 : memref<1x640x64xf32, #tpu.memory_space<hbm>> -> memref<640x64xf32, #tpu.memory_space<hbm>>
      %dma_start3A_64 = arith.constant 0 : i32
      %dma_start3A_65 = tpu.memref_slice %arg13[%mul3A_2, %dma_start3A_64] : memref<10240x64xf32, #tpu.memory_space<vmem_shared>> -> memref<640x64xf32, #tpu.memory_space<vmem_shared>>
      tpu.enqueue_dma source(%dma_start3A_65 : memref<640x64xf32, #tpu.memory_space<vmem_shared>>) target(%dma_start3A_63 : memref<640x64xf32, #tpu.memory_space<hbm>>) target_semaphore(%run_scoped3A : memref<!tpu.dma_semaphore, #tpu.memory_space<semaphore_mem>>)
      %dma_wait3A_66 = arith.constant 0 : i32
      %dma_wait3A_67 = tpu.memref_slice %arg5[%arg0, %mul3A_2, %dma_wait3A_66] : memref<2x10240x64xf32, #tpu.memory_space<hbm>> -> memref<1x640x64xf32, #tpu.memory_space<hbm>>
      %dma_wait3A_68 = tpu.memref_squeeze %dma_wait3A_67 : memref<1x640x64xf32, #tpu.memory_space<hbm>> -> memref<640x64xf32, #tpu.memory_space<hbm>>
      %dma_wait3A_69 = arith.constant 0 : i32
      %dma_wait3A_70 = tpu.memref_slice %arg13[%mul3A_2, %dma_wait3A_69] : memref<10240x64xf32, #tpu.memory_space<vmem_shared>> -> memref<640x64xf32, #tpu.memory_space<vmem_shared>>
      tpu.wait_dma2 semaphore(%run_scoped3A : memref<!tpu.dma_semaphore, #tpu.memory_space<semaphore_mem>>) src(%dma_wait3A_70 : memref<640x64xf32, #tpu.memory_space<vmem_shared>>) dst(%dma_wait3A_68 : memref<640x64xf32, #tpu.memory_space<hbm>>)
      tpu.yield
    }) : () -> ()
    return
  }
}

#map = affine_map<(d0, d1) -> (0, 0)>
#map1 = affine_map<(d0, d1) -> (0, 0, 0, 0)>
#map2 = affine_map<(d0, d1) -> (0, 0, 0)>
module attributes {stable_mosaic.version = 14 : i64} {
  func.func @body(%arg0: i32, %arg1: i32, %arg2: memref<10000x32xf32, #tpu.memory_space<hbm>>, %arg3: memref<32x79x2x128xi32, #tpu.memory_space<hbm>>, %arg4: memref<10240x32xf32, #tpu.memory_space<hbm>>, %arg5: memref<2x10240x32xf32, #tpu.memory_space<hbm>>, %arg6: memref<2x128xi32, #tpu.memory_space<vmem>>, %arg7: memref<2x128xi32, #tpu.memory_space<vmem>>, %arg8: memref<2x128xi32, #tpu.memory_space<vmem>>, %arg9: memref<2x128xi32, #tpu.memory_space<vmem>>, %arg10: memref<128x32xf32, #tpu.memory_space<vmem>>, %arg11: memref<128x32xf32, #tpu.memory_space<vmem>>, %arg12: memref<128x32xf32, #tpu.memory_space<vmem>>, %arg13: memref<128x32xf32, #tpu.memory_space<vmem>>, %arg14: memref<10000x32xf32, #tpu.memory_space<vmem_shared>>, %arg15: memref<10240x32xf32, #tpu.memory_space<vmem_shared>>, %arg16: memref<!tpu.dma_semaphore, #tpu.memory_space<semaphore_mem>>, %arg17: memref<!tpu.dma_semaphore, #tpu.memory_space<semaphore_mem>>, %arg18: memref<!tpu.dma_semaphore, #tpu.memory_space<semaphore_mem>>, %arg19: memref<!tpu.dma_semaphore, #tpu.memory_space<semaphore_mem>>, %arg20: memref<!tpu.dma_semaphore, #tpu.memory_space<semaphore_mem>>, %arg21: memref<!tpu.dma_semaphore, #tpu.memory_space<semaphore_mem>>, %arg22: memref<!tpu.dma_semaphore, #tpu.memory_space<semaphore_mem>>, %arg23: memref<!tpu.dma_semaphore, #tpu.memory_space<semaphore_mem>>, %arg24: memref<!tpu.dma_semaphore, #tpu.memory_space<semaphore_mem>>, %arg25: memref<!tpu.dma_semaphore, #tpu.memory_space<semaphore_mem>>, %arg26: memref<!tpu.dma_semaphore, #tpu.memory_space<semaphore_mem>>, %arg27: memref<!tpu.dma_semaphore, #tpu.memory_space<semaphore_mem>>) attributes {dimension_semantics = [#tpu.dimension_semantics<core_parallel>, #tpu.dimension_semantics<subcore_parallel>], iteration_bounds = array<i64: 2, 16>, scalar_prefetch = 0 : i64, scratch_operands = 22 : i64, tpu.core_type = #tpu.core_type<sc_vector_subcore>, window_params = [{transform_indices = #map}, {transform_indices = #map1}, {transform_indices = #map}, {transform_indices = #map2}]} {
    %mul3A = arith.constant 16 : i32
    %mul3A_0 = arith.muli %arg0, %mul3A : i32
    %add3A = arith.addi %mul3A_0, %arg1 : i32
    %mul3A_1 = arith.constant 640 : i32
    %mul3A_2 = arith.muli %arg1, %mul3A_1 : i32
    "tpu.region"() ({
      %run_scoped3A = tpu.sem_alloc : memref<!tpu.dma_semaphore, #tpu.memory_space<semaphore_mem>>
      %dma_start3A_77 = arith.constant 0 : i32
      %dma_start3A_78 = tpu.memref_slice %arg15[%mul3A_2, %dma_start3A_77] : memref<10240x32xf32, #tpu.memory_space<vmem_shared>> -> memref<640x32xf32, #tpu.memory_space<vmem_shared>>
      %dma_start3A_79 = arith.constant 0 : i32
      %dma_start3A_80 = tpu.memref_slice %arg4[%mul3A_2, %dma_start3A_79] : memref<10240x32xf32, #tpu.memory_space<hbm>> -> memref<640x32xf32, #tpu.memory_space<hbm>>
      tpu.enqueue_dma source(%dma_start3A_80 : memref<640x32xf32, #tpu.memory_space<hbm>>) target(%dma_start3A_78 : memref<640x32xf32, #tpu.memory_space<vmem_shared>>) target_semaphore(%run_scoped3A : memref<!tpu.dma_semaphore, #tpu.memory_space<semaphore_mem>>)
      %dma_wait3A_81 = arith.constant 0 : i32
      %dma_wait3A_82 = tpu.memref_slice %arg15[%mul3A_2, %dma_wait3A_81] : memref<10240x32xf32, #tpu.memory_space<vmem_shared>> -> memref<640x32xf32, #tpu.memory_space<vmem_shared>>
      %dma_wait3A_83 = arith.constant 0 : i32
      %dma_wait3A_84 = tpu.memref_slice %arg4[%mul3A_2, %dma_wait3A_83] : memref<10240x32xf32, #tpu.memory_space<hbm>> -> memref<640x32xf32, #tpu.memory_space<hbm>>
      tpu.wait_dma2 semaphore(%run_scoped3A : memref<!tpu.dma_semaphore, #tpu.memory_space<semaphore_mem>>) src(%dma_wait3A_84 : memref<640x32xf32, #tpu.memory_space<hbm>>) dst(%dma_wait3A_82 : memref<640x32xf32, #tpu.memory_space<vmem_shared>>)
      tpu.yield
    }) : () -> ()
    %mul3A_3 = arith.constant 625 : i32
    %mul3A_4 = arith.muli %arg1, %mul3A_3 : i32
    %mul3A_5 = arith.constant 625 : i32
    %mul3A_6 = arith.muli %arg1, %mul3A_5 : i32
    "tpu.region"() ({
      %run_scoped3A = tpu.sem_alloc : memref<!tpu.dma_semaphore, #tpu.memory_space<semaphore_mem>>
      %dma_start3A_77 = arith.constant 0 : i32
      %dma_start3A_78 = tpu.memref_slice %arg14[%mul3A_6, %dma_start3A_77] : memref<10000x32xf32, #tpu.memory_space<vmem_shared>> -> memref<625x32xf32, #tpu.memory_space<vmem_shared>>
      %dma_start3A_79 = arith.constant 0 : i32
      %dma_start3A_80 = tpu.memref_slice %arg2[%mul3A_4, %dma_start3A_79] : memref<10000x32xf32, #tpu.memory_space<hbm>> -> memref<625x32xf32, #tpu.memory_space<hbm>>
      tpu.enqueue_dma source(%dma_start3A_80 : memref<625x32xf32, #tpu.memory_space<hbm>>) target(%dma_start3A_78 : memref<625x32xf32, #tpu.memory_space<vmem_shared>>) target_semaphore(%run_scoped3A : memref<!tpu.dma_semaphore, #tpu.memory_space<semaphore_mem>>)
      %dma_wait3A_81 = arith.constant 0 : i32
      %dma_wait3A_82 = tpu.memref_slice %arg14[%mul3A_6, %dma_wait3A_81] : memref<10000x32xf32, #tpu.memory_space<vmem_shared>> -> memref<625x32xf32, #tpu.memory_space<vmem_shared>>
      %dma_wait3A_83 = arith.constant 0 : i32
      %dma_wait3A_84 = tpu.memref_slice %arg2[%mul3A_4, %dma_wait3A_83] : memref<10000x32xf32, #tpu.memory_space<hbm>> -> memref<625x32xf32, #tpu.memory_space<hbm>>
      tpu.wait_dma2 semaphore(%run_scoped3A : memref<!tpu.dma_semaphore, #tpu.memory_space<semaphore_mem>>) src(%dma_wait3A_84 : memref<625x32xf32, #tpu.memory_space<hbm>>) dst(%dma_wait3A_82 : memref<625x32xf32, #tpu.memory_space<vmem_shared>>)
      tpu.yield
    }) : () -> ()
    %dma_start3A = arith.constant 0 : i32
    %dma_start3A_7 = arith.constant 0 : i32
    %dma_start3A_8 = arith.constant 0 : i32
    %dma_start3A_9 = tpu.memref_slice %arg3[%add3A, %dma_start3A, %dma_start3A_7, %dma_start3A_8] : memref<32x79x2x128xi32, #tpu.memory_space<hbm>> -> memref<1x1x2x128xi32, #tpu.memory_space<hbm>>
    %dma_start3A_10 = tpu.memref_squeeze %dma_start3A_9 : memref<1x1x2x128xi32, #tpu.memory_space<hbm>> -> memref<2x128xi32, #tpu.memory_space<hbm>>
    %dma_start3A_11 = arith.constant 0 : i32
    %dma_start3A_12 = arith.constant 0 : i32
    %dma_start3A_13 = tpu.memref_slice %arg3[%add3A, %dma_start3A, %dma_start3A_11, %dma_start3A_12] : memref<32x79x2x128xi32, #tpu.memory_space<hbm>> -> memref<1x1x2x128xi32, #tpu.memory_space<hbm>>
    %dma_start3A_14 = tpu.memref_squeeze %dma_start3A_13 : memref<1x1x2x128xi32, #tpu.memory_space<hbm>> -> memref<2x128xi32, #tpu.memory_space<hbm>>
    tpu.enqueue_dma source(%dma_start3A_14 : memref<2x128xi32, #tpu.memory_space<hbm>>) target(%arg6 : memref<2x128xi32, #tpu.memory_space<vmem>>) target_semaphore(%arg16 : memref<!tpu.dma_semaphore, #tpu.memory_space<semaphore_mem>>)
    %dma_start3A_15 = arith.constant 1 : i32
    %dma_start3A_16 = arith.constant 0 : i32
    %dma_start3A_17 = arith.constant 0 : i32
    %dma_start3A_18 = tpu.memref_slice %arg3[%add3A, %dma_start3A_15, %dma_start3A_16, %dma_start3A_17] : memref<32x79x2x128xi32, #tpu.memory_space<hbm>> -> memref<1x1x2x128xi32, #tpu.memory_space<hbm>>
    %dma_start3A_19 = tpu.memref_squeeze %dma_start3A_18 : memref<1x1x2x128xi32, #tpu.memory_space<hbm>> -> memref<2x128xi32, #tpu.memory_space<hbm>>
    %dma_start3A_20 = arith.constant 0 : i32
    %dma_start3A_21 = arith.constant 0 : i32
    %dma_start3A_22 = tpu.memref_slice %arg3[%add3A, %dma_start3A_15, %dma_start3A_20, %dma_start3A_21] : memref<32x79x2x128xi32, #tpu.memory_space<hbm>> -> memref<1x1x2x128xi32, #tpu.memory_space<hbm>>
    %dma_start3A_23 = tpu.memref_squeeze %dma_start3A_22 : memref<1x1x2x128xi32, #tpu.memory_space<hbm>> -> memref<2x128xi32, #tpu.memory_space<hbm>>
    tpu.enqueue_dma source(%dma_start3A_23 : memref<2x128xi32, #tpu.memory_space<hbm>>) target(%arg7 : memref<2x128xi32, #tpu.memory_space<vmem>>) target_semaphore(%arg17 : memref<!tpu.dma_semaphore, #tpu.memory_space<semaphore_mem>>)
    %dma_start3A_24 = arith.constant 2 : i32
    %dma_start3A_25 = arith.constant 0 : i32
    %dma_start3A_26 = arith.constant 0 : i32
    %dma_start3A_27 = tpu.memref_slice %arg3[%add3A, %dma_start3A_24, %dma_start3A_25, %dma_start3A_26] : memref<32x79x2x128xi32, #tpu.memory_space<hbm>> -> memref<1x1x2x128xi32, #tpu.memory_space<hbm>>
    %dma_start3A_28 = tpu.memref_squeeze %dma_start3A_27 : memref<1x1x2x128xi32, #tpu.memory_space<hbm>> -> memref<2x128xi32, #tpu.memory_space<hbm>>
    %dma_start3A_29 = arith.constant 0 : i32
    %dma_start3A_30 = arith.constant 0 : i32
    %dma_start3A_31 = tpu.memref_slice %arg3[%add3A, %dma_start3A_24, %dma_start3A_29, %dma_start3A_30] : memref<32x79x2x128xi32, #tpu.memory_space<hbm>> -> memref<1x1x2x128xi32, #tpu.memory_space<hbm>>
    %dma_start3A_32 = tpu.memref_squeeze %dma_start3A_31 : memref<1x1x2x128xi32, #tpu.memory_space<hbm>> -> memref<2x128xi32, #tpu.memory_space<hbm>>
    tpu.enqueue_dma source(%dma_start3A_32 : memref<2x128xi32, #tpu.memory_space<hbm>>) target(%arg8 : memref<2x128xi32, #tpu.memory_space<vmem>>) target_semaphore(%arg18 : memref<!tpu.dma_semaphore, #tpu.memory_space<semaphore_mem>>)
    %barrier3A = arith.constant 0 : index
    tpu.barrier barrier_id(%barrier3A)
    %dma_wait3A = arith.constant 0 : i32
    %dma_wait3A_33 = arith.constant 0 : i32
    %dma_wait3A_34 = arith.constant 0 : i32
    %dma_wait3A_35 = tpu.memref_slice %arg3[%add3A, %dma_wait3A, %dma_wait3A_33, %dma_wait3A_34] : memref<32x79x2x128xi32, #tpu.memory_space<hbm>> -> memref<1x1x2x128xi32, #tpu.memory_space<hbm>>
    %dma_wait3A_36 = tpu.memref_squeeze %dma_wait3A_35 : memref<1x1x2x128xi32, #tpu.memory_space<hbm>> -> memref<2x128xi32, #tpu.memory_space<hbm>>
    %dma_wait3A_37 = arith.constant 0 : i32
    %dma_wait3A_38 = arith.constant 0 : i32
    %dma_wait3A_39 = tpu.memref_slice %arg3[%add3A, %dma_wait3A, %dma_wait3A_37, %dma_wait3A_38] : memref<32x79x2x128xi32, #tpu.memory_space<hbm>> -> memref<1x1x2x128xi32, #tpu.memory_space<hbm>>
    %dma_wait3A_40 = tpu.memref_squeeze %dma_wait3A_39 : memref<1x1x2x128xi32, #tpu.memory_space<hbm>> -> memref<2x128xi32, #tpu.memory_space<hbm>>
    tpu.wait_dma2 semaphore(%arg16 : memref<!tpu.dma_semaphore, #tpu.memory_space<semaphore_mem>>) src(%dma_wait3A_40 : memref<2x128xi32, #tpu.memory_space<hbm>>) dst(%arg6 : memref<2x128xi32, #tpu.memory_space<vmem>>)
    %dma_start3A_41 = arith.constant 0 : i32
    %dma_start3A_42 = arith.constant 0 : i32
    %dma_start3A_43 = tpu.memref_slice %arg6[%dma_start3A_41, %dma_start3A_42] : memref<2x128xi32, #tpu.memory_space<vmem>> -> memref<1x128xi32, #tpu.memory_space<vmem>>
    %dma_start3A_44 = tpu.memref_squeeze %dma_start3A_43 : memref<1x128xi32, #tpu.memory_space<vmem>> -> memref<128xi32, #tpu.memory_space<vmem>>
    %dma_start3A_45 = arith.constant 0 : i32
    %dma_start3A_46 = arith.constant 0 : i32
    %dma_start3A_47 = tpu.memref_slice %arg14[%dma_start3A_45, %dma_start3A_46] : memref<10000x32xf32, #tpu.memory_space<vmem_shared>> -> memref<10000x32xf32, #tpu.memory_space<vmem_shared>>
    tpu.enqueue_indirect_dma source(%dma_start3A_47 : memref<10000x32xf32, #tpu.memory_space<vmem_shared>>) target(%arg10 : memref<128x32xf32, #tpu.memory_space<vmem>>) offsets(%dma_start3A_44 : memref<128xi32, #tpu.memory_space<vmem>>) semaphore(%arg20 : memref<!tpu.dma_semaphore, #tpu.memory_space<semaphore_mem>>)
    %dma_wait3A_48 = arith.constant 1 : i32
    %dma_wait3A_49 = arith.constant 0 : i32
    %dma_wait3A_50 = arith.constant 0 : i32
    %dma_wait3A_51 = tpu.memref_slice %arg3[%add3A, %dma_wait3A_48, %dma_wait3A_49, %dma_wait3A_50] : memref<32x79x2x128xi32, #tpu.memory_space<hbm>> -> memref<1x1x2x128xi32, #tpu.memory_space<hbm>>
    %dma_wait3A_52 = tpu.memref_squeeze %dma_wait3A_51 : memref<1x1x2x128xi32, #tpu.memory_space<hbm>> -> memref<2x128xi32, #tpu.memory_space<hbm>>
    %dma_wait3A_53 = arith.constant 0 : i32
    %dma_wait3A_54 = arith.constant 0 : i32
    %dma_wait3A_55 = tpu.memref_slice %arg3[%add3A, %dma_wait3A_48, %dma_wait3A_53, %dma_wait3A_54] : memref<32x79x2x128xi32, #tpu.memory_space<hbm>> -> memref<1x1x2x128xi32, #tpu.memory_space<hbm>>
    %dma_wait3A_56 = tpu.memref_squeeze %dma_wait3A_55 : memref<1x1x2x128xi32, #tpu.memory_space<hbm>> -> memref<2x128xi32, #tpu.memory_space<hbm>>
    tpu.wait_dma2 semaphore(%arg17 : memref<!tpu.dma_semaphore, #tpu.memory_space<semaphore_mem>>) src(%dma_wait3A_56 : memref<2x128xi32, #tpu.memory_space<hbm>>) dst(%arg7 : memref<2x128xi32, #tpu.memory_space<vmem>>)
    %dma_start3A_57 = arith.constant 0 : i32
    %dma_start3A_58 = arith.constant 0 : i32
    %dma_start3A_59 = tpu.memref_slice %arg7[%dma_start3A_57, %dma_start3A_58] : memref<2x128xi32, #tpu.memory_space<vmem>> -> memref<1x128xi32, #tpu.memory_space<vmem>>
    %dma_start3A_60 = tpu.memref_squeeze %dma_start3A_59 : memref<1x128xi32, #tpu.memory_space<vmem>> -> memref<128xi32, #tpu.memory_space<vmem>>
    %dma_start3A_61 = arith.constant 0 : i32
    %dma_start3A_62 = arith.constant 0 : i32
    %dma_start3A_63 = tpu.memref_slice %arg14[%dma_start3A_61, %dma_start3A_62] : memref<10000x32xf32, #tpu.memory_space<vmem_shared>> -> memref<10000x32xf32, #tpu.memory_space<vmem_shared>>
    tpu.enqueue_indirect_dma source(%dma_start3A_63 : memref<10000x32xf32, #tpu.memory_space<vmem_shared>>) target(%arg11 : memref<128x32xf32, #tpu.memory_space<vmem>>) offsets(%dma_start3A_60 : memref<128xi32, #tpu.memory_space<vmem>>) semaphore(%arg21 : memref<!tpu.dma_semaphore, #tpu.memory_space<semaphore_mem>>)
    %scan3A = arith.constant 0 : i32
    %scan3A_64 = arith.constant 0 : i32
    %scan3A_65 = arith.constant 20 : i32
    %scan3A_66 = arith.addi %scan3A_64, %scan3A_65 : i32
    %scan3A_67 = arith.constant 1 : i32
    scf.for %scan3A_77 = %scan3A_64 to %scan3A_66 step %scan3A_67  : i32 {
      %mul3A_78 = arith.constant 4 : i32
      %mul3A_79 = arith.muli %scan3A_77, %mul3A_78 : i32
      %add3A_80 = arith.constant 0 : i32
      %add3A_81 = arith.addi %mul3A_79, %add3A_80 : i32
      %lt3A = arith.constant 79 : i32
      %lt3A_82 = arith.cmpi slt, %add3A_81, %lt3A : i32
      %convert_element_type3A = arith.extui %lt3A_82 : i1 to i32
      %cond3A = arith.constant 0 : i32
      %cond3A_83 = arith.cmpi ne, %convert_element_type3A, %cond3A : i32
      scf.if %cond3A_83 {
        %dma_wait3A_111 = arith.constant 0 : i32
        %dma_wait3A_112 = arith.constant 0 : i32
        %dma_wait3A_113 = tpu.memref_slice %arg6[%dma_wait3A_111, %dma_wait3A_112] : memref<2x128xi32, #tpu.memory_space<vmem>> -> memref<1x128xi32, #tpu.memory_space<vmem>>
        %dma_wait3A_114 = tpu.memref_squeeze %dma_wait3A_113 : memref<1x128xi32, #tpu.memory_space<vmem>> -> memref<128xi32, #tpu.memory_space<vmem>>
        %dma_wait3A_115 = arith.constant 0 : i32
        %dma_wait3A_116 = arith.constant 0 : i32
        %dma_wait3A_117 = tpu.memref_slice %arg14[%dma_wait3A_115, %dma_wait3A_116] : memref<10000x32xf32, #tpu.memory_space<vmem_shared>> -> memref<10000x32xf32, #tpu.memory_space<vmem_shared>>
        tpu.wait_indirect_dma semaphore(%arg20 : memref<!tpu.dma_semaphore, #tpu.memory_space<semaphore_mem>>) src(%dma_wait3A_117 : memref<10000x32xf32, #tpu.memory_space<vmem_shared>>) dst(%arg10 : memref<128x32xf32, #tpu.memory_space<vmem>>)
        %dma_start3A_118 = arith.constant 1 : i32
        %dma_start3A_119 = arith.constant 0 : i32
        %dma_start3A_120 = tpu.memref_slice %arg6[%dma_start3A_118, %dma_start3A_119] : memref<2x128xi32, #tpu.memory_space<vmem>> -> memref<1x128xi32, #tpu.memory_space<vmem>>
        %dma_start3A_121 = tpu.memref_squeeze %dma_start3A_120 : memref<1x128xi32, #tpu.memory_space<vmem>> -> memref<128xi32, #tpu.memory_space<vmem>>
        %dma_start3A_122 = arith.constant 0 : i32
        %dma_start3A_123 = arith.constant 0 : i32
        %dma_start3A_124 = tpu.memref_slice %arg15[%dma_start3A_122, %dma_start3A_123] : memref<10240x32xf32, #tpu.memory_space<vmem_shared>> -> memref<10240x32xf32, #tpu.memory_space<vmem_shared>>
        tpu.enqueue_indirect_dma source(%arg10 : memref<128x32xf32, #tpu.memory_space<vmem>>) target(%dma_start3A_124 : memref<10240x32xf32, #tpu.memory_space<vmem_shared>>) offsets(%dma_start3A_121 : memref<128xi32, #tpu.memory_space<vmem>>) semaphore(%arg24 : memref<!tpu.dma_semaphore, #tpu.memory_space<semaphore_mem>>) {add = true}
        %ge3A = arith.constant 1 : i32
        %ge3A_125 = arith.cmpi sge, %add3A_81, %ge3A : i32
        %convert_element_type3A_126 = arith.extui %ge3A_125 : i1 to i32
        %cond3A_127 = arith.constant 0 : i32
        %cond3A_128 = arith.cmpi ne, %convert_element_type3A_126, %cond3A_127 : i32
        scf.if %cond3A_128 {
          %dma_wait3A_143 = arith.constant 1 : i32
          %dma_wait3A_144 = arith.constant 0 : i32
          %dma_wait3A_145 = tpu.memref_slice %arg9[%dma_wait3A_143, %dma_wait3A_144] : memref<2x128xi32, #tpu.memory_space<vmem>> -> memref<1x128xi32, #tpu.memory_space<vmem>>
          %dma_wait3A_146 = tpu.memref_squeeze %dma_wait3A_145 : memref<1x128xi32, #tpu.memory_space<vmem>> -> memref<128xi32, #tpu.memory_space<vmem>>
          %dma_wait3A_147 = arith.constant 0 : i32
          %dma_wait3A_148 = arith.constant 0 : i32
          %dma_wait3A_149 = tpu.memref_slice %arg15[%dma_wait3A_147, %dma_wait3A_148] : memref<10240x32xf32, #tpu.memory_space<vmem_shared>> -> memref<10240x32xf32, #tpu.memory_space<vmem_shared>>
          tpu.wait_indirect_dma semaphore(%arg27 : memref<!tpu.dma_semaphore, #tpu.memory_space<semaphore_mem>>) src(%arg13 : memref<128x32xf32, #tpu.memory_space<vmem>>) dst(%dma_wait3A_149 : memref<10240x32xf32, #tpu.memory_space<vmem_shared>>)
        } else {
        }
        %add3A_129 = arith.constant 2 : i32
        %add3A_130 = arith.addi %add3A_81, %add3A_129 : i32
        %lt3A_131 = arith.constant 79 : i32
        %lt3A_132 = arith.cmpi slt, %add3A_130, %lt3A_131 : i32
        %convert_element_type3A_133 = arith.extui %lt3A_132 : i1 to i32
        %cond3A_134 = arith.constant 0 : i32
        %cond3A_135 = arith.cmpi ne, %convert_element_type3A_133, %cond3A_134 : i32
        scf.if %cond3A_135 {
          %dma_wait3A_143 = arith.constant 0 : i32
          %dma_wait3A_144 = arith.constant 0 : i32
          %dma_wait3A_145 = arith.constant 0 : i32
          %dma_wait3A_146 = tpu.memref_slice %arg3[%add3A, %dma_wait3A_143, %dma_wait3A_144, %dma_wait3A_145] : memref<32x79x2x128xi32, #tpu.memory_space<hbm>> -> memref<1x1x2x128xi32, #tpu.memory_space<hbm>>
          %dma_wait3A_147 = tpu.memref_squeeze %dma_wait3A_146 : memref<1x1x2x128xi32, #tpu.memory_space<hbm>> -> memref<2x128xi32, #tpu.memory_space<hbm>>
          %dma_wait3A_148 = arith.constant 0 : i32
          %dma_wait3A_149 = arith.constant 0 : i32
          %dma_wait3A_150 = tpu.memref_slice %arg3[%add3A, %dma_wait3A_143, %dma_wait3A_148, %dma_wait3A_149] : memref<32x79x2x128xi32, #tpu.memory_space<hbm>> -> memref<1x1x2x128xi32, #tpu.memory_space<hbm>>
          %dma_wait3A_151 = tpu.memref_squeeze %dma_wait3A_150 : memref<1x1x2x128xi32, #tpu.memory_space<hbm>> -> memref<2x128xi32, #tpu.memory_space<hbm>>
          tpu.wait_dma2 semaphore(%arg18 : memref<!tpu.dma_semaphore, #tpu.memory_space<semaphore_mem>>) src(%dma_wait3A_151 : memref<2x128xi32, #tpu.memory_space<hbm>>) dst(%arg8 : memref<2x128xi32, #tpu.memory_space<vmem>>)
          %add3A_152 = arith.constant 2 : i32
          %add3A_153 = arith.addi %add3A_81, %add3A_152 : i32
          %dma_start3A_154 = arith.constant 0 : i32
          %dma_start3A_155 = arith.constant 0 : i32
          %dma_start3A_156 = tpu.memref_slice %arg8[%dma_start3A_154, %dma_start3A_155] : memref<2x128xi32, #tpu.memory_space<vmem>> -> memref<1x128xi32, #tpu.memory_space<vmem>>
          %dma_start3A_157 = tpu.memref_squeeze %dma_start3A_156 : memref<1x128xi32, #tpu.memory_space<vmem>> -> memref<128xi32, #tpu.memory_space<vmem>>
          %dma_start3A_158 = arith.constant 0 : i32
          %dma_start3A_159 = arith.constant 0 : i32
          %dma_start3A_160 = tpu.memref_slice %arg14[%dma_start3A_158, %dma_start3A_159] : memref<10000x32xf32, #tpu.memory_space<vmem_shared>> -> memref<10000x32xf32, #tpu.memory_space<vmem_shared>>
          tpu.enqueue_indirect_dma source(%dma_start3A_160 : memref<10000x32xf32, #tpu.memory_space<vmem_shared>>) target(%arg12 : memref<128x32xf32, #tpu.memory_space<vmem>>) offsets(%dma_start3A_157 : memref<128xi32, #tpu.memory_space<vmem>>) semaphore(%arg22 : memref<!tpu.dma_semaphore, #tpu.memory_space<semaphore_mem>>)
        } else {
        }
        %add3A_136 = arith.constant 3 : i32
        %add3A_137 = arith.addi %add3A_81, %add3A_136 : i32
        %lt3A_138 = arith.constant 79 : i32
        %lt3A_139 = arith.cmpi slt, %add3A_137, %lt3A_138 : i32
        %convert_element_type3A_140 = arith.extui %lt3A_139 : i1 to i32
        %cond3A_141 = arith.constant 0 : i32
        %cond3A_142 = arith.cmpi ne, %convert_element_type3A_140, %cond3A_141 : i32
        scf.if %cond3A_142 {
          %add3A_143 = arith.constant 3 : i32
          %add3A_144 = arith.addi %add3A_81, %add3A_143 : i32
          %dma_start3A_145 = arith.constant 0 : i32
          %dma_start3A_146 = arith.constant 0 : i32
          %dma_start3A_147 = tpu.memref_slice %arg3[%add3A, %add3A_144, %dma_start3A_145, %dma_start3A_146] : memref<32x79x2x128xi32, #tpu.memory_space<hbm>> -> memref<1x1x2x128xi32, #tpu.memory_space<hbm>>
          %dma_start3A_148 = tpu.memref_squeeze %dma_start3A_147 : memref<1x1x2x128xi32, #tpu.memory_space<hbm>> -> memref<2x128xi32, #tpu.memory_space<hbm>>
          %dma_start3A_149 = arith.constant 0 : i32
          %dma_start3A_150 = arith.constant 0 : i32
          %dma_start3A_151 = tpu.memref_slice %arg3[%add3A, %add3A_144, %dma_start3A_149, %dma_start3A_150] : memref<32x79x2x128xi32, #tpu.memory_space<hbm>> -> memref<1x1x2x128xi32, #tpu.memory_space<hbm>>
          %dma_start3A_152 = tpu.memref_squeeze %dma_start3A_151 : memref<1x1x2x128xi32, #tpu.memory_space<hbm>> -> memref<2x128xi32, #tpu.memory_space<hbm>>
          tpu.enqueue_dma source(%dma_start3A_152 : memref<2x128xi32, #tpu.memory_space<hbm>>) target(%arg9 : memref<2x128xi32, #tpu.memory_space<vmem>>) target_semaphore(%arg19 : memref<!tpu.dma_semaphore, #tpu.memory_space<semaphore_mem>>)
        } else {
        }
      } else {
      }
      %mul3A_84 = arith.constant 4 : i32
      %mul3A_85 = arith.muli %scan3A_77, %mul3A_84 : i32
      %add3A_86 = arith.constant 1 : i32
      %add3A_87 = arith.addi %mul3A_85, %add3A_86 : i32
      %lt3A_88 = arith.constant 79 : i32
      %lt3A_89 = arith.cmpi slt, %add3A_87, %lt3A_88 : i32
      %convert_element_type3A_90 = arith.extui %lt3A_89 : i1 to i32
      %cond3A_91 = arith.constant 0 : i32
      %cond3A_92 = arith.cmpi ne, %convert_element_type3A_90, %cond3A_91 : i32
      scf.if %cond3A_92 {
        %dma_wait3A_111 = arith.constant 0 : i32
        %dma_wait3A_112 = arith.constant 0 : i32
        %dma_wait3A_113 = tpu.memref_slice %arg7[%dma_wait3A_111, %dma_wait3A_112] : memref<2x128xi32, #tpu.memory_space<vmem>> -> memref<1x128xi32, #tpu.memory_space<vmem>>
        %dma_wait3A_114 = tpu.memref_squeeze %dma_wait3A_113 : memref<1x128xi32, #tpu.memory_space<vmem>> -> memref<128xi32, #tpu.memory_space<vmem>>
        %dma_wait3A_115 = arith.constant 0 : i32
        %dma_wait3A_116 = arith.constant 0 : i32
        %dma_wait3A_117 = tpu.memref_slice %arg14[%dma_wait3A_115, %dma_wait3A_116] : memref<10000x32xf32, #tpu.memory_space<vmem_shared>> -> memref<10000x32xf32, #tpu.memory_space<vmem_shared>>
        tpu.wait_indirect_dma semaphore(%arg21 : memref<!tpu.dma_semaphore, #tpu.memory_space<semaphore_mem>>) src(%dma_wait3A_117 : memref<10000x32xf32, #tpu.memory_space<vmem_shared>>) dst(%arg11 : memref<128x32xf32, #tpu.memory_space<vmem>>)
        %dma_start3A_118 = arith.constant 1 : i32
        %dma_start3A_119 = arith.constant 0 : i32
        %dma_start3A_120 = tpu.memref_slice %arg7[%dma_start3A_118, %dma_start3A_119] : memref<2x128xi32, #tpu.memory_space<vmem>> -> memref<1x128xi32, #tpu.memory_space<vmem>>
        %dma_start3A_121 = tpu.memref_squeeze %dma_start3A_120 : memref<1x128xi32, #tpu.memory_space<vmem>> -> memref<128xi32, #tpu.memory_space<vmem>>
        %dma_start3A_122 = arith.constant 0 : i32
        %dma_start3A_123 = arith.constant 0 : i32
        %dma_start3A_124 = tpu.memref_slice %arg15[%dma_start3A_122, %dma_start3A_123] : memref<10240x32xf32, #tpu.memory_space<vmem_shared>> -> memref<10240x32xf32, #tpu.memory_space<vmem_shared>>
        tpu.enqueue_indirect_dma source(%arg11 : memref<128x32xf32, #tpu.memory_space<vmem>>) target(%dma_start3A_124 : memref<10240x32xf32, #tpu.memory_space<vmem_shared>>) offsets(%dma_start3A_121 : memref<128xi32, #tpu.memory_space<vmem>>) semaphore(%arg25 : memref<!tpu.dma_semaphore, #tpu.memory_space<semaphore_mem>>) {add = true}
        %ge3A = arith.constant 1 : i32
        %ge3A_125 = arith.cmpi sge, %add3A_87, %ge3A : i32
        %convert_element_type3A_126 = arith.extui %ge3A_125 : i1 to i32
        %cond3A_127 = arith.constant 0 : i32
        %cond3A_128 = arith.cmpi ne, %convert_element_type3A_126, %cond3A_127 : i32
        scf.if %cond3A_128 {
          %dma_wait3A_143 = arith.constant 1 : i32
          %dma_wait3A_144 = arith.constant 0 : i32
          %dma_wait3A_145 = tpu.memref_slice %arg6[%dma_wait3A_143, %dma_wait3A_144] : memref<2x128xi32, #tpu.memory_space<vmem>> -> memref<1x128xi32, #tpu.memory_space<vmem>>
          %dma_wait3A_146 = tpu.memref_squeeze %dma_wait3A_145 : memref<1x128xi32, #tpu.memory_space<vmem>> -> memref<128xi32, #tpu.memory_space<vmem>>
          %dma_wait3A_147 = arith.constant 0 : i32
          %dma_wait3A_148 = arith.constant 0 : i32
          %dma_wait3A_149 = tpu.memref_slice %arg15[%dma_wait3A_147, %dma_wait3A_148] : memref<10240x32xf32, #tpu.memory_space<vmem_shared>> -> memref<10240x32xf32, #tpu.memory_space<vmem_shared>>
          tpu.wait_indirect_dma semaphore(%arg24 : memref<!tpu.dma_semaphore, #tpu.memory_space<semaphore_mem>>) src(%arg10 : memref<128x32xf32, #tpu.memory_space<vmem>>) dst(%dma_wait3A_149 : memref<10240x32xf32, #tpu.memory_space<vmem_shared>>)
        } else {
        }
        %add3A_129 = arith.constant 2 : i32
        %add3A_130 = arith.addi %add3A_87, %add3A_129 : i32
        %lt3A_131 = arith.constant 79 : i32
        %lt3A_132 = arith.cmpi slt, %add3A_130, %lt3A_131 : i32
        %convert_element_type3A_133 = arith.extui %lt3A_132 : i1 to i32
        %cond3A_134 = arith.constant 0 : i32
        %cond3A_135 = arith.cmpi ne, %convert_element_type3A_133, %cond3A_134 : i32
        scf.if %cond3A_135 {
          %dma_wait3A_143 = arith.constant 0 : i32
          %dma_wait3A_144 = arith.constant 0 : i32
          %dma_wait3A_145 = arith.constant 0 : i32
          %dma_wait3A_146 = tpu.memref_slice %arg3[%add3A, %dma_wait3A_143, %dma_wait3A_144, %dma_wait3A_145] : memref<32x79x2x128xi32, #tpu.memory_space<hbm>> -> memref<1x1x2x128xi32, #tpu.memory_space<hbm>>
          %dma_wait3A_147 = tpu.memref_squeeze %dma_wait3A_146 : memref<1x1x2x128xi32, #tpu.memory_space<hbm>> -> memref<2x128xi32, #tpu.memory_space<hbm>>
          %dma_wait3A_148 = arith.constant 0 : i32
          %dma_wait3A_149 = arith.constant 0 : i32
          %dma_wait3A_150 = tpu.memref_slice %arg3[%add3A, %dma_wait3A_143, %dma_wait3A_148, %dma_wait3A_149] : memref<32x79x2x128xi32, #tpu.memory_space<hbm>> -> memref<1x1x2x128xi32, #tpu.memory_space<hbm>>
          %dma_wait3A_151 = tpu.memref_squeeze %dma_wait3A_150 : memref<1x1x2x128xi32, #tpu.memory_space<hbm>> -> memref<2x128xi32, #tpu.memory_space<hbm>>
          tpu.wait_dma2 semaphore(%arg19 : memref<!tpu.dma_semaphore, #tpu.memory_space<semaphore_mem>>) src(%dma_wait3A_151 : memref<2x128xi32, #tpu.memory_space<hbm>>) dst(%arg9 : memref<2x128xi32, #tpu.memory_space<vmem>>)
          %add3A_152 = arith.constant 2 : i32
          %add3A_153 = arith.addi %add3A_87, %add3A_152 : i32
          %dma_start3A_154 = arith.constant 0 : i32
          %dma_start3A_155 = arith.constant 0 : i32
          %dma_start3A_156 = tpu.memref_slice %arg9[%dma_start3A_154, %dma_start3A_155] : memref<2x128xi32, #tpu.memory_space<vmem>> -> memref<1x128xi32, #tpu.memory_space<vmem>>
          %dma_start3A_157 = tpu.memref_squeeze %dma_start3A_156 : memref<1x128xi32, #tpu.memory_space<vmem>> -> memref<128xi32, #tpu.memory_space<vmem>>
          %dma_start3A_158 = arith.constant 0 : i32
          %dma_start3A_159 = arith.constant 0 : i32
          %dma_start3A_160 = tpu.memref_slice %arg14[%dma_start3A_158, %dma_start3A_159] : memref<10000x32xf32, #tpu.memory_space<vmem_shared>> -> memref<10000x32xf32, #tpu.memory_space<vmem_shared>>
          tpu.enqueue_indirect_dma source(%dma_start3A_160 : memref<10000x32xf32, #tpu.memory_space<vmem_shared>>) target(%arg13 : memref<128x32xf32, #tpu.memory_space<vmem>>) offsets(%dma_start3A_157 : memref<128xi32, #tpu.memory_space<vmem>>) semaphore(%arg23 : memref<!tpu.dma_semaphore, #tpu.memory_space<semaphore_mem>>)
        } else {
        }
        %add3A_136 = arith.constant 3 : i32
        %add3A_137 = arith.addi %add3A_87, %add3A_136 : i32
        %lt3A_138 = arith.constant 79 : i32
        %lt3A_139 = arith.cmpi slt, %add3A_137, %lt3A_138 : i32
        %convert_element_type3A_140 = arith.extui %lt3A_139 : i1 to i32
        %cond3A_141 = arith.constant 0 : i32
        %cond3A_142 = arith.cmpi ne, %convert_element_type3A_140, %cond3A_141 : i32
        scf.if %cond3A_142 {
          %add3A_143 = arith.constant 3 : i32
          %add3A_144 = arith.addi %add3A_87, %add3A_143 : i32
          %dma_start3A_145 = arith.constant 0 : i32
          %dma_start3A_146 = arith.constant 0 : i32
          %dma_start3A_147 = tpu.memref_slice %arg3[%add3A, %add3A_144, %dma_start3A_145, %dma_start3A_146] : memref<32x79x2x128xi32, #tpu.memory_space<hbm>> -> memref<1x1x2x128xi32, #tpu.memory_space<hbm>>
          %dma_start3A_148 = tpu.memref_squeeze %dma_start3A_147 : memref<1x1x2x128xi32, #tpu.memory_space<hbm>> -> memref<2x128xi32, #tpu.memory_space<hbm>>
          %dma_start3A_149 = arith.constant 0 : i32
          %dma_start3A_150 = arith.constant 0 : i32
          %dma_start3A_151 = tpu.memref_slice %arg3[%add3A, %add3A_144, %dma_start3A_149, %dma_start3A_150] : memref<32x79x2x128xi32, #tpu.memory_space<hbm>> -> memref<1x1x2x128xi32, #tpu.memory_space<hbm>>
          %dma_start3A_152 = tpu.memref_squeeze %dma_start3A_151 : memref<1x1x2x128xi32, #tpu.memory_space<hbm>> -> memref<2x128xi32, #tpu.memory_space<hbm>>
          tpu.enqueue_dma source(%dma_start3A_152 : memref<2x128xi32, #tpu.memory_space<hbm>>) target(%arg6 : memref<2x128xi32, #tpu.memory_space<vmem>>) target_semaphore(%arg16 : memref<!tpu.dma_semaphore, #tpu.memory_space<semaphore_mem>>)
        } else {
        }
      } else {
      }
      %mul3A_93 = arith.constant 4 : i32
      %mul3A_94 = arith.muli %scan3A_77, %mul3A_93 : i32
      %add3A_95 = arith.constant 2 : i32
      %add3A_96 = arith.addi %mul3A_94, %add3A_95 : i32
      %lt3A_97 = arith.constant 79 : i32
      %lt3A_98 = arith.cmpi slt, %add3A_96, %lt3A_97 : i32
      %convert_element_type3A_99 = arith.extui %lt3A_98 : i1 to i32
      %cond3A_100 = arith.constant 0 : i32
      %cond3A_101 = arith.cmpi ne, %convert_element_type3A_99, %cond3A_100 : i32
      scf.if %cond3A_101 {
        %dma_wait3A_111 = arith.constant 0 : i32
        %dma_wait3A_112 = arith.constant 0 : i32
        %dma_wait3A_113 = tpu.memref_slice %arg8[%dma_wait3A_111, %dma_wait3A_112] : memref<2x128xi32, #tpu.memory_space<vmem>> -> memref<1x128xi32, #tpu.memory_space<vmem>>
        %dma_wait3A_114 = tpu.memref_squeeze %dma_wait3A_113 : memref<1x128xi32, #tpu.memory_space<vmem>> -> memref<128xi32, #tpu.memory_space<vmem>>
        %dma_wait3A_115 = arith.constant 0 : i32
        %dma_wait3A_116 = arith.constant 0 : i32
        %dma_wait3A_117 = tpu.memref_slice %arg14[%dma_wait3A_115, %dma_wait3A_116] : memref<10000x32xf32, #tpu.memory_space<vmem_shared>> -> memref<10000x32xf32, #tpu.memory_space<vmem_shared>>
        tpu.wait_indirect_dma semaphore(%arg22 : memref<!tpu.dma_semaphore, #tpu.memory_space<semaphore_mem>>) src(%dma_wait3A_117 : memref<10000x32xf32, #tpu.memory_space<vmem_shared>>) dst(%arg12 : memref<128x32xf32, #tpu.memory_space<vmem>>)
        %dma_start3A_118 = arith.constant 1 : i32
        %dma_start3A_119 = arith.constant 0 : i32
        %dma_start3A_120 = tpu.memref_slice %arg8[%dma_start3A_118, %dma_start3A_119] : memref<2x128xi32, #tpu.memory_space<vmem>> -> memref<1x128xi32, #tpu.memory_space<vmem>>
        %dma_start3A_121 = tpu.memref_squeeze %dma_start3A_120 : memref<1x128xi32, #tpu.memory_space<vmem>> -> memref<128xi32, #tpu.memory_space<vmem>>
        %dma_start3A_122 = arith.constant 0 : i32
        %dma_start3A_123 = arith.constant 0 : i32
        %dma_start3A_124 = tpu.memref_slice %arg15[%dma_start3A_122, %dma_start3A_123] : memref<10240x32xf32, #tpu.memory_space<vmem_shared>> -> memref<10240x32xf32, #tpu.memory_space<vmem_shared>>
        tpu.enqueue_indirect_dma source(%arg12 : memref<128x32xf32, #tpu.memory_space<vmem>>) target(%dma_start3A_124 : memref<10240x32xf32, #tpu.memory_space<vmem_shared>>) offsets(%dma_start3A_121 : memref<128xi32, #tpu.memory_space<vmem>>) semaphore(%arg26 : memref<!tpu.dma_semaphore, #tpu.memory_space<semaphore_mem>>) {add = true}
        %ge3A = arith.constant 1 : i32
        %ge3A_125 = arith.cmpi sge, %add3A_96, %ge3A : i32
        %convert_element_type3A_126 = arith.extui %ge3A_125 : i1 to i32
        %cond3A_127 = arith.constant 0 : i32
        %cond3A_128 = arith.cmpi ne, %convert_element_type3A_126, %cond3A_127 : i32
        scf.if %cond3A_128 {
          %dma_wait3A_143 = arith.constant 1 : i32
          %dma_wait3A_144 = arith.constant 0 : i32
          %dma_wait3A_145 = tpu.memref_slice %arg7[%dma_wait3A_143, %dma_wait3A_144] : memref<2x128xi32, #tpu.memory_space<vmem>> -> memref<1x128xi32, #tpu.memory_space<vmem>>
          %dma_wait3A_146 = tpu.memref_squeeze %dma_wait3A_145 : memref<1x128xi32, #tpu.memory_space<vmem>> -> memref<128xi32, #tpu.memory_space<vmem>>
          %dma_wait3A_147 = arith.constant 0 : i32
          %dma_wait3A_148 = arith.constant 0 : i32
          %dma_wait3A_149 = tpu.memref_slice %arg15[%dma_wait3A_147, %dma_wait3A_148] : memref<10240x32xf32, #tpu.memory_space<vmem_shared>> -> memref<10240x32xf32, #tpu.memory_space<vmem_shared>>
          tpu.wait_indirect_dma semaphore(%arg25 : memref<!tpu.dma_semaphore, #tpu.memory_space<semaphore_mem>>) src(%arg11 : memref<128x32xf32, #tpu.memory_space<vmem>>) dst(%dma_wait3A_149 : memref<10240x32xf32, #tpu.memory_space<vmem_shared>>)
        } else {
        }
        %add3A_129 = arith.constant 2 : i32
        %add3A_130 = arith.addi %add3A_96, %add3A_129 : i32
        %lt3A_131 = arith.constant 79 : i32
        %lt3A_132 = arith.cmpi slt, %add3A_130, %lt3A_131 : i32
        %convert_element_type3A_133 = arith.extui %lt3A_132 : i1 to i32
        %cond3A_134 = arith.constant 0 : i32
        %cond3A_135 = arith.cmpi ne, %convert_element_type3A_133, %cond3A_134 : i32
        scf.if %cond3A_135 {
          %dma_wait3A_143 = arith.constant 0 : i32
          %dma_wait3A_144 = arith.constant 0 : i32
          %dma_wait3A_145 = arith.constant 0 : i32
          %dma_wait3A_146 = tpu.memref_slice %arg3[%add3A, %dma_wait3A_143, %dma_wait3A_144, %dma_wait3A_145] : memref<32x79x2x128xi32, #tpu.memory_space<hbm>> -> memref<1x1x2x128xi32, #tpu.memory_space<hbm>>
          %dma_wait3A_147 = tpu.memref_squeeze %dma_wait3A_146 : memref<1x1x2x128xi32, #tpu.memory_space<hbm>> -> memref<2x128xi32, #tpu.memory_space<hbm>>
          %dma_wait3A_148 = arith.constant 0 : i32
          %dma_wait3A_149 = arith.constant 0 : i32
          %dma_wait3A_150 = tpu.memref_slice %arg3[%add3A, %dma_wait3A_143, %dma_wait3A_148, %dma_wait3A_149] : memref<32x79x2x128xi32, #tpu.memory_space<hbm>> -> memref<1x1x2x128xi32, #tpu.memory_space<hbm>>
          %dma_wait3A_151 = tpu.memref_squeeze %dma_wait3A_150 : memref<1x1x2x128xi32, #tpu.memory_space<hbm>> -> memref<2x128xi32, #tpu.memory_space<hbm>>
          tpu.wait_dma2 semaphore(%arg16 : memref<!tpu.dma_semaphore, #tpu.memory_space<semaphore_mem>>) src(%dma_wait3A_151 : memref<2x128xi32, #tpu.memory_space<hbm>>) dst(%arg6 : memref<2x128xi32, #tpu.memory_space<vmem>>)
          %add3A_152 = arith.constant 2 : i32
          %add3A_153 = arith.addi %add3A_96, %add3A_152 : i32
          %dma_start3A_154 = arith.constant 0 : i32
          %dma_start3A_155 = arith.constant 0 : i32
          %dma_start3A_156 = tpu.memref_slice %arg6[%dma_start3A_154, %dma_start3A_155] : memref<2x128xi32, #tpu.memory_space<vmem>> -> memref<1x128xi32, #tpu.memory_space<vmem>>
          %dma_start3A_157 = tpu.memref_squeeze %dma_start3A_156 : memref<1x128xi32, #tpu.memory_space<vmem>> -> memref<128xi32, #tpu.memory_space<vmem>>
          %dma_start3A_158 = arith.constant 0 : i32
          %dma_start3A_159 = arith.constant 0 : i32
          %dma_start3A_160 = tpu.memref_slice %arg14[%dma_start3A_158, %dma_start3A_159] : memref<10000x32xf32, #tpu.memory_space<vmem_shared>> -> memref<10000x32xf32, #tpu.memory_space<vmem_shared>>
          tpu.enqueue_indirect_dma source(%dma_start3A_160 : memref<10000x32xf32, #tpu.memory_space<vmem_shared>>) target(%arg10 : memref<128x32xf32, #tpu.memory_space<vmem>>) offsets(%dma_start3A_157 : memref<128xi32, #tpu.memory_space<vmem>>) semaphore(%arg20 : memref<!tpu.dma_semaphore, #tpu.memory_space<semaphore_mem>>)
        } else {
        }
        %add3A_136 = arith.constant 3 : i32
        %add3A_137 = arith.addi %add3A_96, %add3A_136 : i32
        %lt3A_138 = arith.constant 79 : i32
        %lt3A_139 = arith.cmpi slt, %add3A_137, %lt3A_138 : i32
        %convert_element_type3A_140 = arith.extui %lt3A_139 : i1 to i32
        %cond3A_141 = arith.constant 0 : i32
        %cond3A_142 = arith.cmpi ne, %convert_element_type3A_140, %cond3A_141 : i32
        scf.if %cond3A_142 {
          %add3A_143 = arith.constant 3 : i32
          %add3A_144 = arith.addi %add3A_96, %add3A_143 : i32
          %dma_start3A_145 = arith.constant 0 : i32
          %dma_start3A_146 = arith.constant 0 : i32
          %dma_start3A_147 = tpu.memref_slice %arg3[%add3A, %add3A_144, %dma_start3A_145, %dma_start3A_146] : memref<32x79x2x128xi32, #tpu.memory_space<hbm>> -> memref<1x1x2x128xi32, #tpu.memory_space<hbm>>
          %dma_start3A_148 = tpu.memref_squeeze %dma_start3A_147 : memref<1x1x2x128xi32, #tpu.memory_space<hbm>> -> memref<2x128xi32, #tpu.memory_space<hbm>>
          %dma_start3A_149 = arith.constant 0 : i32
          %dma_start3A_150 = arith.constant 0 : i32
          %dma_start3A_151 = tpu.memref_slice %arg3[%add3A, %add3A_144, %dma_start3A_149, %dma_start3A_150] : memref<32x79x2x128xi32, #tpu.memory_space<hbm>> -> memref<1x1x2x128xi32, #tpu.memory_space<hbm>>
          %dma_start3A_152 = tpu.memref_squeeze %dma_start3A_151 : memref<1x1x2x128xi32, #tpu.memory_space<hbm>> -> memref<2x128xi32, #tpu.memory_space<hbm>>
          tpu.enqueue_dma source(%dma_start3A_152 : memref<2x128xi32, #tpu.memory_space<hbm>>) target(%arg7 : memref<2x128xi32, #tpu.memory_space<vmem>>) target_semaphore(%arg17 : memref<!tpu.dma_semaphore, #tpu.memory_space<semaphore_mem>>)
        } else {
        }
      } else {
      }
      %mul3A_102 = arith.constant 4 : i32
      %mul3A_103 = arith.muli %scan3A_77, %mul3A_102 : i32
      %add3A_104 = arith.constant 3 : i32
      %add3A_105 = arith.addi %mul3A_103, %add3A_104 : i32
      %lt3A_106 = arith.constant 79 : i32
      %lt3A_107 = arith.cmpi slt, %add3A_105, %lt3A_106 : i32
      %convert_element_type3A_108 = arith.extui %lt3A_107 : i1 to i32
      %cond3A_109 = arith.constant 0 : i32
      %cond3A_110 = arith.cmpi ne, %convert_element_type3A_108, %cond3A_109 : i32
      scf.if %cond3A_110 {
        %dma_wait3A_111 = arith.constant 0 : i32
        %dma_wait3A_112 = arith.constant 0 : i32
        %dma_wait3A_113 = tpu.memref_slice %arg9[%dma_wait3A_111, %dma_wait3A_112] : memref<2x128xi32, #tpu.memory_space<vmem>> -> memref<1x128xi32, #tpu.memory_space<vmem>>
        %dma_wait3A_114 = tpu.memref_squeeze %dma_wait3A_113 : memref<1x128xi32, #tpu.memory_space<vmem>> -> memref<128xi32, #tpu.memory_space<vmem>>
        %dma_wait3A_115 = arith.constant 0 : i32
        %dma_wait3A_116 = arith.constant 0 : i32
        %dma_wait3A_117 = tpu.memref_slice %arg14[%dma_wait3A_115, %dma_wait3A_116] : memref<10000x32xf32, #tpu.memory_space<vmem_shared>> -> memref<10000x32xf32, #tpu.memory_space<vmem_shared>>
        tpu.wait_indirect_dma semaphore(%arg23 : memref<!tpu.dma_semaphore, #tpu.memory_space<semaphore_mem>>) src(%dma_wait3A_117 : memref<10000x32xf32, #tpu.memory_space<vmem_shared>>) dst(%arg13 : memref<128x32xf32, #tpu.memory_space<vmem>>)
        %dma_start3A_118 = arith.constant 1 : i32
        %dma_start3A_119 = arith.constant 0 : i32
        %dma_start3A_120 = tpu.memref_slice %arg9[%dma_start3A_118, %dma_start3A_119] : memref<2x128xi32, #tpu.memory_space<vmem>> -> memref<1x128xi32, #tpu.memory_space<vmem>>
        %dma_start3A_121 = tpu.memref_squeeze %dma_start3A_120 : memref<1x128xi32, #tpu.memory_space<vmem>> -> memref<128xi32, #tpu.memory_space<vmem>>
        %dma_start3A_122 = arith.constant 0 : i32
        %dma_start3A_123 = arith.constant 0 : i32
        %dma_start3A_124 = tpu.memref_slice %arg15[%dma_start3A_122, %dma_start3A_123] : memref<10240x32xf32, #tpu.memory_space<vmem_shared>> -> memref<10240x32xf32, #tpu.memory_space<vmem_shared>>
        tpu.enqueue_indirect_dma source(%arg13 : memref<128x32xf32, #tpu.memory_space<vmem>>) target(%dma_start3A_124 : memref<10240x32xf32, #tpu.memory_space<vmem_shared>>) offsets(%dma_start3A_121 : memref<128xi32, #tpu.memory_space<vmem>>) semaphore(%arg27 : memref<!tpu.dma_semaphore, #tpu.memory_space<semaphore_mem>>) {add = true}
        %ge3A = arith.constant 1 : i32
        %ge3A_125 = arith.cmpi sge, %add3A_105, %ge3A : i32
        %convert_element_type3A_126 = arith.extui %ge3A_125 : i1 to i32
        %cond3A_127 = arith.constant 0 : i32
        %cond3A_128 = arith.cmpi ne, %convert_element_type3A_126, %cond3A_127 : i32
        scf.if %cond3A_128 {
          %dma_wait3A_143 = arith.constant 1 : i32
          %dma_wait3A_144 = arith.constant 0 : i32
          %dma_wait3A_145 = tpu.memref_slice %arg8[%dma_wait3A_143, %dma_wait3A_144] : memref<2x128xi32, #tpu.memory_space<vmem>> -> memref<1x128xi32, #tpu.memory_space<vmem>>
          %dma_wait3A_146 = tpu.memref_squeeze %dma_wait3A_145 : memref<1x128xi32, #tpu.memory_space<vmem>> -> memref<128xi32, #tpu.memory_space<vmem>>
          %dma_wait3A_147 = arith.constant 0 : i32
          %dma_wait3A_148 = arith.constant 0 : i32
          %dma_wait3A_149 = tpu.memref_slice %arg15[%dma_wait3A_147, %dma_wait3A_148] : memref<10240x32xf32, #tpu.memory_space<vmem_shared>> -> memref<10240x32xf32, #tpu.memory_space<vmem_shared>>
          tpu.wait_indirect_dma semaphore(%arg26 : memref<!tpu.dma_semaphore, #tpu.memory_space<semaphore_mem>>) src(%arg12 : memref<128x32xf32, #tpu.memory_space<vmem>>) dst(%dma_wait3A_149 : memref<10240x32xf32, #tpu.memory_space<vmem_shared>>)
        } else {
        }
        %add3A_129 = arith.constant 2 : i32
        %add3A_130 = arith.addi %add3A_105, %add3A_129 : i32
        %lt3A_131 = arith.constant 79 : i32
        %lt3A_132 = arith.cmpi slt, %add3A_130, %lt3A_131 : i32
        %convert_element_type3A_133 = arith.extui %lt3A_132 : i1 to i32
        %cond3A_134 = arith.constant 0 : i32
        %cond3A_135 = arith.cmpi ne, %convert_element_type3A_133, %cond3A_134 : i32
        scf.if %cond3A_135 {
          %dma_wait3A_143 = arith.constant 0 : i32
          %dma_wait3A_144 = arith.constant 0 : i32
          %dma_wait3A_145 = arith.constant 0 : i32
          %dma_wait3A_146 = tpu.memref_slice %arg3[%add3A, %dma_wait3A_143, %dma_wait3A_144, %dma_wait3A_145] : memref<32x79x2x128xi32, #tpu.memory_space<hbm>> -> memref<1x1x2x128xi32, #tpu.memory_space<hbm>>
          %dma_wait3A_147 = tpu.memref_squeeze %dma_wait3A_146 : memref<1x1x2x128xi32, #tpu.memory_space<hbm>> -> memref<2x128xi32, #tpu.memory_space<hbm>>
          %dma_wait3A_148 = arith.constant 0 : i32
          %dma_wait3A_149 = arith.constant 0 : i32
          %dma_wait3A_150 = tpu.memref_slice %arg3[%add3A, %dma_wait3A_143, %dma_wait3A_148, %dma_wait3A_149] : memref<32x79x2x128xi32, #tpu.memory_space<hbm>> -> memref<1x1x2x128xi32, #tpu.memory_space<hbm>>
          %dma_wait3A_151 = tpu.memref_squeeze %dma_wait3A_150 : memref<1x1x2x128xi32, #tpu.memory_space<hbm>> -> memref<2x128xi32, #tpu.memory_space<hbm>>
          tpu.wait_dma2 semaphore(%arg17 : memref<!tpu.dma_semaphore, #tpu.memory_space<semaphore_mem>>) src(%dma_wait3A_151 : memref<2x128xi32, #tpu.memory_space<hbm>>) dst(%arg7 : memref<2x128xi32, #tpu.memory_space<vmem>>)
          %add3A_152 = arith.constant 2 : i32
          %add3A_153 = arith.addi %add3A_105, %add3A_152 : i32
          %dma_start3A_154 = arith.constant 0 : i32
          %dma_start3A_155 = arith.constant 0 : i32
          %dma_start3A_156 = tpu.memref_slice %arg7[%dma_start3A_154, %dma_start3A_155] : memref<2x128xi32, #tpu.memory_space<vmem>> -> memref<1x128xi32, #tpu.memory_space<vmem>>
          %dma_start3A_157 = tpu.memref_squeeze %dma_start3A_156 : memref<1x128xi32, #tpu.memory_space<vmem>> -> memref<128xi32, #tpu.memory_space<vmem>>
          %dma_start3A_158 = arith.constant 0 : i32
          %dma_start3A_159 = arith.constant 0 : i32
          %dma_start3A_160 = tpu.memref_slice %arg14[%dma_start3A_158, %dma_start3A_159] : memref<10000x32xf32, #tpu.memory_space<vmem_shared>> -> memref<10000x32xf32, #tpu.memory_space<vmem_shared>>
          tpu.enqueue_indirect_dma source(%dma_start3A_160 : memref<10000x32xf32, #tpu.memory_space<vmem_shared>>) target(%arg11 : memref<128x32xf32, #tpu.memory_space<vmem>>) offsets(%dma_start3A_157 : memref<128xi32, #tpu.memory_space<vmem>>) semaphore(%arg21 : memref<!tpu.dma_semaphore, #tpu.memory_space<semaphore_mem>>)
        } else {
        }
        %add3A_136 = arith.constant 3 : i32
        %add3A_137 = arith.addi %add3A_105, %add3A_136 : i32
        %lt3A_138 = arith.constant 79 : i32
        %lt3A_139 = arith.cmpi slt, %add3A_137, %lt3A_138 : i32
        %convert_element_type3A_140 = arith.extui %lt3A_139 : i1 to i32
        %cond3A_141 = arith.constant 0 : i32
        %cond3A_142 = arith.cmpi ne, %convert_element_type3A_140, %cond3A_141 : i32
        scf.if %cond3A_142 {
          %add3A_143 = arith.constant 3 : i32
          %add3A_144 = arith.addi %add3A_105, %add3A_143 : i32
          %dma_start3A_145 = arith.constant 0 : i32
          %dma_start3A_146 = arith.constant 0 : i32
          %dma_start3A_147 = tpu.memref_slice %arg3[%add3A, %add3A_144, %dma_start3A_145, %dma_start3A_146] : memref<32x79x2x128xi32, #tpu.memory_space<hbm>> -> memref<1x1x2x128xi32, #tpu.memory_space<hbm>>
          %dma_start3A_148 = tpu.memref_squeeze %dma_start3A_147 : memref<1x1x2x128xi32, #tpu.memory_space<hbm>> -> memref<2x128xi32, #tpu.memory_space<hbm>>
          %dma_start3A_149 = arith.constant 0 : i32
          %dma_start3A_150 = arith.constant 0 : i32
          %dma_start3A_151 = tpu.memref_slice %arg3[%add3A, %add3A_144, %dma_start3A_149, %dma_start3A_150] : memref<32x79x2x128xi32, #tpu.memory_space<hbm>> -> memref<1x1x2x128xi32, #tpu.memory_space<hbm>>
          %dma_start3A_152 = tpu.memref_squeeze %dma_start3A_151 : memref<1x1x2x128xi32, #tpu.memory_space<hbm>> -> memref<2x128xi32, #tpu.memory_space<hbm>>
          tpu.enqueue_dma source(%dma_start3A_152 : memref<2x128xi32, #tpu.memory_space<hbm>>) target(%arg8 : memref<2x128xi32, #tpu.memory_space<vmem>>) target_semaphore(%arg18 : memref<!tpu.dma_semaphore, #tpu.memory_space<semaphore_mem>>)
        } else {
        }
      } else {
      }
    }
    %scan3A_68 = arith.constant 20 : i32
    %dma_wait3A_69 = arith.constant 1 : i32
    %dma_wait3A_70 = arith.constant 0 : i32
    %dma_wait3A_71 = tpu.memref_slice %arg8[%dma_wait3A_69, %dma_wait3A_70] : memref<2x128xi32, #tpu.memory_space<vmem>> -> memref<1x128xi32, #tpu.memory_space<vmem>>
    %dma_wait3A_72 = tpu.memref_squeeze %dma_wait3A_71 : memref<1x128xi32, #tpu.memory_space<vmem>> -> memref<128xi32, #tpu.memory_space<vmem>>
    %dma_wait3A_73 = arith.constant 0 : i32
    %dma_wait3A_74 = arith.constant 0 : i32
    %dma_wait3A_75 = tpu.memref_slice %arg15[%dma_wait3A_73, %dma_wait3A_74] : memref<10240x32xf32, #tpu.memory_space<vmem_shared>> -> memref<10240x32xf32, #tpu.memory_space<vmem_shared>>
    tpu.wait_indirect_dma semaphore(%arg26 : memref<!tpu.dma_semaphore, #tpu.memory_space<semaphore_mem>>) src(%arg12 : memref<128x32xf32, #tpu.memory_space<vmem>>) dst(%dma_wait3A_75 : memref<10240x32xf32, #tpu.memory_space<vmem_shared>>)
    %barrier3A_76 = arith.constant 0 : index
    tpu.barrier barrier_id(%barrier3A_76)
    "tpu.region"() ({
      %run_scoped3A = tpu.sem_alloc : memref<!tpu.dma_semaphore, #tpu.memory_space<semaphore_mem>>
      %dma_start3A_77 = arith.constant 0 : i32
      %dma_start3A_78 = tpu.memref_slice %arg5[%arg0, %mul3A_2, %dma_start3A_77] : memref<2x10240x32xf32, #tpu.memory_space<hbm>> -> memref<1x640x32xf32, #tpu.memory_space<hbm>>
      %dma_start3A_79 = tpu.memref_squeeze %dma_start3A_78 : memref<1x640x32xf32, #tpu.memory_space<hbm>> -> memref<640x32xf32, #tpu.memory_space<hbm>>
      %dma_start3A_80 = arith.constant 0 : i32
      %dma_start3A_81 = tpu.memref_slice %arg15[%mul3A_2, %dma_start3A_80] : memref<10240x32xf32, #tpu.memory_space<vmem_shared>> -> memref<640x32xf32, #tpu.memory_space<vmem_shared>>
      tpu.enqueue_dma source(%dma_start3A_81 : memref<640x32xf32, #tpu.memory_space<vmem_shared>>) target(%dma_start3A_79 : memref<640x32xf32, #tpu.memory_space<hbm>>) target_semaphore(%run_scoped3A : memref<!tpu.dma_semaphore, #tpu.memory_space<semaphore_mem>>)
      %dma_wait3A_82 = arith.constant 0 : i32
      %dma_wait3A_83 = tpu.memref_slice %arg5[%arg0, %mul3A_2, %dma_wait3A_82] : memref<2x10240x32xf32, #tpu.memory_space<hbm>> -> memref<1x640x32xf32, #tpu.memory_space<hbm>>
      %dma_wait3A_84 = tpu.memref_squeeze %dma_wait3A_83 : memref<1x640x32xf32, #tpu.memory_space<hbm>> -> memref<640x32xf32, #tpu.memory_space<hbm>>
      %dma_wait3A_85 = arith.constant 0 : i32
      %dma_wait3A_86 = tpu.memref_slice %arg15[%mul3A_2, %dma_wait3A_85] : memref<10240x32xf32, #tpu.memory_space<vmem_shared>> -> memref<640x32xf32, #tpu.memory_space<vmem_shared>>
      tpu.wait_dma2 semaphore(%run_scoped3A : memref<!tpu.dma_semaphore, #tpu.memory_space<semaphore_mem>>) src(%dma_wait3A_86 : memref<640x32xf32, #tpu.memory_space<vmem_shared>>) dst(%dma_wait3A_84 : memref<640x32xf32, #tpu.memory_space<hbm>>)
      tpu.yield
    }) : () -> ()
    return
  }
}

module attributes {stable_mosaic.version = 14 : i64} {
  func.func @_t1_body(%arg0: i32, %arg1: memref<1000x128xf32, #tpu.memory_space<vmem>>, %arg2: memref<2x1000x72xf32, #tpu.memory_space<vmem>>, %arg3: memref<2x1000x64xf32, #tpu.memory_space<vmem>>, %arg4: memref<256x64xf32, #tpu.memory_space<vmem>>, %arg5: memref<256x64xf32, #tpu.memory_space<vmem>>, %arg6: memref<1x256xf32, #tpu.memory_space<vmem>>, %arg7: memref<256x128xf32, #tpu.memory_space<vmem>>, %arg8: memref<32x256xf32, #tpu.memory_space<vmem>>, %arg9: memref<1x32xf32, #tpu.memory_space<vmem>>, %arg10: memref<32x256xf32, #tpu.memory_space<vmem>>, %arg11: memref<1000x32xf32, #tpu.memory_space<vmem>>, %arg12: memref<1000x32xf32, #tpu.memory_space<vmem>>, %arg13: memref<1000x8xf32, #tpu.memory_space<vmem>>) attributes {dimension_semantics = [#tpu.dimension_semantics<arbitrary>], iteration_bounds = array<i64: 10>, scalar_prefetch = 0 : i64, scratch_operands = 0 : i64, tpu.core_type = #tpu.core_type<tc>, window_params = [{transform_indices = @transform_0, window_bounds = array<i64: 1000, 128>}, {transform_indices = @transform_1, window_bounds = array<i64: 2, 1000, 72>}, {transform_indices = @transform_2, window_bounds = array<i64: 2, 1000, 64>}, {pipeline_mode = #tpu.pipeline_mode<synchronous>, transform_indices = @transform_3, window_bounds = array<i64: 256, 64>}, {pipeline_mode = #tpu.pipeline_mode<synchronous>, transform_indices = @transform_4, window_bounds = array<i64: 256, 64>}, {pipeline_mode = #tpu.pipeline_mode<synchronous>, transform_indices = @transform_5, window_bounds = array<i64: 1, 256>}, {pipeline_mode = #tpu.pipeline_mode<synchronous>, transform_indices = @transform_6, window_bounds = array<i64: 256, 128>}, {pipeline_mode = #tpu.pipeline_mode<synchronous>, transform_indices = @transform_7, window_bounds = array<i64: 32, 256>}, {pipeline_mode = #tpu.pipeline_mode<synchronous>, transform_indices = @transform_8, window_bounds = array<i64: 1, 32>}, {pipeline_mode = #tpu.pipeline_mode<synchronous>, transform_indices = @transform_9, window_bounds = array<i64: 32, 256>}, {transform_indices = @transform_10, window_bounds = array<i64: 1000, 32>}, {transform_indices = @transform_11, window_bounds = array<i64: 1000, 32>}, {transform_indices = @transform_12, window_bounds = array<i64: 1000, 8>}]} {
    %get3A = arith.constant 0 : index
    %get3A_0 = arith.constant 0 : index
    %get3A_1 = arith.constant 64 : index
    %get3A_2 = vector.load %arg2[%get3A, %get3A_0, %get3A_1] : memref<2x1000x72xf32, #tpu.memory_space<vmem>>, vector<1x1000x1xf32>
    %get3A_3 = vector.shape_cast %get3A_2 : vector<1x1000x1xf32> to vector<1000x1xf32>
    %get3A_4 = arith.constant 1 : index
    %get3A_5 = arith.constant 0 : index
    %get3A_6 = arith.constant 64 : index
    %get3A_7 = vector.load %arg2[%get3A_4, %get3A_5, %get3A_6] : memref<2x1000x72xf32, #tpu.memory_space<vmem>>, vector<1x1000x1xf32>
    %get3A_8 = vector.shape_cast %get3A_7 : vector<1x1000x1xf32> to vector<1000x1xf32>
    %add3A = arith.addf %get3A_3, %get3A_8 : vector<1000x1xf32>
    %max3A = arith.constant 1.000000e+00 : f32
    %max3A_9 = vector.broadcast %max3A : f32 to vector<1000x1xf32>
    %max3A_10 = arith.maximumf %add3A, %max3A_9 : vector<1000x1xf32>
    %div3A = arith.constant 1.000000e+00 : f32
    %div3A_11 = vector.broadcast %div3A : f32 to vector<1000x1xf32>
    %div3A_12 = arith.divf %div3A_11, %max3A_10 : vector<1000x1xf32>
    %get3A_13 = arith.constant 0 : index
    %get3A_14 = arith.constant 0 : index
    %get3A_15 = arith.constant 0 : index
    %get3A_16 = vector.load %arg2[%get3A_13, %get3A_14, %get3A_15] : memref<2x1000x72xf32, #tpu.memory_space<vmem>>, vector<1x1000x64xf32>
    %get3A_17 = vector.shape_cast %get3A_16 : vector<1x1000x64xf32> to vector<1000x64xf32>
    %get3A_18 = arith.constant 1 : index
    %get3A_19 = arith.constant 0 : index
    %get3A_20 = arith.constant 0 : index
    %get3A_21 = vector.load %arg2[%get3A_18, %get3A_19, %get3A_20] : memref<2x1000x72xf32, #tpu.memory_space<vmem>>, vector<1x1000x64xf32>
    %get3A_22 = vector.shape_cast %get3A_21 : vector<1x1000x64xf32> to vector<1000x64xf32>
    %add3A_23 = arith.addf %get3A_17, %get3A_22 : vector<1000x64xf32>
    %mul3A = vector.broadcast %div3A_12 : vector<1000x1xf32> to vector<1000x64xf32>
    %mul3A_24 = arith.mulf %add3A_23, %mul3A : vector<1000x64xf32>
    %get3A_25 = arith.constant 0 : index
    %get3A_26 = arith.constant 0 : index
    %get3A_27 = arith.constant 0 : index
    %get3A_28 = vector.load %arg3[%get3A_25, %get3A_26, %get3A_27] : memref<2x1000x64xf32, #tpu.memory_space<vmem>>, vector<1x1000x64xf32>
    %get3A_29 = vector.shape_cast %get3A_28 : vector<1x1000x64xf32> to vector<1000x64xf32>
    %get3A_30 = arith.constant 1 : index
    %get3A_31 = arith.constant 0 : index
    %get3A_32 = arith.constant 0 : index
    %get3A_33 = vector.load %arg3[%get3A_30, %get3A_31, %get3A_32] : memref<2x1000x64xf32, #tpu.memory_space<vmem>>, vector<1x1000x64xf32>
    %get3A_34 = vector.shape_cast %get3A_33 : vector<1x1000x64xf32> to vector<1000x64xf32>
    %add3A_35 = arith.addf %get3A_29, %get3A_34 : vector<1000x64xf32>
    %mul3A_36 = vector.broadcast %div3A_12 : vector<1000x1xf32> to vector<1000x64xf32>
    %mul3A_37 = arith.mulf %add3A_35, %mul3A_36 : vector<1000x64xf32>
    %get3A_38 = arith.constant 0 : index
    %get3A_39 = arith.constant 0 : index
    %get3A_40 = vector.load %arg4[%get3A_38, %get3A_39] : memref<256x64xf32, #tpu.memory_space<vmem>>, vector<256x64xf32>
    %dot_general3A = arith.constant dense<0.000000e+00> : vector<1000x256xf32>
    %dot_general3A_41 = tpu.matmul %mul3A_24, %get3A_40, %dot_general3A {dimension_numbers = #tpu.dot_dimension_numbers<[1], [1], [0], [0], [0, 0, 1, 0], [], []>, transpose_lhs_hint = false} : vector<1000x64xf32>, vector<256x64xf32>, vector<1000x256xf32> -> vector<1000x256xf32>
    %get3A_42 = arith.constant 0 : index
    %get3A_43 = arith.constant 0 : index
    %get3A_44 = vector.load %arg5[%get3A_42, %get3A_43] : memref<256x64xf32, #tpu.memory_space<vmem>>, vector<256x64xf32>
    %dot_general3A_45 = arith.constant dense<0.000000e+00> : vector<1000x256xf32>
    %dot_general3A_46 = tpu.matmul %mul3A_37, %get3A_44, %dot_general3A_45 {dimension_numbers = #tpu.dot_dimension_numbers<[1], [1], [0], [0], [0, 0, 1, 0], [], []>, transpose_lhs_hint = false} : vector<1000x64xf32>, vector<256x64xf32>, vector<1000x256xf32> -> vector<1000x256xf32>
    %add3A_47 = arith.addf %dot_general3A_41, %dot_general3A_46 : vector<1000x256xf32>
    %get3A_48 = arith.constant 0 : index
    %get3A_49 = arith.constant 0 : index
    %get3A_50 = vector.load %arg6[%get3A_48, %get3A_49] : memref<1x256xf32, #tpu.memory_space<vmem>>, vector<1x256xf32>
    %add3A_51 = vector.broadcast %get3A_50 : vector<1x256xf32> to vector<1000x256xf32>
    %add3A_52 = arith.addf %add3A_47, %add3A_51 : vector<1000x256xf32>
    %get3A_53 = arith.constant 0 : index
    %get3A_54 = arith.constant 0 : index
    %get3A_55 = vector.load %arg1[%get3A_53, %get3A_54] : memref<1000x128xf32, #tpu.memory_space<vmem>>, vector<1000x128xf32>
    %get3A_56 = arith.constant 0 : index
    %get3A_57 = arith.constant 0 : index
    %get3A_58 = vector.load %arg7[%get3A_56, %get3A_57] : memref<256x128xf32, #tpu.memory_space<vmem>>, vector<256x128xf32>
    %dot_general3A_59 = arith.constant dense<0.000000e+00> : vector<1000x256xf32>
    %dot_general3A_60 = tpu.matmul %get3A_55, %get3A_58, %dot_general3A_59 {dimension_numbers = #tpu.dot_dimension_numbers<[1], [1], [0], [0], [0, 0, 1, 0], [], []>, transpose_lhs_hint = false} : vector<1000x128xf32>, vector<256x128xf32>, vector<1000x256xf32> -> vector<1000x256xf32>
    %add3A_61 = arith.addf %add3A_52, %dot_general3A_60 : vector<1000x256xf32>
    %gt3A = arith.constant 0.000000e+00 : f32
    %gt3A_62 = vector.broadcast %gt3A : f32 to vector<1000x256xf32>
    %gt3A_63 = arith.cmpf ogt, %add3A_61, %gt3A_62 : vector<1000x256xf32>
    %min3A = arith.constant 0.000000e+00 : f32
    %min3A_64 = vector.broadcast %min3A : f32 to vector<1000x256xf32>
    %min3A_65 = arith.minimumf %add3A_61, %min3A_64 : vector<1000x256xf32>
    %exp3A = math.exp %min3A_65 : vector<1000x256xf32>
    %sub3A = arith.constant 1.000000e+00 : f32
    %sub3A_66 = vector.broadcast %sub3A : f32 to vector<1000x256xf32>
    %sub3A_67 = arith.subf %exp3A, %sub3A_66 : vector<1000x256xf32>
    %select_n3A = arith.select %gt3A_63, %add3A_61, %sub3A_67 : vector<1000x256xi1>, vector<1000x256xf32>
    %get3A_68 = arith.constant 0 : index
    %get3A_69 = arith.constant 0 : index
    %get3A_70 = vector.load %arg8[%get3A_68, %get3A_69] : memref<32x256xf32, #tpu.memory_space<vmem>>, vector<32x256xf32>
    %dot_general3A_71 = arith.constant dense<0.000000e+00> : vector<1000x32xf32>
    %dot_general3A_72 = tpu.matmul %select_n3A, %get3A_70, %dot_general3A_71 {dimension_numbers = #tpu.dot_dimension_numbers<[1], [1], [0], [0], [0, 0, 1, 0], [], []>, transpose_lhs_hint = false} : vector<1000x256xf32>, vector<32x256xf32>, vector<1000x32xf32> -> vector<1000x32xf32>
    %swap3A = arith.constant 0 : index
    %swap3A_73 = arith.constant 0 : index
    %swap3A_74 = vector.load %arg11[%swap3A, %swap3A_73] : memref<1000x32xf32, #tpu.memory_space<vmem>>, vector<1000x32xf32>
    tpu.vector_store %arg11[%swap3A, %swap3A_73], %dot_general3A_72 {strides = array<i32>} : memref<1000x32xf32, #tpu.memory_space<vmem>>, vector<1000x32xf32>,
    %get3A_75 = arith.constant 0 : index
    %get3A_76 = arith.constant 0 : index
    %get3A_77 = vector.load %arg10[%get3A_75, %get3A_76] : memref<32x256xf32, #tpu.memory_space<vmem>>, vector<32x256xf32>
    %dot_general3A_78 = arith.constant dense<0.000000e+00> : vector<1000x32xf32>
    %dot_general3A_79 = tpu.matmul %select_n3A, %get3A_77, %dot_general3A_78 {dimension_numbers = #tpu.dot_dimension_numbers<[1], [1], [0], [0], [0, 0, 1, 0], [], []>, transpose_lhs_hint = false} : vector<1000x256xf32>, vector<32x256xf32>, vector<1000x32xf32> -> vector<1000x32xf32>
    %get3A_80 = arith.constant 0 : index
    %get3A_81 = arith.constant 0 : index
    %get3A_82 = vector.load %arg9[%get3A_80, %get3A_81] : memref<1x32xf32, #tpu.memory_space<vmem>>, vector<1x32xf32>
    %add3A_83 = vector.broadcast %get3A_82 : vector<1x32xf32> to vector<1000x32xf32>
    %add3A_84 = arith.addf %dot_general3A_79, %add3A_83 : vector<1000x32xf32>
    %swap3A_85 = arith.constant 0 : index
    %swap3A_86 = arith.constant 0 : index
    %swap3A_87 = vector.load %arg12[%swap3A_85, %swap3A_86] : memref<1000x32xf32, #tpu.memory_space<vmem>>, vector<1000x32xf32>
    tpu.vector_store %arg12[%swap3A_85, %swap3A_86], %add3A_84 {strides = array<i32>} : memref<1000x32xf32, #tpu.memory_space<vmem>>, vector<1000x32xf32>,
    %broadcast_in_dim3A = vector.shape_cast %div3A_12 : vector<1000x1xf32> to vector<1000x1xf32>
    %broadcast_in_dim3A_88 = vector.broadcast %broadcast_in_dim3A : vector<1000x1xf32> to vector<1000x8xf32>
    %swap3A_89 = arith.constant 0 : index
    %swap3A_90 = arith.constant 0 : index
    %swap3A_91 = vector.load %arg13[%swap3A_89, %swap3A_90] : memref<1000x8xf32, #tpu.memory_space<vmem>>, vector<1000x8xf32>
    tpu.vector_store %arg13[%swap3A_89, %swap3A_90], %broadcast_in_dim3A_88 {strides = array<i32>} : memref<1000x8xf32, #tpu.memory_space<vmem>>, vector<1000x8xf32>,
    return
  }
  func.func @transform_0(%arg0: i32) -> (i32, i32) {
    %c0_i32 = arith.constant 0 : i32
    %c0_i32_0 = arith.constant 0 : i32
    return %arg0, %c0_i32 : i32, i32
  }
  func.func @transform_1(%arg0: i32) -> (i32, i32, i32) {
    %c0_i32 = arith.constant 0 : i32
    %c0_i32_0 = arith.constant 0 : i32
    %c0_i32_1 = arith.constant 0 : i32
    return %c0_i32, %arg0, %c0_i32_0 : i32, i32, i32
  }
  func.func @transform_2(%arg0: i32) -> (i32, i32, i32) {
    %c0_i32 = arith.constant 0 : i32
    %c0_i32_0 = arith.constant 0 : i32
    %c0_i32_1 = arith.constant 0 : i32
    return %c0_i32, %arg0, %c0_i32_0 : i32, i32, i32
  }
  func.func @transform_3(%arg0: i32) -> (i32, i32) {
    %c0_i32 = arith.constant 0 : i32
    %c0_i32_0 = arith.constant 0 : i32
    %c0_i32_1 = arith.constant 0 : i32
    return %c0_i32, %c0_i32_0 : i32, i32
  }
  func.func @transform_4(%arg0: i32) -> (i32, i32) {
    %c0_i32 = arith.constant 0 : i32
    %c0_i32_0 = arith.constant 0 : i32
    %c0_i32_1 = arith.constant 0 : i32
    return %c0_i32, %c0_i32_0 : i32, i32
  }
  func.func @transform_5(%arg0: i32) -> (i32, i32) {
    %c0_i32 = arith.constant 0 : i32
    %c0_i32_0 = arith.constant 0 : i32
    %c0_i32_1 = arith.constant 0 : i32
    return %c0_i32, %c0_i32_0 : i32, i32
  }
  func.func @transform_6(%arg0: i32) -> (i32, i32) {
    %c0_i32 = arith.constant 0 : i32
    %c0_i32_0 = arith.constant 0 : i32
    %c0_i32_1 = arith.constant 0 : i32
    return %c0_i32, %c0_i32_0 : i32, i32
  }
  func.func @transform_7(%arg0: i32) -> (i32, i32) {
    %c0_i32 = arith.constant 0 : i32
    %c0_i32_0 = arith.constant 0 : i32
    %c0_i32_1 = arith.constant 0 : i32
    return %c0_i32, %c0_i32_0 : i32, i32
  }
  func.func @transform_8(%arg0: i32) -> (i32, i32) {
    %c0_i32 = arith.constant 0 : i32
    %c0_i32_0 = arith.constant 0 : i32
    %c0_i32_1 = arith.constant 0 : i32
    return %c0_i32, %c0_i32_0 : i32, i32
  }
  func.func @transform_9(%arg0: i32) -> (i32, i32) {
    %c0_i32 = arith.constant 0 : i32
    %c0_i32_0 = arith.constant 0 : i32
    %c0_i32_1 = arith.constant 0 : i32
    return %c0_i32, %c0_i32_0 : i32, i32
  }
  func.func @transform_10(%arg0: i32) -> (i32, i32) {
    %c0_i32 = arith.constant 0 : i32
    %c0_i32_0 = arith.constant 0 : i32
    return %arg0, %c0_i32 : i32, i32
  }
  func.func @transform_11(%arg0: i32) -> (i32, i32) {
    %c0_i32 = arith.constant 0 : i32
    %c0_i32_0 = arith.constant 0 : i32
    return %arg0, %c0_i32 : i32, i32
  }
  func.func @transform_12(%arg0: i32) -> (i32, i32) {
    %c0_i32 = arith.constant 0 : i32
    %c0_i32_0 = arith.constant 0 : i32
    return %arg0, %c0_i32 : i32, i32
  }
}

module attributes {stable_mosaic.version = 14 : i64} {
  func.func @_t2_body(%arg0: i32, %arg1: memref<2x1000x32xf32, #tpu.memory_space<vmem>>, %arg2: memref<1000x8xf32, #tpu.memory_space<vmem>>, %arg3: memref<1000x32xf32, #tpu.memory_space<vmem>>, %arg4: memref<1000x32xf32, #tpu.memory_space<vmem>>) attributes {dimension_semantics = [#tpu.dimension_semantics<arbitrary>], iteration_bounds = array<i64: 10>, scalar_prefetch = 0 : i64, scratch_operands = 0 : i64, tpu.core_type = #tpu.core_type<tc>, window_params = [{transform_indices = @transform_0, window_bounds = array<i64: 2, 1000, 32>}, {transform_indices = @transform_1, window_bounds = array<i64: 1000, 8>}, {transform_indices = @transform_2, window_bounds = array<i64: 1000, 32>}, {transform_indices = @transform_3, window_bounds = array<i64: 1000, 32>}]} {
    %get3A = arith.constant 0 : index
    %get3A_0 = arith.constant 0 : index
    %get3A_1 = arith.constant 0 : index
    %get3A_2 = vector.load %arg1[%get3A, %get3A_0, %get3A_1] : memref<2x1000x32xf32, #tpu.memory_space<vmem>>, vector<1x1000x32xf32>
    %get3A_3 = vector.shape_cast %get3A_2 : vector<1x1000x32xf32> to vector<1000x32xf32>
    %get3A_4 = arith.constant 1 : index
    %get3A_5 = arith.constant 0 : index
    %get3A_6 = arith.constant 0 : index
    %get3A_7 = vector.load %arg1[%get3A_4, %get3A_5, %get3A_6] : memref<2x1000x32xf32, #tpu.memory_space<vmem>>, vector<1x1000x32xf32>
    %get3A_8 = vector.shape_cast %get3A_7 : vector<1x1000x32xf32> to vector<1000x32xf32>
    %add3A = arith.addf %get3A_3, %get3A_8 : vector<1000x32xf32>
    %get3A_9 = arith.constant 0 : index
    %get3A_10 = arith.constant 0 : index
    %get3A_11 = vector.load %arg2[%get3A_9, %get3A_10] : memref<1000x8xf32, #tpu.memory_space<vmem>>, vector<1000x1xf32>
    %mul3A = vector.broadcast %get3A_11 : vector<1000x1xf32> to vector<1000x32xf32>
    %mul3A_12 = arith.mulf %add3A, %mul3A : vector<1000x32xf32>
    %get3A_13 = arith.constant 0 : index
    %get3A_14 = arith.constant 0 : index
    %get3A_15 = vector.load %arg3[%get3A_13, %get3A_14] : memref<1000x32xf32, #tpu.memory_space<vmem>>, vector<1000x32xf32>
    %add3A_16 = arith.addf %mul3A_12, %get3A_15 : vector<1000x32xf32>
    %gt3A = arith.constant 0.000000e+00 : f32
    %gt3A_17 = vector.broadcast %gt3A : f32 to vector<1000x32xf32>
    %gt3A_18 = arith.cmpf ogt, %add3A_16, %gt3A_17 : vector<1000x32xf32>
    %min3A = arith.constant 0.000000e+00 : f32
    %min3A_19 = vector.broadcast %min3A : f32 to vector<1000x32xf32>
    %min3A_20 = arith.minimumf %add3A_16, %min3A_19 : vector<1000x32xf32>
    %exp3A = math.exp %min3A_20 : vector<1000x32xf32>
    %sub3A = arith.constant 1.000000e+00 : f32
    %sub3A_21 = vector.broadcast %sub3A : f32 to vector<1000x32xf32>
    %sub3A_22 = arith.subf %exp3A, %sub3A_21 : vector<1000x32xf32>
    %select_n3A = arith.select %gt3A_18, %add3A_16, %sub3A_22 : vector<1000x32xi1>, vector<1000x32xf32>
    %swap3A = arith.constant 0 : index
    %swap3A_23 = arith.constant 0 : index
    %swap3A_24 = vector.load %arg4[%swap3A, %swap3A_23] : memref<1000x32xf32, #tpu.memory_space<vmem>>, vector<1000x32xf32>
    tpu.vector_store %arg4[%swap3A, %swap3A_23], %select_n3A {strides = array<i32>} : memref<1000x32xf32, #tpu.memory_space<vmem>>, vector<1000x32xf32>,
    return
  }
  func.func @transform_0(%arg0: i32) -> (i32, i32, i32) {
    %c0_i32 = arith.constant 0 : i32
    %c0_i32_0 = arith.constant 0 : i32
    %c0_i32_1 = arith.constant 0 : i32
    return %c0_i32, %arg0, %c0_i32_0 : i32, i32, i32
  }
  func.func @transform_1(%arg0: i32) -> (i32, i32) {
    %c0_i32 = arith.constant 0 : i32
    %c0_i32_0 = arith.constant 0 : i32
    return %arg0, %c0_i32 : i32, i32
  }
  func.func @transform_2(%arg0: i32) -> (i32, i32) {
    %c0_i32 = arith.constant 0 : i32
    %c0_i32_0 = arith.constant 0 : i32
    return %arg0, %c0_i32 : i32, i32
  }
  func.func @transform_3(%arg0: i32) -> (i32, i32) {
    %c0_i32 = arith.constant 0 : i32
    %c0_i32_0 = arith.constant 0 : i32
    return %arg0, %c0_i32 : i32, i32
  }
}

module attributes {stable_mosaic.version = 14 : i64} {
  func.func @_t3_body(%arg0: i32, %arg1: memref<2x1000x32xf32, #tpu.memory_space<vmem>>, %arg2: memref<1000x8xf32, #tpu.memory_space<vmem>>, %arg3: memref<1000x32xf32, #tpu.memory_space<vmem>>, %arg4: memref<64x32xf32, #tpu.memory_space<vmem>>, %arg5: memref<1x64xf32, #tpu.memory_space<vmem>>, %arg6: memref<64x32xf32, #tpu.memory_space<vmem>>, %arg7: memref<1000x64xf32, #tpu.memory_space<vmem>>) attributes {dimension_semantics = [#tpu.dimension_semantics<arbitrary>], iteration_bounds = array<i64: 10>, scalar_prefetch = 0 : i64, scratch_operands = 0 : i64, tpu.core_type = #tpu.core_type<tc>, window_params = [{transform_indices = @transform_0, window_bounds = array<i64: 2, 1000, 32>}, {transform_indices = @transform_1, window_bounds = array<i64: 1000, 8>}, {transform_indices = @transform_2, window_bounds = array<i64: 1000, 32>}, {pipeline_mode = #tpu.pipeline_mode<synchronous>, transform_indices = @transform_3, window_bounds = array<i64: 64, 32>}, {pipeline_mode = #tpu.pipeline_mode<synchronous>, transform_indices = @transform_4, window_bounds = array<i64: 1, 64>}, {pipeline_mode = #tpu.pipeline_mode<synchronous>, transform_indices = @transform_5, window_bounds = array<i64: 64, 32>}, {transform_indices = @transform_6, window_bounds = array<i64: 1000, 64>}]} {
    %get3A = arith.constant 0 : index
    %get3A_0 = arith.constant 0 : index
    %get3A_1 = arith.constant 0 : index
    %get3A_2 = vector.load %arg1[%get3A, %get3A_0, %get3A_1] : memref<2x1000x32xf32, #tpu.memory_space<vmem>>, vector<1x1000x32xf32>
    %get3A_3 = vector.shape_cast %get3A_2 : vector<1x1000x32xf32> to vector<1000x32xf32>
    %get3A_4 = arith.constant 1 : index
    %get3A_5 = arith.constant 0 : index
    %get3A_6 = arith.constant 0 : index
    %get3A_7 = vector.load %arg1[%get3A_4, %get3A_5, %get3A_6] : memref<2x1000x32xf32, #tpu.memory_space<vmem>>, vector<1x1000x32xf32>
    %get3A_8 = vector.shape_cast %get3A_7 : vector<1x1000x32xf32> to vector<1000x32xf32>
    %add3A = arith.addf %get3A_3, %get3A_8 : vector<1000x32xf32>
    %get3A_9 = arith.constant 0 : index
    %get3A_10 = arith.constant 0 : index
    %get3A_11 = vector.load %arg2[%get3A_9, %get3A_10] : memref<1000x8xf32, #tpu.memory_space<vmem>>, vector<1000x1xf32>
    %mul3A = vector.broadcast %get3A_11 : vector<1000x1xf32> to vector<1000x32xf32>
    %mul3A_12 = arith.mulf %add3A, %mul3A : vector<1000x32xf32>
    %get3A_13 = arith.constant 0 : index
    %get3A_14 = arith.constant 0 : index
    %get3A_15 = vector.load %arg4[%get3A_13, %get3A_14] : memref<64x32xf32, #tpu.memory_space<vmem>>, vector<64x32xf32>
    %dot_general3A = arith.constant dense<0.000000e+00> : vector<1000x64xf32>
    %dot_general3A_16 = tpu.matmul %mul3A_12, %get3A_15, %dot_general3A {dimension_numbers = #tpu.dot_dimension_numbers<[1], [1], [0], [0], [0, 0, 1, 0], [], []>, transpose_lhs_hint = false} : vector<1000x32xf32>, vector<64x32xf32>, vector<1000x64xf32> -> vector<1000x64xf32>
    %get3A_17 = arith.constant 0 : index
    %get3A_18 = arith.constant 0 : index
    %get3A_19 = vector.load %arg5[%get3A_17, %get3A_18] : memref<1x64xf32, #tpu.memory_space<vmem>>, vector<1x64xf32>
    %add3A_20 = vector.broadcast %get3A_19 : vector<1x64xf32> to vector<1000x64xf32>
    %add3A_21 = arith.addf %dot_general3A_16, %add3A_20 : vector<1000x64xf32>
    %get3A_22 = arith.constant 0 : index
    %get3A_23 = arith.constant 0 : index
    %get3A_24 = vector.load %arg3[%get3A_22, %get3A_23] : memref<1000x32xf32, #tpu.memory_space<vmem>>, vector<1000x32xf32>
    %get3A_25 = arith.constant 0 : index
    %get3A_26 = arith.constant 0 : index
    %get3A_27 = vector.load %arg6[%get3A_25, %get3A_26] : memref<64x32xf32, #tpu.memory_space<vmem>>, vector<64x32xf32>
    %dot_general3A_28 = arith.constant dense<0.000000e+00> : vector<1000x64xf32>
    %dot_general3A_29 = tpu.matmul %get3A_24, %get3A_27, %dot_general3A_28 {dimension_numbers = #tpu.dot_dimension_numbers<[1], [1], [0], [0], [0, 0, 1, 0], [], []>, transpose_lhs_hint = false} : vector<1000x32xf32>, vector<64x32xf32>, vector<1000x64xf32> -> vector<1000x64xf32>
    %add3A_30 = arith.addf %add3A_21, %dot_general3A_29 : vector<1000x64xf32>
    %swap3A = arith.constant 0 : index
    %swap3A_31 = arith.constant 0 : index
    %swap3A_32 = vector.load %arg7[%swap3A, %swap3A_31] : memref<1000x64xf32, #tpu.memory_space<vmem>>, vector<1000x64xf32>
    tpu.vector_store %arg7[%swap3A, %swap3A_31], %add3A_30 {strides = array<i32>} : memref<1000x64xf32, #tpu.memory_space<vmem>>, vector<1000x64xf32>,
    return
  }
  func.func @transform_0(%arg0: i32) -> (i32, i32, i32) {
    %c0_i32 = arith.constant 0 : i32
    %c0_i32_0 = arith.constant 0 : i32
    %c0_i32_1 = arith.constant 0 : i32
    return %c0_i32, %arg0, %c0_i32_0 : i32, i32, i32
  }
  func.func @transform_1(%arg0: i32) -> (i32, i32) {
    %c0_i32 = arith.constant 0 : i32
    %c0_i32_0 = arith.constant 0 : i32
    return %arg0, %c0_i32 : i32, i32
  }
  func.func @transform_2(%arg0: i32) -> (i32, i32) {
    %c0_i32 = arith.constant 0 : i32
    %c0_i32_0 = arith.constant 0 : i32
    return %arg0, %c0_i32 : i32, i32
  }
  func.func @transform_3(%arg0: i32) -> (i32, i32) {
    %c0_i32 = arith.constant 0 : i32
    %c0_i32_0 = arith.constant 0 : i32
    %c0_i32_1 = arith.constant 0 : i32
    return %c0_i32, %c0_i32_0 : i32, i32
  }
  func.func @transform_4(%arg0: i32) -> (i32, i32) {
    %c0_i32 = arith.constant 0 : i32
    %c0_i32_0 = arith.constant 0 : i32
    %c0_i32_1 = arith.constant 0 : i32
    return %c0_i32, %c0_i32_0 : i32, i32
  }
  func.func @transform_5(%arg0: i32) -> (i32, i32) {
    %c0_i32 = arith.constant 0 : i32
    %c0_i32_0 = arith.constant 0 : i32
    %c0_i32_1 = arith.constant 0 : i32
    return %c0_i32, %c0_i32_0 : i32, i32
  }
  func.func @transform_6(%arg0: i32) -> (i32, i32) {
    %c0_i32 = arith.constant 0 : i32
    %c0_i32_0 = arith.constant 0 : i32
    return %arg0, %c0_i32 : i32, i32
  }
}

</mosaic_0001>

<sc_bundles>
// kernel: kernel.12.cloned.1.call-start
scs
__scs_entry_jumppad:
0x0: {  	(pc) =	sbr.rel $0x88, $3  }
0x1: {  	(tag) =	ssettag $0x0;
	lr =	simm.s32 $0x1  }
0x2: {  	[smem:$0x3F96] =	sst lr;
	_ =	strace $0xD0000000  }
0x3: {  	_ = 	snop  }
0x4: {  	_ = 	snop  }
0x5: {  	_ = 	snop  }
0x6: {  	_ = 	snop  }
0x7: {  	_ = 	snop  }
__scs_overlays_trampoline_lowered:
0x8: {  	[smem:$0x3FA5] =	sst s0  }
0x9: {  	[smem:$0x3FA6] =	sst s1  }
0xa: {  	[smem:$0x3FA7] =	sst s2  }
0xb: {  	[smem:$0x3FA8] =	sst s3  }
0xc: {  	[smem:$0x3FA9] =	sst s4  }
0xd: {  	[smem:$0x3FAA] =	sst s5  }
0xe: {  	[smem:$0x3FAB] =	sst s6  }
0xf: {  	[smem:$0x3FAC] =	sst s7  }
0x10: {  	[smem:$0x3FAD] =	sst s8  }
0x11: {  	[smem:$0x3FAE] =	sst s9;
	s0 =	simm.s32 @!p0 $0x0  }
0x12: {  	s1 =	sld [smem:$0x3F94];
	s0 =	simm.s32 @p0 $0x1  }
0x13: {  	[smem:$0x3FAF] =	sst s0;
	s0 =	simm.s32 @!p1 $0x0  }
0x14: {  	s2 =	sld [smem:$0x3F93];
	s0 =	simm.s32 @p1 $0x1  }
0x15: {  	[smem:$0x3FB0] =	sst s0;
	s0 =	simm.s32 @!p2 $0x0  }
0x16: {  	s3 =	sld [smem:$0x3FDB];
	s0 =	simm.s32 @p2 $0x1  }
0x17: {  	s4 =	simm.s32 $0x1BF5;
	[smem:$0x3FB2] =	sst s0  }
0x18: {  	s0 =	sld [smem:$0x3F95];
	_ =	swait.ge [sflag:s4], $0x0  }
0x19: {  	s7 =	sld [smem:$0x3F96]  }
0x1a: {  	s8 =	sadd.s32 $0xFFFFE003, lr  }
0x1b: {  	s9 =	sadd.s32 $0xFFFFFEF7, lr;
	s5 =	simm.s32 $0xFFFFFFFF;
	p2 =	slt.u32 s8, $0xFFFFF086  }
0x1c: {  	p1 =	slt.u32 s9, $0xF7A;
	s5 =	simm.s32 @!p2 $0x0  }
0x1d: {  	s5 =	simm.s32 @p1 $0x1;
	p0 =	seq.s32 s7, s2  }
0x1e: {  	s7 =	smul.u32 @!p0 $0xF7A, s2;
	p2 =	seq.s32 @!p0 s5, $0x0  }
0x1f: {  	s9 =	smul.u32 $0xF7A, s1;
	s8 =	simm.s32 @!p0 $0x1BF5;
	p2 =	por !p2, p0  }
0x20: {  	[sflag:s8] =	ssyncset.s32 @!p0 $0xFFFFF086;
	s6 =	sadd.s32 @!p0 s3, s7;
	s7 =	simm.s32 @!p0 $0x108  }
0x21: {  	s3 =	sadd.s32 s3, s9;
	s6 =	sadd.s32 @!p0 $0x88, s6;
	s7 =	simm.s32 @p2 $0x1082  }
0x22: {  	[simem:s7], [sflag:s8] =	dma.local @!p0 [hbm:s6], $0xF7A  }
0x23: {  	s9 =	sor.u32 $0xD0000000, s2;
	s6 =	simm.s32 $0x108;
	_ =	swait.ge @!p0 [sflag:s8], $0x0  }
0x24: {  	s3 =	sadd.s32 $0x88, s3;
	s6 =	simm.s32 @!p1 $0x1082;
	[sflag:s4] =	ssyncset.s32 $0xFFFFF086  }
0x25: {  	[simem:s6], [sflag:s4] =	dma.local [hbm:s3], $0xF7A  }
0x26: {  	[smem:$0x3F96] =	sst s1;
	(tag) =	ssettag s2;
	_ =	strace s9  }
0x27: {  	s1 =	sld [smem:$0x3FA6]  }
0x28: {  	s2 =	sld [smem:$0x3FA7]  }
0x29: {  	s4 =	sld [smem:$0x3FA9]  }
0x2a: {  	p0 =	seq.s32 s5, $0x0;
	s5 =	sld [smem:$0x3FAA]  }
0x2b: {  	s6 =	sld [smem:$0x3FAB]  }
0x2c: {  	s7 =	sld [smem:$0x3FAC]  }
0x2d: {  	s3 =	simm.s32 $0x108;
	s8 =	sld [smem:$0x3FAD]  }
0x2e: {  	s3 =	simm.s32 @!p0 $0x1082;
	s9 =	sld [smem:$0x3FAE]  }
0x2f: {  	lr =	sadd.s32 s0, s3;
	s0 =	sld [smem:$0x3FA5]  }
0x30: {  	s3 =	sld [smem:$0x3FA8]  }
0x31: {  	[smem:$0x3FB1] =	sst s10  }
0x32: {  	s10 =	sld [smem:$0x3FAF];
	_ =	sdelay $0x3  }
0x33: {  	p0 =	seq.s32 s10, $0x1;
	s10 =	sld [smem:$0x3FB1];
	_ =	sdelay $0x3  }
0x34: {  	[smem:$0x3FB1] =	sst s10  }
0x35: {  	s10 =	sld [smem:$0x3FB0];
	_ =	sdelay $0x3  }
0x36: {  	p1 =	seq.s32 s10, $0x1;
	s10 =	sld [smem:$0x3FB1];
	_ =	sdelay $0x3  }
0x37: {  	[smem:$0x3FB1] =	sst s10  }
0x38: {  	s10 =	sld [smem:$0x3FB2]  }
0x39: {  	_ = 	snop;
	(pc) =	sbr.ind lr, $3  }
0x3a: {  	_ = 	snop  }
0x3b: {  	_ = 	snop  }
0x3c: {  	p2 =	seq.s32 s10, $0x1;
	s10 =	sld [smem:$0x3FB1]  }
0x3d: {  	_ =	shalt  }
0x3e: {  	_ =	shalt  }
0x3f: {  	_ =	shalt  }
0x40: {  	_ =	shalt  }
0x41: {  	_ =	shalt  }
0x42: {  	_ =	shalt  }
0x43: {  	_ =	shalt  }
0x44: {  	_ =	shalt  }
0x45: {  	_ =	shalt  }
0x46: {  	_ =	shalt  }
0x47: {  	_ =	shalt  }
0x48: {  	_ =	shalt  }
0x49: {  	_ =	shalt  }
0x4a: {  	_ =	shalt  }
0x4b: {  	_ =	shalt  }
0x4c: {  	_ =	shalt  }
0x4d: {  	_ =	shalt  }
0x4e: {  	_ =	shalt  }
0x4f: {  	_ =	shalt  }
0x50: {  	_ =	shalt  }
0x51: {  	_ =	shalt  }
0x52: {  	_ =	shalt  }
0x53: {  	_ =	shalt  }
0x54: {  	_ =	shalt  }
0x55: {  	_ =	shalt  }
0x56: {  	_ =	shalt  }
0x57: {  	_ =	shalt  }
0x58: {  	_ =	shalt  }
0x59: {  	_ =	shalt  }
0x5a: {  	_ =	shalt  }
0x5b: {  	_ =	shalt  }
0x5c: {  	_ =	shalt  }
0x5d: {  	_ =	shalt  }
0x5e: {  	_ =	shalt  }
0x5f: {  	_ =	shalt  }
0x60: {  	_ =	shalt  }
0x61: {  	_ =	shalt  }
0x62: {  	_ =	shalt  }
0x63: {  	_ =	shalt  }
0x64: {  	_ =	shalt  }
0x65: {  	_ =	shalt  }
0x66: {  	_ =	shalt  }
0x67: {  	_ =	shalt  }
0x68: {  	_ =	shalt  }
0x69: {  	_ =	shalt  }
0x6a: {  	_ =	shalt  }
0x6b: {  	_ =	shalt  }
0x6c: {  	_ =	shalt  }
0x6d: {  	_ =	shalt  }
0x6e: {  	_ =	shalt  }
0x6f: {  	_ =	shalt  }
0x70: {  	_ =	shalt  }
0x71: {  	_ =	shalt  }
0x72: {  	_ =	shalt  }
0x73: {  	_ =	shalt  }
0x74: {  	_ =	shalt  }
0x75: {  	_ =	shalt  }
0x76: {  	_ =	shalt  }
0x77: {  	_ =	shalt  }
0x78: {  	_ =	shalt  }
0x79: {  	_ =	shalt  }
0x7a: {  	_ =	shalt  }
0x7b: {  	_ =	shalt  }
0x7c: {  	_ =	shalt  }
0x7d: {  	_ =	shalt  }
0x7e: {  	_ =	shalt  }
0x7f: {  	_ =	shalt  }
0x80: {  	_ =	shalt  }
0x81: {  	_ =	shalt  }
0x82: {  	_ =	shalt  }
0x83: {  	_ =	shalt  }
0x84: {  	_ =	shalt  }
0x85: {  	_ =	shalt  }
0x86: {  	_ =	shalt  }
0x87: {  	_ =	shalt  }
.Lfunc_end0:
.L_simem_size_0:
called_computation.1_lowered:
.L_overlay_start_0:
0x88: {  	s2 =	sld [smem:$0x3FD9]  }
0x89: {  	s3 =	sld [smem:$0x3FFE];
	_ =	sdelay $0x1  }
0x8a: {  	s1 =	srdreg.scid  }
0x8b: {  	s0 =	sand.u32 $0x1, s1  }
0x8c: {  	s17 =	sshll.u32 s0, $0xA;
	s2 =	sadd.s32 s3, s2  }
0x8d: {  	s2 =	sadd.s32 s2, s17  }
0x8e: {  	[smem:$0x3FBD] =	sst s2  }
0x8f: {  	_ = 	snop  }
0x90: {  	s18 =	sld [smem:$0x3FC9]  }
0x91: {  	s4 =	sld [smem:$0x3FD0];
	(tm) =	ssettm $0x1  }
0x92: {  	s19 =	sld [smem:$0x3FFB];
	_ =	sdelay $0x3  }
0x93: {  	_ =	strace s19  }
0x94: {  	s2 =	sld [smem:$0x3FFC];
	_ =	sdelay $0x3  }
0x95: {  	_ =	strace s2  }
0x96: {  	s2 =	sld [smem:$0x3FFD];
	_ =	sdelay $0x3  }
0x97: {  	_ =	strace s2  }
0x98: {  	_ =	strace $0x8FFFFFFF  }
0x99: {  	s20 =	sld [smem:$0x3FDB];
	_ =	sdelay $0x1  }
0x9a: {  	s5 =	simm.s32 $_scs_section_size  }
0x9b: {  	s6 =	simm.s32 $_size__tile_overlayer_lowered;
	s7 =	simm.s32 $_tile_overlayer_lowered  }
0x9c: {  	s8 =	simm.s32 $0x1BFF;
	s21 =	sshll.u32 s7, $0x1;
	s5 =	sadd.s32 s5, s20  }
0x9d: {  	s22 =	simm.s32 $0x0;
	s6 =	sshll.u32 s6, $0x1;
	s7 =	sadd.s32 s21, s5  }
0x9e: {  	[timem:s22], [sflag:s8] =	dma.local [hbm:s7], s6  }
0x9f: {  	_ =	swait.ge [sflag:s8], s6  }
0xa0: {  	s6 =	ssub.s32 $0x0, s6;
	[sflag:s8] =	ssyncset.done $0x0  }
0xa1: {  	[sflag:s8] =	ssyncadd.s32 s6;
	_ =	sdelay $0x1  }
0xa2: {  	s23 =	simm.s32 $0x1B8B  }
0xa3: {  	_ =	swait.ge [sflag:s23], $0x1  }
0xa4: {  	[sflag:s23] =	ssyncset.done $0x0  }
0xa5: {  	[sflag:s23] =	ssyncadd.s32 $0xFFFFFFFF  }
0xa6: {  	s6 =	sld [smem:$0x0]  }
0xa7: {  	s7 =	sand.u32 $0xFFFFFFFE, s1  }
0xa8: {  	p0 =	sne.s32 s1, s7  }
0xa9: {  	s7 =	sshll.u32 @p0 s7, $0xE  }
0xaa: {  	s7 =	sadd.s32 @p0 $0x11B8D, s7;
	s8 =	sshll.u32 @p0 s6, $0x11  }
0xab: {  	s7 =	sor.u32 @p0 s8, s7  }
0xac: {  	[sflag:s7] =	ssyncadd.remote.s32 @p0 $0x1;
	_ =	sdelay $0x1  }
0xad: {  	s7 =	simm.s32 @p0 $0x1B8D  }
0xae: {  	_ =	swait.eq @p0 [sflag:s7], $0x1  }
0xaf: {  	[sflag:s7] =	ssyncadd.s32 @p0 $0xFFFFFFFF  }
0xb0: {  	s8 =	sshll.u32 @!p0 s1, $0xE  }
0xb1: {  	s8 =	sor.u32 @!p0 $0x4000, s8;
	s7 =	simm.s32 @!p0 $0x1B8D  }
0xb2: {  	s6 =	sshll.u32 @!p0 s6, $0x11;
	s8 =	sadd.s32 @!p0 $0x11B8D, s8;
	_ =	swait.eq @!p0 [sflag:s7], $0x1  }
0xb3: {  	s6 =	sor.u32 @!p0 s6, s8;
	[sflag:s7] =	ssyncadd.s32 @!p0 $0xFFFFFFFF  }
0xb4: {  	s25 =	simm.s32 $0x1B8E;
	s24 =	sld [smem:$0x3FFE];
	[sflag:s6] =	ssyncadd.remote.s32 @!p0 $0x1  }
0xb5: {  	s26 =	simm.s32 $execute0_lowered;
	[smem:$0x3FD2] =	sst s25  }
0xb6: {  	s7 =	sshll.u32 s26, $0x1;
	_ =	strace $0x80000049;
	[dreg:$0x1] =	wrdreg $0xFFFFFFFF  }
0xb7: {  	s28 =	simm.s32 $_size_execute0_lowered;
	s5 =	sadd.s32 s5, s7;
	[dreg:$0x0] =	wrdreg $0x0  }
0xb8: {  	s7 =	sshll.u32 s28, $0x1;
	[dreg:$0x2] =	wrdreg s5  }
0xb9: {  	[dreg:$0x3] =	wrdreg s7  }
0xba: {  	[dreg:$0x4] =	wrdreg $0xC0  }
0xbb: {  	_ =	task [dreg:s22], $0x5FFFF  }
0xbc: {  	[dreg:$0x1] =	wrdreg $0xFFFFFFFF  }
0xbd: {  	[dreg:$0x0] =	wrdreg $0x60  }
0xbe: {  	[dreg:$0x2] =	wrdreg s18  }
0xbf: {  	[dreg:$0x3] =	wrdreg s4  }
0xc0: {  	[dreg:$0x4] =	wrdreg s24  }
0xc1: {  	[dreg:$0x5] =	wrdreg $0xE0400  }
0xc2: {  	[dreg:$0x6] =	wrdreg $0x44000  }
0xc3: {  	[dreg:$0x7] =	wrdreg $0xA  }
0xc4: {  	_ =	task.clear_ibuf [dreg:s22], $0x8FFFF;
	_ =	strace $0x90000049  }
0xc5: {  	s29 =	simm.s32 $0xA;
	_ =	strace $0x8000004B  }
0xc6: {  	_ =	swait.ge [sflag:s29], $0x1  }
0xc7: {  	[sflag:s29] =	ssyncadd.s32 $0xFFFFFFFF  }
0xc8: {  	_ =	strace $0x9000004B  }
0xc9: {  	_ =	sfence  }
0xca: {  	s30 =	sld [smem:$0x0];
	_ =	sdelay $0x2  }
0xcb: {  	s31 =	sshll.u32 s1, $0xD;
	s1 =	sshrl.u32 s1, $0x2  }
0xcc: {  	s4 =	sand.u32 $0x4000, s31;
	s1 =	sadd.s32 s1, s30  }
0xcd: {  	s0 =	sor.u32 s4, s0;
	s1 =	sshll.u32 s1, $0x11  }
0xce: {  	s0 =	sor.u32 s1, s0  }
0xcf: {  	s0 =	sadd.s32 $0x8F2B, s0  }
0xd0: {  	[sflag:s0] =	ssyncadd.remote.s32 $0x1  }
0xd1: {  	_ =	sfence.sel $0xFFFF  }
0xd2: {  	[dreg:$0x0] =	wrdreg $0xFFFFFFFF;
	(pc) =	sbr.abs _section_cstart, $3  }
0xd3: {  	[dreg:$0x1] =	wrdreg $0xFFFFFFFF  }
0xd4: {  	_ =	task.clear_ibuf [dreg:s22], $0x2FFFF;
	_ =	strace $0x9FFFFFFF  }
0xd5: {  	(tm) =	ssettm $0x7FFFFFFF  }
tec
execute0_lowered:
.L_overlay_start_1:
0x0: {  	(tag) =	ssettag $0x1  }
0x1: {  	s0 =	rddreg [dreg:$0x0]  }
0x2: {  	s1 =	rddreg [dreg:$0x1]  }
0x3: {  	s2 =	rddreg [dreg:$0x2];
	s5 =	stileid.u32  }
0x4: {  	s4 =	srdreg.scid;
	s3 =	rddreg [dreg:$0x3];
	s9 =	simm.s32 $0x0  }
0x5: {  	s28 =	simm.s32 $0x2400;
	s29 =	simm.s32 $0x6;
	s6 =	smul.u32 $0xA000, s5  }
0x6: {  	s30 =	simm.s32 $0x7;
	s31 =	simm.s32 $0x3;
	s12 =	smul.u32 $0x27100, s5  }
0x7: {  	s7 =	sand.u32 $0x1, s4;
	[smem:$0x7FF] =	sst s9;
	s14 =	smul.u32 $0x2710, s5  }
0x8: {  	s4 =	rddreg [dreg:$0x4];
	s8 =	smul.u32 $0xA0000, s7;
	_ =	strace $0x8000004A  }
0x9: {  	s10 =	ssub.s32 $0x2, s7;
	s11 =	sshll.u32 s7, $0x4;
	s26 =	smul.u32 $0x4F000, s7  }
0xa: {  	s23 =	sshrl.u32 s6, $0x3;
	s13 =	sshrl.u32 s10, $0x1;
	s11 =	sor.u32 s5, s11  }
0xb: {  	s12 =	sshrl.u32 s12, $0x2;
	s0 =	sadd.s32 s14, s0;
	s8 =	sadd.s32 s6, s8  }
0xc: {  	s9 =	sadd.s32 s23, s2;
	s24 =	ssub.s32 s10, s13;
	s25 =	smul.u32 $0x4F00, s11  }
0xd: {  	s6 =	sadd.s32 s6, s3;
	s11 =	sshll.u32 s5, $0x6;
	s13 =	smul.u32 $0x4F00, s5  }
0xe: {  	s0 =	sadd.s32 $0x8, s0;
	s8 =	sshrl.u32 s8, $0x3;
	s9 =	sadd.s32 $0x5C200, s9  }
0xf: {  	s7 =	sor.u32 $0x1C09, s11;
	s11 =	sadd.s32 s12, s4;
	[dreg:$0xd] =	wrdreg s0  }
0x10: {  	s22 =	smax.u32 s24, $0x1;
	s2 =	sadd.s32 s8, s2;
	[dreg:$0xb] =	wrdreg s9  }
0x11: {  	s10 =	sshrl.u32 s25, $0x3;
	s9 =	sadd.s32 s13, s26;
	[dreg:$0x11] =	wrdreg s22  }
0x12: {  	s24 =	sshrl.u32 s11, $0x3;
	s22 =	simm.s32 $0x200;
	s25 =	simm.s32 $0x180  }
0x13: {  	s26 =	simm.s32 $0x280;
	s15 =	sadd.s32 s1, s10;
	s17 =	sadd.s32 $0x500, s9  }
0x14: {  	s18 =	sadd.s32 $0x600, s9;
	s12 =	sadd.s32 $0x300, s9;
	[dreg:$0x13] =	wrdreg s24  }
0x15: {  	s2 =	sadd.s32 $0x70200, s2;
	s23 =	sadd.s32 $0x400, s9;
	[dreg:$0x9] =	wrdreg s25  }
0x16: {  	s24 =	simm.s32 $0x400;
	[dreg:$0xa] =	wrdreg s26;
	s25 =	simm.s32 $0x5  }
0x17: {  	s26 =	simm.s32 $0x2;
	s16 =	sadd.s32 $0x20, s15;
	[dreg:$0xc] =	wrdreg s15  }
0x18: {  	s5 =	sadd.s32 $0x40, s15;
	s0 =	sshrl.u32 s17, $0x3;
	[dreg:$0x10] =	wrdreg s2  }
0x19: {  	s10 =	sshrl.u32 s18, $0x3;
	s20 =	sshrl.u32 s12, $0x3;
	[dreg:$0x12] =	wrdreg s23  }
0x1a: {  	s15 =	sshrl.u32 s6, $0x3;
	s18 =	simm.s32 $0x1;
	[dreg:$0xe] =	wrdreg s16  }
0x1b: {  	s23 =	simm.s32 $0x80;
	[dreg:$0xf] =	wrdreg s5;
	s0 =	sadd.s32 s0, s1  }
0x1c: {  	s2 =	simm.s32 $0x0;
	s19 =	sadd.s32 s10, s1;
	[dreg:$0x6] =	wrdreg s0  }
0x1d: {  	s21 =	sadd.s32 s20, s1;
	s16 =	simm.s32 $0x9;
	[dreg:$0x7] =	wrdreg s19  }
0x1e: {  	[dreg:$0x8] =	wrdreg s21;
	s19 =	simm.s32 $0x8;
	s21 =	simm.s32 $0x100  }
.LBB2_1:
0x1f: {  	s0 =	rddreg [dreg:$0xb]  }
0x20: {  	[spmem:s15], [sflag:s7] =	dma.local [hbm:s0], $0x1400  }
0x21: {  	_ =	swait.ge [sflag:s16], $0x1400  }
0x22: {  	[sflag:s16] =	ssyncset.done $0x0;
	s10 =	rddreg [dreg:$0xd]  }
0x23: {  	s6 =	simm.s32 $0x10;
	s5 =	rddreg [dreg:$0x13];
	[sflag:s16] =	ssyncadd.s32 $0xFFFFEC00  }
0x24: {  	[spmem:s5@s19], [sflag:s7] =	dma.strided [hbm:s10@s6], $0x1388, s18, $0x8   }
0x25: {  	_ =	swait.ge [sflag:s16], $0x1388  }
0x26: {  	[sflag:s16] =	ssyncset.done $0x0  }
0x27: {  	s11 =	simm.s32 $0x0;
	s12 =	rddreg [dreg:$0xc];
	[sflag:s16] =	ssyncadd.s32 $0xFFFFEC78  }
0x28: {  	[tilespmem:s11], [sflag:$0x1] =	stream.linear.gather [hbm4b:s12+s11], $0x100, $0x38;
	[tilespmem:$0x18040] =	vst v63  }
0x29: {  	s13 =	rddreg [dreg:$0xe]  }
0x2a: {  	[tilespmem:s21], [sflag:$0x2] =	stream.linear.gather [hbm4b:s13+s11], $0x100, $0x38;
	[tilespmem:$0x18040] =	vst v63  }
0x2b: {  	s14 =	rddreg [dreg:$0xf]  }
0x2c: {  	[tilespmem:s22], [sflag:$0x3] =	stream.linear.gather [hbm4b:s14+s11], $0x100, $0x38;
	[tilespmem:$0x18040] =	vst v63  }
0x2d: {  	[bflag:$0x0] =	sbarrier.arrive $0xFFFF  }
0x2e: {  	_ =	swait.ge [sflag:s18], $0x100  }
0x2f: {  	[sflag:s18] =	ssyncset.done $0x0  }
0x30: {  	[sflag:s18] =	ssyncadd.s32 $0xFFFFFF00  }
0x31: {  	[tilespmem:s24], [sflag:$0x5] =	stream.indirect.gather [spmem:s4], $0x40, s11, s23, $0xb8;
	[tilespmem:$0x18040] =	vst v63  }
0x32: {  	_ =	swait.ge [sflag:s25], $0x2000  }
0x33: {  	p0 =	por $0x1, $0x1;
	[sflag:s25] =	ssyncset.done $0x0  }
0x34: {  	s0 =	simm.s32 @!p0 $0x8;
	[sflag:s25] =	ssyncadd.s32 $0xFFFFE000  }
0x35: {  	[spmem:s3] =	stream.indirect.scatter.add.f32 [tilespmem:s24], [sflag:$0x7], $0x40, s23, s23, $0xb8;
	[tilespmem:$0x18040] =	vst v63  }
0x36: {  	_ =	swait.ge @!p0 [sflag:s0], $0x2000  }
0x37: {  	[sflag:s0] =	ssyncset.done @!p0 $0x0  }
0x38: {  	[sflag:s0] =	ssyncadd.s32 @!p0 $0xFFFFE000  }
0x39: {  	_ =	swait.ge [sflag:s26], $0x100  }
0x3a: {  	[sflag:s26] =	ssyncset.done $0x0  }
0x3b: {  	p0 =	por $0x0, $0x0;
	s6 =	rddreg [dreg:$0x8];
	[sflag:s26] =	ssyncadd.s32 $0xFFFFFF00  }
0x3c: {  	[tilespmem:s28], [sflag:$0x6] =	stream.indirect.gather [spmem:s4], $0x40, s21, s23, $0xb8;
	[tilespmem:$0x18040] =	vst v63  }
0x3d: {  	s0 =	simm.s32 @!p0 $0x0;
	s8 =	simm.s32 @!p0 $0x300;
	s6 =	sadd.s32 @!p0 $0x0, s6  }
0x3e: {  	[tilespmem:s8], [sflag:$0x4] =	stream.linear.gather @!p0 [hbm4b:s6+s0], $0x100, $0x38;
	[tilespmem:$0x18040] =	vst v63  }
0x3f: {  	_ =	swait.ge [sflag:s29], $0x2000  }
0x40: {  	[sflag:s29] =	ssyncset.done $0x0  }
0x41: {  	s17 =	rddreg [dreg:$0x9];
	[sflag:s29] =	ssyncadd.s32 $0xFFFFE000  }
0x42: {  	[spmem:s3] =	stream.indirect.scatter.add.f32 [tilespmem:s28], [sflag:$0x8], $0x40, s17, s23, $0xb8;
	[tilespmem:$0x18040] =	vst v63  }
0x43: {  	_ =	swait.ge [sflag:s30], $0x2000  }
0x44: {  	[sflag:s30] =	ssyncset.done $0x0  }
0x45: {  	[sflag:s30] =	ssyncadd.s32 $0xFFFFE000  }
0x46: {  	_ =	swait.ge [sflag:s31], $0x100  }
0x47: {  	p1 =	por $0x0, $0x0;
	[sflag:s31] =	ssyncset.done $0x0;
	s5 =	rddreg [dreg:$0x12]  }
0x48: {  	[sflag:s31] =	ssyncadd.s32 $0xFFFFFF00;
	s6 =	sshrl.u32 @!p1 s5, $0x3  }
0x49: {  	[tilespmem:s24], [sflag:$0x5] =	stream.indirect.gather [spmem:s4], $0x40, s22, s23, $0xb8;
	[tilespmem:$0x18040] =	vst v63  }
0x4a: {  	s9 =	simm.s32 @!p1 $0x0;
	s6 =	sadd.s32 @!p1 s1, s6  }
0x4b: {  	[tilespmem:s9], [sflag:$0x1] =	stream.linear.gather @!p1 [hbm4b:s6+s9], $0x100, $0x38;
	[tilespmem:$0x18040] =	vst v63  }
0x4c: {  	_ =	swait.ge [sflag:s25], $0x2000  }
0x4d: {  	[sflag:s25] =	ssyncset.done $0x0  }
0x4e: {  	s20 =	rddreg [dreg:$0xa];
	[sflag:s25] =	ssyncadd.s32 $0xFFFFE000  }
0x4f: {  	[spmem:s3] =	stream.indirect.scatter.add.f32 [tilespmem:s24], [sflag:$0x7], $0x40, s20, s23, $0xb8;
	[tilespmem:$0x18040] =	vst v63  }
0x50: {  	_ =	swait.ge [sflag:s19], $0x2000  }
0x51: {  	[sflag:s19] =	ssyncset.done $0x0  }
0x52: {  	s6 =	simm.s32 @!p0 $0x4;
	[sflag:s19] =	ssyncadd.s32 $0xFFFFE000  }
0x53: {  	_ =	swait.ge @!p0 [sflag:s6], $0x100  }
0x54: {  	s11 =	simm.s32 @!p0 $0x2400;
	[sflag:s6] =	ssyncset.done @!p0 $0x0  }
0x55: {  	s12 =	simm.s32 @!p0 $0x80;
	s10 =	rddreg [dreg:$0x6];
	[sflag:s6] =	ssyncadd.s32 @!p0 $0xFFFFFF00  }
0x56: {  	[tilespmem:s11], [sflag:$0x6] =	stream.indirect.gather @!p0 [spmem:s4], $0x40, s8, s12, $0xb8;
	[tilespmem:$0x18040] =	vst v63  }
0x57: {  	s6 =	simm.s32 @!p1 $0x100;
	s8 =	sadd.s32 @!p1 $0x0, s10;
	s10 =	simm.s32 @!p0 $0x6  }
0x58: {  	[tilespmem:s6], [sflag:$0x2] =	stream.linear.gather @!p1 [hbm4b:s8+s9], $0x100, $0x38;
	[tilespmem:$0x18040] =	vst v63  }
0x59: {  	_ =	swait.ge @!p0 [sflag:s10], $0x2000  }
0x5a: {  	[sflag:s10] =	ssyncset.done @!p0 $0x0  }
0x5b: {  	s6 =	simm.s32 @!p0 $0x380;
	s8 =	simm.s32 @!p0 $0x7;
	[sflag:s10] =	ssyncadd.s32 @!p0 $0xFFFFE000  }
0x5c: {  	[spmem:s3] =	stream.indirect.scatter.add.f32 @!p0 [tilespmem:s11], [sflag:$0x8], $0x40, s6, s12, $0xb8;
	[tilespmem:$0x18040] =	vst v63  }
0x5d: {  	_ =	swait.ge @!p0 [sflag:s8], $0x2000  }
0x5e: {  	[sflag:s8] =	ssyncset.done @!p0 $0x0  }
0x5f: {  	s20 =	simm.s32 $0x80;
	s6 =	simm.s32 @!p0 $0x1;
	[sflag:s8] =	ssyncadd.s32 @!p0 $0xFFFFE000  }
0x60: {  	s9 =	simm.s32 $0x0;
	s10 =	simm.s32 $0x7;
	_ =	swait.ge @!p0 [sflag:s6], $0x100  }
0x61: {  	s11 =	simm.s32 @!p0 $0x200;
	s8 =	simm.s32 @!p0 $0x400;
	[sflag:s6] =	ssyncset.done @!p0 $0x0  }
0x62: {  	s13 =	rddreg [dreg:$0x7];
	[sflag:s6] =	ssyncadd.s32 @!p0 $0xFFFFFF00;
	s6 =	sadd.s32 $0x400, s5  }
.LBB2_2:
0x63: {  	[tilespmem:s8], [sflag:$0x5] =	stream.indirect.gather @!p0 [spmem:s4], $0x40, s0, s12, $0xb8;
	[tilespmem:$0x18040] =	vst v63  }
0x64: {  	s8 =	sadd.s32 @!p0 s9, s13  }
0x65: {  	[tilespmem:s11], [sflag:$0x3] =	stream.linear.gather @!p0 [hbm4b:s8+s0], $0x100, $0x38;
	[tilespmem:$0x18040] =	vst v63  }
0x66: {  	s9 =	smov.u32 s20;
	_ =	swait.ge [sflag:s25], $0x2000  }
0x67: {  	p0 =	seq.s32 s9, $0x0;
	[sflag:s25] =	ssyncset.done $0x0  }
0x68: {  	s0 =	simm.s32 @!p0 $0x8;
	[sflag:s25] =	ssyncadd.s32 $0xFFFFE000  }
0x69: {  	[spmem:s3] =	stream.indirect.scatter.add.f32 [tilespmem:s24], [sflag:$0x7], $0x40, s23, s23, $0xb8;
	[tilespmem:$0x18040] =	vst v63  }
0x6a: {  	_ =	swait.ge @!p0 [sflag:s0], $0x2000  }
0x6b: {  	[sflag:s0] =	ssyncset.done @!p0 $0x0  }
0x6c: {  	[sflag:s0] =	ssyncadd.s32 @!p0 $0xFFFFE000  }
0x6d: {  	_ =	swait.ge [sflag:s26], $0x100  }
0x6e: {  	[sflag:s26] =	ssyncset.done $0x0  }
0x6f: {  	p0 =	sgt.u32 s10, $0x4E;
	s8 =	rddreg [dreg:$0x8];
	[sflag:s26] =	ssyncadd.s32 $0xFFFFFF00  }
0x70: {  	[tilespmem:s28], [sflag:$0x6] =	stream.indirect.gather [spmem:s4], $0x40, s21, s23, $0xb8;
	[tilespmem:$0x18040] =	vst v63  }
0x71: {  	s0 =	simm.s32 @!p0 $0x0;
	s13 =	simm.s32 @!p0 $0x300;
	s8 =	sadd.s32 @!p0 s9, s8  }
0x72: {  	[tilespmem:s13], [sflag:$0x4] =	stream.linear.gather @!p0 [hbm4b:s8+s0], $0x100, $0x38;
	[tilespmem:$0x18040] =	vst v63  }
0x73: {  	_ =	swait.ge [sflag:s29], $0x2000  }
0x74: {  	[sflag:s29] =	ssyncset.done $0x0  }
0x75: {  	s12 =	rddreg [dreg:$0x9];
	[sflag:s29] =	ssyncadd.s32 $0xFFFFE000  }
0x76: {  	[spmem:s3] =	stream.indirect.scatter.add.f32 [tilespmem:s28], [sflag:$0x8], $0x40, s12, s23, $0xb8;
	[tilespmem:$0x18040] =	vst v63  }
0x77: {  	_ =	swait.ge [sflag:s30], $0x2000  }
0x78: {  	[sflag:s30] =	ssyncset.done $0x0  }
0x79: {  	[sflag:s30] =	ssyncadd.s32 $0xFFFFE000  }
0x7a: {  	_ =	swait.ge [sflag:s31], $0x100  }
0x7b: {  	p2 =	seq.s32 s9, $0x980;
	[sflag:s31] =	ssyncset.done $0x0  }
0x7c: {  	s8 =	sshrl.u32 @!p2 s6, $0x3;
	[sflag:s31] =	ssyncadd.s32 $0xFFFFFF00  }
0x7d: {  	[tilespmem:s24], [sflag:$0x5] =	stream.indirect.gather [spmem:s4], $0x40, s22, s23, $0xb8;
	[tilespmem:$0x18040] =	vst v63  }
0x7e: {  	s17 =	simm.s32 @!p2 $0x0;
	s8 =	sadd.s32 @!p2 s1, s8  }
0x7f: {  	[tilespmem:s17], [sflag:$0x1] =	stream.linear.gather @!p2 [hbm4b:s8+s17], $0x100, $0x38;
	[tilespmem:$0x18040] =	vst v63  }
0x80: {  	_ =	swait.ge [sflag:s25], $0x2000  }
0x81: {  	[sflag:s25] =	ssyncset.done $0x0  }
0x82: {  	s14 =	rddreg [dreg:$0xa];
	[sflag:s25] =	ssyncadd.s32 $0xFFFFE000  }
0x83: {  	[spmem:s3] =	stream.indirect.scatter.add.f32 [tilespmem:s24], [sflag:$0x7], $0x40, s14, s23, $0xb8;
	[tilespmem:$0x18040] =	vst v63  }
0x84: {  	_ =	swait.ge [sflag:s19], $0x2000  }
0x85: {  	[sflag:s19] =	ssyncset.done $0x0  }
0x86: {  	s8 =	simm.s32 @!p0 $0x4;
	[sflag:s19] =	ssyncadd.s32 $0xFFFFE000  }
0x87: {  	_ =	swait.ge @!p0 [sflag:s8], $0x100  }
0x88: {  	s5 =	simm.s32 @!p0 $0x2400;
	[sflag:s8] =	ssyncset.done @!p0 $0x0  }
0x89: {  	s12 =	simm.s32 @!p0 $0x80;
	s14 =	rddreg [dreg:$0x6];
	[sflag:s8] =	ssyncadd.s32 @!p0 $0xFFFFFF00  }
0x8a: {  	[tilespmem:s5], [sflag:$0x6] =	stream.indirect.gather @!p0 [spmem:s4], $0x40, s13, s12, $0xb8;
	[tilespmem:$0x18040] =	vst v63  }
0x8b: {  	s8 =	simm.s32 @!p2 $0x100;
	s13 =	sadd.s32 @!p2 s9, s14;
	s14 =	simm.s32 @!p0 $0x6  }
0x8c: {  	[tilespmem:s8], [sflag:$0x2] =	stream.linear.gather @!p2 [hbm4b:s13+s17], $0x100, $0x38;
	[tilespmem:$0x18040] =	vst v63  }
0x8d: {  	_ =	swait.ge @!p0 [sflag:s14], $0x2000  }
0x8e: {  	s20 =	sadd.s32 $0x80, s20;
	[sflag:s14] =	ssyncset.done @!p0 $0x0  }
0x8f: {  	s8 =	simm.s32 @!p0 $0x380;
	s13 =	simm.s32 @!p0 $0x7;
	[sflag:s14] =	ssyncadd.s32 @!p0 $0xFFFFE000  }
0x90: {  	[spmem:s3] =	stream.indirect.scatter.add.f32 @!p0 [tilespmem:s5], [sflag:$0x8], $0x40, s8, s12, $0xb8;
	[tilespmem:$0x18040] =	vst v63  }
0x91: {  	p1 =	sne.s32 s20, $0xA00;
	_ =	swait.ge @!p0 [sflag:s13], $0x2000  }
.Ltmp0:
0x92: {  	[sflag:s13] =	ssyncset.done @!p0 $0x0;
	(pc) =	sbr.rel @p1 .LBB2_2-.Ltmp0, $4  }
0x93: {  	s5 =	simm.s32 @!p0 $0x1;
	[sflag:s13] =	ssyncadd.s32 @!p0 $0xFFFFE000  }
0x94: {  	s10 =	sadd.s32 $0x4, s10;
	_ =	swait.ge @!p0 [sflag:s5], $0x100  }
0x95: {  	s11 =	simm.s32 @!p0 $0x200;
	s6 =	sadd.s32 $0x400, s6;
	[sflag:s5] =	ssyncset.done @!p0 $0x0  }
0x96: {  	s8 =	simm.s32 @!p0 $0x400;
	s13 =	rddreg [dreg:$0x7];
	[sflag:s5] =	ssyncadd.s32 @!p0 $0xFFFFFF00  }
0x97: {  	[tilespmem:s8], [sflag:$0x5] =	stream.indirect.gather @!p0 [spmem:s4], $0x40, s0, s12, $0xb8;
	[tilespmem:$0x18040] =	vst v63  }
0x98: {  	s5 =	sadd.s32 @!p0 s9, s13  }
0x99: {  	[tilespmem:s11], [sflag:$0x3] =	stream.linear.gather @!p0 [hbm4b:s5+s0], $0x100, $0x38;
	[tilespmem:$0x18040] =	vst v63  }
0x9a: {  	_ =	swait.ge [sflag:s30], $0x2000  }
0x9b: {  	[sflag:s30] =	ssyncset.done $0x0  }
0x9c: {  	[sflag:s30] =	ssyncadd.s32 $0xFFFFE000  }
0x9d: {  	[bflag:$0x0] =	sbarrier.arrive $0xFFFF  }
0x9e: {  	s17 =	rddreg [dreg:$0x10]  }
0x9f: {  	[hbm:s17], [sflag:s7] =	dma.local [spmem:s15], $0x1400  }
0xa0: {  	_ =	swait.ge [sflag:s16], $0x1400  }
0xa1: {  	s2 =	sadd.s32 $0x1, s2;
	s20 =	rddreg [dreg:$0x11]  }
0xa2: {  	p0 =	sne.s32 s2, s20  }
.Ltmp1:
0xa3: {  	_ = 	snop;
	(pc) =	sbr.rel @p0 .LBB2_1-.Ltmp1, $3  }
0xa4: {  	_ =	sdelay $0x1  }
0xa5: {  	[sflag:s16] =	ssyncset.done $0x0  }
0xa6: {  	[sflag:s16] =	ssyncadd.s32 $0xFFFFEC00  }
0xa7: {  	_ =	sfence.sel $0x180000  }
0xa8: {  	[bflag:$0x0] =	sbarrier.arrive $0xFFFF  }
0xa9: {  	_ =	strace $0x9000004A  }
0xaa: {  	s0 =	stileid.u32;
	[bflag:$0x2] =	sbarrier.arrive $0xFFFF  }
0xab: {  	p0 =	sne.s32 s0, $0x0;
	s0 =	rddreg [dreg:$0x5]  }
0xac: {  	s0 =	sadd.s32 @!p0 $0x100000, s0  }
0xad: {  	[sflag:s0] =	ssyncadd.tile.s32 @!p0 $0x1;
	_ =	shalt  }
.Lfunc_end2:
_tile_overlayer_lowered:
.L_overlay_start_2:
0xae: {  	(tag) =	ssettag $0x2  }
0xaf: {  	s0 =	rddreg [dreg:$0x0];
	s2 =	stileid.u32  }
0xb0: {  	s1 =	rddreg [dreg:$0x1];
	p0 =	sne.s32 s2, $0x0  }
0xb1: {  	s3 =	rddreg [dreg:$0x2];
	[bflag:$0x3] =	sbarrier.arrive $0xFFFF;
	s2 =	simm.s32 @!p0 $0x1C09  }
0xb2: {  	[timem:s3], [sflag:s2] =	dma.local @!p0 [hbm:s0], s1  }
0xb3: {  	s0 =	simm.s32 @!p0 $0x9  }
0xb4: {  	_ =	swait.ge @!p0 [sflag:s0], s1  }
0xb5: {  	s1 =	ssub.s32 @!p0 $0x0, s1;
	[sflag:s0] =	ssyncset.done @!p0 $0x0  }
0xb6: {  	[sflag:s0] =	ssyncadd.s32 @!p0 s1  }
0xb7: {  	[bflag:$0x3] =	sbarrier.arrive $0xFFFF  }
0xb8: {  	_ =	shalt  }

// kernel: kernel.15.cloned.1.call-start
scs
__scs_entry_jumppad:
0x0: {  	(pc) =	sbr.rel $0x88, $3  }
0x1: {  	(tag) =	ssettag $0x0;
	lr =	simm.s32 $0x1  }
0x2: {  	[smem:$0x3F96] =	sst lr;
	_ =	strace $0xD0000000  }
0x3: {  	_ = 	snop  }
0x4: {  	_ = 	snop  }
0x5: {  	_ = 	snop  }
0x6: {  	_ = 	snop  }
0x7: {  	_ = 	snop  }
__scs_overlays_trampoline_lowered:
0x8: {  	[smem:$0x3FA5] =	sst s0  }
0x9: {  	[smem:$0x3FA6] =	sst s1  }
0xa: {  	[smem:$0x3FA7] =	sst s2  }
0xb: {  	[smem:$0x3FA8] =	sst s3  }
0xc: {  	[smem:$0x3FA9] =	sst s4  }
0xd: {  	[smem:$0x3FAA] =	sst s5  }
0xe: {  	[smem:$0x3FAB] =	sst s6  }
0xf: {  	[smem:$0x3FAC] =	sst s7  }
0x10: {  	[smem:$0x3FAD] =	sst s8  }
0x11: {  	[smem:$0x3FAE] =	sst s9;
	s0 =	simm.s32 @!p0 $0x0  }
0x12: {  	s1 =	sld [smem:$0x3F94];
	s0 =	simm.s32 @p0 $0x1  }
0x13: {  	[smem:$0x3FAF] =	sst s0;
	s0 =	simm.s32 @!p1 $0x0  }
0x14: {  	s2 =	sld [smem:$0x3F93];
	s0 =	simm.s32 @p1 $0x1  }
0x15: {  	[smem:$0x3FB0] =	sst s0;
	s0 =	simm.s32 @!p2 $0x0  }
0x16: {  	s3 =	sld [smem:$0x3FDB];
	s0 =	simm.s32 @p2 $0x1  }
0x17: {  	s4 =	simm.s32 $0x1BF5;
	[smem:$0x3FB2] =	sst s0  }
0x18: {  	s0 =	sld [smem:$0x3F95];
	_ =	swait.ge [sflag:s4], $0x0  }
0x19: {  	s7 =	sld [smem:$0x3F96]  }
0x1a: {  	s8 =	sadd.s32 $0xFFFFE003, lr  }
0x1b: {  	s9 =	sadd.s32 $0xFFFFFEF7, lr;
	s5 =	simm.s32 $0xFFFFFFFF;
	p2 =	slt.u32 s8, $0xFFFFF086  }
0x1c: {  	p1 =	slt.u32 s9, $0xF7A;
	s5 =	simm.s32 @!p2 $0x0  }
0x1d: {  	s5 =	simm.s32 @p1 $0x1;
	p0 =	seq.s32 s7, s2  }
0x1e: {  	s7 =	smul.u32 @!p0 $0xF7A, s2;
	p2 =	seq.s32 @!p0 s5, $0x0  }
0x1f: {  	s9 =	smul.u32 $0xF7A, s1;
	s8 =	simm.s32 @!p0 $0x1BF5;
	p2 =	por !p2, p0  }
0x20: {  	[sflag:s8] =	ssyncset.s32 @!p0 $0xFFFFF086;
	s6 =	sadd.s32 @!p0 s3, s7;
	s7 =	simm.s32 @!p0 $0x108  }
0x21: {  	s3 =	sadd.s32 s3, s9;
	s6 =	sadd.s32 @!p0 $0x88, s6;
	s7 =	simm.s32 @p2 $0x1082  }
0x22: {  	[simem:s7], [sflag:s8] =	dma.local @!p0 [hbm:s6], $0xF7A  }
0x23: {  	s9 =	sor.u32 $0xD0000000, s2;
	s6 =	simm.s32 $0x108;
	_ =	swait.ge @!p0 [sflag:s8], $0x0  }
0x24: {  	s3 =	sadd.s32 $0x88, s3;
	s6 =	simm.s32 @!p1 $0x1082;
	[sflag:s4] =	ssyncset.s32 $0xFFFFF086  }
0x25: {  	[simem:s6], [sflag:s4] =	dma.local [hbm:s3], $0xF7A  }
0x26: {  	[smem:$0x3F96] =	sst s1;
	(tag) =	ssettag s2;
	_ =	strace s9  }
0x27: {  	s1 =	sld [smem:$0x3FA6]  }
0x28: {  	s2 =	sld [smem:$0x3FA7]  }
0x29: {  	s4 =	sld [smem:$0x3FA9]  }
0x2a: {  	p0 =	seq.s32 s5, $0x0;
	s5 =	sld [smem:$0x3FAA]  }
0x2b: {  	s6 =	sld [smem:$0x3FAB]  }
0x2c: {  	s7 =	sld [smem:$0x3FAC]  }
0x2d: {  	s3 =	simm.s32 $0x108;
	s8 =	sld [smem:$0x3FAD]  }
0x2e: {  	s3 =	simm.s32 @!p0 $0x1082;
	s9 =	sld [smem:$0x3FAE]  }
0x2f: {  	lr =	sadd.s32 s0, s3;
	s0 =	sld [smem:$0x3FA5]  }
0x30: {  	s3 =	sld [smem:$0x3FA8]  }
0x31: {  	[smem:$0x3FB1] =	sst s10  }
0x32: {  	s10 =	sld [smem:$0x3FAF];
	_ =	sdelay $0x3  }
0x33: {  	p0 =	seq.s32 s10, $0x1;
	s10 =	sld [smem:$0x3FB1];
	_ =	sdelay $0x3  }
0x34: {  	[smem:$0x3FB1] =	sst s10  }
0x35: {  	s10 =	sld [smem:$0x3FB0];
	_ =	sdelay $0x3  }
0x36: {  	p1 =	seq.s32 s10, $0x1;
	s10 =	sld [smem:$0x3FB1];
	_ =	sdelay $0x3  }
0x37: {  	[smem:$0x3FB1] =	sst s10  }
0x38: {  	s10 =	sld [smem:$0x3FB2]  }
0x39: {  	_ = 	snop;
	(pc) =	sbr.ind lr, $3  }
0x3a: {  	_ = 	snop  }
0x3b: {  	_ = 	snop  }
0x3c: {  	p2 =	seq.s32 s10, $0x1;
	s10 =	sld [smem:$0x3FB1]  }
0x3d: {  	_ =	shalt  }
0x3e: {  	_ =	shalt  }
0x3f: {  	_ =	shalt  }
0x40: {  	_ =	shalt  }
0x41: {  	_ =	shalt  }
0x42: {  	_ =	shalt  }
0x43: {  	_ =	shalt  }
0x44: {  	_ =	shalt  }
0x45: {  	_ =	shalt  }
0x46: {  	_ =	shalt  }
0x47: {  	_ =	shalt  }
0x48: {  	_ =	shalt  }
0x49: {  	_ =	shalt  }
0x4a: {  	_ =	shalt  }
0x4b: {  	_ =	shalt  }
0x4c: {  	_ =	shalt  }
0x4d: {  	_ =	shalt  }
0x4e: {  	_ =	shalt  }
0x4f: {  	_ =	shalt  }
0x50: {  	_ =	shalt  }
0x51: {  	_ =	shalt  }
0x52: {  	_ =	shalt  }
0x53: {  	_ =	shalt  }
0x54: {  	_ =	shalt  }
0x55: {  	_ =	shalt  }
0x56: {  	_ =	shalt  }
0x57: {  	_ =	shalt  }
0x58: {  	_ =	shalt  }
0x59: {  	_ =	shalt  }
0x5a: {  	_ =	shalt  }
0x5b: {  	_ =	shalt  }
0x5c: {  	_ =	shalt  }
0x5d: {  	_ =	shalt  }
0x5e: {  	_ =	shalt  }
0x5f: {  	_ =	shalt  }
0x60: {  	_ =	shalt  }
0x61: {  	_ =	shalt  }
0x62: {  	_ =	shalt  }
0x63: {  	_ =	shalt  }
0x64: {  	_ =	shalt  }
0x65: {  	_ =	shalt  }
0x66: {  	_ =	shalt  }
0x67: {  	_ =	shalt  }
0x68: {  	_ =	shalt  }
0x69: {  	_ =	shalt  }
0x6a: {  	_ =	shalt  }
0x6b: {  	_ =	shalt  }
0x6c: {  	_ =	shalt  }
0x6d: {  	_ =	shalt  }
0x6e: {  	_ =	shalt  }
0x6f: {  	_ =	shalt  }
0x70: {  	_ =	shalt  }
0x71: {  	_ =	shalt  }
0x72: {  	_ =	shalt  }
0x73: {  	_ =	shalt  }
0x74: {  	_ =	shalt  }
0x75: {  	_ =	shalt  }
0x76: {  	_ =	shalt  }
0x77: {  	_ =	shalt  }
0x78: {  	_ =	shalt  }
0x79: {  	_ =	shalt  }
0x7a: {  	_ =	shalt  }
0x7b: {  	_ =	shalt  }
0x7c: {  	_ =	shalt  }
0x7d: {  	_ =	shalt  }
0x7e: {  	_ =	shalt  }
0x7f: {  	_ =	shalt  }
0x80: {  	_ =	shalt  }
0x81: {  	_ =	shalt  }
0x82: {  	_ =	shalt  }
0x83: {  	_ =	shalt  }
0x84: {  	_ =	shalt  }
0x85: {  	_ =	shalt  }
0x86: {  	_ =	shalt  }
0x87: {  	_ =	shalt  }
.Lfunc_end0:
.L_simem_size_0:
called_computation.2_lowered:
.L_overlay_start_0:
0x88: {  	s2 =	sld [smem:$0x3FD9]  }
0x89: {  	s3 =	sld [smem:$0x3FFE];
	_ =	sdelay $0x1  }
0x8a: {  	s1 =	srdreg.scid  }
0x8b: {  	s0 =	sand.u32 $0x1, s1  }
0x8c: {  	s17 =	sshll.u32 s0, $0xA;
	s2 =	sadd.s32 s3, s2  }
0x8d: {  	s2 =	sadd.s32 s2, s17  }
0x8e: {  	[smem:$0x3FBD] =	sst s2  }
0x8f: {  	_ = 	snop  }
0x90: {  	s2 =	sld [smem:$0x3FD0];
	(tm) =	ssettm $0x1  }
0x91: {  	s18 =	sld [smem:$0x3FFB];
	_ =	sdelay $0x3  }
0x92: {  	_ =	strace s18  }
0x93: {  	s3 =	sld [smem:$0x3FFC];
	_ =	sdelay $0x3  }
0x94: {  	_ =	strace s3  }
0x95: {  	s3 =	sld [smem:$0x3FFD];
	_ =	sdelay $0x3  }
0x96: {  	_ =	strace s3  }
0x97: {  	_ =	strace $0x8FFFFFFF  }
0x98: {  	s19 =	sld [smem:$0x3FDB];
	_ =	sdelay $0x1  }
0x99: {  	s4 =	simm.s32 $_scs_section_size  }
0x9a: {  	s5 =	simm.s32 $_size__tile_overlayer_lowered;
	s6 =	simm.s32 $_tile_overlayer_lowered  }
0x9b: {  	s22 =	simm.s32 $0x1BFF;
	s21 =	sshll.u32 s6, $0x1;
	s3 =	sadd.s32 s4, s19  }
0x9c: {  	s7 =	simm.s32 $0x0;
	s20 =	sshll.u32 s5, $0x1;
	s5 =	sadd.s32 s21, s3  }
0x9d: {  	[timem:s7], [sflag:s22] =	dma.local [hbm:s5], s20  }
0x9e: {  	_ =	swait.ge [sflag:s22], s20  }
0x9f: {  	s4 =	ssub.s32 $0x0, s20;
	[sflag:s22] =	ssyncset.done $0x0  }
0xa0: {  	[sflag:s22] =	ssyncadd.s32 s4;
	_ =	sdelay $0x1  }
0xa1: {  	s23 =	simm.s32 $0x1B8B  }
0xa2: {  	_ =	swait.ge [sflag:s23], $0x1  }
0xa3: {  	[sflag:s23] =	ssyncset.done $0x0  }
0xa4: {  	s25 =	simm.s32 $0x1B8E;
	s24 =	sld [smem:$0x3FFE];
	[sflag:s23] =	ssyncadd.s32 $0xFFFFFFFF  }
0xa5: {  	s26 =	simm.s32 $execute0_lowered;
	[smem:$0x3FD2] =	sst s25  }
0xa6: {  	s5 =	sshll.u32 s26, $0x1;
	_ =	strace $0x8000004C;
	[dreg:$0x1] =	wrdreg $0xFFFFFFFF  }
0xa7: {  	s28 =	simm.s32 $_size_execute0_lowered;
	s3 =	sadd.s32 s3, s5;
	[dreg:$0x0] =	wrdreg $0x0  }
0xa8: {  	s5 =	sshll.u32 s28, $0x1;
	[dreg:$0x2] =	wrdreg s3  }
0xa9: {  	[dreg:$0x3] =	wrdreg s5  }
0xaa: {  	[dreg:$0x4] =	wrdreg $0xC0  }
0xab: {  	_ =	task [dreg:s7], $0x5FFFF  }
0xac: {  	[dreg:$0x1] =	wrdreg $0xFFFFFFFF  }
0xad: {  	[dreg:$0x0] =	wrdreg $0x60  }
0xae: {  	[dreg:$0x2] =	wrdreg s24  }
0xaf: {  	[dreg:$0x3] =	wrdreg s2  }
0xb0: {  	[dreg:$0x4] =	wrdreg $0x92200  }
0xb1: {  	[dreg:$0x5] =	wrdreg $0x44000  }
0xb2: {  	[dreg:$0x6] =	wrdreg $0x9  }
0xb3: {  	_ =	task.clear_ibuf [dreg:s7], $0x7FFFF;
	_ =	strace $0x9000004C  }
0xb4: {  	s29 =	simm.s32 $0x9;
	_ =	strace $0x8000004E  }
0xb5: {  	_ =	swait.ge [sflag:s29], $0x1  }
0xb6: {  	[sflag:s29] =	ssyncadd.s32 $0xFFFFFFFF  }
0xb7: {  	_ =	strace $0x9000004E  }
0xb8: {  	_ =	sfence  }
0xb9: {  	s30 =	sld [smem:$0x0];
	_ =	sdelay $0x2  }
0xba: {  	s31 =	sshll.u32 s1, $0xD;
	s1 =	sshrl.u32 s1, $0x2  }
0xbb: {  	s3 =	sand.u32 $0x4000, s31;
	s1 =	sadd.s32 s1, s30  }
0xbc: {  	s0 =	sor.u32 s3, s0;
	s1 =	sshll.u32 s1, $0x11  }
0xbd: {  	s0 =	sor.u32 s1, s0  }
0xbe: {  	s0 =	sadd.s32 $0x8F2B, s0  }
0xbf: {  	[sflag:s0] =	ssyncadd.remote.s32 $0x1  }
0xc0: {  	_ =	sfence.sel $0xFFFF  }
0xc1: {  	[dreg:$0x0] =	wrdreg $0xFFFFFFFF;
	(pc) =	sbr.abs _section_cstart, $3  }
0xc2: {  	[dreg:$0x1] =	wrdreg $0xFFFFFFFF  }
0xc3: {  	_ =	task.clear_ibuf [dreg:s7], $0x2FFFF;
	_ =	strace $0x9FFFFFFF  }
0xc4: {  	(tm) =	ssettm $0x7FFFFFFF  }
0xc5: {  	_ =	shalt  }
tec
execute0_lowered:
.L_overlay_start_1:
0x0: {  	(tag) =	ssettag $0x1  }
0x1: {  	s0 =	rddreg [dreg:$0x0]  }
0x2: {  	s2 =	rddreg [dreg:$0x1]  }
0x3: {  	s3 =	rddreg [dreg:$0x2];
	s15 =	stileid.u32  }
0x4: {  	s4 =	rddreg [dreg:$0x3];
	s1 =	smul.u32 $0x4E20, s15  }
0x5: {  	s6 =	srdreg.scid;
	s5 =	simm.s32 $0x0;
	s7 =	smul.u32 $0x5000, s15  }
0x6: {  	s28 =	simm.s32 $0xB;
	s6 =	sand.u32 $0x1, s6;
	s16 =	smul.u32 $0x4F00, s15  }
0x7: {  	s29 =	simm.s32 $0x0;
	[smem:$0x7FF] =	sst s5;
	s9 =	smul.u32 $0x50000, s6  }
0x8: {  	_ =	strace $0x8000004D;
	s11 =	sshll.u32 s6, $0x4;
	s12 =	ssub.s32 $0x2, s6  }
0x9: {  	s6 =	smul.u32 $0x4F000, s6;
	s8 =	sshrl.u32 s1, $0x3;
	s10 =	sshrl.u32 s7, $0x3  }
0xa: {  	s11 =	sor.u32 s15, s11;
	s31 =	sshrl.u32 s12, $0x1;
	s14 =	sadd.s32 s7, s3  }
0xb: {  	s1 =	sadd.s32 s1, s4;
	s8 =	sadd.s32 s8, s0;
	s10 =	sadd.s32 s10, s0  }
0xc: {  	s9 =	sadd.s32 s7, s9;
	s11 =	smul.u32 $0x4F00, s11;
	s13 =	ssub.s32 s12, s31  }
0xd: {  	s12 =	sshll.u32 s15, $0x6;
	s6 =	sadd.s32 s16, s6;
	s15 =	sshrl.u32 s14, $0x3  }
0xe: {  	s16 =	simm.s32 $0xD;
	s30 =	sshrl.u32 s1, $0x3;
	s31 =	simm.s32 $0x2400  }
0xf: {  	s9 =	sshrl.u32 s9, $0x3;
	s10 =	sadd.s32 $0xC800, s10;
	s7 =	sor.u32 $0x1C0D, s12  }
0x10: {  	s8 =	sadd.s32 $0x2A00, s8;
	s20 =	sadd.s32 $0x500, s6;
	[dreg:$0xf] =	wrdreg s30  }
0x11: {  	s22 =	sadd.s32 $0x600, s6;
	s25 =	smax.u32 s13, $0x1;
	[dreg:$0x5] =	wrdreg s31  }
0x12: {  	s0 =	sadd.s32 s9, s0;
	[dreg:$0x9] =	wrdreg s10;
	s17 =	sshrl.u32 s11, $0x3  }
0x13: {  	[dreg:$0xa] =	wrdreg s8;
	s21 =	sshrl.u32 s20, $0x3;
	s8 =	sshrl.u32 s22, $0x3  }
0x14: {  	s10 =	sadd.s32 $0x300, s6;
	[dreg:$0xe] =	wrdreg s25;
	s20 =	simm.s32 $0x1  }
0x15: {  	s22 =	simm.s32 $0x400;
	s25 =	simm.s32 $0x5;
	s0 =	sadd.s32 $0x16800, s0  }
0x16: {  	s9 =	sadd.s32 s2, s17;
	s23 =	sadd.s32 s8, s2;
	[dreg:$0xd] =	wrdreg s0  }
0x17: {  	s24 =	sshrl.u32 s10, $0x3;
	s18 =	sadd.s32 $0x20, s9;
	[dreg:$0x8] =	wrdreg s23  }
0x18: {  	s19 =	sadd.s32 $0x40, s9;
	s0 =	sadd.s32 s21, s2;
	[dreg:$0xb] =	wrdreg s18  }
0x19: {  	s26 =	sadd.s32 s24, s2;
	s24 =	sadd.s32 $0x400, s6;
	[dreg:$0xc] =	wrdreg s19  }
0x1a: {  	s21 =	simm.s32 $0x80;
	s23 =	simm.s32 $0x2;
	[dreg:$0x7] =	wrdreg s0  }
0x1b: {  	[dreg:$0x6] =	wrdreg s26;
	s19 =	simm.s32 $0x200;
	s26 =	simm.s32 $0x3  }
.LBB2_1:
0x1c: {  	s0 =	rddreg [dreg:$0x9]  }
0x1d: {  	[spmem:s15], [sflag:s7] =	dma.local [hbm:s0], $0xA00  }
0x1e: {  	_ =	swait.ge [sflag:s16], $0xA00  }
0x1f: {  	[sflag:s16] =	ssyncset.done $0x0;
	s11 =	rddreg [dreg:$0xa]  }
0x20: {  	s1 =	rddreg [dreg:$0xf];
	[sflag:s16] =	ssyncadd.s32 $0xFFFFF600  }
0x21: {  	[spmem:s1], [sflag:s7] =	dma.local [hbm:s11], $0x9C4  }
0x22: {  	_ =	swait.ge [sflag:s16], $0x9C4  }
0x23: {  	[sflag:s16] =	ssyncset.done $0x0  }
0x24: {  	[sflag:s16] =	ssyncadd.s32 $0xFFFFF63C  }
0x25: {  	[tilespmem:s5], [sflag:$0x1] =	stream.linear.gather [hbm4b:s9+s5], $0x100, $0x38;
	[tilespmem:$0xE220] =	vst v63  }
0x26: {  	s13 =	simm.s32 $0x100;
	s12 =	rddreg [dreg:$0xb]  }
0x27: {  	[tilespmem:s13], [sflag:$0x2] =	stream.linear.gather [hbm4b:s12+s5], $0x100, $0x38;
	[tilespmem:$0xE220] =	vst v63  }
0x28: {  	s14 =	rddreg [dreg:$0xc]  }
0x29: {  	[tilespmem:s19], [sflag:$0x3] =	stream.linear.gather [hbm4b:s14+s5], $0x100, $0x38;
	[tilespmem:$0xE220] =	vst v63  }
0x2a: {  	[bflag:$0x0] =	sbarrier.arrive $0xFFFF  }
0x2b: {  	_ =	swait.ge [sflag:s20], $0x100  }
0x2c: {  	[sflag:s20] =	ssyncset.done $0x0  }
0x2d: {  	[sflag:s20] =	ssyncadd.s32 $0xFFFFFF00  }
0x2e: {  	[tilespmem:s22], [sflag:$0x5] =	stream.indirect.gather [spmem:s4], $0x20, s5, s21, $0xb8;
	[tilespmem:$0xE220] =	vst v63  }
0x2f: {  	_ =	swait.ge [sflag:s23], $0x100  }
0x30: {  	[sflag:s23] =	ssyncset.done $0x0  }
0x31: {  	s17 =	simm.s32 $0x1400;
	[sflag:s23] =	ssyncadd.s32 $0xFFFFFF00  }
0x32: {  	[tilespmem:s17], [sflag:$0x6] =	stream.indirect.gather [spmem:s4], $0x20, s13, s21, $0xb8;
	[tilespmem:$0xE220] =	vst v63  }
0x33: {  	_ =	swait.ge [sflag:s25], $0x1000  }
0x34: {  	p0 =	por $0x1, $0x1;
	[sflag:s25] =	ssyncset.done $0x0  }
0x35: {  	s0 =	simm.s32 @!p0 $0xC;
	[sflag:s25] =	ssyncadd.s32 $0xFFFFF000  }
0x36: {  	[spmem:s3] =	stream.indirect.scatter.add.f32 [tilespmem:s22], [sflag:$0x9], $0x20, s21, s21, $0xb8;
	[tilespmem:$0xE220] =	vst v63  }
0x37: {  	_ =	swait.ge @!p0 [sflag:s0], $0x1000  }
0x38: {  	[sflag:s0] =	ssyncset.done @!p0 $0x0  }
0x39: {  	[sflag:s0] =	ssyncadd.s32 @!p0 $0xFFFFF000  }
0x3a: {  	_ =	swait.ge [sflag:s26], $0x100  }
0x3b: {  	p0 =	por $0x0, $0x0;
	[sflag:s26] =	ssyncset.done $0x0  }
0x3c: {  	s1 =	simm.s32 @p0 $0x6;
	s18 =	rddreg [dreg:$0x5];
	[sflag:s26] =	ssyncadd.s32 $0xFFFFFF00  }
0x3d: {  	[tilespmem:s18], [sflag:$0x7] =	stream.indirect.gather [spmem:s4], $0x20, s19, s21, $0xb8;
	[tilespmem:$0xE220] =	vst v63  }
0x3e: {  	_ =	swait.ge @p0 [sflag:s1], $0x1000  }
0x3f: {  	s0 =	simm.s32 @p0 $0x1400;
	s6 =	simm.s32 @p0 $0x80;
	[sflag:s1] =	ssyncset.done @p0 $0x0  }
0x40: {  	s8 =	simm.s32 @p0 $0x180;
	[sflag:s1] =	ssyncadd.s32 @p0 $0xFFFFF000;
	s1 =	simm.s32 @p0 $0x9  }
0x41: {  	[spmem:s3] =	stream.indirect.scatter.add.f32 @p0 [tilespmem:s0], [sflag:$0xA], $0x20, s8, s6, $0xb8;
	[tilespmem:$0xE220] =	vst v63  }
0x42: {  	s30 =	simm.s32 @!p0 $0x0;
	_ =	swait.ge @p0 [sflag:s1], $0x1000  }
0x43: {  	s6 =	simm.s32 @!p0 $0x300;
	s0 =	rddreg [dreg:$0x6];
	[sflag:s1] =	ssyncset.done @p0 $0x0  }
0x44: {  	s8 =	simm.s32 @!p0 $0x6;
	[sflag:s1] =	ssyncadd.s32 @p0 $0xFFFFF000;
	s0 =	sadd.s32 @!p0 $0x0, s0  }
0x45: {  	[tilespmem:s6], [sflag:$0x4] =	stream.linear.gather @!p0 [hbm4b:s0+s30], $0x100, $0x38;
	[tilespmem:$0xE220] =	vst v63  }
0x46: {  	_ =	swait.ge @!p0 [sflag:s8], $0x1000  }
0x47: {  	s10 =	simm.s32 @!p0 $0x180;
	s1 =	simm.s32 @!p0 $0x80;
	[sflag:s8] =	ssyncset.done @!p0 $0x0  }
0x48: {  	s0 =	simm.s32 @!p0 $0x1400;
	[sflag:s8] =	ssyncadd.s32 @!p0 $0xFFFFF000;
	s8 =	simm.s32 @!p0 $0x9  }
0x49: {  	[spmem:s3] =	stream.indirect.scatter.add.f32 @!p0 [tilespmem:s0], [sflag:$0xA], $0x20, s10, s1, $0xb8;
	[tilespmem:$0xE220] =	vst v63  }
0x4a: {  	_ =	swait.ge @!p0 [sflag:s8], $0x1000  }
0x4b: {  	[sflag:s8] =	ssyncset.done @!p0 $0x0  }
0x4c: {  	s10 =	simm.s32 @!p0 $0x4;
	[sflag:s8] =	ssyncadd.s32 @!p0 $0xFFFFF000  }
0x4d: {  	_ =	swait.ge @!p0 [sflag:s10], $0x100  }
0x4e: {  	p1 =	por $0x0, $0x0;
	[sflag:s10] =	ssyncset.done @!p0 $0x0  }
0x4f: {  	s8 =	simm.s32 @!p0 $0x3400;
	[sflag:s10] =	ssyncadd.s32 @!p0 $0xFFFFFF00;
	s10 =	simm.s32 @p1 $0x7  }
0x50: {  	[tilespmem:s8], [sflag:$0x8] =	stream.indirect.gather @!p0 [spmem:s4], $0x20, s6, s1, $0xb8;
	[tilespmem:$0xE220] =	vst v63  }
0x51: {  	_ =	swait.ge @p1 [sflag:s10], $0x1000  }
0x52: {  	s11 =	simm.s32 @p1 $0x80;
	s14 =	simm.s32 @p1 $0x280;
	[sflag:s10] =	ssyncset.done @p1 $0x0  }
0x53: {  	s6 =	simm.s32 @p1 $0x2400;
	[sflag:s10] =	ssyncadd.s32 @p1 $0xFFFFF000;
	s10 =	simm.s32 @p1 $0xA  }
0x54: {  	[spmem:s3] =	stream.indirect.scatter.add.f32 @p1 [tilespmem:s6], [sflag:$0xB], $0x20, s14, s11, $0xb8;
	[tilespmem:$0xE220] =	vst v63  }
0x55: {  	_ =	swait.ge @p1 [sflag:s10], $0x1000  }
0x56: {  	s6 =	sshrl.u32 @!p1 s24, $0x3;
	s11 =	simm.s32 @!p1 $0x0;
	[sflag:s10] =	ssyncset.done @p1 $0x0  }
0x57: {  	s6 =	sadd.s32 @!p1 s2, s6;
	[sflag:s10] =	ssyncadd.s32 @p1 $0xFFFFF000;
	s10 =	simm.s32 @!p1 $0x7  }
0x58: {  	[tilespmem:s11], [sflag:$0x1] =	stream.linear.gather @!p1 [hbm4b:s6+s11], $0x100, $0x38;
	[tilespmem:$0xE220] =	vst v63  }
0x59: {  	_ =	swait.ge @!p1 [sflag:s10], $0x1000  }
0x5a: {  	s14 =	simm.s32 @!p1 $0x80;
	[sflag:s10] =	ssyncset.done @!p1 $0x0  }
0x5b: {  	s6 =	simm.s32 @!p1 $0x2400;
	[sflag:s10] =	ssyncadd.s32 @!p1 $0xFFFFF000;
	s10 =	simm.s32 @!p1 $0x280  }
0x5c: {  	[spmem:s3] =	stream.indirect.scatter.add.f32 @!p1 [tilespmem:s6], [sflag:$0xB], $0x20, s10, s14, $0xb8;
	[tilespmem:$0xE220] =	vst v63  }
0x5d: {  	s6 =	simm.s32 @!p1 $0xA  }
0x5e: {  	_ =	swait.ge @!p1 [sflag:s6], $0x1000  }
0x5f: {  	[sflag:s6] =	ssyncset.done @!p1 $0x0  }
0x60: {  	s10 =	simm.s32 @!p1 $0x1;
	[sflag:s6] =	ssyncadd.s32 @!p1 $0xFFFFF000  }
0x61: {  	_ =	swait.ge @!p1 [sflag:s10], $0x100  }
0x62: {  	[sflag:s10] =	ssyncset.done @!p1 $0x0  }
0x63: {  	s6 =	rddreg [dreg:$0x7];
	[sflag:s10] =	ssyncadd.s32 @!p1 $0xFFFFFF00;
	s10 =	simm.s32 @!p1 $0x400  }
0x64: {  	[tilespmem:s10], [sflag:$0x5] =	stream.indirect.gather @!p1 [spmem:s4], $0x20, s11, s14, $0xb8;
	[tilespmem:$0xE220] =	vst v63  }
0x65: {  	s6 =	sadd.s32 @!p1 $0x0, s6;
	s10 =	simm.s32 @!p1 $0x100  }
0x66: {  	[tilespmem:s10], [sflag:$0x2] =	stream.linear.gather @!p1 [hbm4b:s6+s11], $0x100, $0x38;
	[tilespmem:$0xE220] =	vst v63  }
0x67: {  	s6 =	simm.s32 @!p0 $0x8  }
0x68: {  	_ =	swait.ge @!p0 [sflag:s6], $0x1000  }
0x69: {  	[sflag:s6] =	ssyncset.done @!p0 $0x0  }
0x6a: {  	s10 =	simm.s32 @!p0 $0x380;
	[sflag:s6] =	ssyncadd.s32 @!p0 $0xFFFFF000;
	s6 =	simm.s32 @!p0 $0xB  }
0x6b: {  	[spmem:s3] =	stream.indirect.scatter.add.f32 @!p0 [tilespmem:s8], [sflag:$0xC], $0x20, s10, s1, $0xb8;
	[tilespmem:$0xE220] =	vst v63  }
0x6c: {  	_ =	swait.ge @!p0 [sflag:s6], $0x1000  }
0x6d: {  	[sflag:s6] =	ssyncset.done @!p0 $0x0  }
0x6e: {  	s8 =	simm.s32 @!p0 $0x2;
	[sflag:s6] =	ssyncadd.s32 @!p0 $0xFFFFF000  }
0x6f: {  	_ =	swait.ge @!p0 [sflag:s8], $0x100  }
0x70: {  	s31 =	simm.s32 $0x80;
	s14 =	smov.u32 s24;
	[sflag:s8] =	ssyncset.done @!p0 $0x0  }
0x71: {  	s10 =	simm.s32 @!p0 $0x200;
	s6 =	simm.s32 @!p0 $0x100;
	[sflag:s8] =	ssyncadd.s32 @!p0 $0xFFFFFF00  }
0x72: {  	[tilespmem:s0], [sflag:$0x6] =	stream.indirect.gather @!p0 [spmem:s4], $0x20, s6, s1, $0xb8;
	[tilespmem:$0xE220] =	vst v63  }
0x73: {  	s11 =	rddreg [dreg:$0x8];
	s0 =	simm.s32 $0x7;
	s1 =	simm.s32 $0x0  }
.LBB2_2:
0x74: {  	s6 =	sadd.s32 @!p0 s1, s11  }
0x75: {  	[tilespmem:s10], [sflag:$0x3] =	stream.linear.gather @!p0 [hbm4b:s6+s30], $0x100, $0x38;
	[tilespmem:$0xE220] =	vst v63  }
0x76: {  	s1 =	smov.u32 s31;
	_ =	swait.ge [sflag:s25], $0x1000  }
0x77: {  	p0 =	seq.s32 s1, $0x0;
	[sflag:s25] =	ssyncset.done $0x0  }
0x78: {  	s6 =	simm.s32 @!p0 $0xC;
	[sflag:s25] =	ssyncadd.s32 $0xFFFFF000  }
0x79: {  	[spmem:s3] =	stream.indirect.scatter.add.f32 [tilespmem:s22], [sflag:$0x9], $0x20, s21, s21, $0xb8;
	[tilespmem:$0xE220] =	vst v63  }
0x7a: {  	_ =	swait.ge @!p0 [sflag:s6], $0x1000  }
0x7b: {  	[sflag:s6] =	ssyncset.done @!p0 $0x0  }
0x7c: {  	[sflag:s6] =	ssyncadd.s32 @!p0 $0xFFFFF000  }
0x7d: {  	_ =	swait.ge [sflag:s26], $0x100  }
0x7e: {  	p0 =	sgt.u32 s0, $0x4E;
	[sflag:s26] =	ssyncset.done $0x0  }
0x7f: {  	s8 =	simm.s32 @p0 $0x6;
	s18 =	rddreg [dreg:$0x5];
	[sflag:s26] =	ssyncadd.s32 $0xFFFFFF00  }
0x80: {  	[tilespmem:s18], [sflag:$0x7] =	stream.indirect.gather [spmem:s4], $0x20, s19, s21, $0xb8;
	[tilespmem:$0xE220] =	vst v63  }
0x81: {  	_ =	swait.ge @p0 [sflag:s8], $0x1000  }
0x82: {  	s6 =	simm.s32 @p0 $0x1400;
	s10 =	simm.s32 @p0 $0x80;
	[sflag:s8] =	ssyncset.done @p0 $0x0  }
0x83: {  	s11 =	simm.s32 @p0 $0x180;
	[sflag:s8] =	ssyncadd.s32 @p0 $0xFFFFF000;
	s8 =	simm.s32 @p0 $0x9  }
0x84: {  	[spmem:s3] =	stream.indirect.scatter.add.f32 @p0 [tilespmem:s6], [sflag:$0xA], $0x20, s11, s10, $0xb8;
	[tilespmem:$0xE220] =	vst v63  }
0x85: {  	s30 =	simm.s32 @!p0 $0x0;
	_ =	swait.ge @p0 [sflag:s8], $0x1000  }
0x86: {  	s11 =	simm.s32 @!p0 $0x300;
	[sflag:s8] =	ssyncset.done @p0 $0x0;
	s6 =	rddreg [dreg:$0x6]  }
0x87: {  	s10 =	simm.s32 @!p0 $0x6;
	[sflag:s8] =	ssyncadd.s32 @p0 $0xFFFFF000;
	s6 =	sadd.s32 @!p0 s1, s6  }
0x88: {  	[tilespmem:s11], [sflag:$0x4] =	stream.linear.gather @!p0 [hbm4b:s6+s30], $0x100, $0x38;
	[tilespmem:$0xE220] =	vst v63  }
0x89: {  	_ =	swait.ge @!p0 [sflag:s10], $0x1000  }
0x8a: {  	s12 =	simm.s32 @!p0 $0x180;
	s8 =	simm.s32 @!p0 $0x80;
	[sflag:s10] =	ssyncset.done @!p0 $0x0  }
0x8b: {  	s6 =	simm.s32 @!p0 $0x1400;
	[sflag:s10] =	ssyncadd.s32 @!p0 $0xFFFFF000;
	s10 =	simm.s32 @!p0 $0x9  }
0x8c: {  	[spmem:s3] =	stream.indirect.scatter.add.f32 @!p0 [tilespmem:s6], [sflag:$0xA], $0x20, s12, s8, $0xb8;
	[tilespmem:$0xE220] =	vst v63  }
0x8d: {  	_ =	swait.ge @!p0 [sflag:s10], $0x1000  }
0x8e: {  	[sflag:s10] =	ssyncset.done @!p0 $0x0  }
0x8f: {  	s12 =	simm.s32 @!p0 $0x4;
	[sflag:s10] =	ssyncadd.s32 @!p0 $0xFFFFF000  }
0x90: {  	_ =	swait.ge @!p0 [sflag:s12], $0x100  }
0x91: {  	p2 =	seq.s32 s1, $0x980;
	[sflag:s12] =	ssyncset.done @!p0 $0x0  }
0x92: {  	s10 =	simm.s32 @!p0 $0x3400;
	[sflag:s12] =	ssyncadd.s32 @!p0 $0xFFFFFF00;
	s12 =	simm.s32 @p2 $0x7  }
0x93: {  	[tilespmem:s10], [sflag:$0x8] =	stream.indirect.gather @!p0 [spmem:s4], $0x20, s11, s8, $0xb8;
	[tilespmem:$0xE220] =	vst v63  }
0x94: {  	s14 =	sadd.s32 $0x400, s14;
	_ =	swait.ge @p2 [sflag:s12], $0x1000  }
0x95: {  	s17 =	simm.s32 @p2 $0x280;
	s18 =	simm.s32 @p2 $0x80;
	[sflag:s12] =	ssyncset.done @p2 $0x0  }
0x96: {  	s11 =	simm.s32 @p2 $0x2400;
	[sflag:s12] =	ssyncadd.s32 @p2 $0xFFFFF000;
	s12 =	simm.s32 @p2 $0xA  }
0x97: {  	[spmem:s3] =	stream.indirect.scatter.add.f32 @p2 [tilespmem:s11], [sflag:$0xB], $0x20, s17, s18, $0xb8;
	[tilespmem:$0xE220] =	vst v63  }
0x98: {  	s13 =	sshrl.u32 @!p2 s14, $0x3;
	_ =	swait.ge @p2 [sflag:s12], $0x1000  }
0x99: {  	s13 =	sadd.s32 @!p2 s2, s13;
	[sflag:s12] =	ssyncset.done @p2 $0x0  }
0x9a: {  	s11 =	simm.s32 @!p2 $0x0;
	[sflag:s12] =	ssyncadd.s32 @p2 $0xFFFFF000;
	s12 =	simm.s32 @!p2 $0x7  }
0x9b: {  	[tilespmem:s11], [sflag:$0x1] =	stream.linear.gather @!p2 [hbm4b:s13+s11], $0x100, $0x38;
	[tilespmem:$0xE220] =	vst v63  }
0x9c: {  	_ =	swait.ge @!p2 [sflag:s12], $0x1000  }
0x9d: {  	s17 =	simm.s32 @!p2 $0x80;
	s18 =	simm.s32 @!p2 $0x280;
	[sflag:s12] =	ssyncset.done @!p2 $0x0  }
0x9e: {  	s13 =	simm.s32 @!p2 $0x2400;
	[sflag:s12] =	ssyncadd.s32 @!p2 $0xFFFFF000;
	s12 =	simm.s32 @!p2 $0xA  }
0x9f: {  	[spmem:s3] =	stream.indirect.scatter.add.f32 @!p2 [tilespmem:s13], [sflag:$0xB], $0x20, s18, s17, $0xb8;
	[tilespmem:$0xE220] =	vst v63  }
0xa0: {  	_ =	swait.ge @!p2 [sflag:s12], $0x1000  }
0xa1: {  	[sflag:s12] =	ssyncset.done @!p2 $0x0  }
0xa2: {  	s13 =	simm.s32 @!p2 $0x1;
	[sflag:s12] =	ssyncadd.s32 @!p2 $0xFFFFF000  }
0xa3: {  	_ =	swait.ge @!p2 [sflag:s13], $0x100  }
0xa4: {  	[sflag:s13] =	ssyncset.done @!p2 $0x0  }
0xa5: {  	s12 =	simm.s32 @!p2 $0x400;
	s18 =	rddreg [dreg:$0x7];
	[sflag:s13] =	ssyncadd.s32 @!p2 $0xFFFFFF00  }
0xa6: {  	[tilespmem:s12], [sflag:$0x5] =	stream.indirect.gather @!p2 [spmem:s4], $0x20, s11, s17, $0xb8;
	[tilespmem:$0xE220] =	vst v63  }
0xa7: {  	s13 =	simm.s32 @!p2 $0x100;
	s12 =	sadd.s32 @!p2 s1, s18;
	s17 =	simm.s32 @!p0 $0x8  }
0xa8: {  	[tilespmem:s13], [sflag:$0x2] =	stream.linear.gather @!p2 [hbm4b:s12+s11], $0x100, $0x38;
	[tilespmem:$0xE220] =	vst v63  }
0xa9: {  	_ =	swait.ge @!p0 [sflag:s17], $0x1000  }
0xaa: {  	[sflag:s17] =	ssyncset.done @!p0 $0x0  }
0xab: {  	s11 =	simm.s32 @!p0 $0x380;
	s12 =	simm.s32 @!p0 $0xB;
	[sflag:s17] =	ssyncadd.s32 @!p0 $0xFFFFF000  }
0xac: {  	[spmem:s3] =	stream.indirect.scatter.add.f32 @!p0 [tilespmem:s10], [sflag:$0xC], $0x20, s11, s8, $0xb8;
	[tilespmem:$0xE220] =	vst v63  }
0xad: {  	s31 =	sadd.s32 $0x80, s31;
	_ =	swait.ge @!p0 [sflag:s12], $0x1000  }
0xae: {  	p1 =	sne.s32 s31, $0xA00;
	[sflag:s12] =	ssyncset.done @!p0 $0x0  }
.Ltmp0:
0xaf: {  	s10 =	simm.s32 @!p0 $0x2;
	[sflag:s12] =	ssyncadd.s32 @!p0 $0xFFFFF000;
	(pc) =	sbr.rel @p1 .LBB2_2-.Ltmp0, $4  }
0xb0: {  	_ =	swait.ge @!p0 [sflag:s10], $0x100  }
0xb1: {  	s0 =	sadd.s32 $0x4, s0;
	s12 =	simm.s32 @!p0 $0x100;
	[sflag:s10] =	ssyncset.done @!p0 $0x0  }
0xb2: {  	s11 =	rddreg [dreg:$0x8];
	[sflag:s10] =	ssyncadd.s32 @!p0 $0xFFFFFF00;
	s10 =	simm.s32 @!p0 $0x200  }
0xb3: {  	[tilespmem:s6], [sflag:$0x6] =	stream.indirect.gather @!p0 [spmem:s4], $0x20, s12, s8, $0xb8;
	[tilespmem:$0xE220] =	vst v63  }
0xb4: {  	s0 =	sadd.s32 @!p0 s1, s11  }
0xb5: {  	[tilespmem:s10], [sflag:$0x3] =	stream.linear.gather @!p0 [hbm4b:s0+s30], $0x100, $0x38;
	[tilespmem:$0xE220] =	vst v63  }
0xb6: {  	_ =	swait.ge [sflag:s28], $0x1000  }
0xb7: {  	[sflag:s28] =	ssyncset.done $0x0  }
0xb8: {  	[sflag:s28] =	ssyncadd.s32 $0xFFFFF000  }
0xb9: {  	[bflag:$0x0] =	sbarrier.arrive $0xFFFF  }
0xba: {  	s30 =	rddreg [dreg:$0xd]  }
0xbb: {  	[hbm:s30], [sflag:s7] =	dma.local [spmem:s15], $0xA00  }
0xbc: {  	_ =	swait.ge [sflag:s16], $0xA00  }
0xbd: {  	s29 =	sadd.s32 $0x1, s29;
	s31 =	rddreg [dreg:$0xe]  }
0xbe: {  	p0 =	sne.s32 s29, s31  }
.Ltmp1:
0xbf: {  	_ = 	snop;
	(pc) =	sbr.rel @p0 .LBB2_1-.Ltmp1, $3  }
0xc0: {  	_ =	sdelay $0x1  }
0xc1: {  	[sflag:s16] =	ssyncset.done $0x0  }
0xc2: {  	[sflag:s16] =	ssyncadd.s32 $0xFFFFF600  }
0xc3: {  	_ =	sfence.sel $0x180000  }
0xc4: {  	[bflag:$0x0] =	sbarrier.arrive $0xFFFF  }
0xc5: {  	_ =	strace $0x9000004D  }
0xc6: {  	s0 =	stileid.u32;
	[bflag:$0x2] =	sbarrier.arrive $0xFFFF  }
0xc7: {  	p0 =	sne.s32 s0, $0x0;
	s0 =	rddreg [dreg:$0x4]  }
0xc8: {  	s0 =	sadd.s32 @!p0 $0x100000, s0  }
0xc9: {  	[sflag:s0] =	ssyncadd.tile.s32 @!p0 $0x1;
	_ =	shalt  }
.Lfunc_end2:
_tile_overlayer_lowered:
.L_overlay_start_2:
0xca: {  	(tag) =	ssettag $0x2  }
0xcb: {  	s0 =	rddreg [dreg:$0x0];
	s2 =	stileid.u32  }
0xcc: {  	s1 =	rddreg [dreg:$0x1];
	p0 =	sne.s32 s2, $0x0  }
0xcd: {  	s3 =	rddreg [dreg:$0x2];
	[bflag:$0x3] =	sbarrier.arrive $0xFFFF;
	s2 =	simm.s32 @!p0 $0x1C0D  }
0xce: {  	[timem:s3], [sflag:s2] =	dma.local @!p0 [hbm:s0], s1  }
0xcf: {  	s0 =	simm.s32 @!p0 $0xD  }
0xd0: {  	_ =	swait.ge @!p0 [sflag:s0], s1  }
0xd1: {  	s1 =	ssub.s32 @!p0 $0x0, s1;
	[sflag:s0] =	ssyncset.done @!p0 $0x0  }
0xd2: {  	[sflag:s0] =	ssyncadd.s32 @!p0 s1  }
0xd3: {  	[bflag:$0x3] =	sbarrier.arrive $0xFFFF  }
0xd4: {  	_ =	shalt  }

// kernel: kernel.18.cloned.1.call-start
scs
__scs_entry_jumppad:
0x0: {  	(pc) =	sbr.rel $0x88, $3  }
0x1: {  	(tag) =	ssettag $0x0;
	lr =	simm.s32 $0x1  }
0x2: {  	[smem:$0x3F96] =	sst lr;
	_ =	strace $0xD0000000  }
0x3: {  	_ = 	snop  }
0x4: {  	_ = 	snop  }
0x5: {  	_ = 	snop  }
0x6: {  	_ = 	snop  }
0x7: {  	_ = 	snop  }
__scs_overlays_trampoline_lowered:
0x8: {  	[smem:$0x3FA5] =	sst s0  }
0x9: {  	[smem:$0x3FA6] =	sst s1  }
0xa: {  	[smem:$0x3FA7] =	sst s2  }
0xb: {  	[smem:$0x3FA8] =	sst s3  }
0xc: {  	[smem:$0x3FA9] =	sst s4  }
0xd: {  	[smem:$0x3FAA] =	sst s5  }
0xe: {  	[smem:$0x3FAB] =	sst s6  }
0xf: {  	[smem:$0x3FAC] =	sst s7  }
0x10: {  	[smem:$0x3FAD] =	sst s8  }
0x11: {  	[smem:$0x3FAE] =	sst s9;
	s0 =	simm.s32 @!p0 $0x0  }
0x12: {  	s1 =	sld [smem:$0x3F94];
	s0 =	simm.s32 @p0 $0x1  }
0x13: {  	[smem:$0x3FAF] =	sst s0;
	s0 =	simm.s32 @!p1 $0x0  }
0x14: {  	s2 =	sld [smem:$0x3F93];
	s0 =	simm.s32 @p1 $0x1  }
0x15: {  	[smem:$0x3FB0] =	sst s0;
	s0 =	simm.s32 @!p2 $0x0  }
0x16: {  	s3 =	sld [smem:$0x3FDB];
	s0 =	simm.s32 @p2 $0x1  }
0x17: {  	s4 =	simm.s32 $0x1BF5;
	[smem:$0x3FB2] =	sst s0  }
0x18: {  	s0 =	sld [smem:$0x3F95];
	_ =	swait.ge [sflag:s4], $0x0  }
0x19: {  	s7 =	sld [smem:$0x3F96]  }
0x1a: {  	s8 =	sadd.s32 $0xFFFFE003, lr  }
0x1b: {  	s9 =	sadd.s32 $0xFFFFFEF7, lr;
	s5 =	simm.s32 $0xFFFFFFFF;
	p2 =	slt.u32 s8, $0xFFFFF086  }
0x1c: {  	p1 =	slt.u32 s9, $0xF7A;
	s5 =	simm.s32 @!p2 $0x0  }
0x1d: {  	s5 =	simm.s32 @p1 $0x1;
	p0 =	seq.s32 s7, s2  }
0x1e: {  	s7 =	smul.u32 @!p0 $0xF7A, s2;
	p2 =	seq.s32 @!p0 s5, $0x0  }
0x1f: {  	s9 =	smul.u32 $0xF7A, s1;
	s8 =	simm.s32 @!p0 $0x1BF5;
	p2 =	por !p2, p0  }
0x20: {  	[sflag:s8] =	ssyncset.s32 @!p0 $0xFFFFF086;
	s6 =	sadd.s32 @!p0 s3, s7;
	s7 =	simm.s32 @!p0 $0x108  }
0x21: {  	s3 =	sadd.s32 s3, s9;
	s6 =	sadd.s32 @!p0 $0x88, s6;
	s7 =	simm.s32 @p2 $0x1082  }
0x22: {  	[simem:s7], [sflag:s8] =	dma.local @!p0 [hbm:s6], $0xF7A  }
0x23: {  	s9 =	sor.u32 $0xD0000000, s2;
	s6 =	simm.s32 $0x108;
	_ =	swait.ge @!p0 [sflag:s8], $0x0  }
0x24: {  	s3 =	sadd.s32 $0x88, s3;
	s6 =	simm.s32 @!p1 $0x1082;
	[sflag:s4] =	ssyncset.s32 $0xFFFFF086  }
0x25: {  	[simem:s6], [sflag:s4] =	dma.local [hbm:s3], $0xF7A  }
0x26: {  	[smem:$0x3F96] =	sst s1;
	(tag) =	ssettag s2;
	_ =	strace s9  }
0x27: {  	s1 =	sld [smem:$0x3FA6]  }
0x28: {  	s2 =	sld [smem:$0x3FA7]  }
0x29: {  	s4 =	sld [smem:$0x3FA9]  }
0x2a: {  	p0 =	seq.s32 s5, $0x0;
	s5 =	sld [smem:$0x3FAA]  }
0x2b: {  	s6 =	sld [smem:$0x3FAB]  }
0x2c: {  	s7 =	sld [smem:$0x3FAC]  }
0x2d: {  	s3 =	simm.s32 $0x108;
	s8 =	sld [smem:$0x3FAD]  }
0x2e: {  	s3 =	simm.s32 @!p0 $0x1082;
	s9 =	sld [smem:$0x3FAE]  }
0x2f: {  	lr =	sadd.s32 s0, s3;
	s0 =	sld [smem:$0x3FA5]  }
0x30: {  	s3 =	sld [smem:$0x3FA8]  }
0x31: {  	[smem:$0x3FB1] =	sst s10  }
0x32: {  	s10 =	sld [smem:$0x3FAF];
	_ =	sdelay $0x3  }
0x33: {  	p0 =	seq.s32 s10, $0x1;
	s10 =	sld [smem:$0x3FB1];
	_ =	sdelay $0x3  }
0x34: {  	[smem:$0x3FB1] =	sst s10  }
0x35: {  	s10 =	sld [smem:$0x3FB0];
	_ =	sdelay $0x3  }
0x36: {  	p1 =	seq.s32 s10, $0x1;
	s10 =	sld [smem:$0x3FB1];
	_ =	sdelay $0x3  }
0x37: {  	[smem:$0x3FB1] =	sst s10  }
0x38: {  	s10 =	sld [smem:$0x3FB2]  }
0x39: {  	_ = 	snop;
	(pc) =	sbr.ind lr, $3  }
0x3a: {  	_ = 	snop  }
0x3b: {  	_ = 	snop  }
0x3c: {  	p2 =	seq.s32 s10, $0x1;
	s10 =	sld [smem:$0x3FB1]  }
0x3d: {  	_ =	shalt  }
0x3e: {  	_ =	shalt  }
0x3f: {  	_ =	shalt  }
0x40: {  	_ =	shalt  }
0x41: {  	_ =	shalt  }
0x42: {  	_ =	shalt  }
0x43: {  	_ =	shalt  }
0x44: {  	_ =	shalt  }
0x45: {  	_ =	shalt  }
0x46: {  	_ =	shalt  }
0x47: {  	_ =	shalt  }
0x48: {  	_ =	shalt  }
0x49: {  	_ =	shalt  }
0x4a: {  	_ =	shalt  }
0x4b: {  	_ =	shalt  }
0x4c: {  	_ =	shalt  }
0x4d: {  	_ =	shalt  }
0x4e: {  	_ =	shalt  }
0x4f: {  	_ =	shalt  }
0x50: {  	_ =	shalt  }
0x51: {  	_ =	shalt  }
0x52: {  	_ =	shalt  }
0x53: {  	_ =	shalt  }
0x54: {  	_ =	shalt  }
0x55: {  	_ =	shalt  }
0x56: {  	_ =	shalt  }
0x57: {  	_ =	shalt  }
0x58: {  	_ =	shalt  }
0x59: {  	_ =	shalt  }
0x5a: {  	_ =	shalt  }
0x5b: {  	_ =	shalt  }
0x5c: {  	_ =	shalt  }
0x5d: {  	_ =	shalt  }
0x5e: {  	_ =	shalt  }
0x5f: {  	_ =	shalt  }
0x60: {  	_ =	shalt  }
0x61: {  	_ =	shalt  }
0x62: {  	_ =	shalt  }
0x63: {  	_ =	shalt  }
0x64: {  	_ =	shalt  }
0x65: {  	_ =	shalt  }
0x66: {  	_ =	shalt  }
0x67: {  	_ =	shalt  }
0x68: {  	_ =	shalt  }
0x69: {  	_ =	shalt  }
0x6a: {  	_ =	shalt  }
0x6b: {  	_ =	shalt  }
0x6c: {  	_ =	shalt  }
0x6d: {  	_ =	shalt  }
0x6e: {  	_ =	shalt  }
0x6f: {  	_ =	shalt  }
0x70: {  	_ =	shalt  }
0x71: {  	_ =	shalt  }
0x72: {  	_ =	shalt  }
0x73: {  	_ =	shalt  }
0x74: {  	_ =	shalt  }
0x75: {  	_ =	shalt  }
0x76: {  	_ =	shalt  }
0x77: {  	_ =	shalt  }
0x78: {  	_ =	shalt  }
0x79: {  	_ =	shalt  }
0x7a: {  	_ =	shalt  }
0x7b: {  	_ =	shalt  }
0x7c: {  	_ =	shalt  }
0x7d: {  	_ =	shalt  }
0x7e: {  	_ =	shalt  }
0x7f: {  	_ =	shalt  }
0x80: {  	_ =	shalt  }
0x81: {  	_ =	shalt  }
0x82: {  	_ =	shalt  }
0x83: {  	_ =	shalt  }
0x84: {  	_ =	shalt  }
0x85: {  	_ =	shalt  }
0x86: {  	_ =	shalt  }
0x87: {  	_ =	shalt  }
.Lfunc_end0:
.L_simem_size_0:
called_computation.3_lowered:
.L_overlay_start_0:
0x88: {  	s2 =	sld [smem:$0x3FD9]  }
0x89: {  	s3 =	sld [smem:$0x3FFE];
	_ =	sdelay $0x1  }
0x8a: {  	s1 =	srdreg.scid  }
0x8b: {  	s0 =	sand.u32 $0x1, s1  }
0x8c: {  	s17 =	sshll.u32 s0, $0xA;
	s2 =	sadd.s32 s3, s2  }
0x8d: {  	s2 =	sadd.s32 s2, s17  }
0x8e: {  	[smem:$0x3FBD] =	sst s2  }
0x8f: {  	_ = 	snop  }
0x90: {  	s2 =	sld [smem:$0x3FD0];
	(tm) =	ssettm $0x1  }
0x91: {  	s18 =	sld [smem:$0x3FFB];
	_ =	sdelay $0x3  }
0x92: {  	_ =	strace s18  }
0x93: {  	s3 =	sld [smem:$0x3FFC];
	_ =	sdelay $0x3  }
0x94: {  	_ =	strace s3  }
0x95: {  	s3 =	sld [smem:$0x3FFD];
	_ =	sdelay $0x3  }
0x96: {  	_ =	strace s3  }
0x97: {  	_ =	strace $0x8FFFFFFF  }
0x98: {  	s19 =	sld [smem:$0x3FDB];
	_ =	sdelay $0x1  }
0x99: {  	s4 =	simm.s32 $_scs_section_size  }
0x9a: {  	s5 =	simm.s32 $_size__tile_overlayer_lowered;
	s6 =	simm.s32 $_tile_overlayer_lowered  }
0x9b: {  	s22 =	simm.s32 $0x1BFF;
	s21 =	sshll.u32 s6, $0x1;
	s3 =	sadd.s32 s4, s19  }
0x9c: {  	s7 =	simm.s32 $0x0;
	s20 =	sshll.u32 s5, $0x1;
	s5 =	sadd.s32 s21, s3  }
0x9d: {  	[timem:s7], [sflag:s22] =	dma.local [hbm:s5], s20  }
0x9e: {  	_ =	swait.ge [sflag:s22], s20  }
0x9f: {  	s4 =	ssub.s32 $0x0, s20;
	[sflag:s22] =	ssyncset.done $0x0  }
0xa0: {  	[sflag:s22] =	ssyncadd.s32 s4;
	_ =	sdelay $0x1  }
0xa1: {  	s23 =	simm.s32 $0x1B8B  }
0xa2: {  	_ =	swait.ge [sflag:s23], $0x1  }
0xa3: {  	[sflag:s23] =	ssyncset.done $0x0  }
0xa4: {  	s25 =	simm.s32 $0x1B8E;
	s24 =	sld [smem:$0x3FFE];
	[sflag:s23] =	ssyncadd.s32 $0xFFFFFFFF  }
0xa5: {  	s26 =	simm.s32 $execute0_lowered;
	[smem:$0x3FD2] =	sst s25  }
0xa6: {  	s5 =	sshll.u32 s26, $0x1;
	_ =	strace $0x8000004F;
	[dreg:$0x1] =	wrdreg $0xFFFFFFFF  }
0xa7: {  	s28 =	simm.s32 $_size_execute0_lowered;
	s3 =	sadd.s32 s3, s5;
	[dreg:$0x0] =	wrdreg $0x0  }
0xa8: {  	s5 =	sshll.u32 s28, $0x1;
	[dreg:$0x2] =	wrdreg s3  }
0xa9: {  	[dreg:$0x3] =	wrdreg s5  }
0xaa: {  	[dreg:$0x4] =	wrdreg $0xC0  }
0xab: {  	_ =	task [dreg:s7], $0x5FFFF  }
0xac: {  	[dreg:$0x1] =	wrdreg $0xFFFFFFFF  }
0xad: {  	[dreg:$0x0] =	wrdreg $0x60  }
0xae: {  	[dreg:$0x2] =	wrdreg s24  }
0xaf: {  	[dreg:$0x3] =	wrdreg s2  }
0xb0: {  	[dreg:$0x4] =	wrdreg $0x92200  }
0xb1: {  	[dreg:$0x5] =	wrdreg $0x44000  }
0xb2: {  	[dreg:$0x6] =	wrdreg $0x9  }
0xb3: {  	_ =	task.clear_ibuf [dreg:s7], $0x7FFFF;
	_ =	strace $0x9000004F  }
0xb4: {  	s29 =	simm.s32 $0x9;
	_ =	strace $0x80000051  }
0xb5: {  	_ =	swait.ge [sflag:s29], $0x1  }
0xb6: {  	[sflag:s29] =	ssyncadd.s32 $0xFFFFFFFF  }
0xb7: {  	_ =	strace $0x90000051  }
0xb8: {  	_ =	sfence  }
0xb9: {  	s30 =	sld [smem:$0x0];
	_ =	sdelay $0x2  }
0xba: {  	s31 =	sshll.u32 s1, $0xD;
	s1 =	sshrl.u32 s1, $0x2  }
0xbb: {  	s3 =	sand.u32 $0x4000, s31;
	s1 =	sadd.s32 s1, s30  }
0xbc: {  	s0 =	sor.u32 s3, s0;
	s1 =	sshll.u32 s1, $0x11  }
0xbd: {  	s0 =	sor.u32 s1, s0  }
0xbe: {  	s0 =	sadd.s32 $0x8F2B, s0  }
0xbf: {  	[sflag:s0] =	ssyncadd.remote.s32 $0x1  }
0xc0: {  	_ =	sfence.sel $0xFFFF  }
0xc1: {  	[dreg:$0x0] =	wrdreg $0xFFFFFFFF;
	(pc) =	sbr.abs _section_cstart, $3  }
0xc2: {  	[dreg:$0x1] =	wrdreg $0xFFFFFFFF  }
0xc3: {  	_ =	task.clear_ibuf [dreg:s7], $0x2FFFF;
	_ =	strace $0x9FFFFFFF  }
0xc4: {  	(tm) =	ssettm $0x7FFFFFFF  }
0xc5: {  	_ =	shalt  }
tec
execute0_lowered:
.L_overlay_start_1:
0x0: {  	(tag) =	ssettag $0x1  }
0x1: {  	s0 =	rddreg [dreg:$0x0]  }
0x2: {  	s2 =	rddreg [dreg:$0x1]  }
0x3: {  	s3 =	rddreg [dreg:$0x2];
	s15 =	stileid.u32  }
0x4: {  	s4 =	rddreg [dreg:$0x3];
	s1 =	smul.u32 $0x4E20, s15  }
0x5: {  	s6 =	srdreg.scid;
	s5 =	simm.s32 $0x0;
	s7 =	smul.u32 $0x5000, s15  }
0x6: {  	s28 =	simm.s32 $0xB;
	s6 =	sand.u32 $0x1, s6;
	s16 =	smul.u32 $0x4F00, s15  }
0x7: {  	s29 =	simm.s32 $0x0;
	[smem:$0x7FF] =	sst s5;
	s9 =	smul.u32 $0x50000, s6  }
0x8: {  	_ =	strace $0x80000050;
	s11 =	sshll.u32 s6, $0x4;
	s12 =	ssub.s32 $0x2, s6  }
0x9: {  	s6 =	smul.u32 $0x4F000, s6;
	s8 =	sshrl.u32 s1, $0x3;
	s10 =	sshrl.u32 s7, $0x3  }
0xa: {  	s11 =	sor.u32 s15, s11;
	s31 =	sshrl.u32 s12, $0x1;
	s14 =	sadd.s32 s7, s3  }
0xb: {  	s1 =	sadd.s32 s1, s4;
	s8 =	sadd.s32 s8, s0;
	s10 =	sadd.s32 s10, s0  }
0xc: {  	s9 =	sadd.s32 s7, s9;
	s11 =	smul.u32 $0x4F00, s11;
	s13 =	ssub.s32 s12, s31  }
0xd: {  	s12 =	sshll.u32 s15, $0x6;
	s6 =	sadd.s32 s16, s6;
	s15 =	sshrl.u32 s14, $0x3  }
0xe: {  	s16 =	simm.s32 $0xD;
	s30 =	sshrl.u32 s1, $0x3;
	s31 =	simm.s32 $0x2400  }
0xf: {  	s9 =	sshrl.u32 s9, $0x3;
	s10 =	sadd.s32 $0xC800, s10;
	s7 =	sor.u32 $0x1C0D, s12  }
0x10: {  	s8 =	sadd.s32 $0x2A00, s8;
	s20 =	sadd.s32 $0x500, s6;
	[dreg:$0xf] =	wrdreg s30  }
0x11: {  	s22 =	sadd.s32 $0x600, s6;
	s25 =	smax.u32 s13, $0x1;
	[dreg:$0x5] =	wrdreg s31  }
0x12: {  	s0 =	sadd.s32 s9, s0;
	[dreg:$0x9] =	wrdreg s10;
	s17 =	sshrl.u32 s11, $0x3  }
0x13: {  	[dreg:$0xa] =	wrdreg s8;
	s21 =	sshrl.u32 s20, $0x3;
	s8 =	sshrl.u32 s22, $0x3  }
0x14: {  	s10 =	sadd.s32 $0x300, s6;
	[dreg:$0xe] =	wrdreg s25;
	s20 =	simm.s32 $0x1  }
0x15: {  	s22 =	simm.s32 $0x400;
	s25 =	simm.s32 $0x5;
	s0 =	sadd.s32 $0x16800, s0  }
0x16: {  	s9 =	sadd.s32 s2, s17;
	s23 =	sadd.s32 s8, s2;
	[dreg:$0xd] =	wrdreg s0  }
0x17: {  	s24 =	sshrl.u32 s10, $0x3;
	s18 =	sadd.s32 $0x20, s9;
	[dreg:$0x8] =	wrdreg s23  }
0x18: {  	s19 =	sadd.s32 $0x40, s9;
	s0 =	sadd.s32 s21, s2;
	[dreg:$0xb] =	wrdreg s18  }
0x19: {  	s26 =	sadd.s32 s24, s2;
	s24 =	sadd.s32 $0x400, s6;
	[dreg:$0xc] =	wrdreg s19  }
0x1a: {  	s21 =	simm.s32 $0x80;
	s23 =	simm.s32 $0x2;
	[dreg:$0x7] =	wrdreg s0  }
0x1b: {  	[dreg:$0x6] =	wrdreg s26;
	s19 =	simm.s32 $0x200;
	s26 =	simm.s32 $0x3  }
.LBB2_1:
0x1c: {  	s0 =	rddreg [dreg:$0x9]  }
0x1d: {  	[spmem:s15], [sflag:s7] =	dma.local [hbm:s0], $0xA00  }
0x1e: {  	_ =	swait.ge [sflag:s16], $0xA00  }
0x1f: {  	[sflag:s16] =	ssyncset.done $0x0;
	s11 =	rddreg [dreg:$0xa]  }
0x20: {  	s1 =	rddreg [dreg:$0xf];
	[sflag:s16] =	ssyncadd.s32 $0xFFFFF600  }
0x21: {  	[spmem:s1], [sflag:s7] =	dma.local [hbm:s11], $0x9C4  }
0x22: {  	_ =	swait.ge [sflag:s16], $0x9C4  }
0x23: {  	[sflag:s16] =	ssyncset.done $0x0  }
0x24: {  	[sflag:s16] =	ssyncadd.s32 $0xFFFFF63C  }
0x25: {  	[tilespmem:s5], [sflag:$0x1] =	stream.linear.gather [hbm4b:s9+s5], $0x100, $0x38;
	[tilespmem:$0xE220] =	vst v63  }
0x26: {  	s13 =	simm.s32 $0x100;
	s12 =	rddreg [dreg:$0xb]  }
0x27: {  	[tilespmem:s13], [sflag:$0x2] =	stream.linear.gather [hbm4b:s12+s5], $0x100, $0x38;
	[tilespmem:$0xE220] =	vst v63  }
0x28: {  	s14 =	rddreg [dreg:$0xc]  }
0x29: {  	[tilespmem:s19], [sflag:$0x3] =	stream.linear.gather [hbm4b:s14+s5], $0x100, $0x38;
	[tilespmem:$0xE220] =	vst v63  }
0x2a: {  	[bflag:$0x0] =	sbarrier.arrive $0xFFFF  }
0x2b: {  	_ =	swait.ge [sflag:s20], $0x100  }
0x2c: {  	[sflag:s20] =	ssyncset.done $0x0  }
0x2d: {  	[sflag:s20] =	ssyncadd.s32 $0xFFFFFF00  }
0x2e: {  	[tilespmem:s22], [sflag:$0x5] =	stream.indirect.gather [spmem:s4], $0x20, s5, s21, $0xb8;
	[tilespmem:$0xE220] =	vst v63  }
0x2f: {  	_ =	swait.ge [sflag:s23], $0x100  }
0x30: {  	[sflag:s23] =	ssyncset.done $0x0  }
0x31: {  	s17 =	simm.s32 $0x1400;
	[sflag:s23] =	ssyncadd.s32 $0xFFFFFF00  }
0x32: {  	[tilespmem:s17], [sflag:$0x6] =	stream.indirect.gather [spmem:s4], $0x20, s13, s21, $0xb8;
	[tilespmem:$0xE220] =	vst v63  }
0x33: {  	_ =	swait.ge [sflag:s25], $0x1000  }
0x34: {  	p0 =	por $0x1, $0x1;
	[sflag:s25] =	ssyncset.done $0x0  }
0x35: {  	s0 =	simm.s32 @!p0 $0xC;
	[sflag:s25] =	ssyncadd.s32 $0xFFFFF000  }
0x36: {  	[spmem:s3] =	stream.indirect.scatter.add.f32 [tilespmem:s22], [sflag:$0x9], $0x20, s21, s21, $0xb8;
	[tilespmem:$0xE220] =	vst v63  }
0x37: {  	_ =	swait.ge @!p0 [sflag:s0], $0x1000  }
0x38: {  	[sflag:s0] =	ssyncset.done @!p0 $0x0  }
0x39: {  	[sflag:s0] =	ssyncadd.s32 @!p0 $0xFFFFF000  }
0x3a: {  	_ =	swait.ge [sflag:s26], $0x100  }
0x3b: {  	p0 =	por $0x0, $0x0;
	[sflag:s26] =	ssyncset.done $0x0  }
0x3c: {  	s1 =	simm.s32 @p0 $0x6;
	s18 =	rddreg [dreg:$0x5];
	[sflag:s26] =	ssyncadd.s32 $0xFFFFFF00  }
0x3d: {  	[tilespmem:s18], [sflag:$0x7] =	stream.indirect.gather [spmem:s4], $0x20, s19, s21, $0xb8;
	[tilespmem:$0xE220] =	vst v63  }
0x3e: {  	_ =	swait.ge @p0 [sflag:s1], $0x1000  }
0x3f: {  	s0 =	simm.s32 @p0 $0x1400;
	s6 =	simm.s32 @p0 $0x80;
	[sflag:s1] =	ssyncset.done @p0 $0x0  }
0x40: {  	s8 =	simm.s32 @p0 $0x180;
	[sflag:s1] =	ssyncadd.s32 @p0 $0xFFFFF000;
	s1 =	simm.s32 @p0 $0x9  }
0x41: {  	[spmem:s3] =	stream.indirect.scatter.add.f32 @p0 [tilespmem:s0], [sflag:$0xA], $0x20, s8, s6, $0xb8;
	[tilespmem:$0xE220] =	vst v63  }
0x42: {  	s30 =	simm.s32 @!p0 $0x0;
	_ =	swait.ge @p0 [sflag:s1], $0x1000  }
0x43: {  	s6 =	simm.s32 @!p0 $0x300;
	s0 =	rddreg [dreg:$0x6];
	[sflag:s1] =	ssyncset.done @p0 $0x0  }
0x44: {  	s8 =	simm.s32 @!p0 $0x6;
	[sflag:s1] =	ssyncadd.s32 @p0 $0xFFFFF000;
	s0 =	sadd.s32 @!p0 $0x0, s0  }
0x45: {  	[tilespmem:s6], [sflag:$0x4] =	stream.linear.gather @!p0 [hbm4b:s0+s30], $0x100, $0x38;
	[tilespmem:$0xE220] =	vst v63  }
0x46: {  	_ =	swait.ge @!p0 [sflag:s8], $0x1000  }
0x47: {  	s10 =	simm.s32 @!p0 $0x180;
	s1 =	simm.s32 @!p0 $0x80;
	[sflag:s8] =	ssyncset.done @!p0 $0x0  }
0x48: {  	s0 =	simm.s32 @!p0 $0x1400;
	[sflag:s8] =	ssyncadd.s32 @!p0 $0xFFFFF000;
	s8 =	simm.s32 @!p0 $0x9  }
0x49: {  	[spmem:s3] =	stream.indirect.scatter.add.f32 @!p0 [tilespmem:s0], [sflag:$0xA], $0x20, s10, s1, $0xb8;
	[tilespmem:$0xE220] =	vst v63  }
0x4a: {  	_ =	swait.ge @!p0 [sflag:s8], $0x1000  }
0x4b: {  	[sflag:s8] =	ssyncset.done @!p0 $0x0  }
0x4c: {  	s10 =	simm.s32 @!p0 $0x4;
	[sflag:s8] =	ssyncadd.s32 @!p0 $0xFFFFF000  }
0x4d: {  	_ =	swait.ge @!p0 [sflag:s10], $0x100  }
0x4e: {  	p1 =	por $0x0, $0x0;
	[sflag:s10] =	ssyncset.done @!p0 $0x0  }
0x4f: {  	s8 =	simm.s32 @!p0 $0x3400;
	[sflag:s10] =	ssyncadd.s32 @!p0 $0xFFFFFF00;
	s10 =	simm.s32 @p1 $0x7  }
0x50: {  	[tilespmem:s8], [sflag:$0x8] =	stream.indirect.gather @!p0 [spmem:s4], $0x20, s6, s1, $0xb8;
	[tilespmem:$0xE220] =	vst v63  }
0x51: {  	_ =	swait.ge @p1 [sflag:s10], $0x1000  }
0x52: {  	s11 =	simm.s32 @p1 $0x80;
	s14 =	simm.s32 @p1 $0x280;
	[sflag:s10] =	ssyncset.done @p1 $0x0  }
0x53: {  	s6 =	simm.s32 @p1 $0x2400;
	[sflag:s10] =	ssyncadd.s32 @p1 $0xFFFFF000;
	s10 =	simm.s32 @p1 $0xA  }
0x54: {  	[spmem:s3] =	stream.indirect.scatter.add.f32 @p1 [tilespmem:s6], [sflag:$0xB], $0x20, s14, s11, $0xb8;
	[tilespmem:$0xE220] =	vst v63  }
0x55: {  	_ =	swait.ge @p1 [sflag:s10], $0x1000  }
0x56: {  	s6 =	sshrl.u32 @!p1 s24, $0x3;
	s11 =	simm.s32 @!p1 $0x0;
	[sflag:s10] =	ssyncset.done @p1 $0x0  }
0x57: {  	s6 =	sadd.s32 @!p1 s2, s6;
	[sflag:s10] =	ssyncadd.s32 @p1 $0xFFFFF000;
	s10 =	simm.s32 @!p1 $0x7  }
0x58: {  	[tilespmem:s11], [sflag:$0x1] =	stream.linear.gather @!p1 [hbm4b:s6+s11], $0x100, $0x38;
	[tilespmem:$0xE220] =	vst v63  }
0x59: {  	_ =	swait.ge @!p1 [sflag:s10], $0x1000  }
0x5a: {  	s14 =	simm.s32 @!p1 $0x80;
	[sflag:s10] =	ssyncset.done @!p1 $0x0  }
0x5b: {  	s6 =	simm.s32 @!p1 $0x2400;
	[sflag:s10] =	ssyncadd.s32 @!p1 $0xFFFFF000;
	s10 =	simm.s32 @!p1 $0x280  }
0x5c: {  	[spmem:s3] =	stream.indirect.scatter.add.f32 @!p1 [tilespmem:s6], [sflag:$0xB], $0x20, s10, s14, $0xb8;
	[tilespmem:$0xE220] =	vst v63  }
0x5d: {  	s6 =	simm.s32 @!p1 $0xA  }
0x5e: {  	_ =	swait.ge @!p1 [sflag:s6], $0x1000  }
0x5f: {  	[sflag:s6] =	ssyncset.done @!p1 $0x0  }
0x60: {  	s10 =	simm.s32 @!p1 $0x1;
	[sflag:s6] =	ssyncadd.s32 @!p1 $0xFFFFF000  }
0x61: {  	_ =	swait.ge @!p1 [sflag:s10], $0x100  }
0x62: {  	[sflag:s10] =	ssyncset.done @!p1 $0x0  }
0x63: {  	s6 =	rddreg [dreg:$0x7];
	[sflag:s10] =	ssyncadd.s32 @!p1 $0xFFFFFF00;
	s10 =	simm.s32 @!p1 $0x400  }
0x64: {  	[tilespmem:s10], [sflag:$0x5] =	stream.indirect.gather @!p1 [spmem:s4], $0x20, s11, s14, $0xb8;
	[tilespmem:$0xE220] =	vst v63  }
0x65: {  	s6 =	sadd.s32 @!p1 $0x0, s6;
	s10 =	simm.s32 @!p1 $0x100  }
0x66: {  	[tilespmem:s10], [sflag:$0x2] =	stream.linear.gather @!p1 [hbm4b:s6+s11], $0x100, $0x38;
	[tilespmem:$0xE220] =	vst v63  }
0x67: {  	s6 =	simm.s32 @!p0 $0x8  }
0x68: {  	_ =	swait.ge @!p0 [sflag:s6], $0x1000  }
0x69: {  	[sflag:s6] =	ssyncset.done @!p0 $0x0  }
0x6a: {  	s10 =	simm.s32 @!p0 $0x380;
	[sflag:s6] =	ssyncadd.s32 @!p0 $0xFFFFF000;
	s6 =	simm.s32 @!p0 $0xB  }
0x6b: {  	[spmem:s3] =	stream.indirect.scatter.add.f32 @!p0 [tilespmem:s8], [sflag:$0xC], $0x20, s10, s1, $0xb8;
	[tilespmem:$0xE220] =	vst v63  }
0x6c: {  	_ =	swait.ge @!p0 [sflag:s6], $0x1000  }
0x6d: {  	[sflag:s6] =	ssyncset.done @!p0 $0x0  }
0x6e: {  	s8 =	simm.s32 @!p0 $0x2;
	[sflag:s6] =	ssyncadd.s32 @!p0 $0xFFFFF000  }
0x6f: {  	_ =	swait.ge @!p0 [sflag:s8], $0x100  }
0x70: {  	s31 =	simm.s32 $0x80;
	s14 =	smov.u32 s24;
	[sflag:s8] =	ssyncset.done @!p0 $0x0  }
0x71: {  	s10 =	simm.s32 @!p0 $0x200;
	s6 =	simm.s32 @!p0 $0x100;
	[sflag:s8] =	ssyncadd.s32 @!p0 $0xFFFFFF00  }
0x72: {  	[tilespmem:s0], [sflag:$0x6] =	stream.indirect.gather @!p0 [spmem:s4], $0x20, s6, s1, $0xb8;
	[tilespmem:$0xE220] =	vst v63  }
0x73: {  	s11 =	rddreg [dreg:$0x8];
	s0 =	simm.s32 $0x7;
	s1 =	simm.s32 $0x0  }
.LBB2_2:
0x74: {  	s6 =	sadd.s32 @!p0 s1, s11  }
0x75: {  	[tilespmem:s10], [sflag:$0x3] =	stream.linear.gather @!p0 [hbm4b:s6+s30], $0x100, $0x38;
	[tilespmem:$0xE220] =	vst v63  }
0x76: {  	s1 =	smov.u32 s31;
	_ =	swait.ge [sflag:s25], $0x1000  }
0x77: {  	p0 =	seq.s32 s1, $0x0;
	[sflag:s25] =	ssyncset.done $0x0  }
0x78: {  	s6 =	simm.s32 @!p0 $0xC;
	[sflag:s25] =	ssyncadd.s32 $0xFFFFF000  }
0x79: {  	[spmem:s3] =	stream.indirect.scatter.add.f32 [tilespmem:s22], [sflag:$0x9], $0x20, s21, s21, $0xb8;
	[tilespmem:$0xE220] =	vst v63  }
0x7a: {  	_ =	swait.ge @!p0 [sflag:s6], $0x1000  }
0x7b: {  	[sflag:s6] =	ssyncset.done @!p0 $0x0  }
0x7c: {  	[sflag:s6] =	ssyncadd.s32 @!p0 $0xFFFFF000  }
0x7d: {  	_ =	swait.ge [sflag:s26], $0x100  }
0x7e: {  	p0 =	sgt.u32 s0, $0x4E;
	[sflag:s26] =	ssyncset.done $0x0  }
0x7f: {  	s8 =	simm.s32 @p0 $0x6;
	s18 =	rddreg [dreg:$0x5];
	[sflag:s26] =	ssyncadd.s32 $0xFFFFFF00  }
0x80: {  	[tilespmem:s18], [sflag:$0x7] =	stream.indirect.gather [spmem:s4], $0x20, s19, s21, $0xb8;
	[tilespmem:$0xE220] =	vst v63  }
0x81: {  	_ =	swait.ge @p0 [sflag:s8], $0x1000  }
0x82: {  	s6 =	simm.s32 @p0 $0x1400;
	s10 =	simm.s32 @p0 $0x80;
	[sflag:s8] =	ssyncset.done @p0 $0x0  }
0x83: {  	s11 =	simm.s32 @p0 $0x180;
	[sflag:s8] =	ssyncadd.s32 @p0 $0xFFFFF000;
	s8 =	simm.s32 @p0 $0x9  }
0x84: {  	[spmem:s3] =	stream.indirect.scatter.add.f32 @p0 [tilespmem:s6], [sflag:$0xA], $0x20, s11, s10, $0xb8;
	[tilespmem:$0xE220] =	vst v63  }
0x85: {  	s30 =	simm.s32 @!p0 $0x0;
	_ =	swait.ge @p0 [sflag:s8], $0x1000  }
0x86: {  	s11 =	simm.s32 @!p0 $0x300;
	[sflag:s8] =	ssyncset.done @p0 $0x0;
	s6 =	rddreg [dreg:$0x6]  }
0x87: {  	s10 =	simm.s32 @!p0 $0x6;
	[sflag:s8] =	ssyncadd.s32 @p0 $0xFFFFF000;
	s6 =	sadd.s32 @!p0 s1, s6  }
0x88: {  	[tilespmem:s11], [sflag:$0x4] =	stream.linear.gather @!p0 [hbm4b:s6+s30], $0x100, $0x38;
	[tilespmem:$0xE220] =	vst v63  }
0x89: {  	_ =	swait.ge @!p0 [sflag:s10], $0x1000  }
0x8a: {  	s12 =	simm.s32 @!p0 $0x180;
	s8 =	simm.s32 @!p0 $0x80;
	[sflag:s10] =	ssyncset.done @!p0 $0x0  }
0x8b: {  	s6 =	simm.s32 @!p0 $0x1400;
	[sflag:s10] =	ssyncadd.s32 @!p0 $0xFFFFF000;
	s10 =	simm.s32 @!p0 $0x9  }
0x8c: {  	[spmem:s3] =	stream.indirect.scatter.add.f32 @!p0 [tilespmem:s6], [sflag:$0xA], $0x20, s12, s8, $0xb8;
	[tilespmem:$0xE220] =	vst v63  }
0x8d: {  	_ =	swait.ge @!p0 [sflag:s10], $0x1000  }
0x8e: {  	[sflag:s10] =	ssyncset.done @!p0 $0x0  }
0x8f: {  	s12 =	simm.s32 @!p0 $0x4;
	[sflag:s10] =	ssyncadd.s32 @!p0 $0xFFFFF000  }
0x90: {  	_ =	swait.ge @!p0 [sflag:s12], $0x100  }
0x91: {  	p2 =	seq.s32 s1, $0x980;
	[sflag:s12] =	ssyncset.done @!p0 $0x0  }
0x92: {  	s10 =	simm.s32 @!p0 $0x3400;
	[sflag:s12] =	ssyncadd.s32 @!p0 $0xFFFFFF00;
	s12 =	simm.s32 @p2 $0x7  }
0x93: {  	[tilespmem:s10], [sflag:$0x8] =	stream.indirect.gather @!p0 [spmem:s4], $0x20, s11, s8, $0xb8;
	[tilespmem:$0xE220] =	vst v63  }
0x94: {  	s14 =	sadd.s32 $0x400, s14;
	_ =	swait.ge @p2 [sflag:s12], $0x1000  }
0x95: {  	s17 =	simm.s32 @p2 $0x280;
	s18 =	simm.s32 @p2 $0x80;
	[sflag:s12] =	ssyncset.done @p2 $0x0  }
0x96: {  	s11 =	simm.s32 @p2 $0x2400;
	[sflag:s12] =	ssyncadd.s32 @p2 $0xFFFFF000;
	s12 =	simm.s32 @p2 $0xA  }
0x97: {  	[spmem:s3] =	stream.indirect.scatter.add.f32 @p2 [tilespmem:s11], [sflag:$0xB], $0x20, s17, s18, $0xb8;
	[tilespmem:$0xE220] =	vst v63  }
0x98: {  	s13 =	sshrl.u32 @!p2 s14, $0x3;
	_ =	swait.ge @p2 [sflag:s12], $0x1000  }
0x99: {  	s13 =	sadd.s32 @!p2 s2, s13;
	[sflag:s12] =	ssyncset.done @p2 $0x0  }
0x9a: {  	s11 =	simm.s32 @!p2 $0x0;
	[sflag:s12] =	ssyncadd.s32 @p2 $0xFFFFF000;
	s12 =	simm.s32 @!p2 $0x7  }
0x9b: {  	[tilespmem:s11], [sflag:$0x1] =	stream.linear.gather @!p2 [hbm4b:s13+s11], $0x100, $0x38;
	[tilespmem:$0xE220] =	vst v63  }
0x9c: {  	_ =	swait.ge @!p2 [sflag:s12], $0x1000  }
0x9d: {  	s17 =	simm.s32 @!p2 $0x80;
	s18 =	simm.s32 @!p2 $0x280;
	[sflag:s12] =	ssyncset.done @!p2 $0x0  }
0x9e: {  	s13 =	simm.s32 @!p2 $0x2400;
	[sflag:s12] =	ssyncadd.s32 @!p2 $0xFFFFF000;
	s12 =	simm.s32 @!p2 $0xA  }
0x9f: {  	[spmem:s3] =	stream.indirect.scatter.add.f32 @!p2 [tilespmem:s13], [sflag:$0xB], $0x20, s18, s17, $0xb8;
	[tilespmem:$0xE220] =	vst v63  }
0xa0: {  	_ =	swait.ge @!p2 [sflag:s12], $0x1000  }
0xa1: {  	[sflag:s12] =	ssyncset.done @!p2 $0x0  }
0xa2: {  	s13 =	simm.s32 @!p2 $0x1;
	[sflag:s12] =	ssyncadd.s32 @!p2 $0xFFFFF000  }
0xa3: {  	_ =	swait.ge @!p2 [sflag:s13], $0x100  }
0xa4: {  	[sflag:s13] =	ssyncset.done @!p2 $0x0  }
0xa5: {  	s12 =	simm.s32 @!p2 $0x400;
	s18 =	rddreg [dreg:$0x7];
	[sflag:s13] =	ssyncadd.s32 @!p2 $0xFFFFFF00  }
0xa6: {  	[tilespmem:s12], [sflag:$0x5] =	stream.indirect.gather @!p2 [spmem:s4], $0x20, s11, s17, $0xb8;
	[tilespmem:$0xE220] =	vst v63  }
0xa7: {  	s13 =	simm.s32 @!p2 $0x100;
	s12 =	sadd.s32 @!p2 s1, s18;
	s17 =	simm.s32 @!p0 $0x8  }
0xa8: {  	[tilespmem:s13], [sflag:$0x2] =	stream.linear.gather @!p2 [hbm4b:s12+s11], $0x100, $0x38;
	[tilespmem:$0xE220] =	vst v63  }
0xa9: {  	_ =	swait.ge @!p0 [sflag:s17], $0x1000  }
0xaa: {  	[sflag:s17] =	ssyncset.done @!p0 $0x0  }
0xab: {  	s11 =	simm.s32 @!p0 $0x380;
	s12 =	simm.s32 @!p0 $0xB;
	[sflag:s17] =	ssyncadd.s32 @!p0 $0xFFFFF000  }
0xac: {  	[spmem:s3] =	stream.indirect.scatter.add.f32 @!p0 [tilespmem:s10], [sflag:$0xC], $0x20, s11, s8, $0xb8;
	[tilespmem:$0xE220] =	vst v63  }
0xad: {  	s31 =	sadd.s32 $0x80, s31;
	_ =	swait.ge @!p0 [sflag:s12], $0x1000  }
0xae: {  	p1 =	sne.s32 s31, $0xA00;
	[sflag:s12] =	ssyncset.done @!p0 $0x0  }
.Ltmp0:
0xaf: {  	s10 =	simm.s32 @!p0 $0x2;
	[sflag:s12] =	ssyncadd.s32 @!p0 $0xFFFFF000;
	(pc) =	sbr.rel @p1 .LBB2_2-.Ltmp0, $4  }
0xb0: {  	_ =	swait.ge @!p0 [sflag:s10], $0x100  }
0xb1: {  	s0 =	sadd.s32 $0x4, s0;
	s12 =	simm.s32 @!p0 $0x100;
	[sflag:s10] =	ssyncset.done @!p0 $0x0  }
0xb2: {  	s11 =	rddreg [dreg:$0x8];
	[sflag:s10] =	ssyncadd.s32 @!p0 $0xFFFFFF00;
	s10 =	simm.s32 @!p0 $0x200  }
0xb3: {  	[tilespmem:s6], [sflag:$0x6] =	stream.indirect.gather @!p0 [spmem:s4], $0x20, s12, s8, $0xb8;
	[tilespmem:$0xE220] =	vst v63  }
0xb4: {  	s0 =	sadd.s32 @!p0 s1, s11  }
0xb5: {  	[tilespmem:s10], [sflag:$0x3] =	stream.linear.gather @!p0 [hbm4b:s0+s30], $0x100, $0x38;
	[tilespmem:$0xE220] =	vst v63  }
0xb6: {  	_ =	swait.ge [sflag:s28], $0x1000  }
0xb7: {  	[sflag:s28] =	ssyncset.done $0x0  }
0xb8: {  	[sflag:s28] =	ssyncadd.s32 $0xFFFFF000  }
0xb9: {  	[bflag:$0x0] =	sbarrier.arrive $0xFFFF  }
0xba: {  	s30 =	rddreg [dreg:$0xd]  }
0xbb: {  	[hbm:s30], [sflag:s7] =	dma.local [spmem:s15], $0xA00  }
0xbc: {  	_ =	swait.ge [sflag:s16], $0xA00  }
0xbd: {  	s29 =	sadd.s32 $0x1, s29;
	s31 =	rddreg [dreg:$0xe]  }
0xbe: {  	p0 =	sne.s32 s29, s31  }
.Ltmp1:
0xbf: {  	_ = 	snop;
	(pc) =	sbr.rel @p0 .LBB2_1-.Ltmp1, $3  }
0xc0: {  	_ =	sdelay $0x1  }
0xc1: {  	[sflag:s16] =	ssyncset.done $0x0  }
0xc2: {  	[sflag:s16] =	ssyncadd.s32 $0xFFFFF600  }
0xc3: {  	_ =	sfence.sel $0x180000  }
0xc4: {  	[bflag:$0x0] =	sbarrier.arrive $0xFFFF  }
0xc5: {  	_ =	strace $0x90000050  }
0xc6: {  	s0 =	stileid.u32;
	[bflag:$0x2] =	sbarrier.arrive $0xFFFF  }
0xc7: {  	p0 =	sne.s32 s0, $0x0;
	s0 =	rddreg [dreg:$0x4]  }
0xc8: {  	s0 =	sadd.s32 @!p0 $0x100000, s0  }
0xc9: {  	[sflag:s0] =	ssyncadd.tile.s32 @!p0 $0x1;
	_ =	shalt  }
.Lfunc_end2:
_tile_overlayer_lowered:
.L_overlay_start_2:
0xca: {  	(tag) =	ssettag $0x2  }
0xcb: {  	s0 =	rddreg [dreg:$0x0];
	s2 =	stileid.u32  }
0xcc: {  	s1 =	rddreg [dreg:$0x1];
	p0 =	sne.s32 s2, $0x0  }
0xcd: {  	s3 =	rddreg [dreg:$0x2];
	[bflag:$0x3] =	sbarrier.arrive $0xFFFF;
	s2 =	simm.s32 @!p0 $0x1C0D  }
0xce: {  	[timem:s3], [sflag:s2] =	dma.local @!p0 [hbm:s0], s1  }
0xcf: {  	s0 =	simm.s32 @!p0 $0xD  }
0xd0: {  	_ =	swait.ge @!p0 [sflag:s0], s1  }
0xd1: {  	s1 =	ssub.s32 @!p0 $0x0, s1;
	[sflag:s0] =	ssyncset.done @!p0 $0x0  }
0xd2: {  	[sflag:s0] =	ssyncadd.s32 @!p0 s1  }
0xd3: {  	[bflag:$0x3] =	sbarrier.arrive $0xFFFF  }
0xd4: {  	_ =	shalt  }

// kernel: kernel.9.cloned.1.call-start
scs
__scs_entry_jumppad:
0x0: {  	(pc) =	sbr.rel $0x88, $3  }
0x1: {  	(tag) =	ssettag $0x0;
	lr =	simm.s32 $0x1  }
0x2: {  	[smem:$0x3F96] =	sst lr;
	_ =	strace $0xD0000000  }
0x3: {  	_ = 	snop  }
0x4: {  	_ = 	snop  }
0x5: {  	_ = 	snop  }
0x6: {  	_ = 	snop  }
0x7: {  	_ = 	snop  }
__scs_overlays_trampoline_lowered:
0x8: {  	[smem:$0x3FA5] =	sst s0  }
0x9: {  	[smem:$0x3FA6] =	sst s1  }
0xa: {  	[smem:$0x3FA7] =	sst s2  }
0xb: {  	[smem:$0x3FA8] =	sst s3  }
0xc: {  	[smem:$0x3FA9] =	sst s4  }
0xd: {  	[smem:$0x3FAA] =	sst s5  }
0xe: {  	[smem:$0x3FAB] =	sst s6  }
0xf: {  	[smem:$0x3FAC] =	sst s7  }
0x10: {  	[smem:$0x3FAD] =	sst s8  }
0x11: {  	[smem:$0x3FAE] =	sst s9;
	s0 =	simm.s32 @!p0 $0x0  }
0x12: {  	s1 =	sld [smem:$0x3F94];
	s0 =	simm.s32 @p0 $0x1  }
0x13: {  	[smem:$0x3FAF] =	sst s0;
	s0 =	simm.s32 @!p1 $0x0  }
0x14: {  	s2 =	sld [smem:$0x3F93];
	s0 =	simm.s32 @p1 $0x1  }
0x15: {  	[smem:$0x3FB0] =	sst s0;
	s0 =	simm.s32 @!p2 $0x0  }
0x16: {  	s3 =	sld [smem:$0x3FDB];
	s0 =	simm.s32 @p2 $0x1  }
0x17: {  	s4 =	simm.s32 $0x1BF5;
	[smem:$0x3FB2] =	sst s0  }
0x18: {  	s0 =	sld [smem:$0x3F95];
	_ =	swait.ge [sflag:s4], $0x0  }
0x19: {  	s7 =	sld [smem:$0x3F96]  }
0x1a: {  	s8 =	sadd.s32 $0xFFFFE003, lr  }
0x1b: {  	s9 =	sadd.s32 $0xFFFFFEF7, lr;
	s5 =	simm.s32 $0xFFFFFFFF;
	p2 =	slt.u32 s8, $0xFFFFF086  }
0x1c: {  	p1 =	slt.u32 s9, $0xF7A;
	s5 =	simm.s32 @!p2 $0x0  }
0x1d: {  	s5 =	simm.s32 @p1 $0x1;
	p0 =	seq.s32 s7, s2  }
0x1e: {  	s7 =	smul.u32 @!p0 $0xF7A, s2;
	p2 =	seq.s32 @!p0 s5, $0x0  }
0x1f: {  	s9 =	smul.u32 $0xF7A, s1;
	s8 =	simm.s32 @!p0 $0x1BF5;
	p2 =	por !p2, p0  }
0x20: {  	[sflag:s8] =	ssyncset.s32 @!p0 $0xFFFFF086;
	s6 =	sadd.s32 @!p0 s3, s7;
	s7 =	simm.s32 @!p0 $0x108  }
0x21: {  	s3 =	sadd.s32 s3, s9;
	s6 =	sadd.s32 @!p0 $0x88, s6;
	s7 =	simm.s32 @p2 $0x1082  }
0x22: {  	[simem:s7], [sflag:s8] =	dma.local @!p0 [hbm:s6], $0xF7A  }
0x23: {  	s9 =	sor.u32 $0xD0000000, s2;
	s6 =	simm.s32 $0x108;
	_ =	swait.ge @!p0 [sflag:s8], $0x0  }
0x24: {  	s3 =	sadd.s32 $0x88, s3;
	s6 =	simm.s32 @!p1 $0x1082;
	[sflag:s4] =	ssyncset.s32 $0xFFFFF086  }
0x25: {  	[simem:s6], [sflag:s4] =	dma.local [hbm:s3], $0xF7A  }
0x26: {  	[smem:$0x3F96] =	sst s1;
	(tag) =	ssettag s2;
	_ =	strace s9  }
0x27: {  	s1 =	sld [smem:$0x3FA6]  }
0x28: {  	s2 =	sld [smem:$0x3FA7]  }
0x29: {  	s4 =	sld [smem:$0x3FA9]  }
0x2a: {  	p0 =	seq.s32 s5, $0x0;
	s5 =	sld [smem:$0x3FAA]  }
0x2b: {  	s6 =	sld [smem:$0x3FAB]  }
0x2c: {  	s7 =	sld [smem:$0x3FAC]  }
0x2d: {  	s3 =	simm.s32 $0x108;
	s8 =	sld [smem:$0x3FAD]  }
0x2e: {  	s3 =	simm.s32 @!p0 $0x1082;
	s9 =	sld [smem:$0x3FAE]  }
0x2f: {  	lr =	sadd.s32 s0, s3;
	s0 =	sld [smem:$0x3FA5]  }
0x30: {  	s3 =	sld [smem:$0x3FA8]  }
0x31: {  	[smem:$0x3FB1] =	sst s10  }
0x32: {  	s10 =	sld [smem:$0x3FAF];
	_ =	sdelay $0x3  }
0x33: {  	p0 =	seq.s32 s10, $0x1;
	s10 =	sld [smem:$0x3FB1];
	_ =	sdelay $0x3  }
0x34: {  	[smem:$0x3FB1] =	sst s10  }
0x35: {  	s10 =	sld [smem:$0x3FB0];
	_ =	sdelay $0x3  }
0x36: {  	p1 =	seq.s32 s10, $0x1;
	s10 =	sld [smem:$0x3FB1];
	_ =	sdelay $0x3  }
0x37: {  	[smem:$0x3FB1] =	sst s10  }
0x38: {  	s10 =	sld [smem:$0x3FB2]  }
0x39: {  	_ = 	snop;
	(pc) =	sbr.ind lr, $3  }
0x3a: {  	_ = 	snop  }
0x3b: {  	_ = 	snop  }
0x3c: {  	p2 =	seq.s32 s10, $0x1;
	s10 =	sld [smem:$0x3FB1]  }
0x3d: {  	_ =	shalt  }
0x3e: {  	_ =	shalt  }
0x3f: {  	_ =	shalt  }
0x40: {  	_ =	shalt  }
0x41: {  	_ =	shalt  }
0x42: {  	_ =	shalt  }
0x43: {  	_ =	shalt  }
0x44: {  	_ =	shalt  }
0x45: {  	_ =	shalt  }
0x46: {  	_ =	shalt  }
0x47: {  	_ =	shalt  }
0x48: {  	_ =	shalt  }
0x49: {  	_ =	shalt  }
0x4a: {  	_ =	shalt  }
0x4b: {  	_ =	shalt  }
0x4c: {  	_ =	shalt  }
0x4d: {  	_ =	shalt  }
0x4e: {  	_ =	shalt  }
0x4f: {  	_ =	shalt  }
0x50: {  	_ =	shalt  }
0x51: {  	_ =	shalt  }
0x52: {  	_ =	shalt  }
0x53: {  	_ =	shalt  }
0x54: {  	_ =	shalt  }
0x55: {  	_ =	shalt  }
0x56: {  	_ =	shalt  }
0x57: {  	_ =	shalt  }
0x58: {  	_ =	shalt  }
0x59: {  	_ =	shalt  }
0x5a: {  	_ =	shalt  }
0x5b: {  	_ =	shalt  }
0x5c: {  	_ =	shalt  }
0x5d: {  	_ =	shalt  }
0x5e: {  	_ =	shalt  }
0x5f: {  	_ =	shalt  }
0x60: {  	_ =	shalt  }
0x61: {  	_ =	shalt  }
0x62: {  	_ =	shalt  }
0x63: {  	_ =	shalt  }
0x64: {  	_ =	shalt  }
0x65: {  	_ =	shalt  }
0x66: {  	_ =	shalt  }
0x67: {  	_ =	shalt  }
0x68: {  	_ =	shalt  }
0x69: {  	_ =	shalt  }
0x6a: {  	_ =	shalt  }
0x6b: {  	_ =	shalt  }
0x6c: {  	_ =	shalt  }
0x6d: {  	_ =	shalt  }
0x6e: {  	_ =	shalt  }
0x6f: {  	_ =	shalt  }
0x70: {  	_ =	shalt  }
0x71: {  	_ =	shalt  }
0x72: {  	_ =	shalt  }
0x73: {  	_ =	shalt  }
0x74: {  	_ =	shalt  }
0x75: {  	_ =	shalt  }
0x76: {  	_ =	shalt  }
0x77: {  	_ =	shalt  }
0x78: {  	_ =	shalt  }
0x79: {  	_ =	shalt  }
0x7a: {  	_ =	shalt  }
0x7b: {  	_ =	shalt  }
0x7c: {  	_ =	shalt  }
0x7d: {  	_ =	shalt  }
0x7e: {  	_ =	shalt  }
0x7f: {  	_ =	shalt  }
0x80: {  	_ =	shalt  }
0x81: {  	_ =	shalt  }
0x82: {  	_ =	shalt  }
0x83: {  	_ =	shalt  }
0x84: {  	_ =	shalt  }
0x85: {  	_ =	shalt  }
0x86: {  	_ =	shalt  }
0x87: {  	_ =	shalt  }
.Lfunc_end0:
.L_simem_size_0:
called_computation_lowered:
.L_overlay_start_0:
0x88: {  	s2 =	sld [smem:$0x3FD9]  }
0x89: {  	s3 =	sld [smem:$0x3FFE];
	_ =	sdelay $0x1  }
0x8a: {  	s1 =	srdreg.scid  }
0x8b: {  	s0 =	sand.u32 $0x1, s1  }
0x8c: {  	s17 =	sshll.u32 s0, $0xA;
	s2 =	sadd.s32 s3, s2  }
0x8d: {  	s2 =	sadd.s32 s2, s17  }
0x8e: {  	[smem:$0x3FBD] =	sst s2  }
0x8f: {  	_ = 	snop  }
0x90: {  	s2 =	sld [smem:$0x3FD0];
	(tm) =	ssettm $0x1  }
0x91: {  	s18 =	sld [smem:$0x3FFB];
	_ =	sdelay $0x3  }
0x92: {  	_ =	strace s18  }
0x93: {  	s3 =	sld [smem:$0x3FFC];
	_ =	sdelay $0x3  }
0x94: {  	_ =	strace s3  }
0x95: {  	s3 =	sld [smem:$0x3FFD];
	_ =	sdelay $0x3  }
0x96: {  	_ =	strace s3  }
0x97: {  	_ =	strace $0x8FFFFFFF  }
0x98: {  	s19 =	sld [smem:$0x3FDB];
	_ =	sdelay $0x1  }
0x99: {  	s4 =	simm.s32 $_scs_section_size  }
0x9a: {  	s5 =	simm.s32 $_size__tile_overlayer_lowered;
	s6 =	simm.s32 $_tile_overlayer_lowered  }
0x9b: {  	s22 =	simm.s32 $0x1BFF;
	s21 =	sshll.u32 s6, $0x1;
	s3 =	sadd.s32 s4, s19  }
0x9c: {  	s7 =	simm.s32 $0x0;
	s20 =	sshll.u32 s5, $0x1;
	s5 =	sadd.s32 s21, s3  }
0x9d: {  	[timem:s7], [sflag:s22] =	dma.local [hbm:s5], s20  }
0x9e: {  	_ =	swait.ge [sflag:s22], s20  }
0x9f: {  	s4 =	ssub.s32 $0x0, s20;
	[sflag:s22] =	ssyncset.done $0x0  }
0xa0: {  	[sflag:s22] =	ssyncadd.s32 s4;
	_ =	sdelay $0x1  }
0xa1: {  	s23 =	simm.s32 $0x1B8B  }
0xa2: {  	_ =	swait.ge [sflag:s23], $0x1  }
0xa3: {  	[sflag:s23] =	ssyncset.done $0x0  }
0xa4: {  	s25 =	simm.s32 $0x1B8E;
	s24 =	sld [smem:$0x3FFE];
	[sflag:s23] =	ssyncadd.s32 $0xFFFFFFFF  }
0xa5: {  	s26 =	simm.s32 $execute0_lowered;
	[smem:$0x3FD2] =	sst s25  }
0xa6: {  	s5 =	sshll.u32 s26, $0x1;
	_ =	strace $0x80000046;
	[dreg:$0x1] =	wrdreg $0xFFFFFFFF  }
0xa7: {  	s28 =	simm.s32 $_size_execute0_lowered;
	s3 =	sadd.s32 s3, s5;
	[dreg:$0x0] =	wrdreg $0x0  }
0xa8: {  	s5 =	sshll.u32 s28, $0x1;
	[dreg:$0x2] =	wrdreg s3  }
0xa9: {  	[dreg:$0x3] =	wrdreg s5  }
0xaa: {  	[dreg:$0x4] =	wrdreg $0xC0  }
0xab: {  	_ =	task [dreg:s7], $0x5FFFF  }
0xac: {  	[dreg:$0x1] =	wrdreg $0xFFFFFFFF  }
0xad: {  	[dreg:$0x0] =	wrdreg $0x60  }
0xae: {  	[dreg:$0x2] =	wrdreg s24  }
0xaf: {  	[dreg:$0x3] =	wrdreg s2  }
0xb0: {  	[dreg:$0x4] =	wrdreg $0xFBC80  }
0xb1: {  	[dreg:$0x5] =	wrdreg $0x4C000  }
0xb2: {  	[dreg:$0x6] =	wrdreg $0x9  }
0xb3: {  	_ =	task.clear_ibuf [dreg:s7], $0x7FFFF;
	_ =	strace $0x90000046  }
0xb4: {  	s29 =	simm.s32 $0x9;
	_ =	strace $0x80000048  }
0xb5: {  	_ =	swait.ge [sflag:s29], $0x1  }
0xb6: {  	[sflag:s29] =	ssyncadd.s32 $0xFFFFFFFF  }
0xb7: {  	_ =	strace $0x90000048  }
0xb8: {  	_ =	sfence  }
0xb9: {  	s30 =	sld [smem:$0x0];
	_ =	sdelay $0x2  }
0xba: {  	s31 =	sshll.u32 s1, $0xD;
	s1 =	sshrl.u32 s1, $0x2  }
0xbb: {  	s3 =	sand.u32 $0x4000, s31;
	s1 =	sadd.s32 s1, s30  }
0xbc: {  	s0 =	sor.u32 s3, s0;
	s1 =	sshll.u32 s1, $0x11  }
0xbd: {  	s0 =	sor.u32 s1, s0  }
0xbe: {  	s0 =	sadd.s32 $0x8F2B, s0  }
0xbf: {  	[sflag:s0] =	ssyncadd.remote.s32 $0x1  }
0xc0: {  	_ =	sfence.sel $0xFFFF  }
0xc1: {  	[dreg:$0x0] =	wrdreg $0xFFFFFFFF;
	(pc) =	sbr.abs _section_cstart, $3  }
0xc2: {  	[dreg:$0x1] =	wrdreg $0xFFFFFFFF  }
0xc3: {  	_ =	task.clear_ibuf [dreg:s7], $0x2FFFF;
	_ =	strace $0x9FFFFFFF  }
0xc4: {  	(tm) =	ssettm $0x7FFFFFFF  }
0xc5: {  	_ =	shalt  }
tec
execute0_lowered:
.L_overlay_start_1:
0x0: {  	(tag) =	ssettag $0x1  }
0x1: {  	s0 =	rddreg [dreg:$0x0]  }
0x2: {  	s2 =	rddreg [dreg:$0x1]  }
0x3: {  	s3 =	rddreg [dreg:$0x2]  }
0x4: {  	s4 =	rddreg [dreg:$0x3];
	s5 =	stileid.u32;
	s8 =	simm.s32 $0x0  }
0x5: {  	s7 =	srdreg.scid;
	s28 =	simm.s32 $0x7;
	s1 =	smul.u32 $0xAFC8, s5  }
0x6: {  	s29 =	simm.s32 $0x3;
	s30 =	simm.s32 $0x8;
	s6 =	smul.u32 $0xB400, s5  }
0x7: {  	[smem:$0x7FF] =	sst s8;
	s7 =	sand.u32 $0x1, s7;
	s14 =	smul.u32 $0x4F00, s5  }
0x8: {  	s31 =	simm.s32 $0x0;
	s10 =	smul.u32 $0xB4000, s7;
	_ =	strace $0x80000047  }
0x9: {  	s11 =	ssub.s32 $0x2, s7;
	s12 =	sshll.u32 s7, $0x4;
	s24 =	sshrl.u32 s1, $0x3  }
0xa: {  	s9 =	sshrl.u32 s6, $0x3;
	s13 =	sshrl.u32 s11, $0x1;
	s12 =	sor.u32 s5, s12  }
0xb: {  	s1 =	sadd.s32 s1, s4;
	s8 =	sadd.s32 s24, s0;
	s9 =	sadd.s32 s9, s0  }
0xc: {  	s10 =	sadd.s32 s6, s10;
	s25 =	ssub.s32 s11, s13;
	s26 =	smul.u32 $0x4F00, s12  }
0xd: {  	s6 =	sadd.s32 s6, s3;
	s12 =	smul.u32 $0x4F000, s7;
	s13 =	sshll.u32 s5, $0x6  }
0xe: {  	s24 =	sshrl.u32 s1, $0x3;
	s10 =	sshrl.u32 s10, $0x3;
	s9 =	sadd.s32 $0x18A00, s9  }
0xf: {  	s7 =	sor.u32 $0x1C09, s13;
	s8 =	sadd.s32 $0x2A00, s8;
	[dreg:$0x11] =	wrdreg s24  }
0x10: {  	s19 =	smax.u32 s25, $0x1;
	s25 =	simm.s32 $0x180;
	[dreg:$0xa] =	wrdreg s9  }
0x11: {  	s24 =	simm.s32 $0x2;
	s0 =	sadd.s32 s10, s0;
	[dreg:$0xc] =	wrdreg s8  }
0x12: {  	s11 =	sshrl.u32 s26, $0x3;
	s17 =	sadd.s32 s14, s12;
	[dreg:$0x10] =	wrdreg s19  }
0x13: {  	s19 =	simm.s32 $0x200;
	[dreg:$0x8] =	wrdreg s25;
	s26 =	simm.s32 $0x280  }
0x14: {  	s25 =	simm.s32 $0x2800;
	s15 =	sadd.s32 s2, s11;
	s0 =	sadd.s32 $0x2F200, s0  }
0x15: {  	s18 =	sadd.s32 $0x500, s17;
	s9 =	sadd.s32 $0x600, s17;
	s20 =	sadd.s32 $0x300, s17  }
0x16: {  	s14 =	sadd.s32 $0x400, s17;
	[dreg:$0x9] =	wrdreg s26;
	s26 =	simm.s32 $0x6  }
0x17: {  	s16 =	sadd.s32 $0x20, s15;
	[dreg:$0xb] =	wrdreg s15;
	s5 =	sadd.s32 $0x40, s15  }
0x18: {  	[dreg:$0xf] =	wrdreg s0;
	s0 =	sshrl.u32 s18, $0x3;
	s9 =	sshrl.u32 s9, $0x3  }
0x19: {  	s22 =	sshrl.u32 s20, $0x3;
	s15 =	sshrl.u32 s6, $0x3;
	[dreg:$0xd] =	wrdreg s16  }
0x1a: {  	s18 =	simm.s32 $0x100;
	[dreg:$0xe] =	wrdreg s5;
	s0 =	sadd.s32 s0, s2  }
0x1b: {  	s21 =	sadd.s32 s9, s2;
	s23 =	sadd.s32 s22, s2;
	[dreg:$0x5] =	wrdreg s0  }
0x1c: {  	s16 =	simm.s32 $0x9;
	s22 =	simm.s32 $0x400;
	[dreg:$0x6] =	wrdreg s21  }
0x1d: {  	[dreg:$0x7] =	wrdreg s23;
	s21 =	simm.s32 $0x80;
	s23 =	simm.s32 $0x5  }
.LBB2_1:
0x1e: {  	s0 =	rddreg [dreg:$0xa]  }
0x1f: {  	[spmem:s15], [sflag:s7] =	dma.local [hbm:s0], $0x1680  }
0x20: {  	_ =	swait.ge [sflag:s16], $0x1680  }
0x21: {  	[sflag:s16] =	ssyncset.done $0x0;
	s8 =	rddreg [dreg:$0xc]  }
0x22: {  	s1 =	rddreg [dreg:$0x11];
	[sflag:s16] =	ssyncadd.s32 $0xFFFFE980  }
0x23: {  	[spmem:s1], [sflag:s7] =	dma.local [hbm:s8], $0x15F9  }
0x24: {  	_ =	swait.ge [sflag:s16], $0x15F9  }
0x25: {  	[sflag:s16] =	ssyncset.done $0x0  }
0x26: {  	s9 =	simm.s32 $0x0;
	s10 =	rddreg [dreg:$0xb];
	[sflag:s16] =	ssyncadd.s32 $0xFFFFEA07  }
0x27: {  	[tilespmem:s9], [sflag:$0x1] =	stream.linear.gather [hbm4b:s10+s9], $0x100, $0x38;
	[tilespmem:$0x1AFC8] =	vst v63  }
0x28: {  	s11 =	rddreg [dreg:$0xd]  }
0x29: {  	[tilespmem:s18], [sflag:$0x2] =	stream.linear.gather [hbm4b:s11+s9], $0x100, $0x38;
	[tilespmem:$0x1AFC8] =	vst v63  }
0x2a: {  	s12 =	rddreg [dreg:$0xe]  }
0x2b: {  	[tilespmem:s19], [sflag:$0x3] =	stream.linear.gather [hbm4b:s12+s9], $0x100, $0x38;
	[tilespmem:$0x1AFC8] =	vst v63  }
0x2c: {  	s13 =	simm.s32 $0x1;
	[bflag:$0x0] =	sbarrier.arrive $0xFFFF  }
0x2d: {  	_ =	swait.ge [sflag:s13], $0x100  }
0x2e: {  	[sflag:s13] =	ssyncset.done $0x0  }
0x2f: {  	[sflag:s13] =	ssyncadd.s32 $0xFFFFFF00  }
0x30: {  	[tilespmem:s22], [sflag:$0x5] =	stream.indirect.gather [spmem:s4], $0x48, s9, s21, $0xb8;
	[tilespmem:$0x1AFC8] =	vst v63  }
0x31: {  	_ =	swait.ge [sflag:s23], $0x2400  }
0x32: {  	p0 =	por $0x1, $0x1;
	[sflag:s23] =	ssyncset.done $0x0  }
0x33: {  	s0 =	simm.s32 @!p0 $0x8;
	[sflag:s23] =	ssyncadd.s32 $0xFFFFDC00  }
0x34: {  	[spmem:s3] =	stream.indirect.scatter.add.f32 [tilespmem:s22], [sflag:$0x7], $0x48, s21, s21, $0xb8;
	[tilespmem:$0x1AFC8] =	vst v63  }
0x35: {  	_ =	swait.ge @!p0 [sflag:s0], $0x2400  }
0x36: {  	[sflag:s0] =	ssyncset.done @!p0 $0x0  }
0x37: {  	[sflag:s0] =	ssyncadd.s32 @!p0 $0xFFFFDC00  }
0x38: {  	_ =	swait.ge [sflag:s24], $0x100  }
0x39: {  	[sflag:s24] =	ssyncset.done $0x0  }
0x3a: {  	p0 =	por $0x0, $0x0;
	s1 =	rddreg [dreg:$0x7];
	[sflag:s24] =	ssyncadd.s32 $0xFFFFFF00  }
0x3b: {  	[tilespmem:s25], [sflag:$0x6] =	stream.indirect.gather [spmem:s4], $0x48, s18, s21, $0xb8;
	[tilespmem:$0x1AFC8] =	vst v63  }
0x3c: {  	s0 =	simm.s32 @!p0 $0x0;
	s6 =	simm.s32 @!p0 $0x300;
	s1 =	sadd.s32 @!p0 $0x0, s1  }
0x3d: {  	[tilespmem:s6], [sflag:$0x4] =	stream.linear.gather @!p0 [hbm4b:s1+s0], $0x100, $0x38;
	[tilespmem:$0x1AFC8] =	vst v63  }
0x3e: {  	_ =	swait.ge [sflag:s26], $0x2400  }
0x3f: {  	[sflag:s26] =	ssyncset.done $0x0  }
0x40: {  	s17 =	rddreg [dreg:$0x8];
	[sflag:s26] =	ssyncadd.s32 $0xFFFFDC00  }
0x41: {  	[spmem:s3] =	stream.indirect.scatter.add.f32 [tilespmem:s25], [sflag:$0x8], $0x48, s17, s21, $0xb8;
	[tilespmem:$0x1AFC8] =	vst v63  }
0x42: {  	_ =	swait.ge [sflag:s28], $0x2400  }
0x43: {  	[sflag:s28] =	ssyncset.done $0x0  }
0x44: {  	[sflag:s28] =	ssyncadd.s32 $0xFFFFDC00  }
0x45: {  	_ =	swait.ge [sflag:s29], $0x100  }
0x46: {  	p1 =	por $0x0, $0x0;
	[sflag:s29] =	ssyncset.done $0x0  }
0x47: {  	s1 =	sshrl.u32 @!p1 s14, $0x3;
	[sflag:s29] =	ssyncadd.s32 $0xFFFFFF00  }
0x48: {  	[tilespmem:s22], [sflag:$0x5] =	stream.indirect.gather [spmem:s4], $0x48, s19, s21, $0xb8;
	[tilespmem:$0x1AFC8] =	vst v63  }
0x49: {  	s8 =	simm.s32 @!p1 $0x0;
	s1 =	sadd.s32 @!p1 s2, s1  }
0x4a: {  	[tilespmem:s8], [sflag:$0x1] =	stream.linear.gather @!p1 [hbm4b:s1+s8], $0x100, $0x38;
	[tilespmem:$0x1AFC8] =	vst v63  }
0x4b: {  	_ =	swait.ge [sflag:s23], $0x2400  }
0x4c: {  	[sflag:s23] =	ssyncset.done $0x0  }
0x4d: {  	s20 =	rddreg [dreg:$0x9];
	[sflag:s23] =	ssyncadd.s32 $0xFFFFDC00  }
0x4e: {  	[spmem:s3] =	stream.indirect.scatter.add.f32 [tilespmem:s22], [sflag:$0x7], $0x48, s20, s21, $0xb8;
	[tilespmem:$0x1AFC8] =	vst v63  }
0x4f: {  	_ =	swait.ge [sflag:s30], $0x2400  }
0x50: {  	[sflag:s30] =	ssyncset.done $0x0  }
0x51: {  	s1 =	simm.s32 @!p0 $0x4;
	[sflag:s30] =	ssyncadd.s32 $0xFFFFDC00  }
0x52: {  	_ =	swait.ge @!p0 [sflag:s1], $0x100  }
0x53: {  	s10 =	simm.s32 @!p0 $0x2800;
	[sflag:s1] =	ssyncset.done @!p0 $0x0  }
0x54: {  	s12 =	simm.s32 @!p0 $0x80;
	s9 =	rddreg [dreg:$0x5];
	[sflag:s1] =	ssyncadd.s32 @!p0 $0xFFFFFF00  }
0x55: {  	[tilespmem:s10], [sflag:$0x6] =	stream.indirect.gather @!p0 [spmem:s4], $0x48, s6, s12, $0xb8;
	[tilespmem:$0x1AFC8] =	vst v63  }
0x56: {  	s1 =	simm.s32 @!p1 $0x100;
	s6 =	sadd.s32 @!p1 $0x0, s9;
	s9 =	simm.s32 @!p0 $0x6  }
0x57: {  	[tilespmem:s1], [sflag:$0x2] =	stream.linear.gather @!p1 [hbm4b:s6+s8], $0x100, $0x38;
	[tilespmem:$0x1AFC8] =	vst v63  }
0x58: {  	_ =	swait.ge @!p0 [sflag:s9], $0x2400  }
0x59: {  	[sflag:s9] =	ssyncset.done @!p0 $0x0  }
0x5a: {  	s1 =	simm.s32 @!p0 $0x380;
	s6 =	simm.s32 @!p0 $0x7;
	[sflag:s9] =	ssyncadd.s32 @!p0 $0xFFFFDC00  }
0x5b: {  	[spmem:s3] =	stream.indirect.scatter.add.f32 @!p0 [tilespmem:s10], [sflag:$0x8], $0x48, s1, s12, $0xb8;
	[tilespmem:$0x1AFC8] =	vst v63  }
0x5c: {  	_ =	swait.ge @!p0 [sflag:s6], $0x2400  }
0x5d: {  	[sflag:s6] =	ssyncset.done @!p0 $0x0  }
0x5e: {  	s11 =	simm.s32 @!p0 $0x200;
	s9 =	simm.s32 @!p0 $0x1;
	[sflag:s6] =	ssyncadd.s32 @!p0 $0xFFFFDC00  }
0x5f: {  	s8 =	simm.s32 @!p0 $0x400;
	s1 =	simm.s32 $0x80;
	_ =	swait.ge @!p0 [sflag:s9], $0x100  }
0x60: {  	s10 =	simm.s32 $0x7;
	s6 =	sadd.s32 $0x400, s14;
	[sflag:s9] =	ssyncset.done @!p0 $0x0  }
0x61: {  	s13 =	rddreg [dreg:$0x6];
	[sflag:s9] =	ssyncadd.s32 @!p0 $0xFFFFFF00;
	s9 =	simm.s32 $0x0  }
.LBB2_2:
0x62: {  	[tilespmem:s8], [sflag:$0x5] =	stream.indirect.gather @!p0 [spmem:s4], $0x48, s0, s12, $0xb8;
	[tilespmem:$0x1AFC8] =	vst v63  }
0x63: {  	s8 =	sadd.s32 @!p0 s9, s13  }
0x64: {  	[tilespmem:s11], [sflag:$0x3] =	stream.linear.gather @!p0 [hbm4b:s8+s0], $0x100, $0x38;
	[tilespmem:$0x1AFC8] =	vst v63  }
0x65: {  	s9 =	smov.u32 s1;
	_ =	swait.ge [sflag:s23], $0x2400  }
0x66: {  	p0 =	seq.s32 s9, $0x0;
	[sflag:s23] =	ssyncset.done $0x0  }
0x67: {  	s0 =	simm.s32 @!p0 $0x8;
	[sflag:s23] =	ssyncadd.s32 $0xFFFFDC00  }
0x68: {  	[spmem:s3] =	stream.indirect.scatter.add.f32 [tilespmem:s22], [sflag:$0x7], $0x48, s21, s21, $0xb8;
	[tilespmem:$0x1AFC8] =	vst v63  }
0x69: {  	_ =	swait.ge @!p0 [sflag:s0], $0x2400  }
0x6a: {  	[sflag:s0] =	ssyncset.done @!p0 $0x0  }
0x6b: {  	[sflag:s0] =	ssyncadd.s32 @!p0 $0xFFFFDC00  }
0x6c: {  	_ =	swait.ge [sflag:s24], $0x100  }
0x6d: {  	[sflag:s24] =	ssyncset.done $0x0  }
0x6e: {  	p0 =	sgt.u32 s10, $0x4E;
	s8 =	rddreg [dreg:$0x7];
	[sflag:s24] =	ssyncadd.s32 $0xFFFFFF00  }
0x6f: {  	[tilespmem:s25], [sflag:$0x6] =	stream.indirect.gather [spmem:s4], $0x48, s18, s21, $0xb8;
	[tilespmem:$0x1AFC8] =	vst v63  }
0x70: {  	s0 =	simm.s32 @!p0 $0x0;
	s13 =	simm.s32 @!p0 $0x300;
	s8 =	sadd.s32 @!p0 s9, s8  }
0x71: {  	[tilespmem:s13], [sflag:$0x4] =	stream.linear.gather @!p0 [hbm4b:s8+s0], $0x100, $0x38;
	[tilespmem:$0x1AFC8] =	vst v63  }
0x72: {  	_ =	swait.ge [sflag:s26], $0x2400  }
0x73: {  	[sflag:s26] =	ssyncset.done $0x0  }
0x74: {  	s17 =	rddreg [dreg:$0x8];
	[sflag:s26] =	ssyncadd.s32 $0xFFFFDC00  }
0x75: {  	[spmem:s3] =	stream.indirect.scatter.add.f32 [tilespmem:s25], [sflag:$0x8], $0x48, s17, s21, $0xb8;
	[tilespmem:$0x1AFC8] =	vst v63  }
0x76: {  	_ =	swait.ge [sflag:s28], $0x2400  }
0x77: {  	[sflag:s28] =	ssyncset.done $0x0  }
0x78: {  	[sflag:s28] =	ssyncadd.s32 $0xFFFFDC00  }
0x79: {  	_ =	swait.ge [sflag:s29], $0x100  }
0x7a: {  	p2 =	seq.s32 s9, $0x980;
	[sflag:s29] =	ssyncset.done $0x0  }
0x7b: {  	s8 =	sshrl.u32 @!p2 s6, $0x3;
	[sflag:s29] =	ssyncadd.s32 $0xFFFFFF00  }
0x7c: {  	[tilespmem:s22], [sflag:$0x5] =	stream.indirect.gather [spmem:s4], $0x48, s19, s21, $0xb8;
	[tilespmem:$0x1AFC8] =	vst v63  }
0x7d: {  	s8 =	sadd.s32 @!p2 s2, s8;
	s17 =	simm.s32 @!p2 $0x0  }
0x7e: {  	[tilespmem:s17], [sflag:$0x1] =	stream.linear.gather @!p2 [hbm4b:s8+s17], $0x100, $0x38;
	[tilespmem:$0x1AFC8] =	vst v63  }
0x7f: {  	_ =	swait.ge [sflag:s23], $0x2400  }
0x80: {  	[sflag:s23] =	ssyncset.done $0x0  }
0x81: {  	s20 =	rddreg [dreg:$0x9];
	[sflag:s23] =	ssyncadd.s32 $0xFFFFDC00  }
0x82: {  	[spmem:s3] =	stream.indirect.scatter.add.f32 [tilespmem:s22], [sflag:$0x7], $0x48, s20, s21, $0xb8;
	[tilespmem:$0x1AFC8] =	vst v63  }
0x83: {  	_ =	swait.ge [sflag:s30], $0x2400  }
0x84: {  	[sflag:s30] =	ssyncset.done $0x0  }
0x85: {  	s8 =	simm.s32 @!p0 $0x4;
	[sflag:s30] =	ssyncadd.s32 $0xFFFFDC00  }
0x86: {  	_ =	swait.ge @!p0 [sflag:s8], $0x100  }
0x87: {  	s12 =	simm.s32 @!p0 $0x80;
	[sflag:s8] =	ssyncset.done @!p0 $0x0  }
0x88: {  	s20 =	simm.s32 @!p0 $0x2800;
	s5 =	rddreg [dreg:$0x5];
	[sflag:s8] =	ssyncadd.s32 @!p0 $0xFFFFFF00  }
0x89: {  	[tilespmem:s20], [sflag:$0x6] =	stream.indirect.gather @!p0 [spmem:s4], $0x48, s13, s12, $0xb8;
	[tilespmem:$0x1AFC8] =	vst v63  }
0x8a: {  	s8 =	simm.s32 @!p2 $0x100;
	s5 =	sadd.s32 @!p2 s9, s5;
	s13 =	simm.s32 @!p0 $0x6  }
0x8b: {  	[tilespmem:s8], [sflag:$0x2] =	stream.linear.gather @!p2 [hbm4b:s5+s17], $0x100, $0x38;
	[tilespmem:$0x1AFC8] =	vst v63  }
0x8c: {  	_ =	swait.ge @!p0 [sflag:s13], $0x2400  }
0x8d: {  	s1 =	sadd.s32 $0x80, s1;
	[sflag:s13] =	ssyncset.done @!p0 $0x0  }
0x8e: {  	s5 =	simm.s32 @!p0 $0x380;
	s8 =	simm.s32 @!p0 $0x7;
	[sflag:s13] =	ssyncadd.s32 @!p0 $0xFFFFDC00  }
0x8f: {  	[spmem:s3] =	stream.indirect.scatter.add.f32 @!p0 [tilespmem:s20], [sflag:$0x8], $0x48, s5, s12, $0xb8;
	[tilespmem:$0x1AFC8] =	vst v63  }
0x90: {  	p1 =	sne.s32 s1, $0xA00;
	_ =	swait.ge @!p0 [sflag:s8], $0x2400  }
.Ltmp0:
0x91: {  	[sflag:s8] =	ssyncset.done @!p0 $0x0;
	(pc) =	sbr.rel @p1 .LBB2_2-.Ltmp0, $4  }
0x92: {  	s5 =	simm.s32 @!p0 $0x1;
	[sflag:s8] =	ssyncadd.s32 @!p0 $0xFFFFDC00  }
0x93: {  	s10 =	sadd.s32 $0x4, s10;
	_ =	swait.ge @!p0 [sflag:s5], $0x100  }
0x94: {  	s11 =	simm.s32 @!p0 $0x200;
	s6 =	sadd.s32 $0x400, s6;
	[sflag:s5] =	ssyncset.done @!p0 $0x0  }
0x95: {  	s8 =	simm.s32 @!p0 $0x400;
	s13 =	rddreg [dreg:$0x6];
	[sflag:s5] =	ssyncadd.s32 @!p0 $0xFFFFFF00  }
0x96: {  	[tilespmem:s8], [sflag:$0x5] =	stream.indirect.gather @!p0 [spmem:s4], $0x48, s0, s12, $0xb8;
	[tilespmem:$0x1AFC8] =	vst v63  }
0x97: {  	s1 =	sadd.s32 @!p0 s9, s13  }
0x98: {  	[tilespmem:s11], [sflag:$0x3] =	stream.linear.gather @!p0 [hbm4b:s1+s0], $0x100, $0x38;
	[tilespmem:$0x1AFC8] =	vst v63  }
0x99: {  	_ =	swait.ge [sflag:s28], $0x2400  }
0x9a: {  	[sflag:s28] =	ssyncset.done $0x0  }
0x9b: {  	[sflag:s28] =	ssyncadd.s32 $0xFFFFDC00  }
0x9c: {  	[bflag:$0x0] =	sbarrier.arrive $0xFFFF  }
0x9d: {  	s17 =	rddreg [dreg:$0xf]  }
0x9e: {  	[hbm:s17], [sflag:s7] =	dma.local [spmem:s15], $0x1680  }
0x9f: {  	_ =	swait.ge [sflag:s16], $0x1680  }
0xa0: {  	s31 =	sadd.s32 $0x1, s31;
	s20 =	rddreg [dreg:$0x10]  }
0xa1: {  	p0 =	sne.s32 s31, s20  }
.Ltmp1:
0xa2: {  	_ = 	snop;
	(pc) =	sbr.rel @p0 .LBB2_1-.Ltmp1, $3  }
0xa3: {  	_ =	sdelay $0x1  }
0xa4: {  	[sflag:s16] =	ssyncset.done $0x0  }
0xa5: {  	[sflag:s16] =	ssyncadd.s32 $0xFFFFE980  }
0xa6: {  	_ =	sfence.sel $0x180000  }
0xa7: {  	[bflag:$0x0] =	sbarrier.arrive $0xFFFF  }
0xa8: {  	_ =	strace $0x90000047  }
0xa9: {  	s0 =	stileid.u32;
	[bflag:$0x2] =	sbarrier.arrive $0xFFFF  }
0xaa: {  	p0 =	sne.s32 s0, $0x0;
	s0 =	rddreg [dreg:$0x4]  }
0xab: {  	s0 =	sadd.s32 @!p0 $0x100000, s0  }
0xac: {  	[sflag:s0] =	ssyncadd.tile.s32 @!p0 $0x1;
	_ =	shalt  }
.Lfunc_end2:
_tile_overlayer_lowered:
.L_overlay_start_2:
0xad: {  	(tag) =	ssettag $0x2  }
0xae: {  	s0 =	rddreg [dreg:$0x0];
	s2 =	stileid.u32  }
0xaf: {  	s1 =	rddreg [dreg:$0x1];
	p0 =	sne.s32 s2, $0x0  }
0xb0: {  	s3 =	rddreg [dreg:$0x2];
	[bflag:$0x3] =	sbarrier.arrive $0xFFFF;
	s2 =	simm.s32 @!p0 $0x1C09  }
0xb1: {  	[timem:s3], [sflag:s2] =	dma.local @!p0 [hbm:s0], s1  }
0xb2: {  	s0 =	simm.s32 @!p0 $0x9  }
0xb3: {  	_ =	swait.ge @!p0 [sflag:s0], s1  }
0xb4: {  	s1 =	ssub.s32 @!p0 $0x0, s1;
	[sflag:s0] =	ssyncset.done @!p0 $0x0  }
0xb5: {  	[sflag:s0] =	ssyncadd.s32 @!p0 s1  }
0xb6: {  	[bflag:$0x3] =	sbarrier.arrive $0xFFFF  }
0xb7: {  	_ =	shalt  }

</sc_bundles>
